<compile_context>
chip_gen: v7x
topology: tpu7x:2x2x1
jax: 0.10.2.dev20260603
libtpu: 0.0.44.dev20260713+nightly
codegen_flags: <defaults>
</compile_context>

<pallas_src>
import functools

import jax
import jax.numpy as jnp
from jax import lax
from jax.experimental import pallas as pl
from jax.experimental.pallas import tpu as pltpu
from jax.experimental.pallas import tpu_sc as plsc


def _embed_kernel(B, n_cat, V, E):
    n_blk = E // 16
    n_tasks = n_cat * n_blk
    tasks_per_sc = n_tasks // 2
    qchunk = 2048
    hb = B // 2
    V128 = (V // 128) * 128
    vtail = V - V128
    plen = 4864
    pieces = [(i * plen, plen) for i in range(V128 // plen)]
    if V128 % plen:
        pieces.append(((V128 // plen) * plen, V128 % plen))
    n_pc = len(pieces)
    NBUF = 3
    NQ = 2
    qlen = plen // NQ
    mesh = plsc.VectorSubcoreMesh(core_axis_name="c", subcore_axis_name="s")

    @functools.partial(
        pl.kernel,
        out_type=jax.ShapeDtypeStruct((n_cat * E, B), jnp.float32),
        mesh=mesh,
        compiler_params=pltpu.CompilerParams(needs_layout_passes=False),
        scratch_types=[
            pltpu.VMEM_SHARED((16, plen), jnp.float32),
            pltpu.VMEM_SHARED((16, plen), jnp.float32),
            pltpu.VMEM_SHARED((16, plen), jnp.float32),
            pltpu.VMEM_SHARED((16, hb), jnp.float32),
            pltpu.VMEM((V,), jnp.float32),
            pltpu.VMEM((16, 128), jnp.int32),
            pltpu.VMEM((qchunk,), jnp.float32),
            pltpu.VMEM((16, vtail), jnp.float32),
        ] + [pltpu.SemaphoreType.DMA] * (3 * 2),
    )
    def k(tab_hbm, cat_hbm, out_hbm, pbuf0, pbuf1, pbuf2, stage,
          row_v, cat_v, out_v, tail_v, *sems):
        c = lax.axis_index("c")
        t = lax.axis_index("s")
        task0 = c * tasks_per_sc
        bufs = (pbuf0, pbuf1, pbuf2)

        def piece_copy(j, g, i):
            poff, pln = pieces[i]
            b = i % NBUF
            if pln == plen:
                return [pltpu.make_async_copy(
                    tab_hbm.at[j, pl.ds(g * 16, 16),
                               pl.ds(poff + q * qlen, qlen)],
                    bufs[b].at[:, pl.ds(q * qlen, qlen)],
                    sems[b * NQ + q],
                ) for q in range(NQ)]
            return [pltpu.make_async_copy(
                tab_hbm.at[j, pl.ds(g * 16, 16), pl.ds(poff, pln)],
                bufs[b].at[:, pl.ds(0, pln)],
                sems[b * NQ],
            )]

        def issue(j, g, i):
            cps = piece_copy(j, g, i)
            for q in range(len(cps)):
                @pl.when(t == q)
                def _():
                    cps[q].start()

        def drain(j, g, i):
            cps = piece_copy(j, g, i)
            for q in range(len(cps)):
                @pl.when(t == q)
                def _():
                    cps[q].wait()

        @pl.loop(0, tasks_per_sc)
        def _task(p):
            tid = task0 + p
            j = tid // n_blk
            g = tid % n_blk

            for i in range(NBUF - 1):
                issue(j, g, i)
            for i, (poff, pln) in enumerate(pieces):
                drain(j, g, i)
                plsc.subcore_barrier()
                if i + NBUF - 1 < n_pc:
                    issue(j, g, i + NBUF - 1)
                b = i % NBUF
                if pln == plen:
                    pltpu.sync_copy(bufs[b].at[t, :],
                                    row_v.at[pl.ds(poff, pln)])
                else:
                    pltpu.sync_copy(bufs[b].at[t, pl.ds(0, pln)],
                                    row_v.at[pl.ds(poff, pln)])

            pltpu.sync_copy(
                tab_hbm.at[j, pl.ds(g * 16, 16), pl.ds(V128, vtail)], tail_v
            )
            for w in range(vtail // 16):
                row_v[pl.ds(V128 + w * 16, 16)] = tail_v[t, pl.ds(w * 16, 16)]
            plsc.subcore_barrier()

            for half in range(2):
                for qq in range(4):
                    pltpu.sync_copy(
                        cat_hbm.at[j, pl.ds(half * 64 + qq * 16, 16), :],
                        cat_v,
                    )

                    @pl.loop(0, 16)
                    def _rows(a):
                        for bb in range(8):
                            ii = cat_v[a, pl.ds(bb * 16, 16)]
                            vals = plsc.load_gather(row_v, [ii])
                            out_v[pl.ds(a * 128 + bb * 16, 16)] = vals

                    pltpu.sync_copy(
                        out_v, stage.at[t, pl.ds(qq * qchunk, qchunk)]
                    )
                plsc.subcore_barrier()

                @pl.when(t == 15)
                def _flush():
                    pltpu.sync_copy(
                        stage,
                        out_hbm.at[pl.ds(j * E + g * 16, 16),
                                   pl.ds(half * hb, hb)],
                    )
                plsc.subcore_barrier()

    return k


def kernel(x, tables):
    B, F = x.shape
    n_cat, V, E = tables.shape
    n_num = F - n_cat

    tab_t = jnp.transpose(tables, (0, 2, 1))
    cat_js = x[:, n_num:].astype(jnp.int32).T.reshape(n_cat, B // 128, 128)

    k = _embed_kernel(B, n_cat, V, E)
    emb_t = k(tab_t, cat_js)
    return jnp.concatenate([x[:, :n_num], emb_t.T], axis=1)

# --- scband reference (transcript-rebuilt; emitter-appended) ---
"""Pipeline reference for scband-learned-entity-embedding-37538014167198 (READ-ONLY COPY).

The authoritative reference and input builder live on the scoring server;
editing this copy changes nothing except your own understanding.
"""

import jax, jax.numpy as jnp
import numpy as np

B = 16384
N_NUM = 10
N_CAT = 26
VOCAB = 100000
EDIM = 32


def setup_inputs(seed: int = 0) -> dict:
    key = jax.random.key(seed)
    k1, k2, k3 = jax.random.split(key, 3)
    # first 10 columns are numeric passthrough features, last 26 are categorical
    # ids encoded as floats (as the torch module expects a single float tensor)
    x_num = jax.random.normal(k1, (B, N_NUM), dtype=jnp.float32)
    x_cat = jax.random.randint(k2, (B, N_CAT), 0, VOCAB).astype(jnp.float32)
    x = jnp.concatenate([x_num, x_cat], axis=1)
    # 26 learned embedding tables, each [VOCAB, EDIM], stacked
    tables = jax.random.normal(k3, (N_CAT, VOCAB, EDIM), dtype=jnp.float32) * 0.05
    return {"x": x, "tables": tables}


def reference(x, tables):
    # numeric (non-embedded) columns pass through as [B, 1] slices, in order
    num = x[:, :N_NUM]
    # categorical columns: cast to int (matches current_feature_slice.to(torch.int))
    cat = x[:, N_NUM:].astype(jnp.int32)            # [B, N_CAT]
    # per-field embedding lookup: tables[j][cat[:, j]]
    emb = tables[jnp.arange(N_CAT)[:, None], cat.T]  # [N_CAT, B, EDIM]
    emb = jnp.transpose(emb, (1, 0, 2)).reshape(x.shape[0], N_CAT * EDIM)
    # torch.cat(concat_seq, dim=1): numeric columns first (they come first in
    # num_categories_per_col), then embedded features in field order
    return jnp.concatenate([num, emb], axis=1)       # [B, 10 + 26*32] = [B, 842]

if __name__ == "__main__":
    import jax
    _d = setup_inputs()
    print(jax.jit(kernel)(*tuple(_d.values())))

</pallas_src>

<mosaic_0001>
#map = affine_map<(d0, d1) -> (0, 0, 0)>
#map1 = affine_map<(d0, d1) -> (0, 0)>
module attributes {stable_mosaic.version = 14 : i64} {
  func.func @k(%arg0: i32, %arg1: i32, %arg2: memref<26x32x100000xf32, #tpu.memory_space<hbm>>, %arg3: memref<26x128x128xi32, #tpu.memory_space<hbm>>, %arg4: memref<832x16384xf32, #tpu.memory_space<hbm>>, %arg5: memref<16x4864xf32, #tpu.memory_space<vmem_shared>>, %arg6: memref<16x4864xf32, #tpu.memory_space<vmem_shared>>, %arg7: memref<16x4864xf32, #tpu.memory_space<vmem_shared>>, %arg8: memref<16x8192xf32, #tpu.memory_space<vmem_shared>>, %arg9: memref<100000xf32, #tpu.memory_space<vmem>>, %arg10: memref<16x128xi32, #tpu.memory_space<vmem>>, %arg11: memref<2048xf32, #tpu.memory_space<vmem>>, %arg12: memref<16x32xf32, #tpu.memory_space<vmem>>, %arg13: memref<!tpu.dma_semaphore, #tpu.memory_space<semaphore_mem>>, %arg14: memref<!tpu.dma_semaphore, #tpu.memory_space<semaphore_mem>>, %arg15: memref<!tpu.dma_semaphore, #tpu.memory_space<semaphore_mem>>, %arg16: memref<!tpu.dma_semaphore, #tpu.memory_space<semaphore_mem>>, %arg17: memref<!tpu.dma_semaphore, #tpu.memory_space<semaphore_mem>>, %arg18: memref<!tpu.dma_semaphore, #tpu.memory_space<semaphore_mem>>) attributes {dimension_semantics = [#tpu.dimension_semantics<core_parallel>, #tpu.dimension_semantics<subcore_parallel>], iteration_bounds = array<i64: 2, 16>, scalar_prefetch = 0 : i64, scratch_operands = 14 : i64, tpu.core_type = #tpu.core_type<sc_vector_subcore>, window_params = [{transform_indices = #map}, {transform_indices = #map}, {transform_indices = #map1}]} {
    %mul3A = arith.constant 26 : i32
    %mul3A_0 = arith.muli %arg0, %mul3A : i32
    %scan3A = arith.constant 0 : i32
    %scan3A_1 = arith.constant 26 : i32
    %scan3A_2 = arith.addi %scan3A, %scan3A_1 : i32
    %scan3A_3 = arith.constant 1 : i32
    scf.for %scan3A_5 = %scan3A to %scan3A_2 step %scan3A_3  : i32 {
      %mul3A_6 = arith.constant 1 : i32
      %mul3A_7 = arith.muli %scan3A_5, %mul3A_6 : i32
      %add3A = arith.constant 0 : i32
      %add3A_8 = arith.addi %add3A, %mul3A_7 : i32
      %add3A_9 = arith.addi %mul3A_0, %add3A_8 : i32
      %jit3A = arith.constant 2 : i32
      %div3A = arith.divsi %add3A_9, %jit3A : i32
      %sign3A = arith.constant 0 : i32
      %sign3A_10 = arith.cmpi sgt, %add3A_9, %sign3A : i32
      %sign3A_11 = arith.extui %sign3A_10 : i1 to i32
      %sign3A_12 = arith.constant 0 : i32
      %sign3A_13 = arith.cmpi slt, %add3A_9, %sign3A_12 : i32
      %sign3A_14 = arith.extui %sign3A_13 : i1 to i32
      %sign3A_15 = arith.subi %sign3A_11, %sign3A_14 : i32
      %sign3A_16 = arith.constant 0 : i32
      %sign3A_17 = arith.cmpi sgt, %jit3A, %sign3A_16 : i32
      %sign3A_18 = arith.extui %sign3A_17 : i1 to i32
      %sign3A_19 = arith.constant 0 : i32
      %sign3A_20 = arith.cmpi slt, %jit3A, %sign3A_19 : i32
      %sign3A_21 = arith.extui %sign3A_20 : i1 to i32
      %sign3A_22 = arith.subi %sign3A_18, %sign3A_21 : i32
      %ne3A = arith.cmpi ne, %sign3A_15, %sign3A_22 : i32
      %rem3A = arith.remsi %add3A_9, %jit3A : i32
      %ne3A_23 = arith.constant 0 : i32
      %ne3A_24 = arith.cmpi ne, %rem3A, %ne3A_23 : i32
      %and3A = arith.andi %ne3A, %ne3A_24 : i1
      %sub3A = arith.constant 1 : i32
      %sub3A_25 = arith.subi %div3A, %sub3A : i32
      %select_n3A = arith.select %and3A, %sub3A_25, %div3A : i32
      %jit3A_26 = arith.constant 2 : i32
      %eq3A = arith.constant 0 : i32
      %eq3A_27 = arith.cmpi eq, %jit3A_26, %eq3A : i32
      %jit3A_28 = arith.constant 1 : i32
      %select_n3A_29 = arith.select %eq3A_27, %jit3A_28, %jit3A_26 : i32
      %rem3A_30 = arith.remsi %add3A_9, %select_n3A_29 : i32
      %ne3A_31 = arith.constant 0 : i32
      %ne3A_32 = arith.cmpi ne, %rem3A_30, %ne3A_31 : i32
      %lt3A = arith.constant 0 : i32
      %lt3A_33 = arith.cmpi slt, %rem3A_30, %lt3A : i32
      %lt3A_34 = arith.constant 0 : i32
      %lt3A_35 = arith.cmpi slt, %select_n3A_29, %lt3A_34 : i32
      %ne3A_36 = arith.xori %lt3A_33, %lt3A_35 : i1
      %and3A_37 = arith.andi %ne3A_36, %ne3A_32 : i1
      %add3A_38 = arith.addi %rem3A_30, %select_n3A_29 : i32
      %select_n3A_39 = arith.select %and3A_37, %add3A_38, %rem3A_30 : i32
      %mul3A_40 = arith.constant 16 : i32
      %mul3A_41 = arith.muli %select_n3A_39, %mul3A_40 : i32
      %mul3A_42 = arith.constant 16 : i32
      %mul3A_43 = arith.muli %select_n3A_39, %mul3A_42 : i32
      %eq3A_44 = arith.constant 0 : i32
      %eq3A_45 = arith.cmpi eq, %arg1, %eq3A_44 : i32
      %convert_element_type3A = arith.extui %eq3A_45 : i1 to i32
      %cond3A = arith.constant 0 : i32
      %cond3A_46 = arith.cmpi ne, %convert_element_type3A, %cond3A : i32
      scf.if %cond3A_46 {
        %dma_start3A = arith.constant 0 : i32
        %dma_start3A_697 = arith.constant 0 : i32
        %dma_start3A_698 = tpu.memref_slice %arg5[%dma_start3A, %dma_start3A_697] : memref<16x4864xf32, #tpu.memory_space<vmem_shared>> -> memref<16x2432xf32, #tpu.memory_space<vmem_shared>>
        %dma_start3A_699 = arith.constant 0 : i32
        %dma_start3A_700 = tpu.memref_slice %arg2[%select_n3A, %mul3A_41, %dma_start3A_699] : memref<26x32x100000xf32, #tpu.memory_space<hbm>> -> memref<1x16x2432xf32, #tpu.memory_space<hbm>>
        %dma_start3A_701 = tpu.memref_squeeze %dma_start3A_700 : memref<1x16x2432xf32, #tpu.memory_space<hbm>> -> memref<16x2432xf32, #tpu.memory_space<hbm>>
        tpu.enqueue_dma source(%dma_start3A_701 : memref<16x2432xf32, #tpu.memory_space<hbm>>) target(%dma_start3A_698 : memref<16x2432xf32, #tpu.memory_space<vmem_shared>>) target_semaphore(%arg13 : memref<!tpu.dma_semaphore, #tpu.memory_space<semaphore_mem>>)
      } else {
      }
      %eq3A_47 = arith.constant 1 : i32
      %eq3A_48 = arith.cmpi eq, %arg1, %eq3A_47 : i32
      %convert_element_type3A_49 = arith.extui %eq3A_48 : i1 to i32
      %cond3A_50 = arith.constant 0 : i32
      %cond3A_51 = arith.cmpi ne, %convert_element_type3A_49, %cond3A_50 : i32
      scf.if %cond3A_51 {
        %dma_start3A = arith.constant 0 : i32
        %dma_start3A_697 = arith.constant 2432 : i32
        %dma_start3A_698 = tpu.memref_slice %arg5[%dma_start3A, %dma_start3A_697] : memref<16x4864xf32, #tpu.memory_space<vmem_shared>> -> memref<16x2432xf32, #tpu.memory_space<vmem_shared>>
        %dma_start3A_699 = arith.constant 2432 : i32
        %dma_start3A_700 = tpu.memref_slice %arg2[%select_n3A, %mul3A_43, %dma_start3A_699] : memref<26x32x100000xf32, #tpu.memory_space<hbm>> -> memref<1x16x2432xf32, #tpu.memory_space<hbm>>
        %dma_start3A_701 = tpu.memref_squeeze %dma_start3A_700 : memref<1x16x2432xf32, #tpu.memory_space<hbm>> -> memref<16x2432xf32, #tpu.memory_space<hbm>>
        tpu.enqueue_dma source(%dma_start3A_701 : memref<16x2432xf32, #tpu.memory_space<hbm>>) target(%dma_start3A_698 : memref<16x2432xf32, #tpu.memory_space<vmem_shared>>) target_semaphore(%arg14 : memref<!tpu.dma_semaphore, #tpu.memory_space<semaphore_mem>>)
      } else {
      }
      %mul3A_52 = arith.constant 16 : i32
      %mul3A_53 = arith.muli %select_n3A_39, %mul3A_52 : i32
      %mul3A_54 = arith.constant 16 : i32
      %mul3A_55 = arith.muli %select_n3A_39, %mul3A_54 : i32
      %eq3A_56 = arith.constant 0 : i32
      %eq3A_57 = arith.cmpi eq, %arg1, %eq3A_56 : i32
      %convert_element_type3A_58 = arith.extui %eq3A_57 : i1 to i32
      %cond3A_59 = arith.constant 0 : i32
      %cond3A_60 = arith.cmpi ne, %convert_element_type3A_58, %cond3A_59 : i32
      scf.if %cond3A_60 {
        %dma_start3A = arith.constant 0 : i32
        %dma_start3A_697 = arith.constant 0 : i32
        %dma_start3A_698 = tpu.memref_slice %arg6[%dma_start3A, %dma_start3A_697] : memref<16x4864xf32, #tpu.memory_space<vmem_shared>> -> memref<16x2432xf32, #tpu.memory_space<vmem_shared>>
        %dma_start3A_699 = arith.constant 4864 : i32
        %dma_start3A_700 = tpu.memref_slice %arg2[%select_n3A, %mul3A_53, %dma_start3A_699] : memref<26x32x100000xf32, #tpu.memory_space<hbm>> -> memref<1x16x2432xf32, #tpu.memory_space<hbm>>
        %dma_start3A_701 = tpu.memref_squeeze %dma_start3A_700 : memref<1x16x2432xf32, #tpu.memory_space<hbm>> -> memref<16x2432xf32, #tpu.memory_space<hbm>>
        tpu.enqueue_dma source(%dma_start3A_701 : memref<16x2432xf32, #tpu.memory_space<hbm>>) target(%dma_start3A_698 : memref<16x2432xf32, #tpu.memory_space<vmem_shared>>) target_semaphore(%arg15 : memref<!tpu.dma_semaphore, #tpu.memory_space<semaphore_mem>>)
      } else {
      }
      %eq3A_61 = arith.constant 1 : i32
      %eq3A_62 = arith.cmpi eq, %arg1, %eq3A_61 : i32
      %convert_element_type3A_63 = arith.extui %eq3A_62 : i1 to i32
      %cond3A_64 = arith.constant 0 : i32
      %cond3A_65 = arith.cmpi ne, %convert_element_type3A_63, %cond3A_64 : i32
      scf.if %cond3A_65 {
        %dma_start3A = arith.constant 0 : i32
        %dma_start3A_697 = arith.constant 2432 : i32
        %dma_start3A_698 = tpu.memref_slice %arg6[%dma_start3A, %dma_start3A_697] : memref<16x4864xf32, #tpu.memory_space<vmem_shared>> -> memref<16x2432xf32, #tpu.memory_space<vmem_shared>>
        %dma_start3A_699 = arith.constant 7296 : i32
        %dma_start3A_700 = tpu.memref_slice %arg2[%select_n3A, %mul3A_55, %dma_start3A_699] : memref<26x32x100000xf32, #tpu.memory_space<hbm>> -> memref<1x16x2432xf32, #tpu.memory_space<hbm>>
        %dma_start3A_701 = tpu.memref_squeeze %dma_start3A_700 : memref<1x16x2432xf32, #tpu.memory_space<hbm>> -> memref<16x2432xf32, #tpu.memory_space<hbm>>
        tpu.enqueue_dma source(%dma_start3A_701 : memref<16x2432xf32, #tpu.memory_space<hbm>>) target(%dma_start3A_698 : memref<16x2432xf32, #tpu.memory_space<vmem_shared>>) target_semaphore(%arg16 : memref<!tpu.dma_semaphore, #tpu.memory_space<semaphore_mem>>)
      } else {
      }
      %mul3A_66 = arith.constant 16 : i32
      %mul3A_67 = arith.muli %select_n3A_39, %mul3A_66 : i32
      %mul3A_68 = arith.constant 16 : i32
      %mul3A_69 = arith.muli %select_n3A_39, %mul3A_68 : i32
      %eq3A_70 = arith.constant 0 : i32
      %eq3A_71 = arith.cmpi eq, %arg1, %eq3A_70 : i32
      %convert_element_type3A_72 = arith.extui %eq3A_71 : i1 to i32
      %cond3A_73 = arith.constant 0 : i32
      %cond3A_74 = arith.cmpi ne, %convert_element_type3A_72, %cond3A_73 : i32
      scf.if %cond3A_74 {
        %dma_wait3A = arith.constant 0 : i32
        %dma_wait3A_697 = arith.constant 0 : i32
        %dma_wait3A_698 = tpu.memref_slice %arg5[%dma_wait3A, %dma_wait3A_697] : memref<16x4864xf32, #tpu.memory_space<vmem_shared>> -> memref<16x2432xf32, #tpu.memory_space<vmem_shared>>
        %dma_wait3A_699 = arith.constant 0 : i32
        %dma_wait3A_700 = tpu.memref_slice %arg2[%select_n3A, %mul3A_67, %dma_wait3A_699] : memref<26x32x100000xf32, #tpu.memory_space<hbm>> -> memref<1x16x2432xf32, #tpu.memory_space<hbm>>
        %dma_wait3A_701 = tpu.memref_squeeze %dma_wait3A_700 : memref<1x16x2432xf32, #tpu.memory_space<hbm>> -> memref<16x2432xf32, #tpu.memory_space<hbm>>
        tpu.wait_dma2 semaphore(%arg13 : memref<!tpu.dma_semaphore, #tpu.memory_space<semaphore_mem>>) src(%dma_wait3A_701 : memref<16x2432xf32, #tpu.memory_space<hbm>>) dst(%dma_wait3A_698 : memref<16x2432xf32, #tpu.memory_space<vmem_shared>>)
      } else {
      }
      %eq3A_75 = arith.constant 1 : i32
      %eq3A_76 = arith.cmpi eq, %arg1, %eq3A_75 : i32
      %convert_element_type3A_77 = arith.extui %eq3A_76 : i1 to i32
      %cond3A_78 = arith.constant 0 : i32
      %cond3A_79 = arith.cmpi ne, %convert_element_type3A_77, %cond3A_78 : i32
      scf.if %cond3A_79 {
        %dma_wait3A = arith.constant 0 : i32
        %dma_wait3A_697 = arith.constant 2432 : i32
        %dma_wait3A_698 = tpu.memref_slice %arg5[%dma_wait3A, %dma_wait3A_697] : memref<16x4864xf32, #tpu.memory_space<vmem_shared>> -> memref<16x2432xf32, #tpu.memory_space<vmem_shared>>
        %dma_wait3A_699 = arith.constant 2432 : i32
        %dma_wait3A_700 = tpu.memref_slice %arg2[%select_n3A, %mul3A_69, %dma_wait3A_699] : memref<26x32x100000xf32, #tpu.memory_space<hbm>> -> memref<1x16x2432xf32, #tpu.memory_space<hbm>>
        %dma_wait3A_701 = tpu.memref_squeeze %dma_wait3A_700 : memref<1x16x2432xf32, #tpu.memory_space<hbm>> -> memref<16x2432xf32, #tpu.memory_space<hbm>>
        tpu.wait_dma2 semaphore(%arg14 : memref<!tpu.dma_semaphore, #tpu.memory_space<semaphore_mem>>) src(%dma_wait3A_701 : memref<16x2432xf32, #tpu.memory_space<hbm>>) dst(%dma_wait3A_698 : memref<16x2432xf32, #tpu.memory_space<vmem_shared>>)
      } else {
      }
      %barrier3A = arith.constant 0 : index
      tpu.barrier barrier_id(%barrier3A)
      %mul3A_80 = arith.constant 16 : i32
      %mul3A_81 = arith.muli %select_n3A_39, %mul3A_80 : i32
      %mul3A_82 = arith.constant 16 : i32
      %mul3A_83 = arith.muli %select_n3A_39, %mul3A_82 : i32
      %eq3A_84 = arith.constant 0 : i32
      %eq3A_85 = arith.cmpi eq, %arg1, %eq3A_84 : i32
      %convert_element_type3A_86 = arith.extui %eq3A_85 : i1 to i32
      %cond3A_87 = arith.constant 0 : i32
      %cond3A_88 = arith.cmpi ne, %convert_element_type3A_86, %cond3A_87 : i32
      scf.if %cond3A_88 {
        %dma_start3A = arith.constant 0 : i32
        %dma_start3A_697 = arith.constant 0 : i32
        %dma_start3A_698 = tpu.memref_slice %arg7[%dma_start3A, %dma_start3A_697] : memref<16x4864xf32, #tpu.memory_space<vmem_shared>> -> memref<16x2432xf32, #tpu.memory_space<vmem_shared>>
        %dma_start3A_699 = arith.constant 9728 : i32
        %dma_start3A_700 = tpu.memref_slice %arg2[%select_n3A, %mul3A_81, %dma_start3A_699] : memref<26x32x100000xf32, #tpu.memory_space<hbm>> -> memref<1x16x2432xf32, #tpu.memory_space<hbm>>
        %dma_start3A_701 = tpu.memref_squeeze %dma_start3A_700 : memref<1x16x2432xf32, #tpu.memory_space<hbm>> -> memref<16x2432xf32, #tpu.memory_space<hbm>>
        tpu.enqueue_dma source(%dma_start3A_701 : memref<16x2432xf32, #tpu.memory_space<hbm>>) target(%dma_start3A_698 : memref<16x2432xf32, #tpu.memory_space<vmem_shared>>) target_semaphore(%arg17 : memref<!tpu.dma_semaphore, #tpu.memory_space<semaphore_mem>>)
      } else {
      }
      %eq3A_89 = arith.constant 1 : i32
      %eq3A_90 = arith.cmpi eq, %arg1, %eq3A_89 : i32
      %convert_element_type3A_91 = arith.extui %eq3A_90 : i1 to i32
      %cond3A_92 = arith.constant 0 : i32
      %cond3A_93 = arith.cmpi ne, %convert_element_type3A_91, %cond3A_92 : i32
      scf.if %cond3A_93 {
        %dma_start3A = arith.constant 0 : i32
        %dma_start3A_697 = arith.constant 2432 : i32
        %dma_start3A_698 = tpu.memref_slice %arg7[%dma_start3A, %dma_start3A_697] : memref<16x4864xf32, #tpu.memory_space<vmem_shared>> -> memref<16x2432xf32, #tpu.memory_space<vmem_shared>>
        %dma_start3A_699 = arith.constant 12160 : i32
        %dma_start3A_700 = tpu.memref_slice %arg2[%select_n3A, %mul3A_83, %dma_start3A_699] : memref<26x32x100000xf32, #tpu.memory_space<hbm>> -> memref<1x16x2432xf32, #tpu.memory_space<hbm>>
        %dma_start3A_701 = tpu.memref_squeeze %dma_start3A_700 : memref<1x16x2432xf32, #tpu.memory_space<hbm>> -> memref<16x2432xf32, #tpu.memory_space<hbm>>
        tpu.enqueue_dma source(%dma_start3A_701 : memref<16x2432xf32, #tpu.memory_space<hbm>>) target(%dma_start3A_698 : memref<16x2432xf32, #tpu.memory_space<vmem_shared>>) target_semaphore(%arg18 : memref<!tpu.dma_semaphore, #tpu.memory_space<semaphore_mem>>)
      } else {
      }
      "tpu.region"() ({
        %run_scoped3A = tpu.sem_alloc : memref<!tpu.dma_semaphore, #tpu.memory_space<semaphore_mem>>
        %dma_start3A = arith.constant 0 : i32
        %dma_start3A_697 = tpu.memref_slice %arg9[%dma_start3A] : memref<100000xf32, #tpu.memory_space<vmem>> -> memref<4864xf32, #tpu.memory_space<vmem>>
        %dma_start3A_698 = arith.constant 0 : i32
        %dma_start3A_699 = tpu.memref_slice %arg5[%arg1, %dma_start3A_698] : memref<16x4864xf32, #tpu.memory_space<vmem_shared>> -> memref<1x4864xf32, #tpu.memory_space<vmem_shared>>
        %dma_start3A_700 = tpu.memref_squeeze %dma_start3A_699 : memref<1x4864xf32, #tpu.memory_space<vmem_shared>> -> memref<4864xf32, #tpu.memory_space<vmem_shared>>
        %dma_start3A_701 = arith.constant 0 : i32
        %dma_start3A_702 = tpu.memref_slice %arg9[%dma_start3A_701] : memref<100000xf32, #tpu.memory_space<vmem>> -> memref<4864xf32, #tpu.memory_space<vmem>>
        %dma_start3A_703 = arith.constant 0 : i32
        %dma_start3A_704 = tpu.memref_slice %arg5[%arg1, %dma_start3A_703] : memref<16x4864xf32, #tpu.memory_space<vmem_shared>> -> memref<1x4864xf32, #tpu.memory_space<vmem_shared>>
        %dma_start3A_705 = tpu.memref_squeeze %dma_start3A_704 : memref<1x4864xf32, #tpu.memory_space<vmem_shared>> -> memref<4864xf32, #tpu.memory_space<vmem_shared>>
        tpu.enqueue_dma source(%dma_start3A_705 : memref<4864xf32, #tpu.memory_space<vmem_shared>>) target(%dma_start3A_702 : memref<4864xf32, #tpu.memory_space<vmem>>) target_semaphore(%run_scoped3A : memref<!tpu.dma_semaphore, #tpu.memory_space<semaphore_mem>>)
        %dma_wait3A = arith.constant 0 : i32
        %dma_wait3A_706 = tpu.memref_slice %arg9[%dma_wait3A] : memref<100000xf32, #tpu.memory_space<vmem>> -> memref<4864xf32, #tpu.memory_space<vmem>>
        %dma_wait3A_707 = arith.constant 0 : i32
        %dma_wait3A_708 = tpu.memref_slice %arg5[%arg1, %dma_wait3A_707] : memref<16x4864xf32, #tpu.memory_space<vmem_shared>> -> memref<1x4864xf32, #tpu.memory_space<vmem_shared>>
        %dma_wait3A_709 = tpu.memref_squeeze %dma_wait3A_708 : memref<1x4864xf32, #tpu.memory_space<vmem_shared>> -> memref<4864xf32, #tpu.memory_space<vmem_shared>>
        %dma_wait3A_710 = arith.constant 0 : i32
        %dma_wait3A_711 = tpu.memref_slice %arg9[%dma_wait3A_710] : memref<100000xf32, #tpu.memory_space<vmem>> -> memref<4864xf32, #tpu.memory_space<vmem>>
        %dma_wait3A_712 = arith.constant 0 : i32
        %dma_wait3A_713 = tpu.memref_slice %arg5[%arg1, %dma_wait3A_712] : memref<16x4864xf32, #tpu.memory_space<vmem_shared>> -> memref<1x4864xf32, #tpu.memory_space<vmem_shared>>
        %dma_wait3A_714 = tpu.memref_squeeze %dma_wait3A_713 : memref<1x4864xf32, #tpu.memory_space<vmem_shared>> -> memref<4864xf32, #tpu.memory_space<vmem_shared>>
        tpu.wait_dma2 semaphore(%run_scoped3A : memref<!tpu.dma_semaphore, #tpu.memory_space<semaphore_mem>>) src(%dma_wait3A_714 : memref<4864xf32, #tpu.memory_space<vmem_shared>>) dst(%dma_wait3A_711 : memref<4864xf32, #tpu.memory_space<vmem>>)
        tpu.yield
      }) : () -> ()
      %mul3A_94 = arith.constant 16 : i32
      %mul3A_95 = arith.muli %select_n3A_39, %mul3A_94 : i32
      %mul3A_96 = arith.constant 16 : i32
      %mul3A_97 = arith.muli %select_n3A_39, %mul3A_96 : i32
      %eq3A_98 = arith.constant 0 : i32
      %eq3A_99 = arith.cmpi eq, %arg1, %eq3A_98 : i32
      %convert_element_type3A_100 = arith.extui %eq3A_99 : i1 to i32
      %cond3A_101 = arith.constant 0 : i32
      %cond3A_102 = arith.cmpi ne, %convert_element_type3A_100, %cond3A_101 : i32
      scf.if %cond3A_102 {
        %dma_wait3A = arith.constant 0 : i32
        %dma_wait3A_697 = arith.constant 0 : i32
        %dma_wait3A_698 = tpu.memref_slice %arg6[%dma_wait3A, %dma_wait3A_697] : memref<16x4864xf32, #tpu.memory_space<vmem_shared>> -> memref<16x2432xf32, #tpu.memory_space<vmem_shared>>
        %dma_wait3A_699 = arith.constant 4864 : i32
        %dma_wait3A_700 = tpu.memref_slice %arg2[%select_n3A, %mul3A_95, %dma_wait3A_699] : memref<26x32x100000xf32, #tpu.memory_space<hbm>> -> memref<1x16x2432xf32, #tpu.memory_space<hbm>>
        %dma_wait3A_701 = tpu.memref_squeeze %dma_wait3A_700 : memref<1x16x2432xf32, #tpu.memory_space<hbm>> -> memref<16x2432xf32, #tpu.memory_space<hbm>>
        tpu.wait_dma2 semaphore(%arg15 : memref<!tpu.dma_semaphore, #tpu.memory_space<semaphore_mem>>) src(%dma_wait3A_701 : memref<16x2432xf32, #tpu.memory_space<hbm>>) dst(%dma_wait3A_698 : memref<16x2432xf32, #tpu.memory_space<vmem_shared>>)
      } else {
      }
      %eq3A_103 = arith.constant 1 : i32
      %eq3A_104 = arith.cmpi eq, %arg1, %eq3A_103 : i32
      %convert_element_type3A_105 = arith.extui %eq3A_104 : i1 to i32
      %cond3A_106 = arith.constant 0 : i32
      %cond3A_107 = arith.cmpi ne, %convert_element_type3A_105, %cond3A_106 : i32
      scf.if %cond3A_107 {
        %dma_wait3A = arith.constant 0 : i32
        %dma_wait3A_697 = arith.constant 2432 : i32
        %dma_wait3A_698 = tpu.memref_slice %arg6[%dma_wait3A, %dma_wait3A_697] : memref<16x4864xf32, #tpu.memory_space<vmem_shared>> -> memref<16x2432xf32, #tpu.memory_space<vmem_shared>>
        %dma_wait3A_699 = arith.constant 7296 : i32
        %dma_wait3A_700 = tpu.memref_slice %arg2[%select_n3A, %mul3A_97, %dma_wait3A_699] : memref<26x32x100000xf32, #tpu.memory_space<hbm>> -> memref<1x16x2432xf32, #tpu.memory_space<hbm>>
        %dma_wait3A_701 = tpu.memref_squeeze %dma_wait3A_700 : memref<1x16x2432xf32, #tpu.memory_space<hbm>> -> memref<16x2432xf32, #tpu.memory_space<hbm>>
        tpu.wait_dma2 semaphore(%arg16 : memref<!tpu.dma_semaphore, #tpu.memory_space<semaphore_mem>>) src(%dma_wait3A_701 : memref<16x2432xf32, #tpu.memory_space<hbm>>) dst(%dma_wait3A_698 : memref<16x2432xf32, #tpu.memory_space<vmem_shared>>)
      } else {
      }
      %barrier3A_108 = arith.constant 0 : index
      tpu.barrier barrier_id(%barrier3A_108)
      %mul3A_109 = arith.constant 16 : i32
      %mul3A_110 = arith.muli %select_n3A_39, %mul3A_109 : i32
      %mul3A_111 = arith.constant 16 : i32
      %mul3A_112 = arith.muli %select_n3A_39, %mul3A_111 : i32
      %eq3A_113 = arith.constant 0 : i32
      %eq3A_114 = arith.cmpi eq, %arg1, %eq3A_113 : i32
      %convert_element_type3A_115 = arith.extui %eq3A_114 : i1 to i32
      %cond3A_116 = arith.constant 0 : i32
      %cond3A_117 = arith.cmpi ne, %convert_element_type3A_115, %cond3A_116 : i32
      scf.if %cond3A_117 {
        %dma_start3A = arith.constant 0 : i32
        %dma_start3A_697 = arith.constant 0 : i32
        %dma_start3A_698 = tpu.memref_slice %arg5[%dma_start3A, %dma_start3A_697] : memref<16x4864xf32, #tpu.memory_space<vmem_shared>> -> memref<16x2432xf32, #tpu.memory_space<vmem_shared>>
        %dma_start3A_699 = arith.constant 14592 : i32
        %dma_start3A_700 = tpu.memref_slice %arg2[%select_n3A, %mul3A_110, %dma_start3A_699] : memref<26x32x100000xf32, #tpu.memory_space<hbm>> -> memref<1x16x2432xf32, #tpu.memory_space<hbm>>
        %dma_start3A_701 = tpu.memref_squeeze %dma_start3A_700 : memref<1x16x2432xf32, #tpu.memory_space<hbm>> -> memref<16x2432xf32, #tpu.memory_space<hbm>>
        tpu.enqueue_dma source(%dma_start3A_701 : memref<16x2432xf32, #tpu.memory_space<hbm>>) target(%dma_start3A_698 : memref<16x2432xf32, #tpu.memory_space<vmem_shared>>) target_semaphore(%arg13 : memref<!tpu.dma_semaphore, #tpu.memory_space<semaphore_mem>>)
      } else {
      }
      %eq3A_118 = arith.constant 1 : i32
      %eq3A_119 = arith.cmpi eq, %arg1, %eq3A_118 : i32
      %convert_element_type3A_120 = arith.extui %eq3A_119 : i1 to i32
      %cond3A_121 = arith.constant 0 : i32
      %cond3A_122 = arith.cmpi ne, %convert_element_type3A_120, %cond3A_121 : i32
      scf.if %cond3A_122 {
        %dma_start3A = arith.constant 0 : i32
        %dma_start3A_697 = arith.constant 2432 : i32
        %dma_start3A_698 = tpu.memref_slice %arg5[%dma_start3A, %dma_start3A_697] : memref<16x4864xf32, #tpu.memory_space<vmem_shared>> -> memref<16x2432xf32, #tpu.memory_space<vmem_shared>>
        %dma_start3A_699 = arith.constant 17024 : i32
        %dma_start3A_700 = tpu.memref_slice %arg2[%select_n3A, %mul3A_112, %dma_start3A_699] : memref<26x32x100000xf32, #tpu.memory_space<hbm>> -> memref<1x16x2432xf32, #tpu.memory_space<hbm>>
        %dma_start3A_701 = tpu.memref_squeeze %dma_start3A_700 : memref<1x16x2432xf32, #tpu.memory_space<hbm>> -> memref<16x2432xf32, #tpu.memory_space<hbm>>
        tpu.enqueue_dma source(%dma_start3A_701 : memref<16x2432xf32, #tpu.memory_space<hbm>>) target(%dma_start3A_698 : memref<16x2432xf32, #tpu.memory_space<vmem_shared>>) target_semaphore(%arg14 : memref<!tpu.dma_semaphore, #tpu.memory_space<semaphore_mem>>)
      } else {
      }
      "tpu.region"() ({
        %run_scoped3A = tpu.sem_alloc : memref<!tpu.dma_semaphore, #tpu.memory_space<semaphore_mem>>
        %dma_start3A = arith.constant 4864 : i32
        %dma_start3A_697 = tpu.memref_slice %arg9[%dma_start3A] : memref<100000xf32, #tpu.memory_space<vmem>> -> memref<4864xf32, #tpu.memory_space<vmem>>
        %dma_start3A_698 = arith.constant 0 : i32
        %dma_start3A_699 = tpu.memref_slice %arg6[%arg1, %dma_start3A_698] : memref<16x4864xf32, #tpu.memory_space<vmem_shared>> -> memref<1x4864xf32, #tpu.memory_space<vmem_shared>>
        %dma_start3A_700 = tpu.memref_squeeze %dma_start3A_699 : memref<1x4864xf32, #tpu.memory_space<vmem_shared>> -> memref<4864xf32, #tpu.memory_space<vmem_shared>>
        %dma_start3A_701 = arith.constant 4864 : i32
        %dma_start3A_702 = tpu.memref_slice %arg9[%dma_start3A_701] : memref<100000xf32, #tpu.memory_space<vmem>> -> memref<4864xf32, #tpu.memory_space<vmem>>
        %dma_start3A_703 = arith.constant 0 : i32
        %dma_start3A_704 = tpu.memref_slice %arg6[%arg1, %dma_start3A_703] : memref<16x4864xf32, #tpu.memory_space<vmem_shared>> -> memref<1x4864xf32, #tpu.memory_space<vmem_shared>>
        %dma_start3A_705 = tpu.memref_squeeze %dma_start3A_704 : memref<1x4864xf32, #tpu.memory_space<vmem_shared>> -> memref<4864xf32, #tpu.memory_space<vmem_shared>>
        tpu.enqueue_dma source(%dma_start3A_705 : memref<4864xf32, #tpu.memory_space<vmem_shared>>) target(%dma_start3A_702 : memref<4864xf32, #tpu.memory_space<vmem>>) target_semaphore(%run_scoped3A : memref<!tpu.dma_semaphore, #tpu.memory_space<semaphore_mem>>)
        %dma_wait3A = arith.constant 4864 : i32
        %dma_wait3A_706 = tpu.memref_slice %arg9[%dma_wait3A] : memref<100000xf32, #tpu.memory_space<vmem>> -> memref<4864xf32, #tpu.memory_space<vmem>>
        %dma_wait3A_707 = arith.constant 0 : i32
        %dma_wait3A_708 = tpu.memref_slice %arg6[%arg1, %dma_wait3A_707] : memref<16x4864xf32, #tpu.memory_space<vmem_shared>> -> memref<1x4864xf32, #tpu.memory_space<vmem_shared>>
        %dma_wait3A_709 = tpu.memref_squeeze %dma_wait3A_708 : memref<1x4864xf32, #tpu.memory_space<vmem_shared>> -> memref<4864xf32, #tpu.memory_space<vmem_shared>>
        %dma_wait3A_710 = arith.constant 4864 : i32
        %dma_wait3A_711 = tpu.memref_slice %arg9[%dma_wait3A_710] : memref<100000xf32, #tpu.memory_space<vmem>> -> memref<4864xf32, #tpu.memory_space<vmem>>
        %dma_wait3A_712 = arith.constant 0 : i32
        %dma_wait3A_713 = tpu.memref_slice %arg6[%arg1, %dma_wait3A_712] : memref<16x4864xf32, #tpu.memory_space<vmem_shared>> -> memref<1x4864xf32, #tpu.memory_space<vmem_shared>>
        %dma_wait3A_714 = tpu.memref_squeeze %dma_wait3A_713 : memref<1x4864xf32, #tpu.memory_space<vmem_shared>> -> memref<4864xf32, #tpu.memory_space<vmem_shared>>
        tpu.wait_dma2 semaphore(%run_scoped3A : memref<!tpu.dma_semaphore, #tpu.memory_space<semaphore_mem>>) src(%dma_wait3A_714 : memref<4864xf32, #tpu.memory_space<vmem_shared>>) dst(%dma_wait3A_711 : memref<4864xf32, #tpu.memory_space<vmem>>)
        tpu.yield
      }) : () -> ()
      %mul3A_123 = arith.constant 16 : i32
      %mul3A_124 = arith.muli %select_n3A_39, %mul3A_123 : i32
      %mul3A_125 = arith.constant 16 : i32
      %mul3A_126 = arith.muli %select_n3A_39, %mul3A_125 : i32
      %eq3A_127 = arith.constant 0 : i32
      %eq3A_128 = arith.cmpi eq, %arg1, %eq3A_127 : i32
      %convert_element_type3A_129 = arith.extui %eq3A_128 : i1 to i32
      %cond3A_130 = arith.constant 0 : i32
      %cond3A_131 = arith.cmpi ne, %convert_element_type3A_129, %cond3A_130 : i32
      scf.if %cond3A_131 {
        %dma_wait3A = arith.constant 0 : i32
        %dma_wait3A_697 = arith.constant 0 : i32
        %dma_wait3A_698 = tpu.memref_slice %arg7[%dma_wait3A, %dma_wait3A_697] : memref<16x4864xf32, #tpu.memory_space<vmem_shared>> -> memref<16x2432xf32, #tpu.memory_space<vmem_shared>>
        %dma_wait3A_699 = arith.constant 9728 : i32
        %dma_wait3A_700 = tpu.memref_slice %arg2[%select_n3A, %mul3A_124, %dma_wait3A_699] : memref<26x32x100000xf32, #tpu.memory_space<hbm>> -> memref<1x16x2432xf32, #tpu.memory_space<hbm>>
        %dma_wait3A_701 = tpu.memref_squeeze %dma_wait3A_700 : memref<1x16x2432xf32, #tpu.memory_space<hbm>> -> memref<16x2432xf32, #tpu.memory_space<hbm>>
        tpu.wait_dma2 semaphore(%arg17 : memref<!tpu.dma_semaphore, #tpu.memory_space<semaphore_mem>>) src(%dma_wait3A_701 : memref<16x2432xf32, #tpu.memory_space<hbm>>) dst(%dma_wait3A_698 : memref<16x2432xf32, #tpu.memory_space<vmem_shared>>)
      } else {
      }
      %eq3A_132 = arith.constant 1 : i32
      %eq3A_133 = arith.cmpi eq, %arg1, %eq3A_132 : i32
      %convert_element_type3A_134 = arith.extui %eq3A_133 : i1 to i32
      %cond3A_135 = arith.constant 0 : i32
      %cond3A_136 = arith.cmpi ne, %convert_element_type3A_134, %cond3A_135 : i32
      scf.if %cond3A_136 {
        %dma_wait3A = arith.constant 0 : i32
        %dma_wait3A_697 = arith.constant 2432 : i32
        %dma_wait3A_698 = tpu.memref_slice %arg7[%dma_wait3A, %dma_wait3A_697] : memref<16x4864xf32, #tpu.memory_space<vmem_shared>> -> memref<16x2432xf32, #tpu.memory_space<vmem_shared>>
        %dma_wait3A_699 = arith.constant 12160 : i32
        %dma_wait3A_700 = tpu.memref_slice %arg2[%select_n3A, %mul3A_126, %dma_wait3A_699] : memref<26x32x100000xf32, #tpu.memory_space<hbm>> -> memref<1x16x2432xf32, #tpu.memory_space<hbm>>
        %dma_wait3A_701 = tpu.memref_squeeze %dma_wait3A_700 : memref<1x16x2432xf32, #tpu.memory_space<hbm>> -> memref<16x2432xf32, #tpu.memory_space<hbm>>
        tpu.wait_dma2 semaphore(%arg18 : memref<!tpu.dma_semaphore, #tpu.memory_space<semaphore_mem>>) src(%dma_wait3A_701 : memref<16x2432xf32, #tpu.memory_space<hbm>>) dst(%dma_wait3A_698 : memref<16x2432xf32, #tpu.memory_space<vmem_shared>>)
      } else {
      }
      %barrier3A_137 = arith.constant 0 : index
      tpu.barrier barrier_id(%barrier3A_137)
      %mul3A_138 = arith.constant 16 : i32
      %mul3A_139 = arith.muli %select_n3A_39, %mul3A_138 : i32
      %mul3A_140 = arith.constant 16 : i32
      %mul3A_141 = arith.muli %select_n3A_39, %mul3A_140 : i32
      %eq3A_142 = arith.constant 0 : i32
      %eq3A_143 = arith.cmpi eq, %arg1, %eq3A_142 : i32
      %convert_element_type3A_144 = arith.extui %eq3A_143 : i1 to i32
      %cond3A_145 = arith.constant 0 : i32
      %cond3A_146 = arith.cmpi ne, %convert_element_type3A_144, %cond3A_145 : i32
      scf.if %cond3A_146 {
        %dma_start3A = arith.constant 0 : i32
        %dma_start3A_697 = arith.constant 0 : i32
        %dma_start3A_698 = tpu.memref_slice %arg6[%dma_start3A, %dma_start3A_697] : memref<16x4864xf32, #tpu.memory_space<vmem_shared>> -> memref<16x2432xf32, #tpu.memory_space<vmem_shared>>
        %dma_start3A_699 = arith.constant 19456 : i32
        %dma_start3A_700 = tpu.memref_slice %arg2[%select_n3A, %mul3A_139, %dma_start3A_699] : memref<26x32x100000xf32, #tpu.memory_space<hbm>> -> memref<1x16x2432xf32, #tpu.memory_space<hbm>>
        %dma_start3A_701 = tpu.memref_squeeze %dma_start3A_700 : memref<1x16x2432xf32, #tpu.memory_space<hbm>> -> memref<16x2432xf32, #tpu.memory_space<hbm>>
        tpu.enqueue_dma source(%dma_start3A_701 : memref<16x2432xf32, #tpu.memory_space<hbm>>) target(%dma_start3A_698 : memref<16x2432xf32, #tpu.memory_space<vmem_shared>>) target_semaphore(%arg15 : memref<!tpu.dma_semaphore, #tpu.memory_space<semaphore_mem>>)
      } else {
      }
      %eq3A_147 = arith.constant 1 : i32
      %eq3A_148 = arith.cmpi eq, %arg1, %eq3A_147 : i32
      %convert_element_type3A_149 = arith.extui %eq3A_148 : i1 to i32
      %cond3A_150 = arith.constant 0 : i32
      %cond3A_151 = arith.cmpi ne, %convert_element_type3A_149, %cond3A_150 : i32
      scf.if %cond3A_151 {
        %dma_start3A = arith.constant 0 : i32
        %dma_start3A_697 = arith.constant 2432 : i32
        %dma_start3A_698 = tpu.memref_slice %arg6[%dma_start3A, %dma_start3A_697] : memref<16x4864xf32, #tpu.memory_space<vmem_shared>> -> memref<16x2432xf32, #tpu.memory_space<vmem_shared>>
        %dma_start3A_699 = arith.constant 21888 : i32
        %dma_start3A_700 = tpu.memref_slice %arg2[%select_n3A, %mul3A_141, %dma_start3A_699] : memref<26x32x100000xf32, #tpu.memory_space<hbm>> -> memref<1x16x2432xf32, #tpu.memory_space<hbm>>
        %dma_start3A_701 = tpu.memref_squeeze %dma_start3A_700 : memref<1x16x2432xf32, #tpu.memory_space<hbm>> -> memref<16x2432xf32, #tpu.memory_space<hbm>>
        tpu.enqueue_dma source(%dma_start3A_701 : memref<16x2432xf32, #tpu.memory_space<hbm>>) target(%dma_start3A_698 : memref<16x2432xf32, #tpu.memory_space<vmem_shared>>) target_semaphore(%arg16 : memref<!tpu.dma_semaphore, #tpu.memory_space<semaphore_mem>>)
      } else {
      }
      "tpu.region"() ({
        %run_scoped3A = tpu.sem_alloc : memref<!tpu.dma_semaphore, #tpu.memory_space<semaphore_mem>>
        %dma_start3A = arith.constant 9728 : i32
        %dma_start3A_697 = tpu.memref_slice %arg9[%dma_start3A] : memref<100000xf32, #tpu.memory_space<vmem>> -> memref<4864xf32, #tpu.memory_space<vmem>>
        %dma_start3A_698 = arith.constant 0 : i32
        %dma_start3A_699 = tpu.memref_slice %arg7[%arg1, %dma_start3A_698] : memref<16x4864xf32, #tpu.memory_space<vmem_shared>> -> memref<1x4864xf32, #tpu.memory_space<vmem_shared>>
        %dma_start3A_700 = tpu.memref_squeeze %dma_start3A_699 : memref<1x4864xf32, #tpu.memory_space<vmem_shared>> -> memref<4864xf32, #tpu.memory_space<vmem_shared>>
        %dma_start3A_701 = arith.constant 9728 : i32
        %dma_start3A_702 = tpu.memref_slice %arg9[%dma_start3A_701] : memref<100000xf32, #tpu.memory_space<vmem>> -> memref<4864xf32, #tpu.memory_space<vmem>>
        %dma_start3A_703 = arith.constant 0 : i32
        %dma_start3A_704 = tpu.memref_slice %arg7[%arg1, %dma_start3A_703] : memref<16x4864xf32, #tpu.memory_space<vmem_shared>> -> memref<1x4864xf32, #tpu.memory_space<vmem_shared>>
        %dma_start3A_705 = tpu.memref_squeeze %dma_start3A_704 : memref<1x4864xf32, #tpu.memory_space<vmem_shared>> -> memref<4864xf32, #tpu.memory_space<vmem_shared>>
        tpu.enqueue_dma source(%dma_start3A_705 : memref<4864xf32, #tpu.memory_space<vmem_shared>>) target(%dma_start3A_702 : memref<4864xf32, #tpu.memory_space<vmem>>) target_semaphore(%run_scoped3A : memref<!tpu.dma_semaphore, #tpu.memory_space<semaphore_mem>>)
        %dma_wait3A = arith.constant 9728 : i32
        %dma_wait3A_706 = tpu.memref_slice %arg9[%dma_wait3A] : memref<100000xf32, #tpu.memory_space<vmem>> -> memref<4864xf32, #tpu.memory_space<vmem>>
        %dma_wait3A_707 = arith.constant 0 : i32
        %dma_wait3A_708 = tpu.memref_slice %arg7[%arg1, %dma_wait3A_707] : memref<16x4864xf32, #tpu.memory_space<vmem_shared>> -> memref<1x4864xf32, #tpu.memory_space<vmem_shared>>
        %dma_wait3A_709 = tpu.memref_squeeze %dma_wait3A_708 : memref<1x4864xf32, #tpu.memory_space<vmem_shared>> -> memref<4864xf32, #tpu.memory_space<vmem_shared>>
        %dma_wait3A_710 = arith.constant 9728 : i32
        %dma_wait3A_711 = tpu.memref_slice %arg9[%dma_wait3A_710] : memref<100000xf32, #tpu.memory_space<vmem>> -> memref<4864xf32, #tpu.memory_space<vmem>>
        %dma_wait3A_712 = arith.constant 0 : i32
        %dma_wait3A_713 = tpu.memref_slice %arg7[%arg1, %dma_wait3A_712] : memref<16x4864xf32, #tpu.memory_space<vmem_shared>> -> memref<1x4864xf32, #tpu.memory_space<vmem_shared>>
        %dma_wait3A_714 = tpu.memref_squeeze %dma_wait3A_713 : memref<1x4864xf32, #tpu.memory_space<vmem_shared>> -> memref<4864xf32, #tpu.memory_space<vmem_shared>>
        tpu.wait_dma2 semaphore(%run_scoped3A : memref<!tpu.dma_semaphore, #tpu.memory_space<semaphore_mem>>) src(%dma_wait3A_714 : memref<4864xf32, #tpu.memory_space<vmem_shared>>) dst(%dma_wait3A_711 : memref<4864xf32, #tpu.memory_space<vmem>>)
        tpu.yield
      }) : () -> ()
      %mul3A_152 = arith.constant 16 : i32
      %mul3A_153 = arith.muli %select_n3A_39, %mul3A_152 : i32
      %mul3A_154 = arith.constant 16 : i32
      %mul3A_155 = arith.muli %select_n3A_39, %mul3A_154 : i32
      %eq3A_156 = arith.constant 0 : i32
      %eq3A_157 = arith.cmpi eq, %arg1, %eq3A_156 : i32
      %convert_element_type3A_158 = arith.extui %eq3A_157 : i1 to i32
      %cond3A_159 = arith.constant 0 : i32
      %cond3A_160 = arith.cmpi ne, %convert_element_type3A_158, %cond3A_159 : i32
      scf.if %cond3A_160 {
        %dma_wait3A = arith.constant 0 : i32
        %dma_wait3A_697 = arith.constant 0 : i32
        %dma_wait3A_698 = tpu.memref_slice %arg5[%dma_wait3A, %dma_wait3A_697] : memref<16x4864xf32, #tpu.memory_space<vmem_shared>> -> memref<16x2432xf32, #tpu.memory_space<vmem_shared>>
        %dma_wait3A_699 = arith.constant 14592 : i32
        %dma_wait3A_700 = tpu.memref_slice %arg2[%select_n3A, %mul3A_153, %dma_wait3A_699] : memref<26x32x100000xf32, #tpu.memory_space<hbm>> -> memref<1x16x2432xf32, #tpu.memory_space<hbm>>
        %dma_wait3A_701 = tpu.memref_squeeze %dma_wait3A_700 : memref<1x16x2432xf32, #tpu.memory_space<hbm>> -> memref<16x2432xf32, #tpu.memory_space<hbm>>
        tpu.wait_dma2 semaphore(%arg13 : memref<!tpu.dma_semaphore, #tpu.memory_space<semaphore_mem>>) src(%dma_wait3A_701 : memref<16x2432xf32, #tpu.memory_space<hbm>>) dst(%dma_wait3A_698 : memref<16x2432xf32, #tpu.memory_space<vmem_shared>>)
      } else {
      }
      %eq3A_161 = arith.constant 1 : i32
      %eq3A_162 = arith.cmpi eq, %arg1, %eq3A_161 : i32
      %convert_element_type3A_163 = arith.extui %eq3A_162 : i1 to i32
      %cond3A_164 = arith.constant 0 : i32
      %cond3A_165 = arith.cmpi ne, %convert_element_type3A_163, %cond3A_164 : i32
      scf.if %cond3A_165 {
        %dma_wait3A = arith.constant 0 : i32
        %dma_wait3A_697 = arith.constant 2432 : i32
        %dma_wait3A_698 = tpu.memref_slice %arg5[%dma_wait3A, %dma_wait3A_697] : memref<16x4864xf32, #tpu.memory_space<vmem_shared>> -> memref<16x2432xf32, #tpu.memory_space<vmem_shared>>
        %dma_wait3A_699 = arith.constant 17024 : i32
        %dma_wait3A_700 = tpu.memref_slice %arg2[%select_n3A, %mul3A_155, %dma_wait3A_699] : memref<26x32x100000xf32, #tpu.memory_space<hbm>> -> memref<1x16x2432xf32, #tpu.memory_space<hbm>>
        %dma_wait3A_701 = tpu.memref_squeeze %dma_wait3A_700 : memref<1x16x2432xf32, #tpu.memory_space<hbm>> -> memref<16x2432xf32, #tpu.memory_space<hbm>>
        tpu.wait_dma2 semaphore(%arg14 : memref<!tpu.dma_semaphore, #tpu.memory_space<semaphore_mem>>) src(%dma_wait3A_701 : memref<16x2432xf32, #tpu.memory_space<hbm>>) dst(%dma_wait3A_698 : memref<16x2432xf32, #tpu.memory_space<vmem_shared>>)
      } else {
      }
      %barrier3A_166 = arith.constant 0 : index
      tpu.barrier barrier_id(%barrier3A_166)
      %mul3A_167 = arith.constant 16 : i32
      %mul3A_168 = arith.muli %select_n3A_39, %mul3A_167 : i32
      %mul3A_169 = arith.constant 16 : i32
      %mul3A_170 = arith.muli %select_n3A_39, %mul3A_169 : i32
      %eq3A_171 = arith.constant 0 : i32
      %eq3A_172 = arith.cmpi eq, %arg1, %eq3A_171 : i32
      %convert_element_type3A_173 = arith.extui %eq3A_172 : i1 to i32
      %cond3A_174 = arith.constant 0 : i32
      %cond3A_175 = arith.cmpi ne, %convert_element_type3A_173, %cond3A_174 : i32
      scf.if %cond3A_175 {
        %dma_start3A = arith.constant 0 : i32
        %dma_start3A_697 = arith.constant 0 : i32
        %dma_start3A_698 = tpu.memref_slice %arg7[%dma_start3A, %dma_start3A_697] : memref<16x4864xf32, #tpu.memory_space<vmem_shared>> -> memref<16x2432xf32, #tpu.memory_space<vmem_shared>>
        %dma_start3A_699 = arith.constant 24320 : i32
        %dma_start3A_700 = tpu.memref_slice %arg2[%select_n3A, %mul3A_168, %dma_start3A_699] : memref<26x32x100000xf32, #tpu.memory_space<hbm>> -> memref<1x16x2432xf32, #tpu.memory_space<hbm>>
        %dma_start3A_701 = tpu.memref_squeeze %dma_start3A_700 : memref<1x16x2432xf32, #tpu.memory_space<hbm>> -> memref<16x2432xf32, #tpu.memory_space<hbm>>
        tpu.enqueue_dma source(%dma_start3A_701 : memref<16x2432xf32, #tpu.memory_space<hbm>>) target(%dma_start3A_698 : memref<16x2432xf32, #tpu.memory_space<vmem_shared>>) target_semaphore(%arg17 : memref<!tpu.dma_semaphore, #tpu.memory_space<semaphore_mem>>)
      } else {
      }
      %eq3A_176 = arith.constant 1 : i32
      %eq3A_177 = arith.cmpi eq, %arg1, %eq3A_176 : i32
      %convert_element_type3A_178 = arith.extui %eq3A_177 : i1 to i32
      %cond3A_179 = arith.constant 0 : i32
      %cond3A_180 = arith.cmpi ne, %convert_element_type3A_178, %cond3A_179 : i32
      scf.if %cond3A_180 {
        %dma_start3A = arith.constant 0 : i32
        %dma_start3A_697 = arith.constant 2432 : i32
        %dma_start3A_698 = tpu.memref_slice %arg7[%dma_start3A, %dma_start3A_697] : memref<16x4864xf32, #tpu.memory_space<vmem_shared>> -> memref<16x2432xf32, #tpu.memory_space<vmem_shared>>
        %dma_start3A_699 = arith.constant 26752 : i32
        %dma_start3A_700 = tpu.memref_slice %arg2[%select_n3A, %mul3A_170, %dma_start3A_699] : memref<26x32x100000xf32, #tpu.memory_space<hbm>> -> memref<1x16x2432xf32, #tpu.memory_space<hbm>>
        %dma_start3A_701 = tpu.memref_squeeze %dma_start3A_700 : memref<1x16x2432xf32, #tpu.memory_space<hbm>> -> memref<16x2432xf32, #tpu.memory_space<hbm>>
        tpu.enqueue_dma source(%dma_start3A_701 : memref<16x2432xf32, #tpu.memory_space<hbm>>) target(%dma_start3A_698 : memref<16x2432xf32, #tpu.memory_space<vmem_shared>>) target_semaphore(%arg18 : memref<!tpu.dma_semaphore, #tpu.memory_space<semaphore_mem>>)
      } else {
      }
      "tpu.region"() ({
        %run_scoped3A = tpu.sem_alloc : memref<!tpu.dma_semaphore, #tpu.memory_space<semaphore_mem>>
        %dma_start3A = arith.constant 14592 : i32
        %dma_start3A_697 = tpu.memref_slice %arg9[%dma_start3A] : memref<100000xf32, #tpu.memory_space<vmem>> -> memref<4864xf32, #tpu.memory_space<vmem>>
        %dma_start3A_698 = arith.constant 0 : i32
        %dma_start3A_699 = tpu.memref_slice %arg5[%arg1, %dma_start3A_698] : memref<16x4864xf32, #tpu.memory_space<vmem_shared>> -> memref<1x4864xf32, #tpu.memory_space<vmem_shared>>
        %dma_start3A_700 = tpu.memref_squeeze %dma_start3A_699 : memref<1x4864xf32, #tpu.memory_space<vmem_shared>> -> memref<4864xf32, #tpu.memory_space<vmem_shared>>
        %dma_start3A_701 = arith.constant 14592 : i32
        %dma_start3A_702 = tpu.memref_slice %arg9[%dma_start3A_701] : memref<100000xf32, #tpu.memory_space<vmem>> -> memref<4864xf32, #tpu.memory_space<vmem>>
        %dma_start3A_703 = arith.constant 0 : i32
        %dma_start3A_704 = tpu.memref_slice %arg5[%arg1, %dma_start3A_703] : memref<16x4864xf32, #tpu.memory_space<vmem_shared>> -> memref<1x4864xf32, #tpu.memory_space<vmem_shared>>
        %dma_start3A_705 = tpu.memref_squeeze %dma_start3A_704 : memref<1x4864xf32, #tpu.memory_space<vmem_shared>> -> memref<4864xf32, #tpu.memory_space<vmem_shared>>
        tpu.enqueue_dma source(%dma_start3A_705 : memref<4864xf32, #tpu.memory_space<vmem_shared>>) target(%dma_start3A_702 : memref<4864xf32, #tpu.memory_space<vmem>>) target_semaphore(%run_scoped3A : memref<!tpu.dma_semaphore, #tpu.memory_space<semaphore_mem>>)
        %dma_wait3A = arith.constant 14592 : i32
        %dma_wait3A_706 = tpu.memref_slice %arg9[%dma_wait3A] : memref<100000xf32, #tpu.memory_space<vmem>> -> memref<4864xf32, #tpu.memory_space<vmem>>
        %dma_wait3A_707 = arith.constant 0 : i32
        %dma_wait3A_708 = tpu.memref_slice %arg5[%arg1, %dma_wait3A_707] : memref<16x4864xf32, #tpu.memory_space<vmem_shared>> -> memref<1x4864xf32, #tpu.memory_space<vmem_shared>>
        %dma_wait3A_709 = tpu.memref_squeeze %dma_wait3A_708 : memref<1x4864xf32, #tpu.memory_space<vmem_shared>> -> memref<4864xf32, #tpu.memory_space<vmem_shared>>
        %dma_wait3A_710 = arith.constant 14592 : i32
        %dma_wait3A_711 = tpu.memref_slice %arg9[%dma_wait3A_710] : memref<100000xf32, #tpu.memory_space<vmem>> -> memref<4864xf32, #tpu.memory_space<vmem>>
        %dma_wait3A_712 = arith.constant 0 : i32
        %dma_wait3A_713 = tpu.memref_slice %arg5[%arg1, %dma_wait3A_712] : memref<16x4864xf32, #tpu.memory_space<vmem_shared>> -> memref<1x4864xf32, #tpu.memory_space<vmem_shared>>
        %dma_wait3A_714 = tpu.memref_squeeze %dma_wait3A_713 : memref<1x4864xf32, #tpu.memory_space<vmem_shared>> -> memref<4864xf32, #tpu.memory_space<vmem_shared>>
        tpu.wait_dma2 semaphore(%run_scoped3A : memref<!tpu.dma_semaphore, #tpu.memory_space<semaphore_mem>>) src(%dma_wait3A_714 : memref<4864xf32, #tpu.memory_space<vmem_shared>>) dst(%dma_wait3A_711 : memref<4864xf32, #tpu.memory_space<vmem>>)
        tpu.yield
      }) : () -> ()
      %mul3A_181 = arith.constant 16 : i32
      %mul3A_182 = arith.muli %select_n3A_39, %mul3A_181 : i32
      %mul3A_183 = arith.constant 16 : i32
      %mul3A_184 = arith.muli %select_n3A_39, %mul3A_183 : i32
      %eq3A_185 = arith.constant 0 : i32
      %eq3A_186 = arith.cmpi eq, %arg1, %eq3A_185 : i32
      %convert_element_type3A_187 = arith.extui %eq3A_186 : i1 to i32
      %cond3A_188 = arith.constant 0 : i32
      %cond3A_189 = arith.cmpi ne, %convert_element_type3A_187, %cond3A_188 : i32
      scf.if %cond3A_189 {
        %dma_wait3A = arith.constant 0 : i32
        %dma_wait3A_697 = arith.constant 0 : i32
        %dma_wait3A_698 = tpu.memref_slice %arg6[%dma_wait3A, %dma_wait3A_697] : memref<16x4864xf32, #tpu.memory_space<vmem_shared>> -> memref<16x2432xf32, #tpu.memory_space<vmem_shared>>
        %dma_wait3A_699 = arith.constant 19456 : i32
        %dma_wait3A_700 = tpu.memref_slice %arg2[%select_n3A, %mul3A_182, %dma_wait3A_699] : memref<26x32x100000xf32, #tpu.memory_space<hbm>> -> memref<1x16x2432xf32, #tpu.memory_space<hbm>>
        %dma_wait3A_701 = tpu.memref_squeeze %dma_wait3A_700 : memref<1x16x2432xf32, #tpu.memory_space<hbm>> -> memref<16x2432xf32, #tpu.memory_space<hbm>>
        tpu.wait_dma2 semaphore(%arg15 : memref<!tpu.dma_semaphore, #tpu.memory_space<semaphore_mem>>) src(%dma_wait3A_701 : memref<16x2432xf32, #tpu.memory_space<hbm>>) dst(%dma_wait3A_698 : memref<16x2432xf32, #tpu.memory_space<vmem_shared>>)
      } else {
      }
      %eq3A_190 = arith.constant 1 : i32
      %eq3A_191 = arith.cmpi eq, %arg1, %eq3A_190 : i32
      %convert_element_type3A_192 = arith.extui %eq3A_191 : i1 to i32
      %cond3A_193 = arith.constant 0 : i32
      %cond3A_194 = arith.cmpi ne, %convert_element_type3A_192, %cond3A_193 : i32
      scf.if %cond3A_194 {
        %dma_wait3A = arith.constant 0 : i32
        %dma_wait3A_697 = arith.constant 2432 : i32
        %dma_wait3A_698 = tpu.memref_slice %arg6[%dma_wait3A, %dma_wait3A_697] : memref<16x4864xf32, #tpu.memory_space<vmem_shared>> -> memref<16x2432xf32, #tpu.memory_space<vmem_shared>>
        %dma_wait3A_699 = arith.constant 21888 : i32
        %dma_wait3A_700 = tpu.memref_slice %arg2[%select_n3A, %mul3A_184, %dma_wait3A_699] : memref<26x32x100000xf32, #tpu.memory_space<hbm>> -> memref<1x16x2432xf32, #tpu.memory_space<hbm>>
        %dma_wait3A_701 = tpu.memref_squeeze %dma_wait3A_700 : memref<1x16x2432xf32, #tpu.memory_space<hbm>> -> memref<16x2432xf32, #tpu.memory_space<hbm>>
        tpu.wait_dma2 semaphore(%arg16 : memref<!tpu.dma_semaphore, #tpu.memory_space<semaphore_mem>>) src(%dma_wait3A_701 : memref<16x2432xf32, #tpu.memory_space<hbm>>) dst(%dma_wait3A_698 : memref<16x2432xf32, #tpu.memory_space<vmem_shared>>)
      } else {
      }
      %barrier3A_195 = arith.constant 0 : index
      tpu.barrier barrier_id(%barrier3A_195)
      %mul3A_196 = arith.constant 16 : i32
      %mul3A_197 = arith.muli %select_n3A_39, %mul3A_196 : i32
      %mul3A_198 = arith.constant 16 : i32
      %mul3A_199 = arith.muli %select_n3A_39, %mul3A_198 : i32
      %eq3A_200 = arith.constant 0 : i32
      %eq3A_201 = arith.cmpi eq, %arg1, %eq3A_200 : i32
      %convert_element_type3A_202 = arith.extui %eq3A_201 : i1 to i32
      %cond3A_203 = arith.constant 0 : i32
      %cond3A_204 = arith.cmpi ne, %convert_element_type3A_202, %cond3A_203 : i32
      scf.if %cond3A_204 {
        %dma_start3A = arith.constant 0 : i32
        %dma_start3A_697 = arith.constant 0 : i32
        %dma_start3A_698 = tpu.memref_slice %arg5[%dma_start3A, %dma_start3A_697] : memref<16x4864xf32, #tpu.memory_space<vmem_shared>> -> memref<16x2432xf32, #tpu.memory_space<vmem_shared>>
        %dma_start3A_699 = arith.constant 29184 : i32
        %dma_start3A_700 = tpu.memref_slice %arg2[%select_n3A, %mul3A_197, %dma_start3A_699] : memref<26x32x100000xf32, #tpu.memory_space<hbm>> -> memref<1x16x2432xf32, #tpu.memory_space<hbm>>
        %dma_start3A_701 = tpu.memref_squeeze %dma_start3A_700 : memref<1x16x2432xf32, #tpu.memory_space<hbm>> -> memref<16x2432xf32, #tpu.memory_space<hbm>>
        tpu.enqueue_dma source(%dma_start3A_701 : memref<16x2432xf32, #tpu.memory_space<hbm>>) target(%dma_start3A_698 : memref<16x2432xf32, #tpu.memory_space<vmem_shared>>) target_semaphore(%arg13 : memref<!tpu.dma_semaphore, #tpu.memory_space<semaphore_mem>>)
      } else {
      }
      %eq3A_205 = arith.constant 1 : i32
      %eq3A_206 = arith.cmpi eq, %arg1, %eq3A_205 : i32
      %convert_element_type3A_207 = arith.extui %eq3A_206 : i1 to i32
      %cond3A_208 = arith.constant 0 : i32
      %cond3A_209 = arith.cmpi ne, %convert_element_type3A_207, %cond3A_208 : i32
      scf.if %cond3A_209 {
        %dma_start3A = arith.constant 0 : i32
        %dma_start3A_697 = arith.constant 2432 : i32
        %dma_start3A_698 = tpu.memref_slice %arg5[%dma_start3A, %dma_start3A_697] : memref<16x4864xf32, #tpu.memory_space<vmem_shared>> -> memref<16x2432xf32, #tpu.memory_space<vmem_shared>>
        %dma_start3A_699 = arith.constant 31616 : i32
        %dma_start3A_700 = tpu.memref_slice %arg2[%select_n3A, %mul3A_199, %dma_start3A_699] : memref<26x32x100000xf32, #tpu.memory_space<hbm>> -> memref<1x16x2432xf32, #tpu.memory_space<hbm>>
        %dma_start3A_701 = tpu.memref_squeeze %dma_start3A_700 : memref<1x16x2432xf32, #tpu.memory_space<hbm>> -> memref<16x2432xf32, #tpu.memory_space<hbm>>
        tpu.enqueue_dma source(%dma_start3A_701 : memref<16x2432xf32, #tpu.memory_space<hbm>>) target(%dma_start3A_698 : memref<16x2432xf32, #tpu.memory_space<vmem_shared>>) target_semaphore(%arg14 : memref<!tpu.dma_semaphore, #tpu.memory_space<semaphore_mem>>)
      } else {
      }
      "tpu.region"() ({
        %run_scoped3A = tpu.sem_alloc : memref<!tpu.dma_semaphore, #tpu.memory_space<semaphore_mem>>
        %dma_start3A = arith.constant 19456 : i32
        %dma_start3A_697 = tpu.memref_slice %arg9[%dma_start3A] : memref<100000xf32, #tpu.memory_space<vmem>> -> memref<4864xf32, #tpu.memory_space<vmem>>
        %dma_start3A_698 = arith.constant 0 : i32
        %dma_start3A_699 = tpu.memref_slice %arg6[%arg1, %dma_start3A_698] : memref<16x4864xf32, #tpu.memory_space<vmem_shared>> -> memref<1x4864xf32, #tpu.memory_space<vmem_shared>>
        %dma_start3A_700 = tpu.memref_squeeze %dma_start3A_699 : memref<1x4864xf32, #tpu.memory_space<vmem_shared>> -> memref<4864xf32, #tpu.memory_space<vmem_shared>>
        %dma_start3A_701 = arith.constant 19456 : i32
        %dma_start3A_702 = tpu.memref_slice %arg9[%dma_start3A_701] : memref<100000xf32, #tpu.memory_space<vmem>> -> memref<4864xf32, #tpu.memory_space<vmem>>
        %dma_start3A_703 = arith.constant 0 : i32
        %dma_start3A_704 = tpu.memref_slice %arg6[%arg1, %dma_start3A_703] : memref<16x4864xf32, #tpu.memory_space<vmem_shared>> -> memref<1x4864xf32, #tpu.memory_space<vmem_shared>>
        %dma_start3A_705 = tpu.memref_squeeze %dma_start3A_704 : memref<1x4864xf32, #tpu.memory_space<vmem_shared>> -> memref<4864xf32, #tpu.memory_space<vmem_shared>>
        tpu.enqueue_dma source(%dma_start3A_705 : memref<4864xf32, #tpu.memory_space<vmem_shared>>) target(%dma_start3A_702 : memref<4864xf32, #tpu.memory_space<vmem>>) target_semaphore(%run_scoped3A : memref<!tpu.dma_semaphore, #tpu.memory_space<semaphore_mem>>)
        %dma_wait3A = arith.constant 19456 : i32
        %dma_wait3A_706 = tpu.memref_slice %arg9[%dma_wait3A] : memref<100000xf32, #tpu.memory_space<vmem>> -> memref<4864xf32, #tpu.memory_space<vmem>>
        %dma_wait3A_707 = arith.constant 0 : i32
        %dma_wait3A_708 = tpu.memref_slice %arg6[%arg1, %dma_wait3A_707] : memref<16x4864xf32, #tpu.memory_space<vmem_shared>> -> memref<1x4864xf32, #tpu.memory_space<vmem_shared>>
        %dma_wait3A_709 = tpu.memref_squeeze %dma_wait3A_708 : memref<1x4864xf32, #tpu.memory_space<vmem_shared>> -> memref<4864xf32, #tpu.memory_space<vmem_shared>>
        %dma_wait3A_710 = arith.constant 19456 : i32
        %dma_wait3A_711 = tpu.memref_slice %arg9[%dma_wait3A_710] : memref<100000xf32, #tpu.memory_space<vmem>> -> memref<4864xf32, #tpu.memory_space<vmem>>
        %dma_wait3A_712 = arith.constant 0 : i32
        %dma_wait3A_713 = tpu.memref_slice %arg6[%arg1, %dma_wait3A_712] : memref<16x4864xf32, #tpu.memory_space<vmem_shared>> -> memref<1x4864xf32, #tpu.memory_space<vmem_shared>>
        %dma_wait3A_714 = tpu.memref_squeeze %dma_wait3A_713 : memref<1x4864xf32, #tpu.memory_space<vmem_shared>> -> memref<4864xf32, #tpu.memory_space<vmem_shared>>
        tpu.wait_dma2 semaphore(%run_scoped3A : memref<!tpu.dma_semaphore, #tpu.memory_space<semaphore_mem>>) src(%dma_wait3A_714 : memref<4864xf32, #tpu.memory_space<vmem_shared>>) dst(%dma_wait3A_711 : memref<4864xf32, #tpu.memory_space<vmem>>)
        tpu.yield
      }) : () -> ()
      %mul3A_210 = arith.constant 16 : i32
      %mul3A_211 = arith.muli %select_n3A_39, %mul3A_210 : i32
      %mul3A_212 = arith.constant 16 : i32
      %mul3A_213 = arith.muli %select_n3A_39, %mul3A_212 : i32
      %eq3A_214 = arith.constant 0 : i32
      %eq3A_215 = arith.cmpi eq, %arg1, %eq3A_214 : i32
      %convert_element_type3A_216 = arith.extui %eq3A_215 : i1 to i32
      %cond3A_217 = arith.constant 0 : i32
      %cond3A_218 = arith.cmpi ne, %convert_element_type3A_216, %cond3A_217 : i32
      scf.if %cond3A_218 {
        %dma_wait3A = arith.constant 0 : i32
        %dma_wait3A_697 = arith.constant 0 : i32
        %dma_wait3A_698 = tpu.memref_slice %arg7[%dma_wait3A, %dma_wait3A_697] : memref<16x4864xf32, #tpu.memory_space<vmem_shared>> -> memref<16x2432xf32, #tpu.memory_space<vmem_shared>>
        %dma_wait3A_699 = arith.constant 24320 : i32
        %dma_wait3A_700 = tpu.memref_slice %arg2[%select_n3A, %mul3A_211, %dma_wait3A_699] : memref<26x32x100000xf32, #tpu.memory_space<hbm>> -> memref<1x16x2432xf32, #tpu.memory_space<hbm>>
        %dma_wait3A_701 = tpu.memref_squeeze %dma_wait3A_700 : memref<1x16x2432xf32, #tpu.memory_space<hbm>> -> memref<16x2432xf32, #tpu.memory_space<hbm>>
        tpu.wait_dma2 semaphore(%arg17 : memref<!tpu.dma_semaphore, #tpu.memory_space<semaphore_mem>>) src(%dma_wait3A_701 : memref<16x2432xf32, #tpu.memory_space<hbm>>) dst(%dma_wait3A_698 : memref<16x2432xf32, #tpu.memory_space<vmem_shared>>)
      } else {
      }
      %eq3A_219 = arith.constant 1 : i32
      %eq3A_220 = arith.cmpi eq, %arg1, %eq3A_219 : i32
      %convert_element_type3A_221 = arith.extui %eq3A_220 : i1 to i32
      %cond3A_222 = arith.constant 0 : i32
      %cond3A_223 = arith.cmpi ne, %convert_element_type3A_221, %cond3A_222 : i32
      scf.if %cond3A_223 {
        %dma_wait3A = arith.constant 0 : i32
        %dma_wait3A_697 = arith.constant 2432 : i32
        %dma_wait3A_698 = tpu.memref_slice %arg7[%dma_wait3A, %dma_wait3A_697] : memref<16x4864xf32, #tpu.memory_space<vmem_shared>> -> memref<16x2432xf32, #tpu.memory_space<vmem_shared>>
        %dma_wait3A_699 = arith.constant 26752 : i32
        %dma_wait3A_700 = tpu.memref_slice %arg2[%select_n3A, %mul3A_213, %dma_wait3A_699] : memref<26x32x100000xf32, #tpu.memory_space<hbm>> -> memref<1x16x2432xf32, #tpu.memory_space<hbm>>
        %dma_wait3A_701 = tpu.memref_squeeze %dma_wait3A_700 : memref<1x16x2432xf32, #tpu.memory_space<hbm>> -> memref<16x2432xf32, #tpu.memory_space<hbm>>
        tpu.wait_dma2 semaphore(%arg18 : memref<!tpu.dma_semaphore, #tpu.memory_space<semaphore_mem>>) src(%dma_wait3A_701 : memref<16x2432xf32, #tpu.memory_space<hbm>>) dst(%dma_wait3A_698 : memref<16x2432xf32, #tpu.memory_space<vmem_shared>>)
      } else {
      }
      %barrier3A_224 = arith.constant 0 : index
      tpu.barrier barrier_id(%barrier3A_224)
      %mul3A_225 = arith.constant 16 : i32
      %mul3A_226 = arith.muli %select_n3A_39, %mul3A_225 : i32
      %mul3A_227 = arith.constant 16 : i32
      %mul3A_228 = arith.muli %select_n3A_39, %mul3A_227 : i32
      %eq3A_229 = arith.constant 0 : i32
      %eq3A_230 = arith.cmpi eq, %arg1, %eq3A_229 : i32
      %convert_element_type3A_231 = arith.extui %eq3A_230 : i1 to i32
      %cond3A_232 = arith.constant 0 : i32
      %cond3A_233 = arith.cmpi ne, %convert_element_type3A_231, %cond3A_232 : i32
      scf.if %cond3A_233 {
        %dma_start3A = arith.constant 0 : i32
        %dma_start3A_697 = arith.constant 0 : i32
        %dma_start3A_698 = tpu.memref_slice %arg6[%dma_start3A, %dma_start3A_697] : memref<16x4864xf32, #tpu.memory_space<vmem_shared>> -> memref<16x2432xf32, #tpu.memory_space<vmem_shared>>
        %dma_start3A_699 = arith.constant 34048 : i32
        %dma_start3A_700 = tpu.memref_slice %arg2[%select_n3A, %mul3A_226, %dma_start3A_699] : memref<26x32x100000xf32, #tpu.memory_space<hbm>> -> memref<1x16x2432xf32, #tpu.memory_space<hbm>>
        %dma_start3A_701 = tpu.memref_squeeze %dma_start3A_700 : memref<1x16x2432xf32, #tpu.memory_space<hbm>> -> memref<16x2432xf32, #tpu.memory_space<hbm>>
        tpu.enqueue_dma source(%dma_start3A_701 : memref<16x2432xf32, #tpu.memory_space<hbm>>) target(%dma_start3A_698 : memref<16x2432xf32, #tpu.memory_space<vmem_shared>>) target_semaphore(%arg15 : memref<!tpu.dma_semaphore, #tpu.memory_space<semaphore_mem>>)
      } else {
      }
      %eq3A_234 = arith.constant 1 : i32
      %eq3A_235 = arith.cmpi eq, %arg1, %eq3A_234 : i32
      %convert_element_type3A_236 = arith.extui %eq3A_235 : i1 to i32
      %cond3A_237 = arith.constant 0 : i32
      %cond3A_238 = arith.cmpi ne, %convert_element_type3A_236, %cond3A_237 : i32
      scf.if %cond3A_238 {
        %dma_start3A = arith.constant 0 : i32
        %dma_start3A_697 = arith.constant 2432 : i32
        %dma_start3A_698 = tpu.memref_slice %arg6[%dma_start3A, %dma_start3A_697] : memref<16x4864xf32, #tpu.memory_space<vmem_shared>> -> memref<16x2432xf32, #tpu.memory_space<vmem_shared>>
        %dma_start3A_699 = arith.constant 36480 : i32
        %dma_start3A_700 = tpu.memref_slice %arg2[%select_n3A, %mul3A_228, %dma_start3A_699] : memref<26x32x100000xf32, #tpu.memory_space<hbm>> -> memref<1x16x2432xf32, #tpu.memory_space<hbm>>
        %dma_start3A_701 = tpu.memref_squeeze %dma_start3A_700 : memref<1x16x2432xf32, #tpu.memory_space<hbm>> -> memref<16x2432xf32, #tpu.memory_space<hbm>>
        tpu.enqueue_dma source(%dma_start3A_701 : memref<16x2432xf32, #tpu.memory_space<hbm>>) target(%dma_start3A_698 : memref<16x2432xf32, #tpu.memory_space<vmem_shared>>) target_semaphore(%arg16 : memref<!tpu.dma_semaphore, #tpu.memory_space<semaphore_mem>>)
      } else {
      }
      "tpu.region"() ({
        %run_scoped3A = tpu.sem_alloc : memref<!tpu.dma_semaphore, #tpu.memory_space<semaphore_mem>>
        %dma_start3A = arith.constant 24320 : i32
        %dma_start3A_697 = tpu.memref_slice %arg9[%dma_start3A] : memref<100000xf32, #tpu.memory_space<vmem>> -> memref<4864xf32, #tpu.memory_space<vmem>>
        %dma_start3A_698 = arith.constant 0 : i32
        %dma_start3A_699 = tpu.memref_slice %arg7[%arg1, %dma_start3A_698] : memref<16x4864xf32, #tpu.memory_space<vmem_shared>> -> memref<1x4864xf32, #tpu.memory_space<vmem_shared>>
        %dma_start3A_700 = tpu.memref_squeeze %dma_start3A_699 : memref<1x4864xf32, #tpu.memory_space<vmem_shared>> -> memref<4864xf32, #tpu.memory_space<vmem_shared>>
        %dma_start3A_701 = arith.constant 24320 : i32
        %dma_start3A_702 = tpu.memref_slice %arg9[%dma_start3A_701] : memref<100000xf32, #tpu.memory_space<vmem>> -> memref<4864xf32, #tpu.memory_space<vmem>>
        %dma_start3A_703 = arith.constant 0 : i32
        %dma_start3A_704 = tpu.memref_slice %arg7[%arg1, %dma_start3A_703] : memref<16x4864xf32, #tpu.memory_space<vmem_shared>> -> memref<1x4864xf32, #tpu.memory_space<vmem_shared>>
        %dma_start3A_705 = tpu.memref_squeeze %dma_start3A_704 : memref<1x4864xf32, #tpu.memory_space<vmem_shared>> -> memref<4864xf32, #tpu.memory_space<vmem_shared>>
        tpu.enqueue_dma source(%dma_start3A_705 : memref<4864xf32, #tpu.memory_space<vmem_shared>>) target(%dma_start3A_702 : memref<4864xf32, #tpu.memory_space<vmem>>) target_semaphore(%run_scoped3A : memref<!tpu.dma_semaphore, #tpu.memory_space<semaphore_mem>>)
        %dma_wait3A = arith.constant 24320 : i32
        %dma_wait3A_706 = tpu.memref_slice %arg9[%dma_wait3A] : memref<100000xf32, #tpu.memory_space<vmem>> -> memref<4864xf32, #tpu.memory_space<vmem>>
        %dma_wait3A_707 = arith.constant 0 : i32
        %dma_wait3A_708 = tpu.memref_slice %arg7[%arg1, %dma_wait3A_707] : memref<16x4864xf32, #tpu.memory_space<vmem_shared>> -> memref<1x4864xf32, #tpu.memory_space<vmem_shared>>
        %dma_wait3A_709 = tpu.memref_squeeze %dma_wait3A_708 : memref<1x4864xf32, #tpu.memory_space<vmem_shared>> -> memref<4864xf32, #tpu.memory_space<vmem_shared>>
        %dma_wait3A_710 = arith.constant 24320 : i32
        %dma_wait3A_711 = tpu.memref_slice %arg9[%dma_wait3A_710] : memref<100000xf32, #tpu.memory_space<vmem>> -> memref<4864xf32, #tpu.memory_space<vmem>>
        %dma_wait3A_712 = arith.constant 0 : i32
        %dma_wait3A_713 = tpu.memref_slice %arg7[%arg1, %dma_wait3A_712] : memref<16x4864xf32, #tpu.memory_space<vmem_shared>> -> memref<1x4864xf32, #tpu.memory_space<vmem_shared>>
        %dma_wait3A_714 = tpu.memref_squeeze %dma_wait3A_713 : memref<1x4864xf32, #tpu.memory_space<vmem_shared>> -> memref<4864xf32, #tpu.memory_space<vmem_shared>>
        tpu.wait_dma2 semaphore(%run_scoped3A : memref<!tpu.dma_semaphore, #tpu.memory_space<semaphore_mem>>) src(%dma_wait3A_714 : memref<4864xf32, #tpu.memory_space<vmem_shared>>) dst(%dma_wait3A_711 : memref<4864xf32, #tpu.memory_space<vmem>>)
        tpu.yield
      }) : () -> ()
      %mul3A_239 = arith.constant 16 : i32
      %mul3A_240 = arith.muli %select_n3A_39, %mul3A_239 : i32
      %mul3A_241 = arith.constant 16 : i32
      %mul3A_242 = arith.muli %select_n3A_39, %mul3A_241 : i32
      %eq3A_243 = arith.constant 0 : i32
      %eq3A_244 = arith.cmpi eq, %arg1, %eq3A_243 : i32
      %convert_element_type3A_245 = arith.extui %eq3A_244 : i1 to i32
      %cond3A_246 = arith.constant 0 : i32
      %cond3A_247 = arith.cmpi ne, %convert_element_type3A_245, %cond3A_246 : i32
      scf.if %cond3A_247 {
        %dma_wait3A = arith.constant 0 : i32
        %dma_wait3A_697 = arith.constant 0 : i32
        %dma_wait3A_698 = tpu.memref_slice %arg5[%dma_wait3A, %dma_wait3A_697] : memref<16x4864xf32, #tpu.memory_space<vmem_shared>> -> memref<16x2432xf32, #tpu.memory_space<vmem_shared>>
        %dma_wait3A_699 = arith.constant 29184 : i32
        %dma_wait3A_700 = tpu.memref_slice %arg2[%select_n3A, %mul3A_240, %dma_wait3A_699] : memref<26x32x100000xf32, #tpu.memory_space<hbm>> -> memref<1x16x2432xf32, #tpu.memory_space<hbm>>
        %dma_wait3A_701 = tpu.memref_squeeze %dma_wait3A_700 : memref<1x16x2432xf32, #tpu.memory_space<hbm>> -> memref<16x2432xf32, #tpu.memory_space<hbm>>
        tpu.wait_dma2 semaphore(%arg13 : memref<!tpu.dma_semaphore, #tpu.memory_space<semaphore_mem>>) src(%dma_wait3A_701 : memref<16x2432xf32, #tpu.memory_space<hbm>>) dst(%dma_wait3A_698 : memref<16x2432xf32, #tpu.memory_space<vmem_shared>>)
      } else {
      }
      %eq3A_248 = arith.constant 1 : i32
      %eq3A_249 = arith.cmpi eq, %arg1, %eq3A_248 : i32
      %convert_element_type3A_250 = arith.extui %eq3A_249 : i1 to i32
      %cond3A_251 = arith.constant 0 : i32
      %cond3A_252 = arith.cmpi ne, %convert_element_type3A_250, %cond3A_251 : i32
      scf.if %cond3A_252 {
        %dma_wait3A = arith.constant 0 : i32
        %dma_wait3A_697 = arith.constant 2432 : i32
        %dma_wait3A_698 = tpu.memref_slice %arg5[%dma_wait3A, %dma_wait3A_697] : memref<16x4864xf32, #tpu.memory_space<vmem_shared>> -> memref<16x2432xf32, #tpu.memory_space<vmem_shared>>
        %dma_wait3A_699 = arith.constant 31616 : i32
        %dma_wait3A_700 = tpu.memref_slice %arg2[%select_n3A, %mul3A_242, %dma_wait3A_699] : memref<26x32x100000xf32, #tpu.memory_space<hbm>> -> memref<1x16x2432xf32, #tpu.memory_space<hbm>>
        %dma_wait3A_701 = tpu.memref_squeeze %dma_wait3A_700 : memref<1x16x2432xf32, #tpu.memory_space<hbm>> -> memref<16x2432xf32, #tpu.memory_space<hbm>>
        tpu.wait_dma2 semaphore(%arg14 : memref<!tpu.dma_semaphore, #tpu.memory_space<semaphore_mem>>) src(%dma_wait3A_701 : memref<16x2432xf32, #tpu.memory_space<hbm>>) dst(%dma_wait3A_698 : memref<16x2432xf32, #tpu.memory_space<vmem_shared>>)
      } else {
      }
      %barrier3A_253 = arith.constant 0 : index
      tpu.barrier barrier_id(%barrier3A_253)
      %mul3A_254 = arith.constant 16 : i32
      %mul3A_255 = arith.muli %select_n3A_39, %mul3A_254 : i32
      %mul3A_256 = arith.constant 16 : i32
      %mul3A_257 = arith.muli %select_n3A_39, %mul3A_256 : i32
      %eq3A_258 = arith.constant 0 : i32
      %eq3A_259 = arith.cmpi eq, %arg1, %eq3A_258 : i32
      %convert_element_type3A_260 = arith.extui %eq3A_259 : i1 to i32
      %cond3A_261 = arith.constant 0 : i32
      %cond3A_262 = arith.cmpi ne, %convert_element_type3A_260, %cond3A_261 : i32
      scf.if %cond3A_262 {
        %dma_start3A = arith.constant 0 : i32
        %dma_start3A_697 = arith.constant 0 : i32
        %dma_start3A_698 = tpu.memref_slice %arg7[%dma_start3A, %dma_start3A_697] : memref<16x4864xf32, #tpu.memory_space<vmem_shared>> -> memref<16x2432xf32, #tpu.memory_space<vmem_shared>>
        %dma_start3A_699 = arith.constant 38912 : i32
        %dma_start3A_700 = tpu.memref_slice %arg2[%select_n3A, %mul3A_255, %dma_start3A_699] : memref<26x32x100000xf32, #tpu.memory_space<hbm>> -> memref<1x16x2432xf32, #tpu.memory_space<hbm>>
        %dma_start3A_701 = tpu.memref_squeeze %dma_start3A_700 : memref<1x16x2432xf32, #tpu.memory_space<hbm>> -> memref<16x2432xf32, #tpu.memory_space<hbm>>
        tpu.enqueue_dma source(%dma_start3A_701 : memref<16x2432xf32, #tpu.memory_space<hbm>>) target(%dma_start3A_698 : memref<16x2432xf32, #tpu.memory_space<vmem_shared>>) target_semaphore(%arg17 : memref<!tpu.dma_semaphore, #tpu.memory_space<semaphore_mem>>)
      } else {
      }
      %eq3A_263 = arith.constant 1 : i32
      %eq3A_264 = arith.cmpi eq, %arg1, %eq3A_263 : i32
      %convert_element_type3A_265 = arith.extui %eq3A_264 : i1 to i32
      %cond3A_266 = arith.constant 0 : i32
      %cond3A_267 = arith.cmpi ne, %convert_element_type3A_265, %cond3A_266 : i32
      scf.if %cond3A_267 {
        %dma_start3A = arith.constant 0 : i32
        %dma_start3A_697 = arith.constant 2432 : i32
        %dma_start3A_698 = tpu.memref_slice %arg7[%dma_start3A, %dma_start3A_697] : memref<16x4864xf32, #tpu.memory_space<vmem_shared>> -> memref<16x2432xf32, #tpu.memory_space<vmem_shared>>
        %dma_start3A_699 = arith.constant 41344 : i32
        %dma_start3A_700 = tpu.memref_slice %arg2[%select_n3A, %mul3A_257, %dma_start3A_699] : memref<26x32x100000xf32, #tpu.memory_space<hbm>> -> memref<1x16x2432xf32, #tpu.memory_space<hbm>>
        %dma_start3A_701 = tpu.memref_squeeze %dma_start3A_700 : memref<1x16x2432xf32, #tpu.memory_space<hbm>> -> memref<16x2432xf32, #tpu.memory_space<hbm>>
        tpu.enqueue_dma source(%dma_start3A_701 : memref<16x2432xf32, #tpu.memory_space<hbm>>) target(%dma_start3A_698 : memref<16x2432xf32, #tpu.memory_space<vmem_shared>>) target_semaphore(%arg18 : memref<!tpu.dma_semaphore, #tpu.memory_space<semaphore_mem>>)
      } else {
      }
      "tpu.region"() ({
        %run_scoped3A = tpu.sem_alloc : memref<!tpu.dma_semaphore, #tpu.memory_space<semaphore_mem>>
        %dma_start3A = arith.constant 29184 : i32
        %dma_start3A_697 = tpu.memref_slice %arg9[%dma_start3A] : memref<100000xf32, #tpu.memory_space<vmem>> -> memref<4864xf32, #tpu.memory_space<vmem>>
        %dma_start3A_698 = arith.constant 0 : i32
        %dma_start3A_699 = tpu.memref_slice %arg5[%arg1, %dma_start3A_698] : memref<16x4864xf32, #tpu.memory_space<vmem_shared>> -> memref<1x4864xf32, #tpu.memory_space<vmem_shared>>
        %dma_start3A_700 = tpu.memref_squeeze %dma_start3A_699 : memref<1x4864xf32, #tpu.memory_space<vmem_shared>> -> memref<4864xf32, #tpu.memory_space<vmem_shared>>
        %dma_start3A_701 = arith.constant 29184 : i32
        %dma_start3A_702 = tpu.memref_slice %arg9[%dma_start3A_701] : memref<100000xf32, #tpu.memory_space<vmem>> -> memref<4864xf32, #tpu.memory_space<vmem>>
        %dma_start3A_703 = arith.constant 0 : i32
        %dma_start3A_704 = tpu.memref_slice %arg5[%arg1, %dma_start3A_703] : memref<16x4864xf32, #tpu.memory_space<vmem_shared>> -> memref<1x4864xf32, #tpu.memory_space<vmem_shared>>
        %dma_start3A_705 = tpu.memref_squeeze %dma_start3A_704 : memref<1x4864xf32, #tpu.memory_space<vmem_shared>> -> memref<4864xf32, #tpu.memory_space<vmem_shared>>
        tpu.enqueue_dma source(%dma_start3A_705 : memref<4864xf32, #tpu.memory_space<vmem_shared>>) target(%dma_start3A_702 : memref<4864xf32, #tpu.memory_space<vmem>>) target_semaphore(%run_scoped3A : memref<!tpu.dma_semaphore, #tpu.memory_space<semaphore_mem>>)
        %dma_wait3A = arith.constant 29184 : i32
        %dma_wait3A_706 = tpu.memref_slice %arg9[%dma_wait3A] : memref<100000xf32, #tpu.memory_space<vmem>> -> memref<4864xf32, #tpu.memory_space<vmem>>
        %dma_wait3A_707 = arith.constant 0 : i32
        %dma_wait3A_708 = tpu.memref_slice %arg5[%arg1, %dma_wait3A_707] : memref<16x4864xf32, #tpu.memory_space<vmem_shared>> -> memref<1x4864xf32, #tpu.memory_space<vmem_shared>>
        %dma_wait3A_709 = tpu.memref_squeeze %dma_wait3A_708 : memref<1x4864xf32, #tpu.memory_space<vmem_shared>> -> memref<4864xf32, #tpu.memory_space<vmem_shared>>
        %dma_wait3A_710 = arith.constant 29184 : i32
        %dma_wait3A_711 = tpu.memref_slice %arg9[%dma_wait3A_710] : memref<100000xf32, #tpu.memory_space<vmem>> -> memref<4864xf32, #tpu.memory_space<vmem>>
        %dma_wait3A_712 = arith.constant 0 : i32
        %dma_wait3A_713 = tpu.memref_slice %arg5[%arg1, %dma_wait3A_712] : memref<16x4864xf32, #tpu.memory_space<vmem_shared>> -> memref<1x4864xf32, #tpu.memory_space<vmem_shared>>
        %dma_wait3A_714 = tpu.memref_squeeze %dma_wait3A_713 : memref<1x4864xf32, #tpu.memory_space<vmem_shared>> -> memref<4864xf32, #tpu.memory_space<vmem_shared>>
        tpu.wait_dma2 semaphore(%run_scoped3A : memref<!tpu.dma_semaphore, #tpu.memory_space<semaphore_mem>>) src(%dma_wait3A_714 : memref<4864xf32, #tpu.memory_space<vmem_shared>>) dst(%dma_wait3A_711 : memref<4864xf32, #tpu.memory_space<vmem>>)
        tpu.yield
      }) : () -> ()
      %mul3A_268 = arith.constant 16 : i32
      %mul3A_269 = arith.muli %select_n3A_39, %mul3A_268 : i32
      %mul3A_270 = arith.constant 16 : i32
      %mul3A_271 = arith.muli %select_n3A_39, %mul3A_270 : i32
      %eq3A_272 = arith.constant 0 : i32
      %eq3A_273 = arith.cmpi eq, %arg1, %eq3A_272 : i32
      %convert_element_type3A_274 = arith.extui %eq3A_273 : i1 to i32
      %cond3A_275 = arith.constant 0 : i32
      %cond3A_276 = arith.cmpi ne, %convert_element_type3A_274, %cond3A_275 : i32
      scf.if %cond3A_276 {
        %dma_wait3A = arith.constant 0 : i32
        %dma_wait3A_697 = arith.constant 0 : i32
        %dma_wait3A_698 = tpu.memref_slice %arg6[%dma_wait3A, %dma_wait3A_697] : memref<16x4864xf32, #tpu.memory_space<vmem_shared>> -> memref<16x2432xf32, #tpu.memory_space<vmem_shared>>
        %dma_wait3A_699 = arith.constant 34048 : i32
        %dma_wait3A_700 = tpu.memref_slice %arg2[%select_n3A, %mul3A_269, %dma_wait3A_699] : memref<26x32x100000xf32, #tpu.memory_space<hbm>> -> memref<1x16x2432xf32, #tpu.memory_space<hbm>>
        %dma_wait3A_701 = tpu.memref_squeeze %dma_wait3A_700 : memref<1x16x2432xf32, #tpu.memory_space<hbm>> -> memref<16x2432xf32, #tpu.memory_space<hbm>>
        tpu.wait_dma2 semaphore(%arg15 : memref<!tpu.dma_semaphore, #tpu.memory_space<semaphore_mem>>) src(%dma_wait3A_701 : memref<16x2432xf32, #tpu.memory_space<hbm>>) dst(%dma_wait3A_698 : memref<16x2432xf32, #tpu.memory_space<vmem_shared>>)
      } else {
      }
      %eq3A_277 = arith.constant 1 : i32
      %eq3A_278 = arith.cmpi eq, %arg1, %eq3A_277 : i32
      %convert_element_type3A_279 = arith.extui %eq3A_278 : i1 to i32
      %cond3A_280 = arith.constant 0 : i32
      %cond3A_281 = arith.cmpi ne, %convert_element_type3A_279, %cond3A_280 : i32
      scf.if %cond3A_281 {
        %dma_wait3A = arith.constant 0 : i32
        %dma_wait3A_697 = arith.constant 2432 : i32
        %dma_wait3A_698 = tpu.memref_slice %arg6[%dma_wait3A, %dma_wait3A_697] : memref<16x4864xf32, #tpu.memory_space<vmem_shared>> -> memref<16x2432xf32, #tpu.memory_space<vmem_shared>>
        %dma_wait3A_699 = arith.constant 36480 : i32
        %dma_wait3A_700 = tpu.memref_slice %arg2[%select_n3A, %mul3A_271, %dma_wait3A_699] : memref<26x32x100000xf32, #tpu.memory_space<hbm>> -> memref<1x16x2432xf32, #tpu.memory_space<hbm>>
        %dma_wait3A_701 = tpu.memref_squeeze %dma_wait3A_700 : memref<1x16x2432xf32, #tpu.memory_space<hbm>> -> memref<16x2432xf32, #tpu.memory_space<hbm>>
        tpu.wait_dma2 semaphore(%arg16 : memref<!tpu.dma_semaphore, #tpu.memory_space<semaphore_mem>>) src(%dma_wait3A_701 : memref<16x2432xf32, #tpu.memory_space<hbm>>) dst(%dma_wait3A_698 : memref<16x2432xf32, #tpu.memory_space<vmem_shared>>)
      } else {
      }
      %barrier3A_282 = arith.constant 0 : index
      tpu.barrier barrier_id(%barrier3A_282)
      %mul3A_283 = arith.constant 16 : i32
      %mul3A_284 = arith.muli %select_n3A_39, %mul3A_283 : i32
      %mul3A_285 = arith.constant 16 : i32
      %mul3A_286 = arith.muli %select_n3A_39, %mul3A_285 : i32
      %eq3A_287 = arith.constant 0 : i32
      %eq3A_288 = arith.cmpi eq, %arg1, %eq3A_287 : i32
      %convert_element_type3A_289 = arith.extui %eq3A_288 : i1 to i32
      %cond3A_290 = arith.constant 0 : i32
      %cond3A_291 = arith.cmpi ne, %convert_element_type3A_289, %cond3A_290 : i32
      scf.if %cond3A_291 {
        %dma_start3A = arith.constant 0 : i32
        %dma_start3A_697 = arith.constant 0 : i32
        %dma_start3A_698 = tpu.memref_slice %arg5[%dma_start3A, %dma_start3A_697] : memref<16x4864xf32, #tpu.memory_space<vmem_shared>> -> memref<16x2432xf32, #tpu.memory_space<vmem_shared>>
        %dma_start3A_699 = arith.constant 43776 : i32
        %dma_start3A_700 = tpu.memref_slice %arg2[%select_n3A, %mul3A_284, %dma_start3A_699] : memref<26x32x100000xf32, #tpu.memory_space<hbm>> -> memref<1x16x2432xf32, #tpu.memory_space<hbm>>
        %dma_start3A_701 = tpu.memref_squeeze %dma_start3A_700 : memref<1x16x2432xf32, #tpu.memory_space<hbm>> -> memref<16x2432xf32, #tpu.memory_space<hbm>>
        tpu.enqueue_dma source(%dma_start3A_701 : memref<16x2432xf32, #tpu.memory_space<hbm>>) target(%dma_start3A_698 : memref<16x2432xf32, #tpu.memory_space<vmem_shared>>) target_semaphore(%arg13 : memref<!tpu.dma_semaphore, #tpu.memory_space<semaphore_mem>>)
      } else {
      }
      %eq3A_292 = arith.constant 1 : i32
      %eq3A_293 = arith.cmpi eq, %arg1, %eq3A_292 : i32
      %convert_element_type3A_294 = arith.extui %eq3A_293 : i1 to i32
      %cond3A_295 = arith.constant 0 : i32
      %cond3A_296 = arith.cmpi ne, %convert_element_type3A_294, %cond3A_295 : i32
      scf.if %cond3A_296 {
        %dma_start3A = arith.constant 0 : i32
        %dma_start3A_697 = arith.constant 2432 : i32
        %dma_start3A_698 = tpu.memref_slice %arg5[%dma_start3A, %dma_start3A_697] : memref<16x4864xf32, #tpu.memory_space<vmem_shared>> -> memref<16x2432xf32, #tpu.memory_space<vmem_shared>>
        %dma_start3A_699 = arith.constant 46208 : i32
        %dma_start3A_700 = tpu.memref_slice %arg2[%select_n3A, %mul3A_286, %dma_start3A_699] : memref<26x32x100000xf32, #tpu.memory_space<hbm>> -> memref<1x16x2432xf32, #tpu.memory_space<hbm>>
        %dma_start3A_701 = tpu.memref_squeeze %dma_start3A_700 : memref<1x16x2432xf32, #tpu.memory_space<hbm>> -> memref<16x2432xf32, #tpu.memory_space<hbm>>
        tpu.enqueue_dma source(%dma_start3A_701 : memref<16x2432xf32, #tpu.memory_space<hbm>>) target(%dma_start3A_698 : memref<16x2432xf32, #tpu.memory_space<vmem_shared>>) target_semaphore(%arg14 : memref<!tpu.dma_semaphore, #tpu.memory_space<semaphore_mem>>)
      } else {
      }
      "tpu.region"() ({
        %run_scoped3A = tpu.sem_alloc : memref<!tpu.dma_semaphore, #tpu.memory_space<semaphore_mem>>
        %dma_start3A = arith.constant 34048 : i32
        %dma_start3A_697 = tpu.memref_slice %arg9[%dma_start3A] : memref<100000xf32, #tpu.memory_space<vmem>> -> memref<4864xf32, #tpu.memory_space<vmem>>
        %dma_start3A_698 = arith.constant 0 : i32
        %dma_start3A_699 = tpu.memref_slice %arg6[%arg1, %dma_start3A_698] : memref<16x4864xf32, #tpu.memory_space<vmem_shared>> -> memref<1x4864xf32, #tpu.memory_space<vmem_shared>>
        %dma_start3A_700 = tpu.memref_squeeze %dma_start3A_699 : memref<1x4864xf32, #tpu.memory_space<vmem_shared>> -> memref<4864xf32, #tpu.memory_space<vmem_shared>>
        %dma_start3A_701 = arith.constant 34048 : i32
        %dma_start3A_702 = tpu.memref_slice %arg9[%dma_start3A_701] : memref<100000xf32, #tpu.memory_space<vmem>> -> memref<4864xf32, #tpu.memory_space<vmem>>
        %dma_start3A_703 = arith.constant 0 : i32
        %dma_start3A_704 = tpu.memref_slice %arg6[%arg1, %dma_start3A_703] : memref<16x4864xf32, #tpu.memory_space<vmem_shared>> -> memref<1x4864xf32, #tpu.memory_space<vmem_shared>>
        %dma_start3A_705 = tpu.memref_squeeze %dma_start3A_704 : memref<1x4864xf32, #tpu.memory_space<vmem_shared>> -> memref<4864xf32, #tpu.memory_space<vmem_shared>>
        tpu.enqueue_dma source(%dma_start3A_705 : memref<4864xf32, #tpu.memory_space<vmem_shared>>) target(%dma_start3A_702 : memref<4864xf32, #tpu.memory_space<vmem>>) target_semaphore(%run_scoped3A : memref<!tpu.dma_semaphore, #tpu.memory_space<semaphore_mem>>)
        %dma_wait3A = arith.constant 34048 : i32
        %dma_wait3A_706 = tpu.memref_slice %arg9[%dma_wait3A] : memref<100000xf32, #tpu.memory_space<vmem>> -> memref<4864xf32, #tpu.memory_space<vmem>>
        %dma_wait3A_707 = arith.constant 0 : i32
        %dma_wait3A_708 = tpu.memref_slice %arg6[%arg1, %dma_wait3A_707] : memref<16x4864xf32, #tpu.memory_space<vmem_shared>> -> memref<1x4864xf32, #tpu.memory_space<vmem_shared>>
        %dma_wait3A_709 = tpu.memref_squeeze %dma_wait3A_708 : memref<1x4864xf32, #tpu.memory_space<vmem_shared>> -> memref<4864xf32, #tpu.memory_space<vmem_shared>>
        %dma_wait3A_710 = arith.constant 34048 : i32
        %dma_wait3A_711 = tpu.memref_slice %arg9[%dma_wait3A_710] : memref<100000xf32, #tpu.memory_space<vmem>> -> memref<4864xf32, #tpu.memory_space<vmem>>
        %dma_wait3A_712 = arith.constant 0 : i32
        %dma_wait3A_713 = tpu.memref_slice %arg6[%arg1, %dma_wait3A_712] : memref<16x4864xf32, #tpu.memory_space<vmem_shared>> -> memref<1x4864xf32, #tpu.memory_space<vmem_shared>>
        %dma_wait3A_714 = tpu.memref_squeeze %dma_wait3A_713 : memref<1x4864xf32, #tpu.memory_space<vmem_shared>> -> memref<4864xf32, #tpu.memory_space<vmem_shared>>
        tpu.wait_dma2 semaphore(%run_scoped3A : memref<!tpu.dma_semaphore, #tpu.memory_space<semaphore_mem>>) src(%dma_wait3A_714 : memref<4864xf32, #tpu.memory_space<vmem_shared>>) dst(%dma_wait3A_711 : memref<4864xf32, #tpu.memory_space<vmem>>)
        tpu.yield
      }) : () -> ()
      %mul3A_297 = arith.constant 16 : i32
      %mul3A_298 = arith.muli %select_n3A_39, %mul3A_297 : i32
      %mul3A_299 = arith.constant 16 : i32
      %mul3A_300 = arith.muli %select_n3A_39, %mul3A_299 : i32
      %eq3A_301 = arith.constant 0 : i32
      %eq3A_302 = arith.cmpi eq, %arg1, %eq3A_301 : i32
      %convert_element_type3A_303 = arith.extui %eq3A_302 : i1 to i32
      %cond3A_304 = arith.constant 0 : i32
      %cond3A_305 = arith.cmpi ne, %convert_element_type3A_303, %cond3A_304 : i32
      scf.if %cond3A_305 {
        %dma_wait3A = arith.constant 0 : i32
        %dma_wait3A_697 = arith.constant 0 : i32
        %dma_wait3A_698 = tpu.memref_slice %arg7[%dma_wait3A, %dma_wait3A_697] : memref<16x4864xf32, #tpu.memory_space<vmem_shared>> -> memref<16x2432xf32, #tpu.memory_space<vmem_shared>>
        %dma_wait3A_699 = arith.constant 38912 : i32
        %dma_wait3A_700 = tpu.memref_slice %arg2[%select_n3A, %mul3A_298, %dma_wait3A_699] : memref<26x32x100000xf32, #tpu.memory_space<hbm>> -> memref<1x16x2432xf32, #tpu.memory_space<hbm>>
        %dma_wait3A_701 = tpu.memref_squeeze %dma_wait3A_700 : memref<1x16x2432xf32, #tpu.memory_space<hbm>> -> memref<16x2432xf32, #tpu.memory_space<hbm>>
        tpu.wait_dma2 semaphore(%arg17 : memref<!tpu.dma_semaphore, #tpu.memory_space<semaphore_mem>>) src(%dma_wait3A_701 : memref<16x2432xf32, #tpu.memory_space<hbm>>) dst(%dma_wait3A_698 : memref<16x2432xf32, #tpu.memory_space<vmem_shared>>)
      } else {
      }
      %eq3A_306 = arith.constant 1 : i32
      %eq3A_307 = arith.cmpi eq, %arg1, %eq3A_306 : i32
      %convert_element_type3A_308 = arith.extui %eq3A_307 : i1 to i32
      %cond3A_309 = arith.constant 0 : i32
      %cond3A_310 = arith.cmpi ne, %convert_element_type3A_308, %cond3A_309 : i32
      scf.if %cond3A_310 {
        %dma_wait3A = arith.constant 0 : i32
        %dma_wait3A_697 = arith.constant 2432 : i32
        %dma_wait3A_698 = tpu.memref_slice %arg7[%dma_wait3A, %dma_wait3A_697] : memref<16x4864xf32, #tpu.memory_space<vmem_shared>> -> memref<16x2432xf32, #tpu.memory_space<vmem_shared>>
        %dma_wait3A_699 = arith.constant 41344 : i32
        %dma_wait3A_700 = tpu.memref_slice %arg2[%select_n3A, %mul3A_300, %dma_wait3A_699] : memref<26x32x100000xf32, #tpu.memory_space<hbm>> -> memref<1x16x2432xf32, #tpu.memory_space<hbm>>
        %dma_wait3A_701 = tpu.memref_squeeze %dma_wait3A_700 : memref<1x16x2432xf32, #tpu.memory_space<hbm>> -> memref<16x2432xf32, #tpu.memory_space<hbm>>
        tpu.wait_dma2 semaphore(%arg18 : memref<!tpu.dma_semaphore, #tpu.memory_space<semaphore_mem>>) src(%dma_wait3A_701 : memref<16x2432xf32, #tpu.memory_space<hbm>>) dst(%dma_wait3A_698 : memref<16x2432xf32, #tpu.memory_space<vmem_shared>>)
      } else {
      }
      %barrier3A_311 = arith.constant 0 : index
      tpu.barrier barrier_id(%barrier3A_311)
      %mul3A_312 = arith.constant 16 : i32
      %mul3A_313 = arith.muli %select_n3A_39, %mul3A_312 : i32
      %mul3A_314 = arith.constant 16 : i32
      %mul3A_315 = arith.muli %select_n3A_39, %mul3A_314 : i32
      %eq3A_316 = arith.constant 0 : i32
      %eq3A_317 = arith.cmpi eq, %arg1, %eq3A_316 : i32
      %convert_element_type3A_318 = arith.extui %eq3A_317 : i1 to i32
      %cond3A_319 = arith.constant 0 : i32
      %cond3A_320 = arith.cmpi ne, %convert_element_type3A_318, %cond3A_319 : i32
      scf.if %cond3A_320 {
        %dma_start3A = arith.constant 0 : i32
        %dma_start3A_697 = arith.constant 0 : i32
        %dma_start3A_698 = tpu.memref_slice %arg6[%dma_start3A, %dma_start3A_697] : memref<16x4864xf32, #tpu.memory_space<vmem_shared>> -> memref<16x2432xf32, #tpu.memory_space<vmem_shared>>
        %dma_start3A_699 = arith.constant 48640 : i32
        %dma_start3A_700 = tpu.memref_slice %arg2[%select_n3A, %mul3A_313, %dma_start3A_699] : memref<26x32x100000xf32, #tpu.memory_space<hbm>> -> memref<1x16x2432xf32, #tpu.memory_space<hbm>>
        %dma_start3A_701 = tpu.memref_squeeze %dma_start3A_700 : memref<1x16x2432xf32, #tpu.memory_space<hbm>> -> memref<16x2432xf32, #tpu.memory_space<hbm>>
        tpu.enqueue_dma source(%dma_start3A_701 : memref<16x2432xf32, #tpu.memory_space<hbm>>) target(%dma_start3A_698 : memref<16x2432xf32, #tpu.memory_space<vmem_shared>>) target_semaphore(%arg15 : memref<!tpu.dma_semaphore, #tpu.memory_space<semaphore_mem>>)
      } else {
      }
      %eq3A_321 = arith.constant 1 : i32
      %eq3A_322 = arith.cmpi eq, %arg1, %eq3A_321 : i32
      %convert_element_type3A_323 = arith.extui %eq3A_322 : i1 to i32
      %cond3A_324 = arith.constant 0 : i32
      %cond3A_325 = arith.cmpi ne, %convert_element_type3A_323, %cond3A_324 : i32
      scf.if %cond3A_325 {
        %dma_start3A = arith.constant 0 : i32
        %dma_start3A_697 = arith.constant 2432 : i32
        %dma_start3A_698 = tpu.memref_slice %arg6[%dma_start3A, %dma_start3A_697] : memref<16x4864xf32, #tpu.memory_space<vmem_shared>> -> memref<16x2432xf32, #tpu.memory_space<vmem_shared>>
        %dma_start3A_699 = arith.constant 51072 : i32
        %dma_start3A_700 = tpu.memref_slice %arg2[%select_n3A, %mul3A_315, %dma_start3A_699] : memref<26x32x100000xf32, #tpu.memory_space<hbm>> -> memref<1x16x2432xf32, #tpu.memory_space<hbm>>
        %dma_start3A_701 = tpu.memref_squeeze %dma_start3A_700 : memref<1x16x2432xf32, #tpu.memory_space<hbm>> -> memref<16x2432xf32, #tpu.memory_space<hbm>>
        tpu.enqueue_dma source(%dma_start3A_701 : memref<16x2432xf32, #tpu.memory_space<hbm>>) target(%dma_start3A_698 : memref<16x2432xf32, #tpu.memory_space<vmem_shared>>) target_semaphore(%arg16 : memref<!tpu.dma_semaphore, #tpu.memory_space<semaphore_mem>>)
      } else {
      }
      "tpu.region"() ({
        %run_scoped3A = tpu.sem_alloc : memref<!tpu.dma_semaphore, #tpu.memory_space<semaphore_mem>>
        %dma_start3A = arith.constant 38912 : i32
        %dma_start3A_697 = tpu.memref_slice %arg9[%dma_start3A] : memref<100000xf32, #tpu.memory_space<vmem>> -> memref<4864xf32, #tpu.memory_space<vmem>>
        %dma_start3A_698 = arith.constant 0 : i32
        %dma_start3A_699 = tpu.memref_slice %arg7[%arg1, %dma_start3A_698] : memref<16x4864xf32, #tpu.memory_space<vmem_shared>> -> memref<1x4864xf32, #tpu.memory_space<vmem_shared>>
        %dma_start3A_700 = tpu.memref_squeeze %dma_start3A_699 : memref<1x4864xf32, #tpu.memory_space<vmem_shared>> -> memref<4864xf32, #tpu.memory_space<vmem_shared>>
        %dma_start3A_701 = arith.constant 38912 : i32
        %dma_start3A_702 = tpu.memref_slice %arg9[%dma_start3A_701] : memref<100000xf32, #tpu.memory_space<vmem>> -> memref<4864xf32, #tpu.memory_space<vmem>>
        %dma_start3A_703 = arith.constant 0 : i32
        %dma_start3A_704 = tpu.memref_slice %arg7[%arg1, %dma_start3A_703] : memref<16x4864xf32, #tpu.memory_space<vmem_shared>> -> memref<1x4864xf32, #tpu.memory_space<vmem_shared>>
        %dma_start3A_705 = tpu.memref_squeeze %dma_start3A_704 : memref<1x4864xf32, #tpu.memory_space<vmem_shared>> -> memref<4864xf32, #tpu.memory_space<vmem_shared>>
        tpu.enqueue_dma source(%dma_start3A_705 : memref<4864xf32, #tpu.memory_space<vmem_shared>>) target(%dma_start3A_702 : memref<4864xf32, #tpu.memory_space<vmem>>) target_semaphore(%run_scoped3A : memref<!tpu.dma_semaphore, #tpu.memory_space<semaphore_mem>>)
        %dma_wait3A = arith.constant 38912 : i32
        %dma_wait3A_706 = tpu.memref_slice %arg9[%dma_wait3A] : memref<100000xf32, #tpu.memory_space<vmem>> -> memref<4864xf32, #tpu.memory_space<vmem>>
        %dma_wait3A_707 = arith.constant 0 : i32
        %dma_wait3A_708 = tpu.memref_slice %arg7[%arg1, %dma_wait3A_707] : memref<16x4864xf32, #tpu.memory_space<vmem_shared>> -> memref<1x4864xf32, #tpu.memory_space<vmem_shared>>
        %dma_wait3A_709 = tpu.memref_squeeze %dma_wait3A_708 : memref<1x4864xf32, #tpu.memory_space<vmem_shared>> -> memref<4864xf32, #tpu.memory_space<vmem_shared>>
        %dma_wait3A_710 = arith.constant 38912 : i32
        %dma_wait3A_711 = tpu.memref_slice %arg9[%dma_wait3A_710] : memref<100000xf32, #tpu.memory_space<vmem>> -> memref<4864xf32, #tpu.memory_space<vmem>>
        %dma_wait3A_712 = arith.constant 0 : i32
        %dma_wait3A_713 = tpu.memref_slice %arg7[%arg1, %dma_wait3A_712] : memref<16x4864xf32, #tpu.memory_space<vmem_shared>> -> memref<1x4864xf32, #tpu.memory_space<vmem_shared>>
        %dma_wait3A_714 = tpu.memref_squeeze %dma_wait3A_713 : memref<1x4864xf32, #tpu.memory_space<vmem_shared>> -> memref<4864xf32, #tpu.memory_space<vmem_shared>>
        tpu.wait_dma2 semaphore(%run_scoped3A : memref<!tpu.dma_semaphore, #tpu.memory_space<semaphore_mem>>) src(%dma_wait3A_714 : memref<4864xf32, #tpu.memory_space<vmem_shared>>) dst(%dma_wait3A_711 : memref<4864xf32, #tpu.memory_space<vmem>>)
        tpu.yield
      }) : () -> ()
      %mul3A_326 = arith.constant 16 : i32
      %mul3A_327 = arith.muli %select_n3A_39, %mul3A_326 : i32
      %mul3A_328 = arith.constant 16 : i32
      %mul3A_329 = arith.muli %select_n3A_39, %mul3A_328 : i32
      %eq3A_330 = arith.constant 0 : i32
      %eq3A_331 = arith.cmpi eq, %arg1, %eq3A_330 : i32
      %convert_element_type3A_332 = arith.extui %eq3A_331 : i1 to i32
      %cond3A_333 = arith.constant 0 : i32
      %cond3A_334 = arith.cmpi ne, %convert_element_type3A_332, %cond3A_333 : i32
      scf.if %cond3A_334 {
        %dma_wait3A = arith.constant 0 : i32
        %dma_wait3A_697 = arith.constant 0 : i32
        %dma_wait3A_698 = tpu.memref_slice %arg5[%dma_wait3A, %dma_wait3A_697] : memref<16x4864xf32, #tpu.memory_space<vmem_shared>> -> memref<16x2432xf32, #tpu.memory_space<vmem_shared>>
        %dma_wait3A_699 = arith.constant 43776 : i32
        %dma_wait3A_700 = tpu.memref_slice %arg2[%select_n3A, %mul3A_327, %dma_wait3A_699] : memref<26x32x100000xf32, #tpu.memory_space<hbm>> -> memref<1x16x2432xf32, #tpu.memory_space<hbm>>
        %dma_wait3A_701 = tpu.memref_squeeze %dma_wait3A_700 : memref<1x16x2432xf32, #tpu.memory_space<hbm>> -> memref<16x2432xf32, #tpu.memory_space<hbm>>
        tpu.wait_dma2 semaphore(%arg13 : memref<!tpu.dma_semaphore, #tpu.memory_space<semaphore_mem>>) src(%dma_wait3A_701 : memref<16x2432xf32, #tpu.memory_space<hbm>>) dst(%dma_wait3A_698 : memref<16x2432xf32, #tpu.memory_space<vmem_shared>>)
      } else {
      }
      %eq3A_335 = arith.constant 1 : i32
      %eq3A_336 = arith.cmpi eq, %arg1, %eq3A_335 : i32
      %convert_element_type3A_337 = arith.extui %eq3A_336 : i1 to i32
      %cond3A_338 = arith.constant 0 : i32
      %cond3A_339 = arith.cmpi ne, %convert_element_type3A_337, %cond3A_338 : i32
      scf.if %cond3A_339 {
        %dma_wait3A = arith.constant 0 : i32
        %dma_wait3A_697 = arith.constant 2432 : i32
        %dma_wait3A_698 = tpu.memref_slice %arg5[%dma_wait3A, %dma_wait3A_697] : memref<16x4864xf32, #tpu.memory_space<vmem_shared>> -> memref<16x2432xf32, #tpu.memory_space<vmem_shared>>
        %dma_wait3A_699 = arith.constant 46208 : i32
        %dma_wait3A_700 = tpu.memref_slice %arg2[%select_n3A, %mul3A_329, %dma_wait3A_699] : memref<26x32x100000xf32, #tpu.memory_space<hbm>> -> memref<1x16x2432xf32, #tpu.memory_space<hbm>>
        %dma_wait3A_701 = tpu.memref_squeeze %dma_wait3A_700 : memref<1x16x2432xf32, #tpu.memory_space<hbm>> -> memref<16x2432xf32, #tpu.memory_space<hbm>>
        tpu.wait_dma2 semaphore(%arg14 : memref<!tpu.dma_semaphore, #tpu.memory_space<semaphore_mem>>) src(%dma_wait3A_701 : memref<16x2432xf32, #tpu.memory_space<hbm>>) dst(%dma_wait3A_698 : memref<16x2432xf32, #tpu.memory_space<vmem_shared>>)
      } else {
      }
      %barrier3A_340 = arith.constant 0 : index
      tpu.barrier barrier_id(%barrier3A_340)
      %mul3A_341 = arith.constant 16 : i32
      %mul3A_342 = arith.muli %select_n3A_39, %mul3A_341 : i32
      %mul3A_343 = arith.constant 16 : i32
      %mul3A_344 = arith.muli %select_n3A_39, %mul3A_343 : i32
      %eq3A_345 = arith.constant 0 : i32
      %eq3A_346 = arith.cmpi eq, %arg1, %eq3A_345 : i32
      %convert_element_type3A_347 = arith.extui %eq3A_346 : i1 to i32
      %cond3A_348 = arith.constant 0 : i32
      %cond3A_349 = arith.cmpi ne, %convert_element_type3A_347, %cond3A_348 : i32
      scf.if %cond3A_349 {
        %dma_start3A = arith.constant 0 : i32
        %dma_start3A_697 = arith.constant 0 : i32
        %dma_start3A_698 = tpu.memref_slice %arg7[%dma_start3A, %dma_start3A_697] : memref<16x4864xf32, #tpu.memory_space<vmem_shared>> -> memref<16x2432xf32, #tpu.memory_space<vmem_shared>>
        %dma_start3A_699 = arith.constant 53504 : i32
        %dma_start3A_700 = tpu.memref_slice %arg2[%select_n3A, %mul3A_342, %dma_start3A_699] : memref<26x32x100000xf32, #tpu.memory_space<hbm>> -> memref<1x16x2432xf32, #tpu.memory_space<hbm>>
        %dma_start3A_701 = tpu.memref_squeeze %dma_start3A_700 : memref<1x16x2432xf32, #tpu.memory_space<hbm>> -> memref<16x2432xf32, #tpu.memory_space<hbm>>
        tpu.enqueue_dma source(%dma_start3A_701 : memref<16x2432xf32, #tpu.memory_space<hbm>>) target(%dma_start3A_698 : memref<16x2432xf32, #tpu.memory_space<vmem_shared>>) target_semaphore(%arg17 : memref<!tpu.dma_semaphore, #tpu.memory_space<semaphore_mem>>)
      } else {
      }
      %eq3A_350 = arith.constant 1 : i32
      %eq3A_351 = arith.cmpi eq, %arg1, %eq3A_350 : i32
      %convert_element_type3A_352 = arith.extui %eq3A_351 : i1 to i32
      %cond3A_353 = arith.constant 0 : i32
      %cond3A_354 = arith.cmpi ne, %convert_element_type3A_352, %cond3A_353 : i32
      scf.if %cond3A_354 {
        %dma_start3A = arith.constant 0 : i32
        %dma_start3A_697 = arith.constant 2432 : i32
        %dma_start3A_698 = tpu.memref_slice %arg7[%dma_start3A, %dma_start3A_697] : memref<16x4864xf32, #tpu.memory_space<vmem_shared>> -> memref<16x2432xf32, #tpu.memory_space<vmem_shared>>
        %dma_start3A_699 = arith.constant 55936 : i32
        %dma_start3A_700 = tpu.memref_slice %arg2[%select_n3A, %mul3A_344, %dma_start3A_699] : memref<26x32x100000xf32, #tpu.memory_space<hbm>> -> memref<1x16x2432xf32, #tpu.memory_space<hbm>>
        %dma_start3A_701 = tpu.memref_squeeze %dma_start3A_700 : memref<1x16x2432xf32, #tpu.memory_space<hbm>> -> memref<16x2432xf32, #tpu.memory_space<hbm>>
        tpu.enqueue_dma source(%dma_start3A_701 : memref<16x2432xf32, #tpu.memory_space<hbm>>) target(%dma_start3A_698 : memref<16x2432xf32, #tpu.memory_space<vmem_shared>>) target_semaphore(%arg18 : memref<!tpu.dma_semaphore, #tpu.memory_space<semaphore_mem>>)
      } else {
      }
      "tpu.region"() ({
        %run_scoped3A = tpu.sem_alloc : memref<!tpu.dma_semaphore, #tpu.memory_space<semaphore_mem>>
        %dma_start3A = arith.constant 43776 : i32
        %dma_start3A_697 = tpu.memref_slice %arg9[%dma_start3A] : memref<100000xf32, #tpu.memory_space<vmem>> -> memref<4864xf32, #tpu.memory_space<vmem>>
        %dma_start3A_698 = arith.constant 0 : i32
        %dma_start3A_699 = tpu.memref_slice %arg5[%arg1, %dma_start3A_698] : memref<16x4864xf32, #tpu.memory_space<vmem_shared>> -> memref<1x4864xf32, #tpu.memory_space<vmem_shared>>
        %dma_start3A_700 = tpu.memref_squeeze %dma_start3A_699 : memref<1x4864xf32, #tpu.memory_space<vmem_shared>> -> memref<4864xf32, #tpu.memory_space<vmem_shared>>
        %dma_start3A_701 = arith.constant 43776 : i32
        %dma_start3A_702 = tpu.memref_slice %arg9[%dma_start3A_701] : memref<100000xf32, #tpu.memory_space<vmem>> -> memref<4864xf32, #tpu.memory_space<vmem>>
        %dma_start3A_703 = arith.constant 0 : i32
        %dma_start3A_704 = tpu.memref_slice %arg5[%arg1, %dma_start3A_703] : memref<16x4864xf32, #tpu.memory_space<vmem_shared>> -> memref<1x4864xf32, #tpu.memory_space<vmem_shared>>
        %dma_start3A_705 = tpu.memref_squeeze %dma_start3A_704 : memref<1x4864xf32, #tpu.memory_space<vmem_shared>> -> memref<4864xf32, #tpu.memory_space<vmem_shared>>
        tpu.enqueue_dma source(%dma_start3A_705 : memref<4864xf32, #tpu.memory_space<vmem_shared>>) target(%dma_start3A_702 : memref<4864xf32, #tpu.memory_space<vmem>>) target_semaphore(%run_scoped3A : memref<!tpu.dma_semaphore, #tpu.memory_space<semaphore_mem>>)
        %dma_wait3A = arith.constant 43776 : i32
        %dma_wait3A_706 = tpu.memref_slice %arg9[%dma_wait3A] : memref<100000xf32, #tpu.memory_space<vmem>> -> memref<4864xf32, #tpu.memory_space<vmem>>
        %dma_wait3A_707 = arith.constant 0 : i32
        %dma_wait3A_708 = tpu.memref_slice %arg5[%arg1, %dma_wait3A_707] : memref<16x4864xf32, #tpu.memory_space<vmem_shared>> -> memref<1x4864xf32, #tpu.memory_space<vmem_shared>>
        %dma_wait3A_709 = tpu.memref_squeeze %dma_wait3A_708 : memref<1x4864xf32, #tpu.memory_space<vmem_shared>> -> memref<4864xf32, #tpu.memory_space<vmem_shared>>
        %dma_wait3A_710 = arith.constant 43776 : i32
        %dma_wait3A_711 = tpu.memref_slice %arg9[%dma_wait3A_710] : memref<100000xf32, #tpu.memory_space<vmem>> -> memref<4864xf32, #tpu.memory_space<vmem>>
        %dma_wait3A_712 = arith.constant 0 : i32
        %dma_wait3A_713 = tpu.memref_slice %arg5[%arg1, %dma_wait3A_712] : memref<16x4864xf32, #tpu.memory_space<vmem_shared>> -> memref<1x4864xf32, #tpu.memory_space<vmem_shared>>
        %dma_wait3A_714 = tpu.memref_squeeze %dma_wait3A_713 : memref<1x4864xf32, #tpu.memory_space<vmem_shared>> -> memref<4864xf32, #tpu.memory_space<vmem_shared>>
        tpu.wait_dma2 semaphore(%run_scoped3A : memref<!tpu.dma_semaphore, #tpu.memory_space<semaphore_mem>>) src(%dma_wait3A_714 : memref<4864xf32, #tpu.memory_space<vmem_shared>>) dst(%dma_wait3A_711 : memref<4864xf32, #tpu.memory_space<vmem>>)
        tpu.yield
      }) : () -> ()
      %mul3A_355 = arith.constant 16 : i32
      %mul3A_356 = arith.muli %select_n3A_39, %mul3A_355 : i32
      %mul3A_357 = arith.constant 16 : i32
      %mul3A_358 = arith.muli %select_n3A_39, %mul3A_357 : i32
      %eq3A_359 = arith.constant 0 : i32
      %eq3A_360 = arith.cmpi eq, %arg1, %eq3A_359 : i32
      %convert_element_type3A_361 = arith.extui %eq3A_360 : i1 to i32
      %cond3A_362 = arith.constant 0 : i32
      %cond3A_363 = arith.cmpi ne, %convert_element_type3A_361, %cond3A_362 : i32
      scf.if %cond3A_363 {
        %dma_wait3A = arith.constant 0 : i32
        %dma_wait3A_697 = arith.constant 0 : i32
        %dma_wait3A_698 = tpu.memref_slice %arg6[%dma_wait3A, %dma_wait3A_697] : memref<16x4864xf32, #tpu.memory_space<vmem_shared>> -> memref<16x2432xf32, #tpu.memory_space<vmem_shared>>
        %dma_wait3A_699 = arith.constant 48640 : i32
        %dma_wait3A_700 = tpu.memref_slice %arg2[%select_n3A, %mul3A_356, %dma_wait3A_699] : memref<26x32x100000xf32, #tpu.memory_space<hbm>> -> memref<1x16x2432xf32, #tpu.memory_space<hbm>>
        %dma_wait3A_701 = tpu.memref_squeeze %dma_wait3A_700 : memref<1x16x2432xf32, #tpu.memory_space<hbm>> -> memref<16x2432xf32, #tpu.memory_space<hbm>>
        tpu.wait_dma2 semaphore(%arg15 : memref<!tpu.dma_semaphore, #tpu.memory_space<semaphore_mem>>) src(%dma_wait3A_701 : memref<16x2432xf32, #tpu.memory_space<hbm>>) dst(%dma_wait3A_698 : memref<16x2432xf32, #tpu.memory_space<vmem_shared>>)
      } else {
      }
      %eq3A_364 = arith.constant 1 : i32
      %eq3A_365 = arith.cmpi eq, %arg1, %eq3A_364 : i32
      %convert_element_type3A_366 = arith.extui %eq3A_365 : i1 to i32
      %cond3A_367 = arith.constant 0 : i32
      %cond3A_368 = arith.cmpi ne, %convert_element_type3A_366, %cond3A_367 : i32
      scf.if %cond3A_368 {
        %dma_wait3A = arith.constant 0 : i32
        %dma_wait3A_697 = arith.constant 2432 : i32
        %dma_wait3A_698 = tpu.memref_slice %arg6[%dma_wait3A, %dma_wait3A_697] : memref<16x4864xf32, #tpu.memory_space<vmem_shared>> -> memref<16x2432xf32, #tpu.memory_space<vmem_shared>>
        %dma_wait3A_699 = arith.constant 51072 : i32
        %dma_wait3A_700 = tpu.memref_slice %arg2[%select_n3A, %mul3A_358, %dma_wait3A_699] : memref<26x32x100000xf32, #tpu.memory_space<hbm>> -> memref<1x16x2432xf32, #tpu.memory_space<hbm>>
        %dma_wait3A_701 = tpu.memref_squeeze %dma_wait3A_700 : memref<1x16x2432xf32, #tpu.memory_space<hbm>> -> memref<16x2432xf32, #tpu.memory_space<hbm>>
        tpu.wait_dma2 semaphore(%arg16 : memref<!tpu.dma_semaphore, #tpu.memory_space<semaphore_mem>>) src(%dma_wait3A_701 : memref<16x2432xf32, #tpu.memory_space<hbm>>) dst(%dma_wait3A_698 : memref<16x2432xf32, #tpu.memory_space<vmem_shared>>)
      } else {
      }
      %barrier3A_369 = arith.constant 0 : index
      tpu.barrier barrier_id(%barrier3A_369)
      %mul3A_370 = arith.constant 16 : i32
      %mul3A_371 = arith.muli %select_n3A_39, %mul3A_370 : i32
      %mul3A_372 = arith.constant 16 : i32
      %mul3A_373 = arith.muli %select_n3A_39, %mul3A_372 : i32
      %eq3A_374 = arith.constant 0 : i32
      %eq3A_375 = arith.cmpi eq, %arg1, %eq3A_374 : i32
      %convert_element_type3A_376 = arith.extui %eq3A_375 : i1 to i32
      %cond3A_377 = arith.constant 0 : i32
      %cond3A_378 = arith.cmpi ne, %convert_element_type3A_376, %cond3A_377 : i32
      scf.if %cond3A_378 {
        %dma_start3A = arith.constant 0 : i32
        %dma_start3A_697 = arith.constant 0 : i32
        %dma_start3A_698 = tpu.memref_slice %arg5[%dma_start3A, %dma_start3A_697] : memref<16x4864xf32, #tpu.memory_space<vmem_shared>> -> memref<16x2432xf32, #tpu.memory_space<vmem_shared>>
        %dma_start3A_699 = arith.constant 58368 : i32
        %dma_start3A_700 = tpu.memref_slice %arg2[%select_n3A, %mul3A_371, %dma_start3A_699] : memref<26x32x100000xf32, #tpu.memory_space<hbm>> -> memref<1x16x2432xf32, #tpu.memory_space<hbm>>
        %dma_start3A_701 = tpu.memref_squeeze %dma_start3A_700 : memref<1x16x2432xf32, #tpu.memory_space<hbm>> -> memref<16x2432xf32, #tpu.memory_space<hbm>>
        tpu.enqueue_dma source(%dma_start3A_701 : memref<16x2432xf32, #tpu.memory_space<hbm>>) target(%dma_start3A_698 : memref<16x2432xf32, #tpu.memory_space<vmem_shared>>) target_semaphore(%arg13 : memref<!tpu.dma_semaphore, #tpu.memory_space<semaphore_mem>>)
      } else {
      }
      %eq3A_379 = arith.constant 1 : i32
      %eq3A_380 = arith.cmpi eq, %arg1, %eq3A_379 : i32
      %convert_element_type3A_381 = arith.extui %eq3A_380 : i1 to i32
      %cond3A_382 = arith.constant 0 : i32
      %cond3A_383 = arith.cmpi ne, %convert_element_type3A_381, %cond3A_382 : i32
      scf.if %cond3A_383 {
        %dma_start3A = arith.constant 0 : i32
        %dma_start3A_697 = arith.constant 2432 : i32
        %dma_start3A_698 = tpu.memref_slice %arg5[%dma_start3A, %dma_start3A_697] : memref<16x4864xf32, #tpu.memory_space<vmem_shared>> -> memref<16x2432xf32, #tpu.memory_space<vmem_shared>>
        %dma_start3A_699 = arith.constant 60800 : i32
        %dma_start3A_700 = tpu.memref_slice %arg2[%select_n3A, %mul3A_373, %dma_start3A_699] : memref<26x32x100000xf32, #tpu.memory_space<hbm>> -> memref<1x16x2432xf32, #tpu.memory_space<hbm>>
        %dma_start3A_701 = tpu.memref_squeeze %dma_start3A_700 : memref<1x16x2432xf32, #tpu.memory_space<hbm>> -> memref<16x2432xf32, #tpu.memory_space<hbm>>
        tpu.enqueue_dma source(%dma_start3A_701 : memref<16x2432xf32, #tpu.memory_space<hbm>>) target(%dma_start3A_698 : memref<16x2432xf32, #tpu.memory_space<vmem_shared>>) target_semaphore(%arg14 : memref<!tpu.dma_semaphore, #tpu.memory_space<semaphore_mem>>)
      } else {
      }
      "tpu.region"() ({
        %run_scoped3A = tpu.sem_alloc : memref<!tpu.dma_semaphore, #tpu.memory_space<semaphore_mem>>
        %dma_start3A = arith.constant 48640 : i32
        %dma_start3A_697 = tpu.memref_slice %arg9[%dma_start3A] : memref<100000xf32, #tpu.memory_space<vmem>> -> memref<4864xf32, #tpu.memory_space<vmem>>
        %dma_start3A_698 = arith.constant 0 : i32
        %dma_start3A_699 = tpu.memref_slice %arg6[%arg1, %dma_start3A_698] : memref<16x4864xf32, #tpu.memory_space<vmem_shared>> -> memref<1x4864xf32, #tpu.memory_space<vmem_shared>>
        %dma_start3A_700 = tpu.memref_squeeze %dma_start3A_699 : memref<1x4864xf32, #tpu.memory_space<vmem_shared>> -> memref<4864xf32, #tpu.memory_space<vmem_shared>>
        %dma_start3A_701 = arith.constant 48640 : i32
        %dma_start3A_702 = tpu.memref_slice %arg9[%dma_start3A_701] : memref<100000xf32, #tpu.memory_space<vmem>> -> memref<4864xf32, #tpu.memory_space<vmem>>
        %dma_start3A_703 = arith.constant 0 : i32
        %dma_start3A_704 = tpu.memref_slice %arg6[%arg1, %dma_start3A_703] : memref<16x4864xf32, #tpu.memory_space<vmem_shared>> -> memref<1x4864xf32, #tpu.memory_space<vmem_shared>>
        %dma_start3A_705 = tpu.memref_squeeze %dma_start3A_704 : memref<1x4864xf32, #tpu.memory_space<vmem_shared>> -> memref<4864xf32, #tpu.memory_space<vmem_shared>>
        tpu.enqueue_dma source(%dma_start3A_705 : memref<4864xf32, #tpu.memory_space<vmem_shared>>) target(%dma_start3A_702 : memref<4864xf32, #tpu.memory_space<vmem>>) target_semaphore(%run_scoped3A : memref<!tpu.dma_semaphore, #tpu.memory_space<semaphore_mem>>)
        %dma_wait3A = arith.constant 48640 : i32
        %dma_wait3A_706 = tpu.memref_slice %arg9[%dma_wait3A] : memref<100000xf32, #tpu.memory_space<vmem>> -> memref<4864xf32, #tpu.memory_space<vmem>>
        %dma_wait3A_707 = arith.constant 0 : i32
        %dma_wait3A_708 = tpu.memref_slice %arg6[%arg1, %dma_wait3A_707] : memref<16x4864xf32, #tpu.memory_space<vmem_shared>> -> memref<1x4864xf32, #tpu.memory_space<vmem_shared>>
        %dma_wait3A_709 = tpu.memref_squeeze %dma_wait3A_708 : memref<1x4864xf32, #tpu.memory_space<vmem_shared>> -> memref<4864xf32, #tpu.memory_space<vmem_shared>>
        %dma_wait3A_710 = arith.constant 48640 : i32
        %dma_wait3A_711 = tpu.memref_slice %arg9[%dma_wait3A_710] : memref<100000xf32, #tpu.memory_space<vmem>> -> memref<4864xf32, #tpu.memory_space<vmem>>
        %dma_wait3A_712 = arith.constant 0 : i32
        %dma_wait3A_713 = tpu.memref_slice %arg6[%arg1, %dma_wait3A_712] : memref<16x4864xf32, #tpu.memory_space<vmem_shared>> -> memref<1x4864xf32, #tpu.memory_space<vmem_shared>>
        %dma_wait3A_714 = tpu.memref_squeeze %dma_wait3A_713 : memref<1x4864xf32, #tpu.memory_space<vmem_shared>> -> memref<4864xf32, #tpu.memory_space<vmem_shared>>
        tpu.wait_dma2 semaphore(%run_scoped3A : memref<!tpu.dma_semaphore, #tpu.memory_space<semaphore_mem>>) src(%dma_wait3A_714 : memref<4864xf32, #tpu.memory_space<vmem_shared>>) dst(%dma_wait3A_711 : memref<4864xf32, #tpu.memory_space<vmem>>)
        tpu.yield
      }) : () -> ()
      %mul3A_384 = arith.constant 16 : i32
      %mul3A_385 = arith.muli %select_n3A_39, %mul3A_384 : i32
      %mul3A_386 = arith.constant 16 : i32
      %mul3A_387 = arith.muli %select_n3A_39, %mul3A_386 : i32
      %eq3A_388 = arith.constant 0 : i32
      %eq3A_389 = arith.cmpi eq, %arg1, %eq3A_388 : i32
      %convert_element_type3A_390 = arith.extui %eq3A_389 : i1 to i32
      %cond3A_391 = arith.constant 0 : i32
      %cond3A_392 = arith.cmpi ne, %convert_element_type3A_390, %cond3A_391 : i32
      scf.if %cond3A_392 {
        %dma_wait3A = arith.constant 0 : i32
        %dma_wait3A_697 = arith.constant 0 : i32
        %dma_wait3A_698 = tpu.memref_slice %arg7[%dma_wait3A, %dma_wait3A_697] : memref<16x4864xf32, #tpu.memory_space<vmem_shared>> -> memref<16x2432xf32, #tpu.memory_space<vmem_shared>>
        %dma_wait3A_699 = arith.constant 53504 : i32
        %dma_wait3A_700 = tpu.memref_slice %arg2[%select_n3A, %mul3A_385, %dma_wait3A_699] : memref<26x32x100000xf32, #tpu.memory_space<hbm>> -> memref<1x16x2432xf32, #tpu.memory_space<hbm>>
        %dma_wait3A_701 = tpu.memref_squeeze %dma_wait3A_700 : memref<1x16x2432xf32, #tpu.memory_space<hbm>> -> memref<16x2432xf32, #tpu.memory_space<hbm>>
        tpu.wait_dma2 semaphore(%arg17 : memref<!tpu.dma_semaphore, #tpu.memory_space<semaphore_mem>>) src(%dma_wait3A_701 : memref<16x2432xf32, #tpu.memory_space<hbm>>) dst(%dma_wait3A_698 : memref<16x2432xf32, #tpu.memory_space<vmem_shared>>)
      } else {
      }
      %eq3A_393 = arith.constant 1 : i32
      %eq3A_394 = arith.cmpi eq, %arg1, %eq3A_393 : i32
      %convert_element_type3A_395 = arith.extui %eq3A_394 : i1 to i32
      %cond3A_396 = arith.constant 0 : i32
      %cond3A_397 = arith.cmpi ne, %convert_element_type3A_395, %cond3A_396 : i32
      scf.if %cond3A_397 {
        %dma_wait3A = arith.constant 0 : i32
        %dma_wait3A_697 = arith.constant 2432 : i32
        %dma_wait3A_698 = tpu.memref_slice %arg7[%dma_wait3A, %dma_wait3A_697] : memref<16x4864xf32, #tpu.memory_space<vmem_shared>> -> memref<16x2432xf32, #tpu.memory_space<vmem_shared>>
        %dma_wait3A_699 = arith.constant 55936 : i32
        %dma_wait3A_700 = tpu.memref_slice %arg2[%select_n3A, %mul3A_387, %dma_wait3A_699] : memref<26x32x100000xf32, #tpu.memory_space<hbm>> -> memref<1x16x2432xf32, #tpu.memory_space<hbm>>
        %dma_wait3A_701 = tpu.memref_squeeze %dma_wait3A_700 : memref<1x16x2432xf32, #tpu.memory_space<hbm>> -> memref<16x2432xf32, #tpu.memory_space<hbm>>
        tpu.wait_dma2 semaphore(%arg18 : memref<!tpu.dma_semaphore, #tpu.memory_space<semaphore_mem>>) src(%dma_wait3A_701 : memref<16x2432xf32, #tpu.memory_space<hbm>>) dst(%dma_wait3A_698 : memref<16x2432xf32, #tpu.memory_space<vmem_shared>>)
      } else {
      }
      %barrier3A_398 = arith.constant 0 : index
      tpu.barrier barrier_id(%barrier3A_398)
      %mul3A_399 = arith.constant 16 : i32
      %mul3A_400 = arith.muli %select_n3A_39, %mul3A_399 : i32
      %mul3A_401 = arith.constant 16 : i32
      %mul3A_402 = arith.muli %select_n3A_39, %mul3A_401 : i32
      %eq3A_403 = arith.constant 0 : i32
      %eq3A_404 = arith.cmpi eq, %arg1, %eq3A_403 : i32
      %convert_element_type3A_405 = arith.extui %eq3A_404 : i1 to i32
      %cond3A_406 = arith.constant 0 : i32
      %cond3A_407 = arith.cmpi ne, %convert_element_type3A_405, %cond3A_406 : i32
      scf.if %cond3A_407 {
        %dma_start3A = arith.constant 0 : i32
        %dma_start3A_697 = arith.constant 0 : i32
        %dma_start3A_698 = tpu.memref_slice %arg6[%dma_start3A, %dma_start3A_697] : memref<16x4864xf32, #tpu.memory_space<vmem_shared>> -> memref<16x2432xf32, #tpu.memory_space<vmem_shared>>
        %dma_start3A_699 = arith.constant 63232 : i32
        %dma_start3A_700 = tpu.memref_slice %arg2[%select_n3A, %mul3A_400, %dma_start3A_699] : memref<26x32x100000xf32, #tpu.memory_space<hbm>> -> memref<1x16x2432xf32, #tpu.memory_space<hbm>>
        %dma_start3A_701 = tpu.memref_squeeze %dma_start3A_700 : memref<1x16x2432xf32, #tpu.memory_space<hbm>> -> memref<16x2432xf32, #tpu.memory_space<hbm>>
        tpu.enqueue_dma source(%dma_start3A_701 : memref<16x2432xf32, #tpu.memory_space<hbm>>) target(%dma_start3A_698 : memref<16x2432xf32, #tpu.memory_space<vmem_shared>>) target_semaphore(%arg15 : memref<!tpu.dma_semaphore, #tpu.memory_space<semaphore_mem>>)
      } else {
      }
      %eq3A_408 = arith.constant 1 : i32
      %eq3A_409 = arith.cmpi eq, %arg1, %eq3A_408 : i32
      %convert_element_type3A_410 = arith.extui %eq3A_409 : i1 to i32
      %cond3A_411 = arith.constant 0 : i32
      %cond3A_412 = arith.cmpi ne, %convert_element_type3A_410, %cond3A_411 : i32
      scf.if %cond3A_412 {
        %dma_start3A = arith.constant 0 : i32
        %dma_start3A_697 = arith.constant 2432 : i32
        %dma_start3A_698 = tpu.memref_slice %arg6[%dma_start3A, %dma_start3A_697] : memref<16x4864xf32, #tpu.memory_space<vmem_shared>> -> memref<16x2432xf32, #tpu.memory_space<vmem_shared>>
        %dma_start3A_699 = arith.constant 65664 : i32
        %dma_start3A_700 = tpu.memref_slice %arg2[%select_n3A, %mul3A_402, %dma_start3A_699] : memref<26x32x100000xf32, #tpu.memory_space<hbm>> -> memref<1x16x2432xf32, #tpu.memory_space<hbm>>
        %dma_start3A_701 = tpu.memref_squeeze %dma_start3A_700 : memref<1x16x2432xf32, #tpu.memory_space<hbm>> -> memref<16x2432xf32, #tpu.memory_space<hbm>>
        tpu.enqueue_dma source(%dma_start3A_701 : memref<16x2432xf32, #tpu.memory_space<hbm>>) target(%dma_start3A_698 : memref<16x2432xf32, #tpu.memory_space<vmem_shared>>) target_semaphore(%arg16 : memref<!tpu.dma_semaphore, #tpu.memory_space<semaphore_mem>>)
      } else {
      }
      "tpu.region"() ({
        %run_scoped3A = tpu.sem_alloc : memref<!tpu.dma_semaphore, #tpu.memory_space<semaphore_mem>>
        %dma_start3A = arith.constant 53504 : i32
        %dma_start3A_697 = tpu.memref_slice %arg9[%dma_start3A] : memref<100000xf32, #tpu.memory_space<vmem>> -> memref<4864xf32, #tpu.memory_space<vmem>>
        %dma_start3A_698 = arith.constant 0 : i32
        %dma_start3A_699 = tpu.memref_slice %arg7[%arg1, %dma_start3A_698] : memref<16x4864xf32, #tpu.memory_space<vmem_shared>> -> memref<1x4864xf32, #tpu.memory_space<vmem_shared>>
        %dma_start3A_700 = tpu.memref_squeeze %dma_start3A_699 : memref<1x4864xf32, #tpu.memory_space<vmem_shared>> -> memref<4864xf32, #tpu.memory_space<vmem_shared>>
        %dma_start3A_701 = arith.constant 53504 : i32
        %dma_start3A_702 = tpu.memref_slice %arg9[%dma_start3A_701] : memref<100000xf32, #tpu.memory_space<vmem>> -> memref<4864xf32, #tpu.memory_space<vmem>>
        %dma_start3A_703 = arith.constant 0 : i32
        %dma_start3A_704 = tpu.memref_slice %arg7[%arg1, %dma_start3A_703] : memref<16x4864xf32, #tpu.memory_space<vmem_shared>> -> memref<1x4864xf32, #tpu.memory_space<vmem_shared>>
        %dma_start3A_705 = tpu.memref_squeeze %dma_start3A_704 : memref<1x4864xf32, #tpu.memory_space<vmem_shared>> -> memref<4864xf32, #tpu.memory_space<vmem_shared>>
        tpu.enqueue_dma source(%dma_start3A_705 : memref<4864xf32, #tpu.memory_space<vmem_shared>>) target(%dma_start3A_702 : memref<4864xf32, #tpu.memory_space<vmem>>) target_semaphore(%run_scoped3A : memref<!tpu.dma_semaphore, #tpu.memory_space<semaphore_mem>>)
        %dma_wait3A = arith.constant 53504 : i32
        %dma_wait3A_706 = tpu.memref_slice %arg9[%dma_wait3A] : memref<100000xf32, #tpu.memory_space<vmem>> -> memref<4864xf32, #tpu.memory_space<vmem>>
        %dma_wait3A_707 = arith.constant 0 : i32
        %dma_wait3A_708 = tpu.memref_slice %arg7[%arg1, %dma_wait3A_707] : memref<16x4864xf32, #tpu.memory_space<vmem_shared>> -> memref<1x4864xf32, #tpu.memory_space<vmem_shared>>
        %dma_wait3A_709 = tpu.memref_squeeze %dma_wait3A_708 : memref<1x4864xf32, #tpu.memory_space<vmem_shared>> -> memref<4864xf32, #tpu.memory_space<vmem_shared>>
        %dma_wait3A_710 = arith.constant 53504 : i32
        %dma_wait3A_711 = tpu.memref_slice %arg9[%dma_wait3A_710] : memref<100000xf32, #tpu.memory_space<vmem>> -> memref<4864xf32, #tpu.memory_space<vmem>>
        %dma_wait3A_712 = arith.constant 0 : i32
        %dma_wait3A_713 = tpu.memref_slice %arg7[%arg1, %dma_wait3A_712] : memref<16x4864xf32, #tpu.memory_space<vmem_shared>> -> memref<1x4864xf32, #tpu.memory_space<vmem_shared>>
        %dma_wait3A_714 = tpu.memref_squeeze %dma_wait3A_713 : memref<1x4864xf32, #tpu.memory_space<vmem_shared>> -> memref<4864xf32, #tpu.memory_space<vmem_shared>>
        tpu.wait_dma2 semaphore(%run_scoped3A : memref<!tpu.dma_semaphore, #tpu.memory_space<semaphore_mem>>) src(%dma_wait3A_714 : memref<4864xf32, #tpu.memory_space<vmem_shared>>) dst(%dma_wait3A_711 : memref<4864xf32, #tpu.memory_space<vmem>>)
        tpu.yield
      }) : () -> ()
      %mul3A_413 = arith.constant 16 : i32
      %mul3A_414 = arith.muli %select_n3A_39, %mul3A_413 : i32
      %mul3A_415 = arith.constant 16 : i32
      %mul3A_416 = arith.muli %select_n3A_39, %mul3A_415 : i32
      %eq3A_417 = arith.constant 0 : i32
      %eq3A_418 = arith.cmpi eq, %arg1, %eq3A_417 : i32
      %convert_element_type3A_419 = arith.extui %eq3A_418 : i1 to i32
      %cond3A_420 = arith.constant 0 : i32
      %cond3A_421 = arith.cmpi ne, %convert_element_type3A_419, %cond3A_420 : i32
      scf.if %cond3A_421 {
        %dma_wait3A = arith.constant 0 : i32
        %dma_wait3A_697 = arith.constant 0 : i32
        %dma_wait3A_698 = tpu.memref_slice %arg5[%dma_wait3A, %dma_wait3A_697] : memref<16x4864xf32, #tpu.memory_space<vmem_shared>> -> memref<16x2432xf32, #tpu.memory_space<vmem_shared>>
        %dma_wait3A_699 = arith.constant 58368 : i32
        %dma_wait3A_700 = tpu.memref_slice %arg2[%select_n3A, %mul3A_414, %dma_wait3A_699] : memref<26x32x100000xf32, #tpu.memory_space<hbm>> -> memref<1x16x2432xf32, #tpu.memory_space<hbm>>
        %dma_wait3A_701 = tpu.memref_squeeze %dma_wait3A_700 : memref<1x16x2432xf32, #tpu.memory_space<hbm>> -> memref<16x2432xf32, #tpu.memory_space<hbm>>
        tpu.wait_dma2 semaphore(%arg13 : memref<!tpu.dma_semaphore, #tpu.memory_space<semaphore_mem>>) src(%dma_wait3A_701 : memref<16x2432xf32, #tpu.memory_space<hbm>>) dst(%dma_wait3A_698 : memref<16x2432xf32, #tpu.memory_space<vmem_shared>>)
      } else {
      }
      %eq3A_422 = arith.constant 1 : i32
      %eq3A_423 = arith.cmpi eq, %arg1, %eq3A_422 : i32
      %convert_element_type3A_424 = arith.extui %eq3A_423 : i1 to i32
      %cond3A_425 = arith.constant 0 : i32
      %cond3A_426 = arith.cmpi ne, %convert_element_type3A_424, %cond3A_425 : i32
      scf.if %cond3A_426 {
        %dma_wait3A = arith.constant 0 : i32
        %dma_wait3A_697 = arith.constant 2432 : i32
        %dma_wait3A_698 = tpu.memref_slice %arg5[%dma_wait3A, %dma_wait3A_697] : memref<16x4864xf32, #tpu.memory_space<vmem_shared>> -> memref<16x2432xf32, #tpu.memory_space<vmem_shared>>
        %dma_wait3A_699 = arith.constant 60800 : i32
        %dma_wait3A_700 = tpu.memref_slice %arg2[%select_n3A, %mul3A_416, %dma_wait3A_699] : memref<26x32x100000xf32, #tpu.memory_space<hbm>> -> memref<1x16x2432xf32, #tpu.memory_space<hbm>>
        %dma_wait3A_701 = tpu.memref_squeeze %dma_wait3A_700 : memref<1x16x2432xf32, #tpu.memory_space<hbm>> -> memref<16x2432xf32, #tpu.memory_space<hbm>>
        tpu.wait_dma2 semaphore(%arg14 : memref<!tpu.dma_semaphore, #tpu.memory_space<semaphore_mem>>) src(%dma_wait3A_701 : memref<16x2432xf32, #tpu.memory_space<hbm>>) dst(%dma_wait3A_698 : memref<16x2432xf32, #tpu.memory_space<vmem_shared>>)
      } else {
      }
      %barrier3A_427 = arith.constant 0 : index
      tpu.barrier barrier_id(%barrier3A_427)
      %mul3A_428 = arith.constant 16 : i32
      %mul3A_429 = arith.muli %select_n3A_39, %mul3A_428 : i32
      %mul3A_430 = arith.constant 16 : i32
      %mul3A_431 = arith.muli %select_n3A_39, %mul3A_430 : i32
      %eq3A_432 = arith.constant 0 : i32
      %eq3A_433 = arith.cmpi eq, %arg1, %eq3A_432 : i32
      %convert_element_type3A_434 = arith.extui %eq3A_433 : i1 to i32
      %cond3A_435 = arith.constant 0 : i32
      %cond3A_436 = arith.cmpi ne, %convert_element_type3A_434, %cond3A_435 : i32
      scf.if %cond3A_436 {
        %dma_start3A = arith.constant 0 : i32
        %dma_start3A_697 = arith.constant 0 : i32
        %dma_start3A_698 = tpu.memref_slice %arg7[%dma_start3A, %dma_start3A_697] : memref<16x4864xf32, #tpu.memory_space<vmem_shared>> -> memref<16x2432xf32, #tpu.memory_space<vmem_shared>>
        %dma_start3A_699 = arith.constant 68096 : i32
        %dma_start3A_700 = tpu.memref_slice %arg2[%select_n3A, %mul3A_429, %dma_start3A_699] : memref<26x32x100000xf32, #tpu.memory_space<hbm>> -> memref<1x16x2432xf32, #tpu.memory_space<hbm>>
        %dma_start3A_701 = tpu.memref_squeeze %dma_start3A_700 : memref<1x16x2432xf32, #tpu.memory_space<hbm>> -> memref<16x2432xf32, #tpu.memory_space<hbm>>
        tpu.enqueue_dma source(%dma_start3A_701 : memref<16x2432xf32, #tpu.memory_space<hbm>>) target(%dma_start3A_698 : memref<16x2432xf32, #tpu.memory_space<vmem_shared>>) target_semaphore(%arg17 : memref<!tpu.dma_semaphore, #tpu.memory_space<semaphore_mem>>)
      } else {
      }
      %eq3A_437 = arith.constant 1 : i32
      %eq3A_438 = arith.cmpi eq, %arg1, %eq3A_437 : i32
      %convert_element_type3A_439 = arith.extui %eq3A_438 : i1 to i32
      %cond3A_440 = arith.constant 0 : i32
      %cond3A_441 = arith.cmpi ne, %convert_element_type3A_439, %cond3A_440 : i32
      scf.if %cond3A_441 {
        %dma_start3A = arith.constant 0 : i32
        %dma_start3A_697 = arith.constant 2432 : i32
        %dma_start3A_698 = tpu.memref_slice %arg7[%dma_start3A, %dma_start3A_697] : memref<16x4864xf32, #tpu.memory_space<vmem_shared>> -> memref<16x2432xf32, #tpu.memory_space<vmem_shared>>
        %dma_start3A_699 = arith.constant 70528 : i32
        %dma_start3A_700 = tpu.memref_slice %arg2[%select_n3A, %mul3A_431, %dma_start3A_699] : memref<26x32x100000xf32, #tpu.memory_space<hbm>> -> memref<1x16x2432xf32, #tpu.memory_space<hbm>>
        %dma_start3A_701 = tpu.memref_squeeze %dma_start3A_700 : memref<1x16x2432xf32, #tpu.memory_space<hbm>> -> memref<16x2432xf32, #tpu.memory_space<hbm>>
        tpu.enqueue_dma source(%dma_start3A_701 : memref<16x2432xf32, #tpu.memory_space<hbm>>) target(%dma_start3A_698 : memref<16x2432xf32, #tpu.memory_space<vmem_shared>>) target_semaphore(%arg18 : memref<!tpu.dma_semaphore, #tpu.memory_space<semaphore_mem>>)
      } else {
      }
      "tpu.region"() ({
        %run_scoped3A = tpu.sem_alloc : memref<!tpu.dma_semaphore, #tpu.memory_space<semaphore_mem>>
        %dma_start3A = arith.constant 58368 : i32
        %dma_start3A_697 = tpu.memref_slice %arg9[%dma_start3A] : memref<100000xf32, #tpu.memory_space<vmem>> -> memref<4864xf32, #tpu.memory_space<vmem>>
        %dma_start3A_698 = arith.constant 0 : i32
        %dma_start3A_699 = tpu.memref_slice %arg5[%arg1, %dma_start3A_698] : memref<16x4864xf32, #tpu.memory_space<vmem_shared>> -> memref<1x4864xf32, #tpu.memory_space<vmem_shared>>
        %dma_start3A_700 = tpu.memref_squeeze %dma_start3A_699 : memref<1x4864xf32, #tpu.memory_space<vmem_shared>> -> memref<4864xf32, #tpu.memory_space<vmem_shared>>
        %dma_start3A_701 = arith.constant 58368 : i32
        %dma_start3A_702 = tpu.memref_slice %arg9[%dma_start3A_701] : memref<100000xf32, #tpu.memory_space<vmem>> -> memref<4864xf32, #tpu.memory_space<vmem>>
        %dma_start3A_703 = arith.constant 0 : i32
        %dma_start3A_704 = tpu.memref_slice %arg5[%arg1, %dma_start3A_703] : memref<16x4864xf32, #tpu.memory_space<vmem_shared>> -> memref<1x4864xf32, #tpu.memory_space<vmem_shared>>
        %dma_start3A_705 = tpu.memref_squeeze %dma_start3A_704 : memref<1x4864xf32, #tpu.memory_space<vmem_shared>> -> memref<4864xf32, #tpu.memory_space<vmem_shared>>
        tpu.enqueue_dma source(%dma_start3A_705 : memref<4864xf32, #tpu.memory_space<vmem_shared>>) target(%dma_start3A_702 : memref<4864xf32, #tpu.memory_space<vmem>>) target_semaphore(%run_scoped3A : memref<!tpu.dma_semaphore, #tpu.memory_space<semaphore_mem>>)
        %dma_wait3A = arith.constant 58368 : i32
        %dma_wait3A_706 = tpu.memref_slice %arg9[%dma_wait3A] : memref<100000xf32, #tpu.memory_space<vmem>> -> memref<4864xf32, #tpu.memory_space<vmem>>
        %dma_wait3A_707 = arith.constant 0 : i32
        %dma_wait3A_708 = tpu.memref_slice %arg5[%arg1, %dma_wait3A_707] : memref<16x4864xf32, #tpu.memory_space<vmem_shared>> -> memref<1x4864xf32, #tpu.memory_space<vmem_shared>>
        %dma_wait3A_709 = tpu.memref_squeeze %dma_wait3A_708 : memref<1x4864xf32, #tpu.memory_space<vmem_shared>> -> memref<4864xf32, #tpu.memory_space<vmem_shared>>
        %dma_wait3A_710 = arith.constant 58368 : i32
        %dma_wait3A_711 = tpu.memref_slice %arg9[%dma_wait3A_710] : memref<100000xf32, #tpu.memory_space<vmem>> -> memref<4864xf32, #tpu.memory_space<vmem>>
        %dma_wait3A_712 = arith.constant 0 : i32
        %dma_wait3A_713 = tpu.memref_slice %arg5[%arg1, %dma_wait3A_712] : memref<16x4864xf32, #tpu.memory_space<vmem_shared>> -> memref<1x4864xf32, #tpu.memory_space<vmem_shared>>
        %dma_wait3A_714 = tpu.memref_squeeze %dma_wait3A_713 : memref<1x4864xf32, #tpu.memory_space<vmem_shared>> -> memref<4864xf32, #tpu.memory_space<vmem_shared>>
        tpu.wait_dma2 semaphore(%run_scoped3A : memref<!tpu.dma_semaphore, #tpu.memory_space<semaphore_mem>>) src(%dma_wait3A_714 : memref<4864xf32, #tpu.memory_space<vmem_shared>>) dst(%dma_wait3A_711 : memref<4864xf32, #tpu.memory_space<vmem>>)
        tpu.yield
      }) : () -> ()
      %mul3A_442 = arith.constant 16 : i32
      %mul3A_443 = arith.muli %select_n3A_39, %mul3A_442 : i32
      %mul3A_444 = arith.constant 16 : i32
      %mul3A_445 = arith.muli %select_n3A_39, %mul3A_444 : i32
      %eq3A_446 = arith.constant 0 : i32
      %eq3A_447 = arith.cmpi eq, %arg1, %eq3A_446 : i32
      %convert_element_type3A_448 = arith.extui %eq3A_447 : i1 to i32
      %cond3A_449 = arith.constant 0 : i32
      %cond3A_450 = arith.cmpi ne, %convert_element_type3A_448, %cond3A_449 : i32
      scf.if %cond3A_450 {
        %dma_wait3A = arith.constant 0 : i32
        %dma_wait3A_697 = arith.constant 0 : i32
        %dma_wait3A_698 = tpu.memref_slice %arg6[%dma_wait3A, %dma_wait3A_697] : memref<16x4864xf32, #tpu.memory_space<vmem_shared>> -> memref<16x2432xf32, #tpu.memory_space<vmem_shared>>
        %dma_wait3A_699 = arith.constant 63232 : i32
        %dma_wait3A_700 = tpu.memref_slice %arg2[%select_n3A, %mul3A_443, %dma_wait3A_699] : memref<26x32x100000xf32, #tpu.memory_space<hbm>> -> memref<1x16x2432xf32, #tpu.memory_space<hbm>>
        %dma_wait3A_701 = tpu.memref_squeeze %dma_wait3A_700 : memref<1x16x2432xf32, #tpu.memory_space<hbm>> -> memref<16x2432xf32, #tpu.memory_space<hbm>>
        tpu.wait_dma2 semaphore(%arg15 : memref<!tpu.dma_semaphore, #tpu.memory_space<semaphore_mem>>) src(%dma_wait3A_701 : memref<16x2432xf32, #tpu.memory_space<hbm>>) dst(%dma_wait3A_698 : memref<16x2432xf32, #tpu.memory_space<vmem_shared>>)
      } else {
      }
      %eq3A_451 = arith.constant 1 : i32
      %eq3A_452 = arith.cmpi eq, %arg1, %eq3A_451 : i32
      %convert_element_type3A_453 = arith.extui %eq3A_452 : i1 to i32
      %cond3A_454 = arith.constant 0 : i32
      %cond3A_455 = arith.cmpi ne, %convert_element_type3A_453, %cond3A_454 : i32
      scf.if %cond3A_455 {
        %dma_wait3A = arith.constant 0 : i32
        %dma_wait3A_697 = arith.constant 2432 : i32
        %dma_wait3A_698 = tpu.memref_slice %arg6[%dma_wait3A, %dma_wait3A_697] : memref<16x4864xf32, #tpu.memory_space<vmem_shared>> -> memref<16x2432xf32, #tpu.memory_space<vmem_shared>>
        %dma_wait3A_699 = arith.constant 65664 : i32
        %dma_wait3A_700 = tpu.memref_slice %arg2[%select_n3A, %mul3A_445, %dma_wait3A_699] : memref<26x32x100000xf32, #tpu.memory_space<hbm>> -> memref<1x16x2432xf32, #tpu.memory_space<hbm>>
        %dma_wait3A_701 = tpu.memref_squeeze %dma_wait3A_700 : memref<1x16x2432xf32, #tpu.memory_space<hbm>> -> memref<16x2432xf32, #tpu.memory_space<hbm>>
        tpu.wait_dma2 semaphore(%arg16 : memref<!tpu.dma_semaphore, #tpu.memory_space<semaphore_mem>>) src(%dma_wait3A_701 : memref<16x2432xf32, #tpu.memory_space<hbm>>) dst(%dma_wait3A_698 : memref<16x2432xf32, #tpu.memory_space<vmem_shared>>)
      } else {
      }
      %barrier3A_456 = arith.constant 0 : index
      tpu.barrier barrier_id(%barrier3A_456)
      %mul3A_457 = arith.constant 16 : i32
      %mul3A_458 = arith.muli %select_n3A_39, %mul3A_457 : i32
      %mul3A_459 = arith.constant 16 : i32
      %mul3A_460 = arith.muli %select_n3A_39, %mul3A_459 : i32
      %eq3A_461 = arith.constant 0 : i32
      %eq3A_462 = arith.cmpi eq, %arg1, %eq3A_461 : i32
      %convert_element_type3A_463 = arith.extui %eq3A_462 : i1 to i32
      %cond3A_464 = arith.constant 0 : i32
      %cond3A_465 = arith.cmpi ne, %convert_element_type3A_463, %cond3A_464 : i32
      scf.if %cond3A_465 {
        %dma_start3A = arith.constant 0 : i32
        %dma_start3A_697 = arith.constant 0 : i32
        %dma_start3A_698 = tpu.memref_slice %arg5[%dma_start3A, %dma_start3A_697] : memref<16x4864xf32, #tpu.memory_space<vmem_shared>> -> memref<16x2432xf32, #tpu.memory_space<vmem_shared>>
        %dma_start3A_699 = arith.constant 72960 : i32
        %dma_start3A_700 = tpu.memref_slice %arg2[%select_n3A, %mul3A_458, %dma_start3A_699] : memref<26x32x100000xf32, #tpu.memory_space<hbm>> -> memref<1x16x2432xf32, #tpu.memory_space<hbm>>
        %dma_start3A_701 = tpu.memref_squeeze %dma_start3A_700 : memref<1x16x2432xf32, #tpu.memory_space<hbm>> -> memref<16x2432xf32, #tpu.memory_space<hbm>>
        tpu.enqueue_dma source(%dma_start3A_701 : memref<16x2432xf32, #tpu.memory_space<hbm>>) target(%dma_start3A_698 : memref<16x2432xf32, #tpu.memory_space<vmem_shared>>) target_semaphore(%arg13 : memref<!tpu.dma_semaphore, #tpu.memory_space<semaphore_mem>>)
      } else {
      }
      %eq3A_466 = arith.constant 1 : i32
      %eq3A_467 = arith.cmpi eq, %arg1, %eq3A_466 : i32
      %convert_element_type3A_468 = arith.extui %eq3A_467 : i1 to i32
      %cond3A_469 = arith.constant 0 : i32
      %cond3A_470 = arith.cmpi ne, %convert_element_type3A_468, %cond3A_469 : i32
      scf.if %cond3A_470 {
        %dma_start3A = arith.constant 0 : i32
        %dma_start3A_697 = arith.constant 2432 : i32
        %dma_start3A_698 = tpu.memref_slice %arg5[%dma_start3A, %dma_start3A_697] : memref<16x4864xf32, #tpu.memory_space<vmem_shared>> -> memref<16x2432xf32, #tpu.memory_space<vmem_shared>>
        %dma_start3A_699 = arith.constant 75392 : i32
        %dma_start3A_700 = tpu.memref_slice %arg2[%select_n3A, %mul3A_460, %dma_start3A_699] : memref<26x32x100000xf32, #tpu.memory_space<hbm>> -> memref<1x16x2432xf32, #tpu.memory_space<hbm>>
        %dma_start3A_701 = tpu.memref_squeeze %dma_start3A_700 : memref<1x16x2432xf32, #tpu.memory_space<hbm>> -> memref<16x2432xf32, #tpu.memory_space<hbm>>
        tpu.enqueue_dma source(%dma_start3A_701 : memref<16x2432xf32, #tpu.memory_space<hbm>>) target(%dma_start3A_698 : memref<16x2432xf32, #tpu.memory_space<vmem_shared>>) target_semaphore(%arg14 : memref<!tpu.dma_semaphore, #tpu.memory_space<semaphore_mem>>)
      } else {
      }
      "tpu.region"() ({
        %run_scoped3A = tpu.sem_alloc : memref<!tpu.dma_semaphore, #tpu.memory_space<semaphore_mem>>
        %dma_start3A = arith.constant 63232 : i32
        %dma_start3A_697 = tpu.memref_slice %arg9[%dma_start3A] : memref<100000xf32, #tpu.memory_space<vmem>> -> memref<4864xf32, #tpu.memory_space<vmem>>
        %dma_start3A_698 = arith.constant 0 : i32
        %dma_start3A_699 = tpu.memref_slice %arg6[%arg1, %dma_start3A_698] : memref<16x4864xf32, #tpu.memory_space<vmem_shared>> -> memref<1x4864xf32, #tpu.memory_space<vmem_shared>>
        %dma_start3A_700 = tpu.memref_squeeze %dma_start3A_699 : memref<1x4864xf32, #tpu.memory_space<vmem_shared>> -> memref<4864xf32, #tpu.memory_space<vmem_shared>>
        %dma_start3A_701 = arith.constant 63232 : i32
        %dma_start3A_702 = tpu.memref_slice %arg9[%dma_start3A_701] : memref<100000xf32, #tpu.memory_space<vmem>> -> memref<4864xf32, #tpu.memory_space<vmem>>
        %dma_start3A_703 = arith.constant 0 : i32
        %dma_start3A_704 = tpu.memref_slice %arg6[%arg1, %dma_start3A_703] : memref<16x4864xf32, #tpu.memory_space<vmem_shared>> -> memref<1x4864xf32, #tpu.memory_space<vmem_shared>>
        %dma_start3A_705 = tpu.memref_squeeze %dma_start3A_704 : memref<1x4864xf32, #tpu.memory_space<vmem_shared>> -> memref<4864xf32, #tpu.memory_space<vmem_shared>>
        tpu.enqueue_dma source(%dma_start3A_705 : memref<4864xf32, #tpu.memory_space<vmem_shared>>) target(%dma_start3A_702 : memref<4864xf32, #tpu.memory_space<vmem>>) target_semaphore(%run_scoped3A : memref<!tpu.dma_semaphore, #tpu.memory_space<semaphore_mem>>)
        %dma_wait3A = arith.constant 63232 : i32
        %dma_wait3A_706 = tpu.memref_slice %arg9[%dma_wait3A] : memref<100000xf32, #tpu.memory_space<vmem>> -> memref<4864xf32, #tpu.memory_space<vmem>>
        %dma_wait3A_707 = arith.constant 0 : i32
        %dma_wait3A_708 = tpu.memref_slice %arg6[%arg1, %dma_wait3A_707] : memref<16x4864xf32, #tpu.memory_space<vmem_shared>> -> memref<1x4864xf32, #tpu.memory_space<vmem_shared>>
        %dma_wait3A_709 = tpu.memref_squeeze %dma_wait3A_708 : memref<1x4864xf32, #tpu.memory_space<vmem_shared>> -> memref<4864xf32, #tpu.memory_space<vmem_shared>>
        %dma_wait3A_710 = arith.constant 63232 : i32
        %dma_wait3A_711 = tpu.memref_slice %arg9[%dma_wait3A_710] : memref<100000xf32, #tpu.memory_space<vmem>> -> memref<4864xf32, #tpu.memory_space<vmem>>
        %dma_wait3A_712 = arith.constant 0 : i32
        %dma_wait3A_713 = tpu.memref_slice %arg6[%arg1, %dma_wait3A_712] : memref<16x4864xf32, #tpu.memory_space<vmem_shared>> -> memref<1x4864xf32, #tpu.memory_space<vmem_shared>>
        %dma_wait3A_714 = tpu.memref_squeeze %dma_wait3A_713 : memref<1x4864xf32, #tpu.memory_space<vmem_shared>> -> memref<4864xf32, #tpu.memory_space<vmem_shared>>
        tpu.wait_dma2 semaphore(%run_scoped3A : memref<!tpu.dma_semaphore, #tpu.memory_space<semaphore_mem>>) src(%dma_wait3A_714 : memref<4864xf32, #tpu.memory_space<vmem_shared>>) dst(%dma_wait3A_711 : memref<4864xf32, #tpu.memory_space<vmem>>)
        tpu.yield
      }) : () -> ()
      %mul3A_471 = arith.constant 16 : i32
      %mul3A_472 = arith.muli %select_n3A_39, %mul3A_471 : i32
      %mul3A_473 = arith.constant 16 : i32
      %mul3A_474 = arith.muli %select_n3A_39, %mul3A_473 : i32
      %eq3A_475 = arith.constant 0 : i32
      %eq3A_476 = arith.cmpi eq, %arg1, %eq3A_475 : i32
      %convert_element_type3A_477 = arith.extui %eq3A_476 : i1 to i32
      %cond3A_478 = arith.constant 0 : i32
      %cond3A_479 = arith.cmpi ne, %convert_element_type3A_477, %cond3A_478 : i32
      scf.if %cond3A_479 {
        %dma_wait3A = arith.constant 0 : i32
        %dma_wait3A_697 = arith.constant 0 : i32
        %dma_wait3A_698 = tpu.memref_slice %arg7[%dma_wait3A, %dma_wait3A_697] : memref<16x4864xf32, #tpu.memory_space<vmem_shared>> -> memref<16x2432xf32, #tpu.memory_space<vmem_shared>>
        %dma_wait3A_699 = arith.constant 68096 : i32
        %dma_wait3A_700 = tpu.memref_slice %arg2[%select_n3A, %mul3A_472, %dma_wait3A_699] : memref<26x32x100000xf32, #tpu.memory_space<hbm>> -> memref<1x16x2432xf32, #tpu.memory_space<hbm>>
        %dma_wait3A_701 = tpu.memref_squeeze %dma_wait3A_700 : memref<1x16x2432xf32, #tpu.memory_space<hbm>> -> memref<16x2432xf32, #tpu.memory_space<hbm>>
        tpu.wait_dma2 semaphore(%arg17 : memref<!tpu.dma_semaphore, #tpu.memory_space<semaphore_mem>>) src(%dma_wait3A_701 : memref<16x2432xf32, #tpu.memory_space<hbm>>) dst(%dma_wait3A_698 : memref<16x2432xf32, #tpu.memory_space<vmem_shared>>)
      } else {
      }
      %eq3A_480 = arith.constant 1 : i32
      %eq3A_481 = arith.cmpi eq, %arg1, %eq3A_480 : i32
      %convert_element_type3A_482 = arith.extui %eq3A_481 : i1 to i32
      %cond3A_483 = arith.constant 0 : i32
      %cond3A_484 = arith.cmpi ne, %convert_element_type3A_482, %cond3A_483 : i32
      scf.if %cond3A_484 {
        %dma_wait3A = arith.constant 0 : i32
        %dma_wait3A_697 = arith.constant 2432 : i32
        %dma_wait3A_698 = tpu.memref_slice %arg7[%dma_wait3A, %dma_wait3A_697] : memref<16x4864xf32, #tpu.memory_space<vmem_shared>> -> memref<16x2432xf32, #tpu.memory_space<vmem_shared>>
        %dma_wait3A_699 = arith.constant 70528 : i32
        %dma_wait3A_700 = tpu.memref_slice %arg2[%select_n3A, %mul3A_474, %dma_wait3A_699] : memref<26x32x100000xf32, #tpu.memory_space<hbm>> -> memref<1x16x2432xf32, #tpu.memory_space<hbm>>
        %dma_wait3A_701 = tpu.memref_squeeze %dma_wait3A_700 : memref<1x16x2432xf32, #tpu.memory_space<hbm>> -> memref<16x2432xf32, #tpu.memory_space<hbm>>
        tpu.wait_dma2 semaphore(%arg18 : memref<!tpu.dma_semaphore, #tpu.memory_space<semaphore_mem>>) src(%dma_wait3A_701 : memref<16x2432xf32, #tpu.memory_space<hbm>>) dst(%dma_wait3A_698 : memref<16x2432xf32, #tpu.memory_space<vmem_shared>>)
      } else {
      }
      %barrier3A_485 = arith.constant 0 : index
      tpu.barrier barrier_id(%barrier3A_485)
      %mul3A_486 = arith.constant 16 : i32
      %mul3A_487 = arith.muli %select_n3A_39, %mul3A_486 : i32
      %mul3A_488 = arith.constant 16 : i32
      %mul3A_489 = arith.muli %select_n3A_39, %mul3A_488 : i32
      %eq3A_490 = arith.constant 0 : i32
      %eq3A_491 = arith.cmpi eq, %arg1, %eq3A_490 : i32
      %convert_element_type3A_492 = arith.extui %eq3A_491 : i1 to i32
      %cond3A_493 = arith.constant 0 : i32
      %cond3A_494 = arith.cmpi ne, %convert_element_type3A_492, %cond3A_493 : i32
      scf.if %cond3A_494 {
        %dma_start3A = arith.constant 0 : i32
        %dma_start3A_697 = arith.constant 0 : i32
        %dma_start3A_698 = tpu.memref_slice %arg6[%dma_start3A, %dma_start3A_697] : memref<16x4864xf32, #tpu.memory_space<vmem_shared>> -> memref<16x2432xf32, #tpu.memory_space<vmem_shared>>
        %dma_start3A_699 = arith.constant 77824 : i32
        %dma_start3A_700 = tpu.memref_slice %arg2[%select_n3A, %mul3A_487, %dma_start3A_699] : memref<26x32x100000xf32, #tpu.memory_space<hbm>> -> memref<1x16x2432xf32, #tpu.memory_space<hbm>>
        %dma_start3A_701 = tpu.memref_squeeze %dma_start3A_700 : memref<1x16x2432xf32, #tpu.memory_space<hbm>> -> memref<16x2432xf32, #tpu.memory_space<hbm>>
        tpu.enqueue_dma source(%dma_start3A_701 : memref<16x2432xf32, #tpu.memory_space<hbm>>) target(%dma_start3A_698 : memref<16x2432xf32, #tpu.memory_space<vmem_shared>>) target_semaphore(%arg15 : memref<!tpu.dma_semaphore, #tpu.memory_space<semaphore_mem>>)
      } else {
      }
      %eq3A_495 = arith.constant 1 : i32
      %eq3A_496 = arith.cmpi eq, %arg1, %eq3A_495 : i32
      %convert_element_type3A_497 = arith.extui %eq3A_496 : i1 to i32
      %cond3A_498 = arith.constant 0 : i32
      %cond3A_499 = arith.cmpi ne, %convert_element_type3A_497, %cond3A_498 : i32
      scf.if %cond3A_499 {
        %dma_start3A = arith.constant 0 : i32
        %dma_start3A_697 = arith.constant 2432 : i32
        %dma_start3A_698 = tpu.memref_slice %arg6[%dma_start3A, %dma_start3A_697] : memref<16x4864xf32, #tpu.memory_space<vmem_shared>> -> memref<16x2432xf32, #tpu.memory_space<vmem_shared>>
        %dma_start3A_699 = arith.constant 80256 : i32
        %dma_start3A_700 = tpu.memref_slice %arg2[%select_n3A, %mul3A_489, %dma_start3A_699] : memref<26x32x100000xf32, #tpu.memory_space<hbm>> -> memref<1x16x2432xf32, #tpu.memory_space<hbm>>
        %dma_start3A_701 = tpu.memref_squeeze %dma_start3A_700 : memref<1x16x2432xf32, #tpu.memory_space<hbm>> -> memref<16x2432xf32, #tpu.memory_space<hbm>>
        tpu.enqueue_dma source(%dma_start3A_701 : memref<16x2432xf32, #tpu.memory_space<hbm>>) target(%dma_start3A_698 : memref<16x2432xf32, #tpu.memory_space<vmem_shared>>) target_semaphore(%arg16 : memref<!tpu.dma_semaphore, #tpu.memory_space<semaphore_mem>>)
      } else {
      }
      "tpu.region"() ({
        %run_scoped3A = tpu.sem_alloc : memref<!tpu.dma_semaphore, #tpu.memory_space<semaphore_mem>>
        %dma_start3A = arith.constant 68096 : i32
        %dma_start3A_697 = tpu.memref_slice %arg9[%dma_start3A] : memref<100000xf32, #tpu.memory_space<vmem>> -> memref<4864xf32, #tpu.memory_space<vmem>>
        %dma_start3A_698 = arith.constant 0 : i32
        %dma_start3A_699 = tpu.memref_slice %arg7[%arg1, %dma_start3A_698] : memref<16x4864xf32, #tpu.memory_space<vmem_shared>> -> memref<1x4864xf32, #tpu.memory_space<vmem_shared>>
        %dma_start3A_700 = tpu.memref_squeeze %dma_start3A_699 : memref<1x4864xf32, #tpu.memory_space<vmem_shared>> -> memref<4864xf32, #tpu.memory_space<vmem_shared>>
        %dma_start3A_701 = arith.constant 68096 : i32
        %dma_start3A_702 = tpu.memref_slice %arg9[%dma_start3A_701] : memref<100000xf32, #tpu.memory_space<vmem>> -> memref<4864xf32, #tpu.memory_space<vmem>>
        %dma_start3A_703 = arith.constant 0 : i32
        %dma_start3A_704 = tpu.memref_slice %arg7[%arg1, %dma_start3A_703] : memref<16x4864xf32, #tpu.memory_space<vmem_shared>> -> memref<1x4864xf32, #tpu.memory_space<vmem_shared>>
        %dma_start3A_705 = tpu.memref_squeeze %dma_start3A_704 : memref<1x4864xf32, #tpu.memory_space<vmem_shared>> -> memref<4864xf32, #tpu.memory_space<vmem_shared>>
        tpu.enqueue_dma source(%dma_start3A_705 : memref<4864xf32, #tpu.memory_space<vmem_shared>>) target(%dma_start3A_702 : memref<4864xf32, #tpu.memory_space<vmem>>) target_semaphore(%run_scoped3A : memref<!tpu.dma_semaphore, #tpu.memory_space<semaphore_mem>>)
        %dma_wait3A = arith.constant 68096 : i32
        %dma_wait3A_706 = tpu.memref_slice %arg9[%dma_wait3A] : memref<100000xf32, #tpu.memory_space<vmem>> -> memref<4864xf32, #tpu.memory_space<vmem>>
        %dma_wait3A_707 = arith.constant 0 : i32
        %dma_wait3A_708 = tpu.memref_slice %arg7[%arg1, %dma_wait3A_707] : memref<16x4864xf32, #tpu.memory_space<vmem_shared>> -> memref<1x4864xf32, #tpu.memory_space<vmem_shared>>
        %dma_wait3A_709 = tpu.memref_squeeze %dma_wait3A_708 : memref<1x4864xf32, #tpu.memory_space<vmem_shared>> -> memref<4864xf32, #tpu.memory_space<vmem_shared>>
        %dma_wait3A_710 = arith.constant 68096 : i32
        %dma_wait3A_711 = tpu.memref_slice %arg9[%dma_wait3A_710] : memref<100000xf32, #tpu.memory_space<vmem>> -> memref<4864xf32, #tpu.memory_space<vmem>>
        %dma_wait3A_712 = arith.constant 0 : i32
        %dma_wait3A_713 = tpu.memref_slice %arg7[%arg1, %dma_wait3A_712] : memref<16x4864xf32, #tpu.memory_space<vmem_shared>> -> memref<1x4864xf32, #tpu.memory_space<vmem_shared>>
        %dma_wait3A_714 = tpu.memref_squeeze %dma_wait3A_713 : memref<1x4864xf32, #tpu.memory_space<vmem_shared>> -> memref<4864xf32, #tpu.memory_space<vmem_shared>>
        tpu.wait_dma2 semaphore(%run_scoped3A : memref<!tpu.dma_semaphore, #tpu.memory_space<semaphore_mem>>) src(%dma_wait3A_714 : memref<4864xf32, #tpu.memory_space<vmem_shared>>) dst(%dma_wait3A_711 : memref<4864xf32, #tpu.memory_space<vmem>>)
        tpu.yield
      }) : () -> ()
      %mul3A_500 = arith.constant 16 : i32
      %mul3A_501 = arith.muli %select_n3A_39, %mul3A_500 : i32
      %mul3A_502 = arith.constant 16 : i32
      %mul3A_503 = arith.muli %select_n3A_39, %mul3A_502 : i32
      %eq3A_504 = arith.constant 0 : i32
      %eq3A_505 = arith.cmpi eq, %arg1, %eq3A_504 : i32
      %convert_element_type3A_506 = arith.extui %eq3A_505 : i1 to i32
      %cond3A_507 = arith.constant 0 : i32
      %cond3A_508 = arith.cmpi ne, %convert_element_type3A_506, %cond3A_507 : i32
      scf.if %cond3A_508 {
        %dma_wait3A = arith.constant 0 : i32
        %dma_wait3A_697 = arith.constant 0 : i32
        %dma_wait3A_698 = tpu.memref_slice %arg5[%dma_wait3A, %dma_wait3A_697] : memref<16x4864xf32, #tpu.memory_space<vmem_shared>> -> memref<16x2432xf32, #tpu.memory_space<vmem_shared>>
        %dma_wait3A_699 = arith.constant 72960 : i32
        %dma_wait3A_700 = tpu.memref_slice %arg2[%select_n3A, %mul3A_501, %dma_wait3A_699] : memref<26x32x100000xf32, #tpu.memory_space<hbm>> -> memref<1x16x2432xf32, #tpu.memory_space<hbm>>
        %dma_wait3A_701 = tpu.memref_squeeze %dma_wait3A_700 : memref<1x16x2432xf32, #tpu.memory_space<hbm>> -> memref<16x2432xf32, #tpu.memory_space<hbm>>
        tpu.wait_dma2 semaphore(%arg13 : memref<!tpu.dma_semaphore, #tpu.memory_space<semaphore_mem>>) src(%dma_wait3A_701 : memref<16x2432xf32, #tpu.memory_space<hbm>>) dst(%dma_wait3A_698 : memref<16x2432xf32, #tpu.memory_space<vmem_shared>>)
      } else {
      }
      %eq3A_509 = arith.constant 1 : i32
      %eq3A_510 = arith.cmpi eq, %arg1, %eq3A_509 : i32
      %convert_element_type3A_511 = arith.extui %eq3A_510 : i1 to i32
      %cond3A_512 = arith.constant 0 : i32
      %cond3A_513 = arith.cmpi ne, %convert_element_type3A_511, %cond3A_512 : i32
      scf.if %cond3A_513 {
        %dma_wait3A = arith.constant 0 : i32
        %dma_wait3A_697 = arith.constant 2432 : i32
        %dma_wait3A_698 = tpu.memref_slice %arg5[%dma_wait3A, %dma_wait3A_697] : memref<16x4864xf32, #tpu.memory_space<vmem_shared>> -> memref<16x2432xf32, #tpu.memory_space<vmem_shared>>
        %dma_wait3A_699 = arith.constant 75392 : i32
        %dma_wait3A_700 = tpu.memref_slice %arg2[%select_n3A, %mul3A_503, %dma_wait3A_699] : memref<26x32x100000xf32, #tpu.memory_space<hbm>> -> memref<1x16x2432xf32, #tpu.memory_space<hbm>>
        %dma_wait3A_701 = tpu.memref_squeeze %dma_wait3A_700 : memref<1x16x2432xf32, #tpu.memory_space<hbm>> -> memref<16x2432xf32, #tpu.memory_space<hbm>>
        tpu.wait_dma2 semaphore(%arg14 : memref<!tpu.dma_semaphore, #tpu.memory_space<semaphore_mem>>) src(%dma_wait3A_701 : memref<16x2432xf32, #tpu.memory_space<hbm>>) dst(%dma_wait3A_698 : memref<16x2432xf32, #tpu.memory_space<vmem_shared>>)
      } else {
      }
      %barrier3A_514 = arith.constant 0 : index
      tpu.barrier barrier_id(%barrier3A_514)
      %mul3A_515 = arith.constant 16 : i32
      %mul3A_516 = arith.muli %select_n3A_39, %mul3A_515 : i32
      %mul3A_517 = arith.constant 16 : i32
      %mul3A_518 = arith.muli %select_n3A_39, %mul3A_517 : i32
      %eq3A_519 = arith.constant 0 : i32
      %eq3A_520 = arith.cmpi eq, %arg1, %eq3A_519 : i32
      %convert_element_type3A_521 = arith.extui %eq3A_520 : i1 to i32
      %cond3A_522 = arith.constant 0 : i32
      %cond3A_523 = arith.cmpi ne, %convert_element_type3A_521, %cond3A_522 : i32
      scf.if %cond3A_523 {
        %dma_start3A = arith.constant 0 : i32
        %dma_start3A_697 = arith.constant 0 : i32
        %dma_start3A_698 = tpu.memref_slice %arg7[%dma_start3A, %dma_start3A_697] : memref<16x4864xf32, #tpu.memory_space<vmem_shared>> -> memref<16x2432xf32, #tpu.memory_space<vmem_shared>>
        %dma_start3A_699 = arith.constant 82688 : i32
        %dma_start3A_700 = tpu.memref_slice %arg2[%select_n3A, %mul3A_516, %dma_start3A_699] : memref<26x32x100000xf32, #tpu.memory_space<hbm>> -> memref<1x16x2432xf32, #tpu.memory_space<hbm>>
        %dma_start3A_701 = tpu.memref_squeeze %dma_start3A_700 : memref<1x16x2432xf32, #tpu.memory_space<hbm>> -> memref<16x2432xf32, #tpu.memory_space<hbm>>
        tpu.enqueue_dma source(%dma_start3A_701 : memref<16x2432xf32, #tpu.memory_space<hbm>>) target(%dma_start3A_698 : memref<16x2432xf32, #tpu.memory_space<vmem_shared>>) target_semaphore(%arg17 : memref<!tpu.dma_semaphore, #tpu.memory_space<semaphore_mem>>)
      } else {
      }
      %eq3A_524 = arith.constant 1 : i32
      %eq3A_525 = arith.cmpi eq, %arg1, %eq3A_524 : i32
      %convert_element_type3A_526 = arith.extui %eq3A_525 : i1 to i32
      %cond3A_527 = arith.constant 0 : i32
      %cond3A_528 = arith.cmpi ne, %convert_element_type3A_526, %cond3A_527 : i32
      scf.if %cond3A_528 {
        %dma_start3A = arith.constant 0 : i32
        %dma_start3A_697 = arith.constant 2432 : i32
        %dma_start3A_698 = tpu.memref_slice %arg7[%dma_start3A, %dma_start3A_697] : memref<16x4864xf32, #tpu.memory_space<vmem_shared>> -> memref<16x2432xf32, #tpu.memory_space<vmem_shared>>
        %dma_start3A_699 = arith.constant 85120 : i32
        %dma_start3A_700 = tpu.memref_slice %arg2[%select_n3A, %mul3A_518, %dma_start3A_699] : memref<26x32x100000xf32, #tpu.memory_space<hbm>> -> memref<1x16x2432xf32, #tpu.memory_space<hbm>>
        %dma_start3A_701 = tpu.memref_squeeze %dma_start3A_700 : memref<1x16x2432xf32, #tpu.memory_space<hbm>> -> memref<16x2432xf32, #tpu.memory_space<hbm>>
        tpu.enqueue_dma source(%dma_start3A_701 : memref<16x2432xf32, #tpu.memory_space<hbm>>) target(%dma_start3A_698 : memref<16x2432xf32, #tpu.memory_space<vmem_shared>>) target_semaphore(%arg18 : memref<!tpu.dma_semaphore, #tpu.memory_space<semaphore_mem>>)
      } else {
      }
      "tpu.region"() ({
        %run_scoped3A = tpu.sem_alloc : memref<!tpu.dma_semaphore, #tpu.memory_space<semaphore_mem>>
        %dma_start3A = arith.constant 72960 : i32
        %dma_start3A_697 = tpu.memref_slice %arg9[%dma_start3A] : memref<100000xf32, #tpu.memory_space<vmem>> -> memref<4864xf32, #tpu.memory_space<vmem>>
        %dma_start3A_698 = arith.constant 0 : i32
        %dma_start3A_699 = tpu.memref_slice %arg5[%arg1, %dma_start3A_698] : memref<16x4864xf32, #tpu.memory_space<vmem_shared>> -> memref<1x4864xf32, #tpu.memory_space<vmem_shared>>
        %dma_start3A_700 = tpu.memref_squeeze %dma_start3A_699 : memref<1x4864xf32, #tpu.memory_space<vmem_shared>> -> memref<4864xf32, #tpu.memory_space<vmem_shared>>
        %dma_start3A_701 = arith.constant 72960 : i32
        %dma_start3A_702 = tpu.memref_slice %arg9[%dma_start3A_701] : memref<100000xf32, #tpu.memory_space<vmem>> -> memref<4864xf32, #tpu.memory_space<vmem>>
        %dma_start3A_703 = arith.constant 0 : i32
        %dma_start3A_704 = tpu.memref_slice %arg5[%arg1, %dma_start3A_703] : memref<16x4864xf32, #tpu.memory_space<vmem_shared>> -> memref<1x4864xf32, #tpu.memory_space<vmem_shared>>
        %dma_start3A_705 = tpu.memref_squeeze %dma_start3A_704 : memref<1x4864xf32, #tpu.memory_space<vmem_shared>> -> memref<4864xf32, #tpu.memory_space<vmem_shared>>
        tpu.enqueue_dma source(%dma_start3A_705 : memref<4864xf32, #tpu.memory_space<vmem_shared>>) target(%dma_start3A_702 : memref<4864xf32, #tpu.memory_space<vmem>>) target_semaphore(%run_scoped3A : memref<!tpu.dma_semaphore, #tpu.memory_space<semaphore_mem>>)
        %dma_wait3A = arith.constant 72960 : i32
        %dma_wait3A_706 = tpu.memref_slice %arg9[%dma_wait3A] : memref<100000xf32, #tpu.memory_space<vmem>> -> memref<4864xf32, #tpu.memory_space<vmem>>
        %dma_wait3A_707 = arith.constant 0 : i32
        %dma_wait3A_708 = tpu.memref_slice %arg5[%arg1, %dma_wait3A_707] : memref<16x4864xf32, #tpu.memory_space<vmem_shared>> -> memref<1x4864xf32, #tpu.memory_space<vmem_shared>>
        %dma_wait3A_709 = tpu.memref_squeeze %dma_wait3A_708 : memref<1x4864xf32, #tpu.memory_space<vmem_shared>> -> memref<4864xf32, #tpu.memory_space<vmem_shared>>
        %dma_wait3A_710 = arith.constant 72960 : i32
        %dma_wait3A_711 = tpu.memref_slice %arg9[%dma_wait3A_710] : memref<100000xf32, #tpu.memory_space<vmem>> -> memref<4864xf32, #tpu.memory_space<vmem>>
        %dma_wait3A_712 = arith.constant 0 : i32
        %dma_wait3A_713 = tpu.memref_slice %arg5[%arg1, %dma_wait3A_712] : memref<16x4864xf32, #tpu.memory_space<vmem_shared>> -> memref<1x4864xf32, #tpu.memory_space<vmem_shared>>
        %dma_wait3A_714 = tpu.memref_squeeze %dma_wait3A_713 : memref<1x4864xf32, #tpu.memory_space<vmem_shared>> -> memref<4864xf32, #tpu.memory_space<vmem_shared>>
        tpu.wait_dma2 semaphore(%run_scoped3A : memref<!tpu.dma_semaphore, #tpu.memory_space<semaphore_mem>>) src(%dma_wait3A_714 : memref<4864xf32, #tpu.memory_space<vmem_shared>>) dst(%dma_wait3A_711 : memref<4864xf32, #tpu.memory_space<vmem>>)
        tpu.yield
      }) : () -> ()
      %mul3A_529 = arith.constant 16 : i32
      %mul3A_530 = arith.muli %select_n3A_39, %mul3A_529 : i32
      %mul3A_531 = arith.constant 16 : i32
      %mul3A_532 = arith.muli %select_n3A_39, %mul3A_531 : i32
      %eq3A_533 = arith.constant 0 : i32
      %eq3A_534 = arith.cmpi eq, %arg1, %eq3A_533 : i32
      %convert_element_type3A_535 = arith.extui %eq3A_534 : i1 to i32
      %cond3A_536 = arith.constant 0 : i32
      %cond3A_537 = arith.cmpi ne, %convert_element_type3A_535, %cond3A_536 : i32
      scf.if %cond3A_537 {
        %dma_wait3A = arith.constant 0 : i32
        %dma_wait3A_697 = arith.constant 0 : i32
        %dma_wait3A_698 = tpu.memref_slice %arg6[%dma_wait3A, %dma_wait3A_697] : memref<16x4864xf32, #tpu.memory_space<vmem_shared>> -> memref<16x2432xf32, #tpu.memory_space<vmem_shared>>
        %dma_wait3A_699 = arith.constant 77824 : i32
        %dma_wait3A_700 = tpu.memref_slice %arg2[%select_n3A, %mul3A_530, %dma_wait3A_699] : memref<26x32x100000xf32, #tpu.memory_space<hbm>> -> memref<1x16x2432xf32, #tpu.memory_space<hbm>>
        %dma_wait3A_701 = tpu.memref_squeeze %dma_wait3A_700 : memref<1x16x2432xf32, #tpu.memory_space<hbm>> -> memref<16x2432xf32, #tpu.memory_space<hbm>>
        tpu.wait_dma2 semaphore(%arg15 : memref<!tpu.dma_semaphore, #tpu.memory_space<semaphore_mem>>) src(%dma_wait3A_701 : memref<16x2432xf32, #tpu.memory_space<hbm>>) dst(%dma_wait3A_698 : memref<16x2432xf32, #tpu.memory_space<vmem_shared>>)
      } else {
      }
      %eq3A_538 = arith.constant 1 : i32
      %eq3A_539 = arith.cmpi eq, %arg1, %eq3A_538 : i32
      %convert_element_type3A_540 = arith.extui %eq3A_539 : i1 to i32
      %cond3A_541 = arith.constant 0 : i32
      %cond3A_542 = arith.cmpi ne, %convert_element_type3A_540, %cond3A_541 : i32
      scf.if %cond3A_542 {
        %dma_wait3A = arith.constant 0 : i32
        %dma_wait3A_697 = arith.constant 2432 : i32
        %dma_wait3A_698 = tpu.memref_slice %arg6[%dma_wait3A, %dma_wait3A_697] : memref<16x4864xf32, #tpu.memory_space<vmem_shared>> -> memref<16x2432xf32, #tpu.memory_space<vmem_shared>>
        %dma_wait3A_699 = arith.constant 80256 : i32
        %dma_wait3A_700 = tpu.memref_slice %arg2[%select_n3A, %mul3A_532, %dma_wait3A_699] : memref<26x32x100000xf32, #tpu.memory_space<hbm>> -> memref<1x16x2432xf32, #tpu.memory_space<hbm>>
        %dma_wait3A_701 = tpu.memref_squeeze %dma_wait3A_700 : memref<1x16x2432xf32, #tpu.memory_space<hbm>> -> memref<16x2432xf32, #tpu.memory_space<hbm>>
        tpu.wait_dma2 semaphore(%arg16 : memref<!tpu.dma_semaphore, #tpu.memory_space<semaphore_mem>>) src(%dma_wait3A_701 : memref<16x2432xf32, #tpu.memory_space<hbm>>) dst(%dma_wait3A_698 : memref<16x2432xf32, #tpu.memory_space<vmem_shared>>)
      } else {
      }
      %barrier3A_543 = arith.constant 0 : index
      tpu.barrier barrier_id(%barrier3A_543)
      %mul3A_544 = arith.constant 16 : i32
      %mul3A_545 = arith.muli %select_n3A_39, %mul3A_544 : i32
      %mul3A_546 = arith.constant 16 : i32
      %mul3A_547 = arith.muli %select_n3A_39, %mul3A_546 : i32
      %eq3A_548 = arith.constant 0 : i32
      %eq3A_549 = arith.cmpi eq, %arg1, %eq3A_548 : i32
      %convert_element_type3A_550 = arith.extui %eq3A_549 : i1 to i32
      %cond3A_551 = arith.constant 0 : i32
      %cond3A_552 = arith.cmpi ne, %convert_element_type3A_550, %cond3A_551 : i32
      scf.if %cond3A_552 {
        %dma_start3A = arith.constant 0 : i32
        %dma_start3A_697 = arith.constant 0 : i32
        %dma_start3A_698 = tpu.memref_slice %arg5[%dma_start3A, %dma_start3A_697] : memref<16x4864xf32, #tpu.memory_space<vmem_shared>> -> memref<16x2432xf32, #tpu.memory_space<vmem_shared>>
        %dma_start3A_699 = arith.constant 87552 : i32
        %dma_start3A_700 = tpu.memref_slice %arg2[%select_n3A, %mul3A_545, %dma_start3A_699] : memref<26x32x100000xf32, #tpu.memory_space<hbm>> -> memref<1x16x2432xf32, #tpu.memory_space<hbm>>
        %dma_start3A_701 = tpu.memref_squeeze %dma_start3A_700 : memref<1x16x2432xf32, #tpu.memory_space<hbm>> -> memref<16x2432xf32, #tpu.memory_space<hbm>>
        tpu.enqueue_dma source(%dma_start3A_701 : memref<16x2432xf32, #tpu.memory_space<hbm>>) target(%dma_start3A_698 : memref<16x2432xf32, #tpu.memory_space<vmem_shared>>) target_semaphore(%arg13 : memref<!tpu.dma_semaphore, #tpu.memory_space<semaphore_mem>>)
      } else {
      }
      %eq3A_553 = arith.constant 1 : i32
      %eq3A_554 = arith.cmpi eq, %arg1, %eq3A_553 : i32
      %convert_element_type3A_555 = arith.extui %eq3A_554 : i1 to i32
      %cond3A_556 = arith.constant 0 : i32
      %cond3A_557 = arith.cmpi ne, %convert_element_type3A_555, %cond3A_556 : i32
      scf.if %cond3A_557 {
        %dma_start3A = arith.constant 0 : i32
        %dma_start3A_697 = arith.constant 2432 : i32
        %dma_start3A_698 = tpu.memref_slice %arg5[%dma_start3A, %dma_start3A_697] : memref<16x4864xf32, #tpu.memory_space<vmem_shared>> -> memref<16x2432xf32, #tpu.memory_space<vmem_shared>>
        %dma_start3A_699 = arith.constant 89984 : i32
        %dma_start3A_700 = tpu.memref_slice %arg2[%select_n3A, %mul3A_547, %dma_start3A_699] : memref<26x32x100000xf32, #tpu.memory_space<hbm>> -> memref<1x16x2432xf32, #tpu.memory_space<hbm>>
        %dma_start3A_701 = tpu.memref_squeeze %dma_start3A_700 : memref<1x16x2432xf32, #tpu.memory_space<hbm>> -> memref<16x2432xf32, #tpu.memory_space<hbm>>
        tpu.enqueue_dma source(%dma_start3A_701 : memref<16x2432xf32, #tpu.memory_space<hbm>>) target(%dma_start3A_698 : memref<16x2432xf32, #tpu.memory_space<vmem_shared>>) target_semaphore(%arg14 : memref<!tpu.dma_semaphore, #tpu.memory_space<semaphore_mem>>)
      } else {
      }
      "tpu.region"() ({
        %run_scoped3A = tpu.sem_alloc : memref<!tpu.dma_semaphore, #tpu.memory_space<semaphore_mem>>
        %dma_start3A = arith.constant 77824 : i32
        %dma_start3A_697 = tpu.memref_slice %arg9[%dma_start3A] : memref<100000xf32, #tpu.memory_space<vmem>> -> memref<4864xf32, #tpu.memory_space<vmem>>
        %dma_start3A_698 = arith.constant 0 : i32
        %dma_start3A_699 = tpu.memref_slice %arg6[%arg1, %dma_start3A_698] : memref<16x4864xf32, #tpu.memory_space<vmem_shared>> -> memref<1x4864xf32, #tpu.memory_space<vmem_shared>>
        %dma_start3A_700 = tpu.memref_squeeze %dma_start3A_699 : memref<1x4864xf32, #tpu.memory_space<vmem_shared>> -> memref<4864xf32, #tpu.memory_space<vmem_shared>>
        %dma_start3A_701 = arith.constant 77824 : i32
        %dma_start3A_702 = tpu.memref_slice %arg9[%dma_start3A_701] : memref<100000xf32, #tpu.memory_space<vmem>> -> memref<4864xf32, #tpu.memory_space<vmem>>
        %dma_start3A_703 = arith.constant 0 : i32
        %dma_start3A_704 = tpu.memref_slice %arg6[%arg1, %dma_start3A_703] : memref<16x4864xf32, #tpu.memory_space<vmem_shared>> -> memref<1x4864xf32, #tpu.memory_space<vmem_shared>>
        %dma_start3A_705 = tpu.memref_squeeze %dma_start3A_704 : memref<1x4864xf32, #tpu.memory_space<vmem_shared>> -> memref<4864xf32, #tpu.memory_space<vmem_shared>>
        tpu.enqueue_dma source(%dma_start3A_705 : memref<4864xf32, #tpu.memory_space<vmem_shared>>) target(%dma_start3A_702 : memref<4864xf32, #tpu.memory_space<vmem>>) target_semaphore(%run_scoped3A : memref<!tpu.dma_semaphore, #tpu.memory_space<semaphore_mem>>)
        %dma_wait3A = arith.constant 77824 : i32
        %dma_wait3A_706 = tpu.memref_slice %arg9[%dma_wait3A] : memref<100000xf32, #tpu.memory_space<vmem>> -> memref<4864xf32, #tpu.memory_space<vmem>>
        %dma_wait3A_707 = arith.constant 0 : i32
        %dma_wait3A_708 = tpu.memref_slice %arg6[%arg1, %dma_wait3A_707] : memref<16x4864xf32, #tpu.memory_space<vmem_shared>> -> memref<1x4864xf32, #tpu.memory_space<vmem_shared>>
        %dma_wait3A_709 = tpu.memref_squeeze %dma_wait3A_708 : memref<1x4864xf32, #tpu.memory_space<vmem_shared>> -> memref<4864xf32, #tpu.memory_space<vmem_shared>>
        %dma_wait3A_710 = arith.constant 77824 : i32
        %dma_wait3A_711 = tpu.memref_slice %arg9[%dma_wait3A_710] : memref<100000xf32, #tpu.memory_space<vmem>> -> memref<4864xf32, #tpu.memory_space<vmem>>
        %dma_wait3A_712 = arith.constant 0 : i32
        %dma_wait3A_713 = tpu.memref_slice %arg6[%arg1, %dma_wait3A_712] : memref<16x4864xf32, #tpu.memory_space<vmem_shared>> -> memref<1x4864xf32, #tpu.memory_space<vmem_shared>>
        %dma_wait3A_714 = tpu.memref_squeeze %dma_wait3A_713 : memref<1x4864xf32, #tpu.memory_space<vmem_shared>> -> memref<4864xf32, #tpu.memory_space<vmem_shared>>
        tpu.wait_dma2 semaphore(%run_scoped3A : memref<!tpu.dma_semaphore, #tpu.memory_space<semaphore_mem>>) src(%dma_wait3A_714 : memref<4864xf32, #tpu.memory_space<vmem_shared>>) dst(%dma_wait3A_711 : memref<4864xf32, #tpu.memory_space<vmem>>)
        tpu.yield
      }) : () -> ()
      %mul3A_558 = arith.constant 16 : i32
      %mul3A_559 = arith.muli %select_n3A_39, %mul3A_558 : i32
      %mul3A_560 = arith.constant 16 : i32
      %mul3A_561 = arith.muli %select_n3A_39, %mul3A_560 : i32
      %eq3A_562 = arith.constant 0 : i32
      %eq3A_563 = arith.cmpi eq, %arg1, %eq3A_562 : i32
      %convert_element_type3A_564 = arith.extui %eq3A_563 : i1 to i32
      %cond3A_565 = arith.constant 0 : i32
      %cond3A_566 = arith.cmpi ne, %convert_element_type3A_564, %cond3A_565 : i32
      scf.if %cond3A_566 {
        %dma_wait3A = arith.constant 0 : i32
        %dma_wait3A_697 = arith.constant 0 : i32
        %dma_wait3A_698 = tpu.memref_slice %arg7[%dma_wait3A, %dma_wait3A_697] : memref<16x4864xf32, #tpu.memory_space<vmem_shared>> -> memref<16x2432xf32, #tpu.memory_space<vmem_shared>>
        %dma_wait3A_699 = arith.constant 82688 : i32
        %dma_wait3A_700 = tpu.memref_slice %arg2[%select_n3A, %mul3A_559, %dma_wait3A_699] : memref<26x32x100000xf32, #tpu.memory_space<hbm>> -> memref<1x16x2432xf32, #tpu.memory_space<hbm>>
        %dma_wait3A_701 = tpu.memref_squeeze %dma_wait3A_700 : memref<1x16x2432xf32, #tpu.memory_space<hbm>> -> memref<16x2432xf32, #tpu.memory_space<hbm>>
        tpu.wait_dma2 semaphore(%arg17 : memref<!tpu.dma_semaphore, #tpu.memory_space<semaphore_mem>>) src(%dma_wait3A_701 : memref<16x2432xf32, #tpu.memory_space<hbm>>) dst(%dma_wait3A_698 : memref<16x2432xf32, #tpu.memory_space<vmem_shared>>)
      } else {
      }
      %eq3A_567 = arith.constant 1 : i32
      %eq3A_568 = arith.cmpi eq, %arg1, %eq3A_567 : i32
      %convert_element_type3A_569 = arith.extui %eq3A_568 : i1 to i32
      %cond3A_570 = arith.constant 0 : i32
      %cond3A_571 = arith.cmpi ne, %convert_element_type3A_569, %cond3A_570 : i32
      scf.if %cond3A_571 {
        %dma_wait3A = arith.constant 0 : i32
        %dma_wait3A_697 = arith.constant 2432 : i32
        %dma_wait3A_698 = tpu.memref_slice %arg7[%dma_wait3A, %dma_wait3A_697] : memref<16x4864xf32, #tpu.memory_space<vmem_shared>> -> memref<16x2432xf32, #tpu.memory_space<vmem_shared>>
        %dma_wait3A_699 = arith.constant 85120 : i32
        %dma_wait3A_700 = tpu.memref_slice %arg2[%select_n3A, %mul3A_561, %dma_wait3A_699] : memref<26x32x100000xf32, #tpu.memory_space<hbm>> -> memref<1x16x2432xf32, #tpu.memory_space<hbm>>
        %dma_wait3A_701 = tpu.memref_squeeze %dma_wait3A_700 : memref<1x16x2432xf32, #tpu.memory_space<hbm>> -> memref<16x2432xf32, #tpu.memory_space<hbm>>
        tpu.wait_dma2 semaphore(%arg18 : memref<!tpu.dma_semaphore, #tpu.memory_space<semaphore_mem>>) src(%dma_wait3A_701 : memref<16x2432xf32, #tpu.memory_space<hbm>>) dst(%dma_wait3A_698 : memref<16x2432xf32, #tpu.memory_space<vmem_shared>>)
      } else {
      }
      %barrier3A_572 = arith.constant 0 : index
      tpu.barrier barrier_id(%barrier3A_572)
      %mul3A_573 = arith.constant 16 : i32
      %mul3A_574 = arith.muli %select_n3A_39, %mul3A_573 : i32
      %mul3A_575 = arith.constant 16 : i32
      %mul3A_576 = arith.muli %select_n3A_39, %mul3A_575 : i32
      %eq3A_577 = arith.constant 0 : i32
      %eq3A_578 = arith.cmpi eq, %arg1, %eq3A_577 : i32
      %convert_element_type3A_579 = arith.extui %eq3A_578 : i1 to i32
      %cond3A_580 = arith.constant 0 : i32
      %cond3A_581 = arith.cmpi ne, %convert_element_type3A_579, %cond3A_580 : i32
      scf.if %cond3A_581 {
        %dma_start3A = arith.constant 0 : i32
        %dma_start3A_697 = arith.constant 0 : i32
        %dma_start3A_698 = tpu.memref_slice %arg6[%dma_start3A, %dma_start3A_697] : memref<16x4864xf32, #tpu.memory_space<vmem_shared>> -> memref<16x2432xf32, #tpu.memory_space<vmem_shared>>
        %dma_start3A_699 = arith.constant 92416 : i32
        %dma_start3A_700 = tpu.memref_slice %arg2[%select_n3A, %mul3A_574, %dma_start3A_699] : memref<26x32x100000xf32, #tpu.memory_space<hbm>> -> memref<1x16x2432xf32, #tpu.memory_space<hbm>>
        %dma_start3A_701 = tpu.memref_squeeze %dma_start3A_700 : memref<1x16x2432xf32, #tpu.memory_space<hbm>> -> memref<16x2432xf32, #tpu.memory_space<hbm>>
        tpu.enqueue_dma source(%dma_start3A_701 : memref<16x2432xf32, #tpu.memory_space<hbm>>) target(%dma_start3A_698 : memref<16x2432xf32, #tpu.memory_space<vmem_shared>>) target_semaphore(%arg15 : memref<!tpu.dma_semaphore, #tpu.memory_space<semaphore_mem>>)
      } else {
      }
      %eq3A_582 = arith.constant 1 : i32
      %eq3A_583 = arith.cmpi eq, %arg1, %eq3A_582 : i32
      %convert_element_type3A_584 = arith.extui %eq3A_583 : i1 to i32
      %cond3A_585 = arith.constant 0 : i32
      %cond3A_586 = arith.cmpi ne, %convert_element_type3A_584, %cond3A_585 : i32
      scf.if %cond3A_586 {
        %dma_start3A = arith.constant 0 : i32
        %dma_start3A_697 = arith.constant 2432 : i32
        %dma_start3A_698 = tpu.memref_slice %arg6[%dma_start3A, %dma_start3A_697] : memref<16x4864xf32, #tpu.memory_space<vmem_shared>> -> memref<16x2432xf32, #tpu.memory_space<vmem_shared>>
        %dma_start3A_699 = arith.constant 94848 : i32
        %dma_start3A_700 = tpu.memref_slice %arg2[%select_n3A, %mul3A_576, %dma_start3A_699] : memref<26x32x100000xf32, #tpu.memory_space<hbm>> -> memref<1x16x2432xf32, #tpu.memory_space<hbm>>
        %dma_start3A_701 = tpu.memref_squeeze %dma_start3A_700 : memref<1x16x2432xf32, #tpu.memory_space<hbm>> -> memref<16x2432xf32, #tpu.memory_space<hbm>>
        tpu.enqueue_dma source(%dma_start3A_701 : memref<16x2432xf32, #tpu.memory_space<hbm>>) target(%dma_start3A_698 : memref<16x2432xf32, #tpu.memory_space<vmem_shared>>) target_semaphore(%arg16 : memref<!tpu.dma_semaphore, #tpu.memory_space<semaphore_mem>>)
      } else {
      }
      "tpu.region"() ({
        %run_scoped3A = tpu.sem_alloc : memref<!tpu.dma_semaphore, #tpu.memory_space<semaphore_mem>>
        %dma_start3A = arith.constant 82688 : i32
        %dma_start3A_697 = tpu.memref_slice %arg9[%dma_start3A] : memref<100000xf32, #tpu.memory_space<vmem>> -> memref<4864xf32, #tpu.memory_space<vmem>>
        %dma_start3A_698 = arith.constant 0 : i32
        %dma_start3A_699 = tpu.memref_slice %arg7[%arg1, %dma_start3A_698] : memref<16x4864xf32, #tpu.memory_space<vmem_shared>> -> memref<1x4864xf32, #tpu.memory_space<vmem_shared>>
        %dma_start3A_700 = tpu.memref_squeeze %dma_start3A_699 : memref<1x4864xf32, #tpu.memory_space<vmem_shared>> -> memref<4864xf32, #tpu.memory_space<vmem_shared>>
        %dma_start3A_701 = arith.constant 82688 : i32
        %dma_start3A_702 = tpu.memref_slice %arg9[%dma_start3A_701] : memref<100000xf32, #tpu.memory_space<vmem>> -> memref<4864xf32, #tpu.memory_space<vmem>>
        %dma_start3A_703 = arith.constant 0 : i32
        %dma_start3A_704 = tpu.memref_slice %arg7[%arg1, %dma_start3A_703] : memref<16x4864xf32, #tpu.memory_space<vmem_shared>> -> memref<1x4864xf32, #tpu.memory_space<vmem_shared>>
        %dma_start3A_705 = tpu.memref_squeeze %dma_start3A_704 : memref<1x4864xf32, #tpu.memory_space<vmem_shared>> -> memref<4864xf32, #tpu.memory_space<vmem_shared>>
        tpu.enqueue_dma source(%dma_start3A_705 : memref<4864xf32, #tpu.memory_space<vmem_shared>>) target(%dma_start3A_702 : memref<4864xf32, #tpu.memory_space<vmem>>) target_semaphore(%run_scoped3A : memref<!tpu.dma_semaphore, #tpu.memory_space<semaphore_mem>>)
        %dma_wait3A = arith.constant 82688 : i32
        %dma_wait3A_706 = tpu.memref_slice %arg9[%dma_wait3A] : memref<100000xf32, #tpu.memory_space<vmem>> -> memref<4864xf32, #tpu.memory_space<vmem>>
        %dma_wait3A_707 = arith.constant 0 : i32
        %dma_wait3A_708 = tpu.memref_slice %arg7[%arg1, %dma_wait3A_707] : memref<16x4864xf32, #tpu.memory_space<vmem_shared>> -> memref<1x4864xf32, #tpu.memory_space<vmem_shared>>
        %dma_wait3A_709 = tpu.memref_squeeze %dma_wait3A_708 : memref<1x4864xf32, #tpu.memory_space<vmem_shared>> -> memref<4864xf32, #tpu.memory_space<vmem_shared>>
        %dma_wait3A_710 = arith.constant 82688 : i32
        %dma_wait3A_711 = tpu.memref_slice %arg9[%dma_wait3A_710] : memref<100000xf32, #tpu.memory_space<vmem>> -> memref<4864xf32, #tpu.memory_space<vmem>>
        %dma_wait3A_712 = arith.constant 0 : i32
        %dma_wait3A_713 = tpu.memref_slice %arg7[%arg1, %dma_wait3A_712] : memref<16x4864xf32, #tpu.memory_space<vmem_shared>> -> memref<1x4864xf32, #tpu.memory_space<vmem_shared>>
        %dma_wait3A_714 = tpu.memref_squeeze %dma_wait3A_713 : memref<1x4864xf32, #tpu.memory_space<vmem_shared>> -> memref<4864xf32, #tpu.memory_space<vmem_shared>>
        tpu.wait_dma2 semaphore(%run_scoped3A : memref<!tpu.dma_semaphore, #tpu.memory_space<semaphore_mem>>) src(%dma_wait3A_714 : memref<4864xf32, #tpu.memory_space<vmem_shared>>) dst(%dma_wait3A_711 : memref<4864xf32, #tpu.memory_space<vmem>>)
        tpu.yield
      }) : () -> ()
      %mul3A_587 = arith.constant 16 : i32
      %mul3A_588 = arith.muli %select_n3A_39, %mul3A_587 : i32
      %mul3A_589 = arith.constant 16 : i32
      %mul3A_590 = arith.muli %select_n3A_39, %mul3A_589 : i32
      %eq3A_591 = arith.constant 0 : i32
      %eq3A_592 = arith.cmpi eq, %arg1, %eq3A_591 : i32
      %convert_element_type3A_593 = arith.extui %eq3A_592 : i1 to i32
      %cond3A_594 = arith.constant 0 : i32
      %cond3A_595 = arith.cmpi ne, %convert_element_type3A_593, %cond3A_594 : i32
      scf.if %cond3A_595 {
        %dma_wait3A = arith.constant 0 : i32
        %dma_wait3A_697 = arith.constant 0 : i32
        %dma_wait3A_698 = tpu.memref_slice %arg5[%dma_wait3A, %dma_wait3A_697] : memref<16x4864xf32, #tpu.memory_space<vmem_shared>> -> memref<16x2432xf32, #tpu.memory_space<vmem_shared>>
        %dma_wait3A_699 = arith.constant 87552 : i32
        %dma_wait3A_700 = tpu.memref_slice %arg2[%select_n3A, %mul3A_588, %dma_wait3A_699] : memref<26x32x100000xf32, #tpu.memory_space<hbm>> -> memref<1x16x2432xf32, #tpu.memory_space<hbm>>
        %dma_wait3A_701 = tpu.memref_squeeze %dma_wait3A_700 : memref<1x16x2432xf32, #tpu.memory_space<hbm>> -> memref<16x2432xf32, #tpu.memory_space<hbm>>
        tpu.wait_dma2 semaphore(%arg13 : memref<!tpu.dma_semaphore, #tpu.memory_space<semaphore_mem>>) src(%dma_wait3A_701 : memref<16x2432xf32, #tpu.memory_space<hbm>>) dst(%dma_wait3A_698 : memref<16x2432xf32, #tpu.memory_space<vmem_shared>>)
      } else {
      }
      %eq3A_596 = arith.constant 1 : i32
      %eq3A_597 = arith.cmpi eq, %arg1, %eq3A_596 : i32
      %convert_element_type3A_598 = arith.extui %eq3A_597 : i1 to i32
      %cond3A_599 = arith.constant 0 : i32
      %cond3A_600 = arith.cmpi ne, %convert_element_type3A_598, %cond3A_599 : i32
      scf.if %cond3A_600 {
        %dma_wait3A = arith.constant 0 : i32
        %dma_wait3A_697 = arith.constant 2432 : i32
        %dma_wait3A_698 = tpu.memref_slice %arg5[%dma_wait3A, %dma_wait3A_697] : memref<16x4864xf32, #tpu.memory_space<vmem_shared>> -> memref<16x2432xf32, #tpu.memory_space<vmem_shared>>
        %dma_wait3A_699 = arith.constant 89984 : i32
        %dma_wait3A_700 = tpu.memref_slice %arg2[%select_n3A, %mul3A_590, %dma_wait3A_699] : memref<26x32x100000xf32, #tpu.memory_space<hbm>> -> memref<1x16x2432xf32, #tpu.memory_space<hbm>>
        %dma_wait3A_701 = tpu.memref_squeeze %dma_wait3A_700 : memref<1x16x2432xf32, #tpu.memory_space<hbm>> -> memref<16x2432xf32, #tpu.memory_space<hbm>>
        tpu.wait_dma2 semaphore(%arg14 : memref<!tpu.dma_semaphore, #tpu.memory_space<semaphore_mem>>) src(%dma_wait3A_701 : memref<16x2432xf32, #tpu.memory_space<hbm>>) dst(%dma_wait3A_698 : memref<16x2432xf32, #tpu.memory_space<vmem_shared>>)
      } else {
      }
      %barrier3A_601 = arith.constant 0 : index
      tpu.barrier barrier_id(%barrier3A_601)
      %mul3A_602 = arith.constant 16 : i32
      %mul3A_603 = arith.muli %select_n3A_39, %mul3A_602 : i32
      %eq3A_604 = arith.constant 0 : i32
      %eq3A_605 = arith.cmpi eq, %arg1, %eq3A_604 : i32
      %convert_element_type3A_606 = arith.extui %eq3A_605 : i1 to i32
      %cond3A_607 = arith.constant 0 : i32
      %cond3A_608 = arith.cmpi ne, %convert_element_type3A_606, %cond3A_607 : i32
      scf.if %cond3A_608 {
        %dma_start3A = arith.constant 0 : i32
        %dma_start3A_697 = arith.constant 0 : i32
        %dma_start3A_698 = tpu.memref_slice %arg7[%dma_start3A, %dma_start3A_697] : memref<16x4864xf32, #tpu.memory_space<vmem_shared>> -> memref<16x2688xf32, #tpu.memory_space<vmem_shared>>
        %dma_start3A_699 = arith.constant 97280 : i32
        %dma_start3A_700 = tpu.memref_slice %arg2[%select_n3A, %mul3A_603, %dma_start3A_699] : memref<26x32x100000xf32, #tpu.memory_space<hbm>> -> memref<1x16x2688xf32, #tpu.memory_space<hbm>>
        %dma_start3A_701 = tpu.memref_squeeze %dma_start3A_700 : memref<1x16x2688xf32, #tpu.memory_space<hbm>> -> memref<16x2688xf32, #tpu.memory_space<hbm>>
        tpu.enqueue_dma source(%dma_start3A_701 : memref<16x2688xf32, #tpu.memory_space<hbm>>) target(%dma_start3A_698 : memref<16x2688xf32, #tpu.memory_space<vmem_shared>>) target_semaphore(%arg17 : memref<!tpu.dma_semaphore, #tpu.memory_space<semaphore_mem>>)
      } else {
      }
      "tpu.region"() ({
        %run_scoped3A = tpu.sem_alloc : memref<!tpu.dma_semaphore, #tpu.memory_space<semaphore_mem>>
        %dma_start3A = arith.constant 87552 : i32
        %dma_start3A_697 = tpu.memref_slice %arg9[%dma_start3A] : memref<100000xf32, #tpu.memory_space<vmem>> -> memref<4864xf32, #tpu.memory_space<vmem>>
        %dma_start3A_698 = arith.constant 0 : i32
        %dma_start3A_699 = tpu.memref_slice %arg5[%arg1, %dma_start3A_698] : memref<16x4864xf32, #tpu.memory_space<vmem_shared>> -> memref<1x4864xf32, #tpu.memory_space<vmem_shared>>
        %dma_start3A_700 = tpu.memref_squeeze %dma_start3A_699 : memref<1x4864xf32, #tpu.memory_space<vmem_shared>> -> memref<4864xf32, #tpu.memory_space<vmem_shared>>
        %dma_start3A_701 = arith.constant 87552 : i32
        %dma_start3A_702 = tpu.memref_slice %arg9[%dma_start3A_701] : memref<100000xf32, #tpu.memory_space<vmem>> -> memref<4864xf32, #tpu.memory_space<vmem>>
        %dma_start3A_703 = arith.constant 0 : i32
        %dma_start3A_704 = tpu.memref_slice %arg5[%arg1, %dma_start3A_703] : memref<16x4864xf32, #tpu.memory_space<vmem_shared>> -> memref<1x4864xf32, #tpu.memory_space<vmem_shared>>
        %dma_start3A_705 = tpu.memref_squeeze %dma_start3A_704 : memref<1x4864xf32, #tpu.memory_space<vmem_shared>> -> memref<4864xf32, #tpu.memory_space<vmem_shared>>
        tpu.enqueue_dma source(%dma_start3A_705 : memref<4864xf32, #tpu.memory_space<vmem_shared>>) target(%dma_start3A_702 : memref<4864xf32, #tpu.memory_space<vmem>>) target_semaphore(%run_scoped3A : memref<!tpu.dma_semaphore, #tpu.memory_space<semaphore_mem>>)
        %dma_wait3A = arith.constant 87552 : i32
        %dma_wait3A_706 = tpu.memref_slice %arg9[%dma_wait3A] : memref<100000xf32, #tpu.memory_space<vmem>> -> memref<4864xf32, #tpu.memory_space<vmem>>
        %dma_wait3A_707 = arith.constant 0 : i32
        %dma_wait3A_708 = tpu.memref_slice %arg5[%arg1, %dma_wait3A_707] : memref<16x4864xf32, #tpu.memory_space<vmem_shared>> -> memref<1x4864xf32, #tpu.memory_space<vmem_shared>>
        %dma_wait3A_709 = tpu.memref_squeeze %dma_wait3A_708 : memref<1x4864xf32, #tpu.memory_space<vmem_shared>> -> memref<4864xf32, #tpu.memory_space<vmem_shared>>
        %dma_wait3A_710 = arith.constant 87552 : i32
        %dma_wait3A_711 = tpu.memref_slice %arg9[%dma_wait3A_710] : memref<100000xf32, #tpu.memory_space<vmem>> -> memref<4864xf32, #tpu.memory_space<vmem>>
        %dma_wait3A_712 = arith.constant 0 : i32
        %dma_wait3A_713 = tpu.memref_slice %arg5[%arg1, %dma_wait3A_712] : memref<16x4864xf32, #tpu.memory_space<vmem_shared>> -> memref<1x4864xf32, #tpu.memory_space<vmem_shared>>
        %dma_wait3A_714 = tpu.memref_squeeze %dma_wait3A_713 : memref<1x4864xf32, #tpu.memory_space<vmem_shared>> -> memref<4864xf32, #tpu.memory_space<vmem_shared>>
        tpu.wait_dma2 semaphore(%run_scoped3A : memref<!tpu.dma_semaphore, #tpu.memory_space<semaphore_mem>>) src(%dma_wait3A_714 : memref<4864xf32, #tpu.memory_space<vmem_shared>>) dst(%dma_wait3A_711 : memref<4864xf32, #tpu.memory_space<vmem>>)
        tpu.yield
      }) : () -> ()
      %mul3A_609 = arith.constant 16 : i32
      %mul3A_610 = arith.muli %select_n3A_39, %mul3A_609 : i32
      %mul3A_611 = arith.constant 16 : i32
      %mul3A_612 = arith.muli %select_n3A_39, %mul3A_611 : i32
      %eq3A_613 = arith.constant 0 : i32
      %eq3A_614 = arith.cmpi eq, %arg1, %eq3A_613 : i32
      %convert_element_type3A_615 = arith.extui %eq3A_614 : i1 to i32
      %cond3A_616 = arith.constant 0 : i32
      %cond3A_617 = arith.cmpi ne, %convert_element_type3A_615, %cond3A_616 : i32
      scf.if %cond3A_617 {
        %dma_wait3A = arith.constant 0 : i32
        %dma_wait3A_697 = arith.constant 0 : i32
        %dma_wait3A_698 = tpu.memref_slice %arg6[%dma_wait3A, %dma_wait3A_697] : memref<16x4864xf32, #tpu.memory_space<vmem_shared>> -> memref<16x2432xf32, #tpu.memory_space<vmem_shared>>
        %dma_wait3A_699 = arith.constant 92416 : i32
        %dma_wait3A_700 = tpu.memref_slice %arg2[%select_n3A, %mul3A_610, %dma_wait3A_699] : memref<26x32x100000xf32, #tpu.memory_space<hbm>> -> memref<1x16x2432xf32, #tpu.memory_space<hbm>>
        %dma_wait3A_701 = tpu.memref_squeeze %dma_wait3A_700 : memref<1x16x2432xf32, #tpu.memory_space<hbm>> -> memref<16x2432xf32, #tpu.memory_space<hbm>>
        tpu.wait_dma2 semaphore(%arg15 : memref<!tpu.dma_semaphore, #tpu.memory_space<semaphore_mem>>) src(%dma_wait3A_701 : memref<16x2432xf32, #tpu.memory_space<hbm>>) dst(%dma_wait3A_698 : memref<16x2432xf32, #tpu.memory_space<vmem_shared>>)
      } else {
      }
      %eq3A_618 = arith.constant 1 : i32
      %eq3A_619 = arith.cmpi eq, %arg1, %eq3A_618 : i32
      %convert_element_type3A_620 = arith.extui %eq3A_619 : i1 to i32
      %cond3A_621 = arith.constant 0 : i32
      %cond3A_622 = arith.cmpi ne, %convert_element_type3A_620, %cond3A_621 : i32
      scf.if %cond3A_622 {
        %dma_wait3A = arith.constant 0 : i32
        %dma_wait3A_697 = arith.constant 2432 : i32
        %dma_wait3A_698 = tpu.memref_slice %arg6[%dma_wait3A, %dma_wait3A_697] : memref<16x4864xf32, #tpu.memory_space<vmem_shared>> -> memref<16x2432xf32, #tpu.memory_space<vmem_shared>>
        %dma_wait3A_699 = arith.constant 94848 : i32
        %dma_wait3A_700 = tpu.memref_slice %arg2[%select_n3A, %mul3A_612, %dma_wait3A_699] : memref<26x32x100000xf32, #tpu.memory_space<hbm>> -> memref<1x16x2432xf32, #tpu.memory_space<hbm>>
        %dma_wait3A_701 = tpu.memref_squeeze %dma_wait3A_700 : memref<1x16x2432xf32, #tpu.memory_space<hbm>> -> memref<16x2432xf32, #tpu.memory_space<hbm>>
        tpu.wait_dma2 semaphore(%arg16 : memref<!tpu.dma_semaphore, #tpu.memory_space<semaphore_mem>>) src(%dma_wait3A_701 : memref<16x2432xf32, #tpu.memory_space<hbm>>) dst(%dma_wait3A_698 : memref<16x2432xf32, #tpu.memory_space<vmem_shared>>)
      } else {
      }
      %barrier3A_623 = arith.constant 0 : index
      tpu.barrier barrier_id(%barrier3A_623)
      "tpu.region"() ({
        %run_scoped3A = tpu.sem_alloc : memref<!tpu.dma_semaphore, #tpu.memory_space<semaphore_mem>>
        %dma_start3A = arith.constant 92416 : i32
        %dma_start3A_697 = tpu.memref_slice %arg9[%dma_start3A] : memref<100000xf32, #tpu.memory_space<vmem>> -> memref<4864xf32, #tpu.memory_space<vmem>>
        %dma_start3A_698 = arith.constant 0 : i32
        %dma_start3A_699 = tpu.memref_slice %arg6[%arg1, %dma_start3A_698] : memref<16x4864xf32, #tpu.memory_space<vmem_shared>> -> memref<1x4864xf32, #tpu.memory_space<vmem_shared>>
        %dma_start3A_700 = tpu.memref_squeeze %dma_start3A_699 : memref<1x4864xf32, #tpu.memory_space<vmem_shared>> -> memref<4864xf32, #tpu.memory_space<vmem_shared>>
        %dma_start3A_701 = arith.constant 92416 : i32
        %dma_start3A_702 = tpu.memref_slice %arg9[%dma_start3A_701] : memref<100000xf32, #tpu.memory_space<vmem>> -> memref<4864xf32, #tpu.memory_space<vmem>>
        %dma_start3A_703 = arith.constant 0 : i32
        %dma_start3A_704 = tpu.memref_slice %arg6[%arg1, %dma_start3A_703] : memref<16x4864xf32, #tpu.memory_space<vmem_shared>> -> memref<1x4864xf32, #tpu.memory_space<vmem_shared>>
        %dma_start3A_705 = tpu.memref_squeeze %dma_start3A_704 : memref<1x4864xf32, #tpu.memory_space<vmem_shared>> -> memref<4864xf32, #tpu.memory_space<vmem_shared>>
        tpu.enqueue_dma source(%dma_start3A_705 : memref<4864xf32, #tpu.memory_space<vmem_shared>>) target(%dma_start3A_702 : memref<4864xf32, #tpu.memory_space<vmem>>) target_semaphore(%run_scoped3A : memref<!tpu.dma_semaphore, #tpu.memory_space<semaphore_mem>>)
        %dma_wait3A = arith.constant 92416 : i32
        %dma_wait3A_706 = tpu.memref_slice %arg9[%dma_wait3A] : memref<100000xf32, #tpu.memory_space<vmem>> -> memref<4864xf32, #tpu.memory_space<vmem>>
        %dma_wait3A_707 = arith.constant 0 : i32
        %dma_wait3A_708 = tpu.memref_slice %arg6[%arg1, %dma_wait3A_707] : memref<16x4864xf32, #tpu.memory_space<vmem_shared>> -> memref<1x4864xf32, #tpu.memory_space<vmem_shared>>
        %dma_wait3A_709 = tpu.memref_squeeze %dma_wait3A_708 : memref<1x4864xf32, #tpu.memory_space<vmem_shared>> -> memref<4864xf32, #tpu.memory_space<vmem_shared>>
        %dma_wait3A_710 = arith.constant 92416 : i32
        %dma_wait3A_711 = tpu.memref_slice %arg9[%dma_wait3A_710] : memref<100000xf32, #tpu.memory_space<vmem>> -> memref<4864xf32, #tpu.memory_space<vmem>>
        %dma_wait3A_712 = arith.constant 0 : i32
        %dma_wait3A_713 = tpu.memref_slice %arg6[%arg1, %dma_wait3A_712] : memref<16x4864xf32, #tpu.memory_space<vmem_shared>> -> memref<1x4864xf32, #tpu.memory_space<vmem_shared>>
        %dma_wait3A_714 = tpu.memref_squeeze %dma_wait3A_713 : memref<1x4864xf32, #tpu.memory_space<vmem_shared>> -> memref<4864xf32, #tpu.memory_space<vmem_shared>>
        tpu.wait_dma2 semaphore(%run_scoped3A : memref<!tpu.dma_semaphore, #tpu.memory_space<semaphore_mem>>) src(%dma_wait3A_714 : memref<4864xf32, #tpu.memory_space<vmem_shared>>) dst(%dma_wait3A_711 : memref<4864xf32, #tpu.memory_space<vmem>>)
        tpu.yield
      }) : () -> ()
      %mul3A_624 = arith.constant 16 : i32
      %mul3A_625 = arith.muli %select_n3A_39, %mul3A_624 : i32
      %eq3A_626 = arith.constant 0 : i32
      %eq3A_627 = arith.cmpi eq, %arg1, %eq3A_626 : i32
      %convert_element_type3A_628 = arith.extui %eq3A_627 : i1 to i32
      %cond3A_629 = arith.constant 0 : i32
      %cond3A_630 = arith.cmpi ne, %convert_element_type3A_628, %cond3A_629 : i32
      scf.if %cond3A_630 {
        %dma_wait3A = arith.constant 0 : i32
        %dma_wait3A_697 = arith.constant 0 : i32
        %dma_wait3A_698 = tpu.memref_slice %arg7[%dma_wait3A, %dma_wait3A_697] : memref<16x4864xf32, #tpu.memory_space<vmem_shared>> -> memref<16x2688xf32, #tpu.memory_space<vmem_shared>>
        %dma_wait3A_699 = arith.constant 97280 : i32
        %dma_wait3A_700 = tpu.memref_slice %arg2[%select_n3A, %mul3A_625, %dma_wait3A_699] : memref<26x32x100000xf32, #tpu.memory_space<hbm>> -> memref<1x16x2688xf32, #tpu.memory_space<hbm>>
        %dma_wait3A_701 = tpu.memref_squeeze %dma_wait3A_700 : memref<1x16x2688xf32, #tpu.memory_space<hbm>> -> memref<16x2688xf32, #tpu.memory_space<hbm>>
        tpu.wait_dma2 semaphore(%arg17 : memref<!tpu.dma_semaphore, #tpu.memory_space<semaphore_mem>>) src(%dma_wait3A_701 : memref<16x2688xf32, #tpu.memory_space<hbm>>) dst(%dma_wait3A_698 : memref<16x2688xf32, #tpu.memory_space<vmem_shared>>)
      } else {
      }
      %barrier3A_631 = arith.constant 0 : index
      tpu.barrier barrier_id(%barrier3A_631)
      "tpu.region"() ({
        %run_scoped3A = tpu.sem_alloc : memref<!tpu.dma_semaphore, #tpu.memory_space<semaphore_mem>>
        %dma_start3A = arith.constant 97280 : i32
        %dma_start3A_697 = tpu.memref_slice %arg9[%dma_start3A] : memref<100000xf32, #tpu.memory_space<vmem>> -> memref<2688xf32, #tpu.memory_space<vmem>>
        %dma_start3A_698 = arith.constant 0 : i32
        %dma_start3A_699 = tpu.memref_slice %arg7[%arg1, %dma_start3A_698] : memref<16x4864xf32, #tpu.memory_space<vmem_shared>> -> memref<1x2688xf32, #tpu.memory_space<vmem_shared>>
        %dma_start3A_700 = tpu.memref_squeeze %dma_start3A_699 : memref<1x2688xf32, #tpu.memory_space<vmem_shared>> -> memref<2688xf32, #tpu.memory_space<vmem_shared>>
        %dma_start3A_701 = arith.constant 97280 : i32
        %dma_start3A_702 = tpu.memref_slice %arg9[%dma_start3A_701] : memref<100000xf32, #tpu.memory_space<vmem>> -> memref<2688xf32, #tpu.memory_space<vmem>>
        %dma_start3A_703 = arith.constant 0 : i32
        %dma_start3A_704 = tpu.memref_slice %arg7[%arg1, %dma_start3A_703] : memref<16x4864xf32, #tpu.memory_space<vmem_shared>> -> memref<1x2688xf32, #tpu.memory_space<vmem_shared>>
        %dma_start3A_705 = tpu.memref_squeeze %dma_start3A_704 : memref<1x2688xf32, #tpu.memory_space<vmem_shared>> -> memref<2688xf32, #tpu.memory_space<vmem_shared>>
        tpu.enqueue_dma source(%dma_start3A_705 : memref<2688xf32, #tpu.memory_space<vmem_shared>>) target(%dma_start3A_702 : memref<2688xf32, #tpu.memory_space<vmem>>) target_semaphore(%run_scoped3A : memref<!tpu.dma_semaphore, #tpu.memory_space<semaphore_mem>>)
        %dma_wait3A = arith.constant 97280 : i32
        %dma_wait3A_706 = tpu.memref_slice %arg9[%dma_wait3A] : memref<100000xf32, #tpu.memory_space<vmem>> -> memref<2688xf32, #tpu.memory_space<vmem>>
        %dma_wait3A_707 = arith.constant 0 : i32
        %dma_wait3A_708 = tpu.memref_slice %arg7[%arg1, %dma_wait3A_707] : memref<16x4864xf32, #tpu.memory_space<vmem_shared>> -> memref<1x2688xf32, #tpu.memory_space<vmem_shared>>
        %dma_wait3A_709 = tpu.memref_squeeze %dma_wait3A_708 : memref<1x2688xf32, #tpu.memory_space<vmem_shared>> -> memref<2688xf32, #tpu.memory_space<vmem_shared>>
        %dma_wait3A_710 = arith.constant 97280 : i32
        %dma_wait3A_711 = tpu.memref_slice %arg9[%dma_wait3A_710] : memref<100000xf32, #tpu.memory_space<vmem>> -> memref<2688xf32, #tpu.memory_space<vmem>>
        %dma_wait3A_712 = arith.constant 0 : i32
        %dma_wait3A_713 = tpu.memref_slice %arg7[%arg1, %dma_wait3A_712] : memref<16x4864xf32, #tpu.memory_space<vmem_shared>> -> memref<1x2688xf32, #tpu.memory_space<vmem_shared>>
        %dma_wait3A_714 = tpu.memref_squeeze %dma_wait3A_713 : memref<1x2688xf32, #tpu.memory_space<vmem_shared>> -> memref<2688xf32, #tpu.memory_space<vmem_shared>>
        tpu.wait_dma2 semaphore(%run_scoped3A : memref<!tpu.dma_semaphore, #tpu.memory_space<semaphore_mem>>) src(%dma_wait3A_714 : memref<2688xf32, #tpu.memory_space<vmem_shared>>) dst(%dma_wait3A_711 : memref<2688xf32, #tpu.memory_space<vmem>>)
        tpu.yield
      }) : () -> ()
      %mul3A_632 = arith.constant 16 : i32
      %mul3A_633 = arith.muli %select_n3A_39, %mul3A_632 : i32
      "tpu.region"() ({
        %run_scoped3A = tpu.sem_alloc : memref<!tpu.dma_semaphore, #tpu.memory_space<semaphore_mem>>
        %dma_start3A = arith.constant 99968 : i32
        %dma_start3A_697 = tpu.memref_slice %arg2[%select_n3A, %mul3A_633, %dma_start3A] : memref<26x32x100000xf32, #tpu.memory_space<hbm>> -> memref<1x16x32xf32, #tpu.memory_space<hbm>>
        %dma_start3A_698 = tpu.memref_squeeze %dma_start3A_697 : memref<1x16x32xf32, #tpu.memory_space<hbm>> -> memref<16x32xf32, #tpu.memory_space<hbm>>
        %dma_start3A_699 = arith.constant 99968 : i32
        %dma_start3A_700 = tpu.memref_slice %arg2[%select_n3A, %mul3A_633, %dma_start3A_699] : memref<26x32x100000xf32, #tpu.memory_space<hbm>> -> memref<1x16x32xf32, #tpu.memory_space<hbm>>
        %dma_start3A_701 = tpu.memref_squeeze %dma_start3A_700 : memref<1x16x32xf32, #tpu.memory_space<hbm>> -> memref<16x32xf32, #tpu.memory_space<hbm>>
        tpu.enqueue_dma source(%dma_start3A_701 : memref<16x32xf32, #tpu.memory_space<hbm>>) target(%arg12 : memref<16x32xf32, #tpu.memory_space<vmem>>) target_semaphore(%run_scoped3A : memref<!tpu.dma_semaphore, #tpu.memory_space<semaphore_mem>>)
        %dma_wait3A = arith.constant 99968 : i32
        %dma_wait3A_702 = tpu.memref_slice %arg2[%select_n3A, %mul3A_633, %dma_wait3A] : memref<26x32x100000xf32, #tpu.memory_space<hbm>> -> memref<1x16x32xf32, #tpu.memory_space<hbm>>
        %dma_wait3A_703 = tpu.memref_squeeze %dma_wait3A_702 : memref<1x16x32xf32, #tpu.memory_space<hbm>> -> memref<16x32xf32, #tpu.memory_space<hbm>>
        %dma_wait3A_704 = arith.constant 99968 : i32
        %dma_wait3A_705 = tpu.memref_slice %arg2[%select_n3A, %mul3A_633, %dma_wait3A_704] : memref<26x32x100000xf32, #tpu.memory_space<hbm>> -> memref<1x16x32xf32, #tpu.memory_space<hbm>>
        %dma_wait3A_706 = tpu.memref_squeeze %dma_wait3A_705 : memref<1x16x32xf32, #tpu.memory_space<hbm>> -> memref<16x32xf32, #tpu.memory_space<hbm>>
        tpu.wait_dma2 semaphore(%run_scoped3A : memref<!tpu.dma_semaphore, #tpu.memory_space<semaphore_mem>>) src(%dma_wait3A_706 : memref<16x32xf32, #tpu.memory_space<hbm>>) dst(%arg12 : memref<16x32xf32, #tpu.memory_space<vmem>>)
        tpu.yield
      }) : () -> ()
      %get3A = arith.index_cast %arg1 : i32 to index
      %get3A_634 = arith.constant 0 : index
      %get3A_635 = tpu.vector_load %arg12[%get3A, %get3A_634] {strides = array<i32>} : memref<16x32xf32, #tpu.memory_space<vmem>>, vector<16xf32>,
      %swap3A = arith.constant 99968 : index
      %swap3A_636 = tpu.vector_load %arg9[%swap3A] {strides = array<i32>} : memref<100000xf32, #tpu.memory_space<vmem>>, vector<16xf32>,
      tpu.vector_store %arg9[%swap3A], %get3A_635 {strides = array<i32>} : memref<100000xf32, #tpu.memory_space<vmem>>, vector<16xf32>,
      %get3A_637 = arith.index_cast %arg1 : i32 to index
      %get3A_638 = arith.constant 16 : index
      %get3A_639 = tpu.vector_load %arg12[%get3A_637, %get3A_638] {strides = array<i32>} : memref<16x32xf32, #tpu.memory_space<vmem>>, vector<16xf32>,
      %swap3A_640 = arith.constant 99984 : index
      %swap3A_641 = tpu.vector_load %arg9[%swap3A_640] {strides = array<i32>} : memref<100000xf32, #tpu.memory_space<vmem>>, vector<16xf32>,
      tpu.vector_store %arg9[%swap3A_640], %get3A_639 {strides = array<i32>} : memref<100000xf32, #tpu.memory_space<vmem>>, vector<16xf32>,
      %barrier3A_642 = arith.constant 0 : index
      tpu.barrier barrier_id(%barrier3A_642)
      "tpu.region"() ({
        %run_scoped3A = tpu.sem_alloc : memref<!tpu.dma_semaphore, #tpu.memory_space<semaphore_mem>>
        %dma_start3A = arith.constant 0 : i32
        %dma_start3A_697 = arith.constant 0 : i32
        %dma_start3A_698 = tpu.memref_slice %arg3[%select_n3A, %dma_start3A, %dma_start3A_697] : memref<26x128x128xi32, #tpu.memory_space<hbm>> -> memref<1x16x128xi32, #tpu.memory_space<hbm>>
        %dma_start3A_699 = tpu.memref_squeeze %dma_start3A_698 : memref<1x16x128xi32, #tpu.memory_space<hbm>> -> memref<16x128xi32, #tpu.memory_space<hbm>>
        %dma_start3A_700 = arith.constant 0 : i32
        %dma_start3A_701 = arith.constant 0 : i32
        %dma_start3A_702 = tpu.memref_slice %arg3[%select_n3A, %dma_start3A_700, %dma_start3A_701] : memref<26x128x128xi32, #tpu.memory_space<hbm>> -> memref<1x16x128xi32, #tpu.memory_space<hbm>>
        %dma_start3A_703 = tpu.memref_squeeze %dma_start3A_702 : memref<1x16x128xi32, #tpu.memory_space<hbm>> -> memref<16x128xi32, #tpu.memory_space<hbm>>
        tpu.enqueue_dma source(%dma_start3A_703 : memref<16x128xi32, #tpu.memory_space<hbm>>) target(%arg10 : memref<16x128xi32, #tpu.memory_space<vmem>>) target_semaphore(%run_scoped3A : memref<!tpu.dma_semaphore, #tpu.memory_space<semaphore_mem>>)
        %dma_wait3A = arith.constant 0 : i32
        %dma_wait3A_704 = arith.constant 0 : i32
        %dma_wait3A_705 = tpu.memref_slice %arg3[%select_n3A, %dma_wait3A, %dma_wait3A_704] : memref<26x128x128xi32, #tpu.memory_space<hbm>> -> memref<1x16x128xi32, #tpu.memory_space<hbm>>
        %dma_wait3A_706 = tpu.memref_squeeze %dma_wait3A_705 : memref<1x16x128xi32, #tpu.memory_space<hbm>> -> memref<16x128xi32, #tpu.memory_space<hbm>>
        %dma_wait3A_707 = arith.constant 0 : i32
        %dma_wait3A_708 = arith.constant 0 : i32
        %dma_wait3A_709 = tpu.memref_slice %arg3[%select_n3A, %dma_wait3A_707, %dma_wait3A_708] : memref<26x128x128xi32, #tpu.memory_space<hbm>> -> memref<1x16x128xi32, #tpu.memory_space<hbm>>
        %dma_wait3A_710 = tpu.memref_squeeze %dma_wait3A_709 : memref<1x16x128xi32, #tpu.memory_space<hbm>> -> memref<16x128xi32, #tpu.memory_space<hbm>>
        tpu.wait_dma2 semaphore(%run_scoped3A : memref<!tpu.dma_semaphore, #tpu.memory_space<semaphore_mem>>) src(%dma_wait3A_710 : memref<16x128xi32, #tpu.memory_space<hbm>>) dst(%arg10 : memref<16x128xi32, #tpu.memory_space<vmem>>)
        tpu.yield
      }) : () -> ()
      %scan3A_643 = arith.constant 0 : i32
      %scan3A_644 = arith.constant 16 : i32
      %scan3A_645 = arith.addi %scan3A_643, %scan3A_644 : i32
      %scan3A_646 = arith.constant 1 : i32
      scf.for %scan3A_697 = %scan3A_643 to %scan3A_645 step %scan3A_646  : i32 {
        %mul3A_698 = arith.constant 1 : i32
        %mul3A_699 = arith.muli %scan3A_697, %mul3A_698 : i32
        %add3A_700 = arith.constant 0 : i32
        %add3A_701 = arith.addi %add3A_700, %mul3A_699 : i32
        %get3A_702 = arith.index_cast %add3A_701 : i32 to index
        %get3A_703 = arith.constant 0 : index
        %get3A_704 = tpu.vector_load %arg10[%get3A_702, %get3A_703] {strides = array<i32>} : memref<16x128xi32, #tpu.memory_space<vmem>>, vector<16xi32>,
        %gather3A = tpu.vector_load_idx %arg9[%get3A_704] : memref<100000xf32, #tpu.memory_space<vmem>>[vector<16xi32>], vector<16xf32>,
        %mul3A_705 = arith.constant 128 : i32
        %mul3A_706 = arith.muli %add3A_701, %mul3A_705 : i32
        %add3A_707 = arith.constant 0 : i32
        %add3A_708 = arith.addi %mul3A_706, %add3A_707 : i32
        %swap3A_709 = arith.index_cast %add3A_708 : i32 to index
        %swap3A_710 = tpu.vector_load %arg11[%swap3A_709] {strides = array<i32>} : memref<2048xf32, #tpu.memory_space<vmem>>, vector<16xf32>,
        tpu.vector_store %arg11[%swap3A_709], %gather3A {strides = array<i32>} : memref<2048xf32, #tpu.memory_space<vmem>>, vector<16xf32>,
        %get3A_711 = arith.index_cast %add3A_701 : i32 to index
        %get3A_712 = arith.constant 16 : index
        %get3A_713 = tpu.vector_load %arg10[%get3A_711, %get3A_712] {strides = array<i32>} : memref<16x128xi32, #tpu.memory_space<vmem>>, vector<16xi32>,
        %gather3A_714 = tpu.vector_load_idx %arg9[%get3A_713] : memref<100000xf32, #tpu.memory_space<vmem>>[vector<16xi32>], vector<16xf32>,
        %mul3A_715 = arith.constant 128 : i32
        %mul3A_716 = arith.muli %add3A_701, %mul3A_715 : i32
        %add3A_717 = arith.constant 16 : i32
        %add3A_718 = arith.addi %mul3A_716, %add3A_717 : i32
        %swap3A_719 = arith.index_cast %add3A_718 : i32 to index
        %swap3A_720 = tpu.vector_load %arg11[%swap3A_719] {strides = array<i32>} : memref<2048xf32, #tpu.memory_space<vmem>>, vector<16xf32>,
        tpu.vector_store %arg11[%swap3A_719], %gather3A_714 {strides = array<i32>} : memref<2048xf32, #tpu.memory_space<vmem>>, vector<16xf32>,
        %get3A_721 = arith.index_cast %add3A_701 : i32 to index
        %get3A_722 = arith.constant 32 : index
        %get3A_723 = tpu.vector_load %arg10[%get3A_721, %get3A_722] {strides = array<i32>} : memref<16x128xi32, #tpu.memory_space<vmem>>, vector<16xi32>,
        %gather3A_724 = tpu.vector_load_idx %arg9[%get3A_723] : memref<100000xf32, #tpu.memory_space<vmem>>[vector<16xi32>], vector<16xf32>,
        %mul3A_725 = arith.constant 128 : i32
        %mul3A_726 = arith.muli %add3A_701, %mul3A_725 : i32
        %add3A_727 = arith.constant 32 : i32
        %add3A_728 = arith.addi %mul3A_726, %add3A_727 : i32
        %swap3A_729 = arith.index_cast %add3A_728 : i32 to index
        %swap3A_730 = tpu.vector_load %arg11[%swap3A_729] {strides = array<i32>} : memref<2048xf32, #tpu.memory_space<vmem>>, vector<16xf32>,
        tpu.vector_store %arg11[%swap3A_729], %gather3A_724 {strides = array<i32>} : memref<2048xf32, #tpu.memory_space<vmem>>, vector<16xf32>,
        %get3A_731 = arith.index_cast %add3A_701 : i32 to index
        %get3A_732 = arith.constant 48 : index
        %get3A_733 = tpu.vector_load %arg10[%get3A_731, %get3A_732] {strides = array<i32>} : memref<16x128xi32, #tpu.memory_space<vmem>>, vector<16xi32>,
        %gather3A_734 = tpu.vector_load_idx %arg9[%get3A_733] : memref<100000xf32, #tpu.memory_space<vmem>>[vector<16xi32>], vector<16xf32>,
        %mul3A_735 = arith.constant 128 : i32
        %mul3A_736 = arith.muli %add3A_701, %mul3A_735 : i32
        %add3A_737 = arith.constant 48 : i32
        %add3A_738 = arith.addi %mul3A_736, %add3A_737 : i32
        %swap3A_739 = arith.index_cast %add3A_738 : i32 to index
        %swap3A_740 = tpu.vector_load %arg11[%swap3A_739] {strides = array<i32>} : memref<2048xf32, #tpu.memory_space<vmem>>, vector<16xf32>,
        tpu.vector_store %arg11[%swap3A_739], %gather3A_734 {strides = array<i32>} : memref<2048xf32, #tpu.memory_space<vmem>>, vector<16xf32>,
        %get3A_741 = arith.index_cast %add3A_701 : i32 to index
        %get3A_742 = arith.constant 64 : index
        %get3A_743 = tpu.vector_load %arg10[%get3A_741, %get3A_742] {strides = array<i32>} : memref<16x128xi32, #tpu.memory_space<vmem>>, vector<16xi32>,
        %gather3A_744 = tpu.vector_load_idx %arg9[%get3A_743] : memref<100000xf32, #tpu.memory_space<vmem>>[vector<16xi32>], vector<16xf32>,
        %mul3A_745 = arith.constant 128 : i32
        %mul3A_746 = arith.muli %add3A_701, %mul3A_745 : i32
        %add3A_747 = arith.constant 64 : i32
        %add3A_748 = arith.addi %mul3A_746, %add3A_747 : i32
        %swap3A_749 = arith.index_cast %add3A_748 : i32 to index
        %swap3A_750 = tpu.vector_load %arg11[%swap3A_749] {strides = array<i32>} : memref<2048xf32, #tpu.memory_space<vmem>>, vector<16xf32>,
        tpu.vector_store %arg11[%swap3A_749], %gather3A_744 {strides = array<i32>} : memref<2048xf32, #tpu.memory_space<vmem>>, vector<16xf32>,
        %get3A_751 = arith.index_cast %add3A_701 : i32 to index
        %get3A_752 = arith.constant 80 : index
        %get3A_753 = tpu.vector_load %arg10[%get3A_751, %get3A_752] {strides = array<i32>} : memref<16x128xi32, #tpu.memory_space<vmem>>, vector<16xi32>,
        %gather3A_754 = tpu.vector_load_idx %arg9[%get3A_753] : memref<100000xf32, #tpu.memory_space<vmem>>[vector<16xi32>], vector<16xf32>,
        %mul3A_755 = arith.constant 128 : i32
        %mul3A_756 = arith.muli %add3A_701, %mul3A_755 : i32
        %add3A_757 = arith.constant 80 : i32
        %add3A_758 = arith.addi %mul3A_756, %add3A_757 : i32
        %swap3A_759 = arith.index_cast %add3A_758 : i32 to index
        %swap3A_760 = tpu.vector_load %arg11[%swap3A_759] {strides = array<i32>} : memref<2048xf32, #tpu.memory_space<vmem>>, vector<16xf32>,
        tpu.vector_store %arg11[%swap3A_759], %gather3A_754 {strides = array<i32>} : memref<2048xf32, #tpu.memory_space<vmem>>, vector<16xf32>,
        %get3A_761 = arith.index_cast %add3A_701 : i32 to index
        %get3A_762 = arith.constant 96 : index
        %get3A_763 = tpu.vector_load %arg10[%get3A_761, %get3A_762] {strides = array<i32>} : memref<16x128xi32, #tpu.memory_space<vmem>>, vector<16xi32>,
        %gather3A_764 = tpu.vector_load_idx %arg9[%get3A_763] : memref<100000xf32, #tpu.memory_space<vmem>>[vector<16xi32>], vector<16xf32>,
        %mul3A_765 = arith.constant 128 : i32
        %mul3A_766 = arith.muli %add3A_701, %mul3A_765 : i32
        %add3A_767 = arith.constant 96 : i32
        %add3A_768 = arith.addi %mul3A_766, %add3A_767 : i32
        %swap3A_769 = arith.index_cast %add3A_768 : i32 to index
        %swap3A_770 = tpu.vector_load %arg11[%swap3A_769] {strides = array<i32>} : memref<2048xf32, #tpu.memory_space<vmem>>, vector<16xf32>,
        tpu.vector_store %arg11[%swap3A_769], %gather3A_764 {strides = array<i32>} : memref<2048xf32, #tpu.memory_space<vmem>>, vector<16xf32>,
        %get3A_771 = arith.index_cast %add3A_701 : i32 to index
        %get3A_772 = arith.constant 112 : index
        %get3A_773 = tpu.vector_load %arg10[%get3A_771, %get3A_772] {strides = array<i32>} : memref<16x128xi32, #tpu.memory_space<vmem>>, vector<16xi32>,
        %gather3A_774 = tpu.vector_load_idx %arg9[%get3A_773] : memref<100000xf32, #tpu.memory_space<vmem>>[vector<16xi32>], vector<16xf32>,
        %mul3A_775 = arith.constant 128 : i32
        %mul3A_776 = arith.muli %add3A_701, %mul3A_775 : i32
        %add3A_777 = arith.constant 112 : i32
        %add3A_778 = arith.addi %mul3A_776, %add3A_777 : i32
        %swap3A_779 = arith.index_cast %add3A_778 : i32 to index
        %swap3A_780 = tpu.vector_load %arg11[%swap3A_779] {strides = array<i32>} : memref<2048xf32, #tpu.memory_space<vmem>>, vector<16xf32>,
        tpu.vector_store %arg11[%swap3A_779], %gather3A_774 {strides = array<i32>} : memref<2048xf32, #tpu.memory_space<vmem>>, vector<16xf32>,
      }
      %scan3A_647 = arith.constant 16 : i32
      "tpu.region"() ({
        %run_scoped3A = tpu.sem_alloc : memref<!tpu.dma_semaphore, #tpu.memory_space<semaphore_mem>>
        %dma_start3A = arith.constant 0 : i32
        %dma_start3A_697 = tpu.memref_slice %arg8[%arg1, %dma_start3A] : memref<16x8192xf32, #tpu.memory_space<vmem_shared>> -> memref<1x2048xf32, #tpu.memory_space<vmem_shared>>
        %dma_start3A_698 = tpu.memref_squeeze %dma_start3A_697 : memref<1x2048xf32, #tpu.memory_space<vmem_shared>> -> memref<2048xf32, #tpu.memory_space<vmem_shared>>
        %dma_start3A_699 = arith.constant 0 : i32
        %dma_start3A_700 = tpu.memref_slice %arg8[%arg1, %dma_start3A_699] : memref<16x8192xf32, #tpu.memory_space<vmem_shared>> -> memref<1x2048xf32, #tpu.memory_space<vmem_shared>>
        %dma_start3A_701 = tpu.memref_squeeze %dma_start3A_700 : memref<1x2048xf32, #tpu.memory_space<vmem_shared>> -> memref<2048xf32, #tpu.memory_space<vmem_shared>>
        tpu.enqueue_dma source(%arg11 : memref<2048xf32, #tpu.memory_space<vmem>>) target(%dma_start3A_701 : memref<2048xf32, #tpu.memory_space<vmem_shared>>) target_semaphore(%run_scoped3A : memref<!tpu.dma_semaphore, #tpu.memory_space<semaphore_mem>>)
        %dma_wait3A = arith.constant 0 : i32
        %dma_wait3A_702 = tpu.memref_slice %arg8[%arg1, %dma_wait3A] : memref<16x8192xf32, #tpu.memory_space<vmem_shared>> -> memref<1x2048xf32, #tpu.memory_space<vmem_shared>>
        %dma_wait3A_703 = tpu.memref_squeeze %dma_wait3A_702 : memref<1x2048xf32, #tpu.memory_space<vmem_shared>> -> memref<2048xf32, #tpu.memory_space<vmem_shared>>
        %dma_wait3A_704 = arith.constant 0 : i32
        %dma_wait3A_705 = tpu.memref_slice %arg8[%arg1, %dma_wait3A_704] : memref<16x8192xf32, #tpu.memory_space<vmem_shared>> -> memref<1x2048xf32, #tpu.memory_space<vmem_shared>>
        %dma_wait3A_706 = tpu.memref_squeeze %dma_wait3A_705 : memref<1x2048xf32, #tpu.memory_space<vmem_shared>> -> memref<2048xf32, #tpu.memory_space<vmem_shared>>
        tpu.wait_dma2 semaphore(%run_scoped3A : memref<!tpu.dma_semaphore, #tpu.memory_space<semaphore_mem>>) src(%arg11 : memref<2048xf32, #tpu.memory_space<vmem>>) dst(%dma_wait3A_706 : memref<2048xf32, #tpu.memory_space<vmem_shared>>)
        tpu.yield
      }) : () -> ()
      "tpu.region"() ({
        %run_scoped3A = tpu.sem_alloc : memref<!tpu.dma_semaphore, #tpu.memory_space<semaphore_mem>>
        %dma_start3A = arith.constant 16 : i32
        %dma_start3A_697 = arith.constant 0 : i32
        %dma_start3A_698 = tpu.memref_slice %arg3[%select_n3A, %dma_start3A, %dma_start3A_697] : memref<26x128x128xi32, #tpu.memory_space<hbm>> -> memref<1x16x128xi32, #tpu.memory_space<hbm>>
        %dma_start3A_699 = tpu.memref_squeeze %dma_start3A_698 : memref<1x16x128xi32, #tpu.memory_space<hbm>> -> memref<16x128xi32, #tpu.memory_space<hbm>>
        %dma_start3A_700 = arith.constant 16 : i32
        %dma_start3A_701 = arith.constant 0 : i32
        %dma_start3A_702 = tpu.memref_slice %arg3[%select_n3A, %dma_start3A_700, %dma_start3A_701] : memref<26x128x128xi32, #tpu.memory_space<hbm>> -> memref<1x16x128xi32, #tpu.memory_space<hbm>>
        %dma_start3A_703 = tpu.memref_squeeze %dma_start3A_702 : memref<1x16x128xi32, #tpu.memory_space<hbm>> -> memref<16x128xi32, #tpu.memory_space<hbm>>
        tpu.enqueue_dma source(%dma_start3A_703 : memref<16x128xi32, #tpu.memory_space<hbm>>) target(%arg10 : memref<16x128xi32, #tpu.memory_space<vmem>>) target_semaphore(%run_scoped3A : memref<!tpu.dma_semaphore, #tpu.memory_space<semaphore_mem>>)
        %dma_wait3A = arith.constant 16 : i32
        %dma_wait3A_704 = arith.constant 0 : i32
        %dma_wait3A_705 = tpu.memref_slice %arg3[%select_n3A, %dma_wait3A, %dma_wait3A_704] : memref<26x128x128xi32, #tpu.memory_space<hbm>> -> memref<1x16x128xi32, #tpu.memory_space<hbm>>
        %dma_wait3A_706 = tpu.memref_squeeze %dma_wait3A_705 : memref<1x16x128xi32, #tpu.memory_space<hbm>> -> memref<16x128xi32, #tpu.memory_space<hbm>>
        %dma_wait3A_707 = arith.constant 16 : i32
        %dma_wait3A_708 = arith.constant 0 : i32
        %dma_wait3A_709 = tpu.memref_slice %arg3[%select_n3A, %dma_wait3A_707, %dma_wait3A_708] : memref<26x128x128xi32, #tpu.memory_space<hbm>> -> memref<1x16x128xi32, #tpu.memory_space<hbm>>
        %dma_wait3A_710 = tpu.memref_squeeze %dma_wait3A_709 : memref<1x16x128xi32, #tpu.memory_space<hbm>> -> memref<16x128xi32, #tpu.memory_space<hbm>>
        tpu.wait_dma2 semaphore(%run_scoped3A : memref<!tpu.dma_semaphore, #tpu.memory_space<semaphore_mem>>) src(%dma_wait3A_710 : memref<16x128xi32, #tpu.memory_space<hbm>>) dst(%arg10 : memref<16x128xi32, #tpu.memory_space<vmem>>)
        tpu.yield
      }) : () -> ()
      %scan3A_648 = arith.constant 0 : i32
      %scan3A_649 = arith.constant 16 : i32
      %scan3A_650 = arith.addi %scan3A_648, %scan3A_649 : i32
      %scan3A_651 = arith.constant 1 : i32
      scf.for %scan3A_697 = %scan3A_648 to %scan3A_650 step %scan3A_651  : i32 {
        %mul3A_698 = arith.constant 1 : i32
        %mul3A_699 = arith.muli %scan3A_697, %mul3A_698 : i32
        %add3A_700 = arith.constant 0 : i32
        %add3A_701 = arith.addi %add3A_700, %mul3A_699 : i32
        %get3A_702 = arith.index_cast %add3A_701 : i32 to index
        %get3A_703 = arith.constant 0 : index
        %get3A_704 = tpu.vector_load %arg10[%get3A_702, %get3A_703] {strides = array<i32>} : memref<16x128xi32, #tpu.memory_space<vmem>>, vector<16xi32>,
        %gather3A = tpu.vector_load_idx %arg9[%get3A_704] : memref<100000xf32, #tpu.memory_space<vmem>>[vector<16xi32>], vector<16xf32>,
        %mul3A_705 = arith.constant 128 : i32
        %mul3A_706 = arith.muli %add3A_701, %mul3A_705 : i32
        %add3A_707 = arith.constant 0 : i32
        %add3A_708 = arith.addi %mul3A_706, %add3A_707 : i32
        %swap3A_709 = arith.index_cast %add3A_708 : i32 to index
        %swap3A_710 = tpu.vector_load %arg11[%swap3A_709] {strides = array<i32>} : memref<2048xf32, #tpu.memory_space<vmem>>, vector<16xf32>,
        tpu.vector_store %arg11[%swap3A_709], %gather3A {strides = array<i32>} : memref<2048xf32, #tpu.memory_space<vmem>>, vector<16xf32>,
        %get3A_711 = arith.index_cast %add3A_701 : i32 to index
        %get3A_712 = arith.constant 16 : index
        %get3A_713 = tpu.vector_load %arg10[%get3A_711, %get3A_712] {strides = array<i32>} : memref<16x128xi32, #tpu.memory_space<vmem>>, vector<16xi32>,
        %gather3A_714 = tpu.vector_load_idx %arg9[%get3A_713] : memref<100000xf32, #tpu.memory_space<vmem>>[vector<16xi32>], vector<16xf32>,
        %mul3A_715 = arith.constant 128 : i32
        %mul3A_716 = arith.muli %add3A_701, %mul3A_715 : i32
        %add3A_717 = arith.constant 16 : i32
        %add3A_718 = arith.addi %mul3A_716, %add3A_717 : i32
        %swap3A_719 = arith.index_cast %add3A_718 : i32 to index
        %swap3A_720 = tpu.vector_load %arg11[%swap3A_719] {strides = array<i32>} : memref<2048xf32, #tpu.memory_space<vmem>>, vector<16xf32>,
        tpu.vector_store %arg11[%swap3A_719], %gather3A_714 {strides = array<i32>} : memref<2048xf32, #tpu.memory_space<vmem>>, vector<16xf32>,
        %get3A_721 = arith.index_cast %add3A_701 : i32 to index
        %get3A_722 = arith.constant 32 : index
        %get3A_723 = tpu.vector_load %arg10[%get3A_721, %get3A_722] {strides = array<i32>} : memref<16x128xi32, #tpu.memory_space<vmem>>, vector<16xi32>,
        %gather3A_724 = tpu.vector_load_idx %arg9[%get3A_723] : memref<100000xf32, #tpu.memory_space<vmem>>[vector<16xi32>], vector<16xf32>,
        %mul3A_725 = arith.constant 128 : i32
        %mul3A_726 = arith.muli %add3A_701, %mul3A_725 : i32
        %add3A_727 = arith.constant 32 : i32
        %add3A_728 = arith.addi %mul3A_726, %add3A_727 : i32
        %swap3A_729 = arith.index_cast %add3A_728 : i32 to index
        %swap3A_730 = tpu.vector_load %arg11[%swap3A_729] {strides = array<i32>} : memref<2048xf32, #tpu.memory_space<vmem>>, vector<16xf32>,
        tpu.vector_store %arg11[%swap3A_729], %gather3A_724 {strides = array<i32>} : memref<2048xf32, #tpu.memory_space<vmem>>, vector<16xf32>,
        %get3A_731 = arith.index_cast %add3A_701 : i32 to index
        %get3A_732 = arith.constant 48 : index
        %get3A_733 = tpu.vector_load %arg10[%get3A_731, %get3A_732] {strides = array<i32>} : memref<16x128xi32, #tpu.memory_space<vmem>>, vector<16xi32>,
        %gather3A_734 = tpu.vector_load_idx %arg9[%get3A_733] : memref<100000xf32, #tpu.memory_space<vmem>>[vector<16xi32>], vector<16xf32>,
        %mul3A_735 = arith.constant 128 : i32
        %mul3A_736 = arith.muli %add3A_701, %mul3A_735 : i32
        %add3A_737 = arith.constant 48 : i32
        %add3A_738 = arith.addi %mul3A_736, %add3A_737 : i32
        %swap3A_739 = arith.index_cast %add3A_738 : i32 to index
        %swap3A_740 = tpu.vector_load %arg11[%swap3A_739] {strides = array<i32>} : memref<2048xf32, #tpu.memory_space<vmem>>, vector<16xf32>,
        tpu.vector_store %arg11[%swap3A_739], %gather3A_734 {strides = array<i32>} : memref<2048xf32, #tpu.memory_space<vmem>>, vector<16xf32>,
        %get3A_741 = arith.index_cast %add3A_701 : i32 to index
        %get3A_742 = arith.constant 64 : index
        %get3A_743 = tpu.vector_load %arg10[%get3A_741, %get3A_742] {strides = array<i32>} : memref<16x128xi32, #tpu.memory_space<vmem>>, vector<16xi32>,
        %gather3A_744 = tpu.vector_load_idx %arg9[%get3A_743] : memref<100000xf32, #tpu.memory_space<vmem>>[vector<16xi32>], vector<16xf32>,
        %mul3A_745 = arith.constant 128 : i32
        %mul3A_746 = arith.muli %add3A_701, %mul3A_745 : i32
        %add3A_747 = arith.constant 64 : i32
        %add3A_748 = arith.addi %mul3A_746, %add3A_747 : i32
        %swap3A_749 = arith.index_cast %add3A_748 : i32 to index
        %swap3A_750 = tpu.vector_load %arg11[%swap3A_749] {strides = array<i32>} : memref<2048xf32, #tpu.memory_space<vmem>>, vector<16xf32>,
        tpu.vector_store %arg11[%swap3A_749], %gather3A_744 {strides = array<i32>} : memref<2048xf32, #tpu.memory_space<vmem>>, vector<16xf32>,
        %get3A_751 = arith.index_cast %add3A_701 : i32 to index
        %get3A_752 = arith.constant 80 : index
        %get3A_753 = tpu.vector_load %arg10[%get3A_751, %get3A_752] {strides = array<i32>} : memref<16x128xi32, #tpu.memory_space<vmem>>, vector<16xi32>,
        %gather3A_754 = tpu.vector_load_idx %arg9[%get3A_753] : memref<100000xf32, #tpu.memory_space<vmem>>[vector<16xi32>], vector<16xf32>,
        %mul3A_755 = arith.constant 128 : i32
        %mul3A_756 = arith.muli %add3A_701, %mul3A_755 : i32
        %add3A_757 = arith.constant 80 : i32
        %add3A_758 = arith.addi %mul3A_756, %add3A_757 : i32
        %swap3A_759 = arith.index_cast %add3A_758 : i32 to index
        %swap3A_760 = tpu.vector_load %arg11[%swap3A_759] {strides = array<i32>} : memref<2048xf32, #tpu.memory_space<vmem>>, vector<16xf32>,
        tpu.vector_store %arg11[%swap3A_759], %gather3A_754 {strides = array<i32>} : memref<2048xf32, #tpu.memory_space<vmem>>, vector<16xf32>,
        %get3A_761 = arith.index_cast %add3A_701 : i32 to index
        %get3A_762 = arith.constant 96 : index
        %get3A_763 = tpu.vector_load %arg10[%get3A_761, %get3A_762] {strides = array<i32>} : memref<16x128xi32, #tpu.memory_space<vmem>>, vector<16xi32>,
        %gather3A_764 = tpu.vector_load_idx %arg9[%get3A_763] : memref<100000xf32, #tpu.memory_space<vmem>>[vector<16xi32>], vector<16xf32>,
        %mul3A_765 = arith.constant 128 : i32
        %mul3A_766 = arith.muli %add3A_701, %mul3A_765 : i32
        %add3A_767 = arith.constant 96 : i32
        %add3A_768 = arith.addi %mul3A_766, %add3A_767 : i32
        %swap3A_769 = arith.index_cast %add3A_768 : i32 to index
        %swap3A_770 = tpu.vector_load %arg11[%swap3A_769] {strides = array<i32>} : memref<2048xf32, #tpu.memory_space<vmem>>, vector<16xf32>,
        tpu.vector_store %arg11[%swap3A_769], %gather3A_764 {strides = array<i32>} : memref<2048xf32, #tpu.memory_space<vmem>>, vector<16xf32>,
        %get3A_771 = arith.index_cast %add3A_701 : i32 to index
        %get3A_772 = arith.constant 112 : index
        %get3A_773 = tpu.vector_load %arg10[%get3A_771, %get3A_772] {strides = array<i32>} : memref<16x128xi32, #tpu.memory_space<vmem>>, vector<16xi32>,
        %gather3A_774 = tpu.vector_load_idx %arg9[%get3A_773] : memref<100000xf32, #tpu.memory_space<vmem>>[vector<16xi32>], vector<16xf32>,
        %mul3A_775 = arith.constant 128 : i32
        %mul3A_776 = arith.muli %add3A_701, %mul3A_775 : i32
        %add3A_777 = arith.constant 112 : i32
        %add3A_778 = arith.addi %mul3A_776, %add3A_777 : i32
        %swap3A_779 = arith.index_cast %add3A_778 : i32 to index
        %swap3A_780 = tpu.vector_load %arg11[%swap3A_779] {strides = array<i32>} : memref<2048xf32, #tpu.memory_space<vmem>>, vector<16xf32>,
        tpu.vector_store %arg11[%swap3A_779], %gather3A_774 {strides = array<i32>} : memref<2048xf32, #tpu.memory_space<vmem>>, vector<16xf32>,
      }
      %scan3A_652 = arith.constant 16 : i32
      "tpu.region"() ({
        %run_scoped3A = tpu.sem_alloc : memref<!tpu.dma_semaphore, #tpu.memory_space<semaphore_mem>>
        %dma_start3A = arith.constant 2048 : i32
        %dma_start3A_697 = tpu.memref_slice %arg8[%arg1, %dma_start3A] : memref<16x8192xf32, #tpu.memory_space<vmem_shared>> -> memref<1x2048xf32, #tpu.memory_space<vmem_shared>>
        %dma_start3A_698 = tpu.memref_squeeze %dma_start3A_697 : memref<1x2048xf32, #tpu.memory_space<vmem_shared>> -> memref<2048xf32, #tpu.memory_space<vmem_shared>>
        %dma_start3A_699 = arith.constant 2048 : i32
        %dma_start3A_700 = tpu.memref_slice %arg8[%arg1, %dma_start3A_699] : memref<16x8192xf32, #tpu.memory_space<vmem_shared>> -> memref<1x2048xf32, #tpu.memory_space<vmem_shared>>
        %dma_start3A_701 = tpu.memref_squeeze %dma_start3A_700 : memref<1x2048xf32, #tpu.memory_space<vmem_shared>> -> memref<2048xf32, #tpu.memory_space<vmem_shared>>
        tpu.enqueue_dma source(%arg11 : memref<2048xf32, #tpu.memory_space<vmem>>) target(%dma_start3A_701 : memref<2048xf32, #tpu.memory_space<vmem_shared>>) target_semaphore(%run_scoped3A : memref<!tpu.dma_semaphore, #tpu.memory_space<semaphore_mem>>)
        %dma_wait3A = arith.constant 2048 : i32
        %dma_wait3A_702 = tpu.memref_slice %arg8[%arg1, %dma_wait3A] : memref<16x8192xf32, #tpu.memory_space<vmem_shared>> -> memref<1x2048xf32, #tpu.memory_space<vmem_shared>>
        %dma_wait3A_703 = tpu.memref_squeeze %dma_wait3A_702 : memref<1x2048xf32, #tpu.memory_space<vmem_shared>> -> memref<2048xf32, #tpu.memory_space<vmem_shared>>
        %dma_wait3A_704 = arith.constant 2048 : i32
        %dma_wait3A_705 = tpu.memref_slice %arg8[%arg1, %dma_wait3A_704] : memref<16x8192xf32, #tpu.memory_space<vmem_shared>> -> memref<1x2048xf32, #tpu.memory_space<vmem_shared>>
        %dma_wait3A_706 = tpu.memref_squeeze %dma_wait3A_705 : memref<1x2048xf32, #tpu.memory_space<vmem_shared>> -> memref<2048xf32, #tpu.memory_space<vmem_shared>>
        tpu.wait_dma2 semaphore(%run_scoped3A : memref<!tpu.dma_semaphore, #tpu.memory_space<semaphore_mem>>) src(%arg11 : memref<2048xf32, #tpu.memory_space<vmem>>) dst(%dma_wait3A_706 : memref<2048xf32, #tpu.memory_space<vmem_shared>>)
        tpu.yield
      }) : () -> ()
      "tpu.region"() ({
        %run_scoped3A = tpu.sem_alloc : memref<!tpu.dma_semaphore, #tpu.memory_space<semaphore_mem>>
        %dma_start3A = arith.constant 32 : i32
        %dma_start3A_697 = arith.constant 0 : i32
        %dma_start3A_698 = tpu.memref_slice %arg3[%select_n3A, %dma_start3A, %dma_start3A_697] : memref<26x128x128xi32, #tpu.memory_space<hbm>> -> memref<1x16x128xi32, #tpu.memory_space<hbm>>
        %dma_start3A_699 = tpu.memref_squeeze %dma_start3A_698 : memref<1x16x128xi32, #tpu.memory_space<hbm>> -> memref<16x128xi32, #tpu.memory_space<hbm>>
        %dma_start3A_700 = arith.constant 32 : i32
        %dma_start3A_701 = arith.constant 0 : i32
        %dma_start3A_702 = tpu.memref_slice %arg3[%select_n3A, %dma_start3A_700, %dma_start3A_701] : memref<26x128x128xi32, #tpu.memory_space<hbm>> -> memref<1x16x128xi32, #tpu.memory_space<hbm>>
        %dma_start3A_703 = tpu.memref_squeeze %dma_start3A_702 : memref<1x16x128xi32, #tpu.memory_space<hbm>> -> memref<16x128xi32, #tpu.memory_space<hbm>>
        tpu.enqueue_dma source(%dma_start3A_703 : memref<16x128xi32, #tpu.memory_space<hbm>>) target(%arg10 : memref<16x128xi32, #tpu.memory_space<vmem>>) target_semaphore(%run_scoped3A : memref<!tpu.dma_semaphore, #tpu.memory_space<semaphore_mem>>)
        %dma_wait3A = arith.constant 32 : i32
        %dma_wait3A_704 = arith.constant 0 : i32
        %dma_wait3A_705 = tpu.memref_slice %arg3[%select_n3A, %dma_wait3A, %dma_wait3A_704] : memref<26x128x128xi32, #tpu.memory_space<hbm>> -> memref<1x16x128xi32, #tpu.memory_space<hbm>>
        %dma_wait3A_706 = tpu.memref_squeeze %dma_wait3A_705 : memref<1x16x128xi32, #tpu.memory_space<hbm>> -> memref<16x128xi32, #tpu.memory_space<hbm>>
        %dma_wait3A_707 = arith.constant 32 : i32
        %dma_wait3A_708 = arith.constant 0 : i32
        %dma_wait3A_709 = tpu.memref_slice %arg3[%select_n3A, %dma_wait3A_707, %dma_wait3A_708] : memref<26x128x128xi32, #tpu.memory_space<hbm>> -> memref<1x16x128xi32, #tpu.memory_space<hbm>>
        %dma_wait3A_710 = tpu.memref_squeeze %dma_wait3A_709 : memref<1x16x128xi32, #tpu.memory_space<hbm>> -> memref<16x128xi32, #tpu.memory_space<hbm>>
        tpu.wait_dma2 semaphore(%run_scoped3A : memref<!tpu.dma_semaphore, #tpu.memory_space<semaphore_mem>>) src(%dma_wait3A_710 : memref<16x128xi32, #tpu.memory_space<hbm>>) dst(%arg10 : memref<16x128xi32, #tpu.memory_space<vmem>>)
        tpu.yield
      }) : () -> ()
      %scan3A_653 = arith.constant 0 : i32
      %scan3A_654 = arith.constant 16 : i32
      %scan3A_655 = arith.addi %scan3A_653, %scan3A_654 : i32
      %scan3A_656 = arith.constant 1 : i32
      scf.for %scan3A_697 = %scan3A_653 to %scan3A_655 step %scan3A_656  : i32 {
        %mul3A_698 = arith.constant 1 : i32
        %mul3A_699 = arith.muli %scan3A_697, %mul3A_698 : i32
        %add3A_700 = arith.constant 0 : i32
        %add3A_701 = arith.addi %add3A_700, %mul3A_699 : i32
        %get3A_702 = arith.index_cast %add3A_701 : i32 to index
        %get3A_703 = arith.constant 0 : index
        %get3A_704 = tpu.vector_load %arg10[%get3A_702, %get3A_703] {strides = array<i32>} : memref<16x128xi32, #tpu.memory_space<vmem>>, vector<16xi32>,
        %gather3A = tpu.vector_load_idx %arg9[%get3A_704] : memref<100000xf32, #tpu.memory_space<vmem>>[vector<16xi32>], vector<16xf32>,
        %mul3A_705 = arith.constant 128 : i32
        %mul3A_706 = arith.muli %add3A_701, %mul3A_705 : i32
        %add3A_707 = arith.constant 0 : i32
        %add3A_708 = arith.addi %mul3A_706, %add3A_707 : i32
        %swap3A_709 = arith.index_cast %add3A_708 : i32 to index
        %swap3A_710 = tpu.vector_load %arg11[%swap3A_709] {strides = array<i32>} : memref<2048xf32, #tpu.memory_space<vmem>>, vector<16xf32>,
        tpu.vector_store %arg11[%swap3A_709], %gather3A {strides = array<i32>} : memref<2048xf32, #tpu.memory_space<vmem>>, vector<16xf32>,
        %get3A_711 = arith.index_cast %add3A_701 : i32 to index
        %get3A_712 = arith.constant 16 : index
        %get3A_713 = tpu.vector_load %arg10[%get3A_711, %get3A_712] {strides = array<i32>} : memref<16x128xi32, #tpu.memory_space<vmem>>, vector<16xi32>,
        %gather3A_714 = tpu.vector_load_idx %arg9[%get3A_713] : memref<100000xf32, #tpu.memory_space<vmem>>[vector<16xi32>], vector<16xf32>,
        %mul3A_715 = arith.constant 128 : i32
        %mul3A_716 = arith.muli %add3A_701, %mul3A_715 : i32
        %add3A_717 = arith.constant 16 : i32
        %add3A_718 = arith.addi %mul3A_716, %add3A_717 : i32
        %swap3A_719 = arith.index_cast %add3A_718 : i32 to index
        %swap3A_720 = tpu.vector_load %arg11[%swap3A_719] {strides = array<i32>} : memref<2048xf32, #tpu.memory_space<vmem>>, vector<16xf32>,
        tpu.vector_store %arg11[%swap3A_719], %gather3A_714 {strides = array<i32>} : memref<2048xf32, #tpu.memory_space<vmem>>, vector<16xf32>,
        %get3A_721 = arith.index_cast %add3A_701 : i32 to index
        %get3A_722 = arith.constant 32 : index
        %get3A_723 = tpu.vector_load %arg10[%get3A_721, %get3A_722] {strides = array<i32>} : memref<16x128xi32, #tpu.memory_space<vmem>>, vector<16xi32>,
        %gather3A_724 = tpu.vector_load_idx %arg9[%get3A_723] : memref<100000xf32, #tpu.memory_space<vmem>>[vector<16xi32>], vector<16xf32>,
        %mul3A_725 = arith.constant 128 : i32
        %mul3A_726 = arith.muli %add3A_701, %mul3A_725 : i32
        %add3A_727 = arith.constant 32 : i32
        %add3A_728 = arith.addi %mul3A_726, %add3A_727 : i32
        %swap3A_729 = arith.index_cast %add3A_728 : i32 to index
        %swap3A_730 = tpu.vector_load %arg11[%swap3A_729] {strides = array<i32>} : memref<2048xf32, #tpu.memory_space<vmem>>, vector<16xf32>,
        tpu.vector_store %arg11[%swap3A_729], %gather3A_724 {strides = array<i32>} : memref<2048xf32, #tpu.memory_space<vmem>>, vector<16xf32>,
        %get3A_731 = arith.index_cast %add3A_701 : i32 to index
        %get3A_732 = arith.constant 48 : index
        %get3A_733 = tpu.vector_load %arg10[%get3A_731, %get3A_732] {strides = array<i32>} : memref<16x128xi32, #tpu.memory_space<vmem>>, vector<16xi32>,
        %gather3A_734 = tpu.vector_load_idx %arg9[%get3A_733] : memref<100000xf32, #tpu.memory_space<vmem>>[vector<16xi32>], vector<16xf32>,
        %mul3A_735 = arith.constant 128 : i32
        %mul3A_736 = arith.muli %add3A_701, %mul3A_735 : i32
        %add3A_737 = arith.constant 48 : i32
        %add3A_738 = arith.addi %mul3A_736, %add3A_737 : i32
        %swap3A_739 = arith.index_cast %add3A_738 : i32 to index
        %swap3A_740 = tpu.vector_load %arg11[%swap3A_739] {strides = array<i32>} : memref<2048xf32, #tpu.memory_space<vmem>>, vector<16xf32>,
        tpu.vector_store %arg11[%swap3A_739], %gather3A_734 {strides = array<i32>} : memref<2048xf32, #tpu.memory_space<vmem>>, vector<16xf32>,
        %get3A_741 = arith.index_cast %add3A_701 : i32 to index
        %get3A_742 = arith.constant 64 : index
        %get3A_743 = tpu.vector_load %arg10[%get3A_741, %get3A_742] {strides = array<i32>} : memref<16x128xi32, #tpu.memory_space<vmem>>, vector<16xi32>,
        %gather3A_744 = tpu.vector_load_idx %arg9[%get3A_743] : memref<100000xf32, #tpu.memory_space<vmem>>[vector<16xi32>], vector<16xf32>,
        %mul3A_745 = arith.constant 128 : i32
        %mul3A_746 = arith.muli %add3A_701, %mul3A_745 : i32
        %add3A_747 = arith.constant 64 : i32
        %add3A_748 = arith.addi %mul3A_746, %add3A_747 : i32
        %swap3A_749 = arith.index_cast %add3A_748 : i32 to index
        %swap3A_750 = tpu.vector_load %arg11[%swap3A_749] {strides = array<i32>} : memref<2048xf32, #tpu.memory_space<vmem>>, vector<16xf32>,
        tpu.vector_store %arg11[%swap3A_749], %gather3A_744 {strides = array<i32>} : memref<2048xf32, #tpu.memory_space<vmem>>, vector<16xf32>,
        %get3A_751 = arith.index_cast %add3A_701 : i32 to index
        %get3A_752 = arith.constant 80 : index
        %get3A_753 = tpu.vector_load %arg10[%get3A_751, %get3A_752] {strides = array<i32>} : memref<16x128xi32, #tpu.memory_space<vmem>>, vector<16xi32>,
        %gather3A_754 = tpu.vector_load_idx %arg9[%get3A_753] : memref<100000xf32, #tpu.memory_space<vmem>>[vector<16xi32>], vector<16xf32>,
        %mul3A_755 = arith.constant 128 : i32
        %mul3A_756 = arith.muli %add3A_701, %mul3A_755 : i32
        %add3A_757 = arith.constant 80 : i32
        %add3A_758 = arith.addi %mul3A_756, %add3A_757 : i32
        %swap3A_759 = arith.index_cast %add3A_758 : i32 to index
        %swap3A_760 = tpu.vector_load %arg11[%swap3A_759] {strides = array<i32>} : memref<2048xf32, #tpu.memory_space<vmem>>, vector<16xf32>,
        tpu.vector_store %arg11[%swap3A_759], %gather3A_754 {strides = array<i32>} : memref<2048xf32, #tpu.memory_space<vmem>>, vector<16xf32>,
        %get3A_761 = arith.index_cast %add3A_701 : i32 to index
        %get3A_762 = arith.constant 96 : index
        %get3A_763 = tpu.vector_load %arg10[%get3A_761, %get3A_762] {strides = array<i32>} : memref<16x128xi32, #tpu.memory_space<vmem>>, vector<16xi32>,
        %gather3A_764 = tpu.vector_load_idx %arg9[%get3A_763] : memref<100000xf32, #tpu.memory_space<vmem>>[vector<16xi32>], vector<16xf32>,
        %mul3A_765 = arith.constant 128 : i32
        %mul3A_766 = arith.muli %add3A_701, %mul3A_765 : i32
        %add3A_767 = arith.constant 96 : i32
        %add3A_768 = arith.addi %mul3A_766, %add3A_767 : i32
        %swap3A_769 = arith.index_cast %add3A_768 : i32 to index
        %swap3A_770 = tpu.vector_load %arg11[%swap3A_769] {strides = array<i32>} : memref<2048xf32, #tpu.memory_space<vmem>>, vector<16xf32>,
        tpu.vector_store %arg11[%swap3A_769], %gather3A_764 {strides = array<i32>} : memref<2048xf32, #tpu.memory_space<vmem>>, vector<16xf32>,
        %get3A_771 = arith.index_cast %add3A_701 : i32 to index
        %get3A_772 = arith.constant 112 : index
        %get3A_773 = tpu.vector_load %arg10[%get3A_771, %get3A_772] {strides = array<i32>} : memref<16x128xi32, #tpu.memory_space<vmem>>, vector<16xi32>,
        %gather3A_774 = tpu.vector_load_idx %arg9[%get3A_773] : memref<100000xf32, #tpu.memory_space<vmem>>[vector<16xi32>], vector<16xf32>,
        %mul3A_775 = arith.constant 128 : i32
        %mul3A_776 = arith.muli %add3A_701, %mul3A_775 : i32
        %add3A_777 = arith.constant 112 : i32
        %add3A_778 = arith.addi %mul3A_776, %add3A_777 : i32
        %swap3A_779 = arith.index_cast %add3A_778 : i32 to index
        %swap3A_780 = tpu.vector_load %arg11[%swap3A_779] {strides = array<i32>} : memref<2048xf32, #tpu.memory_space<vmem>>, vector<16xf32>,
        tpu.vector_store %arg11[%swap3A_779], %gather3A_774 {strides = array<i32>} : memref<2048xf32, #tpu.memory_space<vmem>>, vector<16xf32>,
      }
      %scan3A_657 = arith.constant 16 : i32
      "tpu.region"() ({
        %run_scoped3A = tpu.sem_alloc : memref<!tpu.dma_semaphore, #tpu.memory_space<semaphore_mem>>
        %dma_start3A = arith.constant 4096 : i32
        %dma_start3A_697 = tpu.memref_slice %arg8[%arg1, %dma_start3A] : memref<16x8192xf32, #tpu.memory_space<vmem_shared>> -> memref<1x2048xf32, #tpu.memory_space<vmem_shared>>
        %dma_start3A_698 = tpu.memref_squeeze %dma_start3A_697 : memref<1x2048xf32, #tpu.memory_space<vmem_shared>> -> memref<2048xf32, #tpu.memory_space<vmem_shared>>
        %dma_start3A_699 = arith.constant 4096 : i32
        %dma_start3A_700 = tpu.memref_slice %arg8[%arg1, %dma_start3A_699] : memref<16x8192xf32, #tpu.memory_space<vmem_shared>> -> memref<1x2048xf32, #tpu.memory_space<vmem_shared>>
        %dma_start3A_701 = tpu.memref_squeeze %dma_start3A_700 : memref<1x2048xf32, #tpu.memory_space<vmem_shared>> -> memref<2048xf32, #tpu.memory_space<vmem_shared>>
        tpu.enqueue_dma source(%arg11 : memref<2048xf32, #tpu.memory_space<vmem>>) target(%dma_start3A_701 : memref<2048xf32, #tpu.memory_space<vmem_shared>>) target_semaphore(%run_scoped3A : memref<!tpu.dma_semaphore, #tpu.memory_space<semaphore_mem>>)
        %dma_wait3A = arith.constant 4096 : i32
        %dma_wait3A_702 = tpu.memref_slice %arg8[%arg1, %dma_wait3A] : memref<16x8192xf32, #tpu.memory_space<vmem_shared>> -> memref<1x2048xf32, #tpu.memory_space<vmem_shared>>
        %dma_wait3A_703 = tpu.memref_squeeze %dma_wait3A_702 : memref<1x2048xf32, #tpu.memory_space<vmem_shared>> -> memref<2048xf32, #tpu.memory_space<vmem_shared>>
        %dma_wait3A_704 = arith.constant 4096 : i32
        %dma_wait3A_705 = tpu.memref_slice %arg8[%arg1, %dma_wait3A_704] : memref<16x8192xf32, #tpu.memory_space<vmem_shared>> -> memref<1x2048xf32, #tpu.memory_space<vmem_shared>>
        %dma_wait3A_706 = tpu.memref_squeeze %dma_wait3A_705 : memref<1x2048xf32, #tpu.memory_space<vmem_shared>> -> memref<2048xf32, #tpu.memory_space<vmem_shared>>
        tpu.wait_dma2 semaphore(%run_scoped3A : memref<!tpu.dma_semaphore, #tpu.memory_space<semaphore_mem>>) src(%arg11 : memref<2048xf32, #tpu.memory_space<vmem>>) dst(%dma_wait3A_706 : memref<2048xf32, #tpu.memory_space<vmem_shared>>)
        tpu.yield
      }) : () -> ()
      "tpu.region"() ({
        %run_scoped3A = tpu.sem_alloc : memref<!tpu.dma_semaphore, #tpu.memory_space<semaphore_mem>>
        %dma_start3A = arith.constant 48 : i32
        %dma_start3A_697 = arith.constant 0 : i32
        %dma_start3A_698 = tpu.memref_slice %arg3[%select_n3A, %dma_start3A, %dma_start3A_697] : memref<26x128x128xi32, #tpu.memory_space<hbm>> -> memref<1x16x128xi32, #tpu.memory_space<hbm>>
        %dma_start3A_699 = tpu.memref_squeeze %dma_start3A_698 : memref<1x16x128xi32, #tpu.memory_space<hbm>> -> memref<16x128xi32, #tpu.memory_space<hbm>>
        %dma_start3A_700 = arith.constant 48 : i32
        %dma_start3A_701 = arith.constant 0 : i32
        %dma_start3A_702 = tpu.memref_slice %arg3[%select_n3A, %dma_start3A_700, %dma_start3A_701] : memref<26x128x128xi32, #tpu.memory_space<hbm>> -> memref<1x16x128xi32, #tpu.memory_space<hbm>>
        %dma_start3A_703 = tpu.memref_squeeze %dma_start3A_702 : memref<1x16x128xi32, #tpu.memory_space<hbm>> -> memref<16x128xi32, #tpu.memory_space<hbm>>
        tpu.enqueue_dma source(%dma_start3A_703 : memref<16x128xi32, #tpu.memory_space<hbm>>) target(%arg10 : memref<16x128xi32, #tpu.memory_space<vmem>>) target_semaphore(%run_scoped3A : memref<!tpu.dma_semaphore, #tpu.memory_space<semaphore_mem>>)
        %dma_wait3A = arith.constant 48 : i32
        %dma_wait3A_704 = arith.constant 0 : i32
        %dma_wait3A_705 = tpu.memref_slice %arg3[%select_n3A, %dma_wait3A, %dma_wait3A_704] : memref<26x128x128xi32, #tpu.memory_space<hbm>> -> memref<1x16x128xi32, #tpu.memory_space<hbm>>
        %dma_wait3A_706 = tpu.memref_squeeze %dma_wait3A_705 : memref<1x16x128xi32, #tpu.memory_space<hbm>> -> memref<16x128xi32, #tpu.memory_space<hbm>>
        %dma_wait3A_707 = arith.constant 48 : i32
        %dma_wait3A_708 = arith.constant 0 : i32
        %dma_wait3A_709 = tpu.memref_slice %arg3[%select_n3A, %dma_wait3A_707, %dma_wait3A_708] : memref<26x128x128xi32, #tpu.memory_space<hbm>> -> memref<1x16x128xi32, #tpu.memory_space<hbm>>
        %dma_wait3A_710 = tpu.memref_squeeze %dma_wait3A_709 : memref<1x16x128xi32, #tpu.memory_space<hbm>> -> memref<16x128xi32, #tpu.memory_space<hbm>>
        tpu.wait_dma2 semaphore(%run_scoped3A : memref<!tpu.dma_semaphore, #tpu.memory_space<semaphore_mem>>) src(%dma_wait3A_710 : memref<16x128xi32, #tpu.memory_space<hbm>>) dst(%arg10 : memref<16x128xi32, #tpu.memory_space<vmem>>)
        tpu.yield
      }) : () -> ()
      %scan3A_658 = arith.constant 0 : i32
      %scan3A_659 = arith.constant 16 : i32
      %scan3A_660 = arith.addi %scan3A_658, %scan3A_659 : i32
      %scan3A_661 = arith.constant 1 : i32
      scf.for %scan3A_697 = %scan3A_658 to %scan3A_660 step %scan3A_661  : i32 {
        %mul3A_698 = arith.constant 1 : i32
        %mul3A_699 = arith.muli %scan3A_697, %mul3A_698 : i32
        %add3A_700 = arith.constant 0 : i32
        %add3A_701 = arith.addi %add3A_700, %mul3A_699 : i32
        %get3A_702 = arith.index_cast %add3A_701 : i32 to index
        %get3A_703 = arith.constant 0 : index
        %get3A_704 = tpu.vector_load %arg10[%get3A_702, %get3A_703] {strides = array<i32>} : memref<16x128xi32, #tpu.memory_space<vmem>>, vector<16xi32>,
        %gather3A = tpu.vector_load_idx %arg9[%get3A_704] : memref<100000xf32, #tpu.memory_space<vmem>>[vector<16xi32>], vector<16xf32>,
        %mul3A_705 = arith.constant 128 : i32
        %mul3A_706 = arith.muli %add3A_701, %mul3A_705 : i32
        %add3A_707 = arith.constant 0 : i32
        %add3A_708 = arith.addi %mul3A_706, %add3A_707 : i32
        %swap3A_709 = arith.index_cast %add3A_708 : i32 to index
        %swap3A_710 = tpu.vector_load %arg11[%swap3A_709] {strides = array<i32>} : memref<2048xf32, #tpu.memory_space<vmem>>, vector<16xf32>,
        tpu.vector_store %arg11[%swap3A_709], %gather3A {strides = array<i32>} : memref<2048xf32, #tpu.memory_space<vmem>>, vector<16xf32>,
        %get3A_711 = arith.index_cast %add3A_701 : i32 to index
        %get3A_712 = arith.constant 16 : index
        %get3A_713 = tpu.vector_load %arg10[%get3A_711, %get3A_712] {strides = array<i32>} : memref<16x128xi32, #tpu.memory_space<vmem>>, vector<16xi32>,
        %gather3A_714 = tpu.vector_load_idx %arg9[%get3A_713] : memref<100000xf32, #tpu.memory_space<vmem>>[vector<16xi32>], vector<16xf32>,
        %mul3A_715 = arith.constant 128 : i32
        %mul3A_716 = arith.muli %add3A_701, %mul3A_715 : i32
        %add3A_717 = arith.constant 16 : i32
        %add3A_718 = arith.addi %mul3A_716, %add3A_717 : i32
        %swap3A_719 = arith.index_cast %add3A_718 : i32 to index
        %swap3A_720 = tpu.vector_load %arg11[%swap3A_719] {strides = array<i32>} : memref<2048xf32, #tpu.memory_space<vmem>>, vector<16xf32>,
        tpu.vector_store %arg11[%swap3A_719], %gather3A_714 {strides = array<i32>} : memref<2048xf32, #tpu.memory_space<vmem>>, vector<16xf32>,
        %get3A_721 = arith.index_cast %add3A_701 : i32 to index
        %get3A_722 = arith.constant 32 : index
        %get3A_723 = tpu.vector_load %arg10[%get3A_721, %get3A_722] {strides = array<i32>} : memref<16x128xi32, #tpu.memory_space<vmem>>, vector<16xi32>,
        %gather3A_724 = tpu.vector_load_idx %arg9[%get3A_723] : memref<100000xf32, #tpu.memory_space<vmem>>[vector<16xi32>], vector<16xf32>,
        %mul3A_725 = arith.constant 128 : i32
        %mul3A_726 = arith.muli %add3A_701, %mul3A_725 : i32
        %add3A_727 = arith.constant 32 : i32
        %add3A_728 = arith.addi %mul3A_726, %add3A_727 : i32
        %swap3A_729 = arith.index_cast %add3A_728 : i32 to index
        %swap3A_730 = tpu.vector_load %arg11[%swap3A_729] {strides = array<i32>} : memref<2048xf32, #tpu.memory_space<vmem>>, vector<16xf32>,
        tpu.vector_store %arg11[%swap3A_729], %gather3A_724 {strides = array<i32>} : memref<2048xf32, #tpu.memory_space<vmem>>, vector<16xf32>,
        %get3A_731 = arith.index_cast %add3A_701 : i32 to index
        %get3A_732 = arith.constant 48 : index
        %get3A_733 = tpu.vector_load %arg10[%get3A_731, %get3A_732] {strides = array<i32>} : memref<16x128xi32, #tpu.memory_space<vmem>>, vector<16xi32>,
        %gather3A_734 = tpu.vector_load_idx %arg9[%get3A_733] : memref<100000xf32, #tpu.memory_space<vmem>>[vector<16xi32>], vector<16xf32>,
        %mul3A_735 = arith.constant 128 : i32
        %mul3A_736 = arith.muli %add3A_701, %mul3A_735 : i32
        %add3A_737 = arith.constant 48 : i32
        %add3A_738 = arith.addi %mul3A_736, %add3A_737 : i32
        %swap3A_739 = arith.index_cast %add3A_738 : i32 to index
        %swap3A_740 = tpu.vector_load %arg11[%swap3A_739] {strides = array<i32>} : memref<2048xf32, #tpu.memory_space<vmem>>, vector<16xf32>,
        tpu.vector_store %arg11[%swap3A_739], %gather3A_734 {strides = array<i32>} : memref<2048xf32, #tpu.memory_space<vmem>>, vector<16xf32>,
        %get3A_741 = arith.index_cast %add3A_701 : i32 to index
        %get3A_742 = arith.constant 64 : index
        %get3A_743 = tpu.vector_load %arg10[%get3A_741, %get3A_742] {strides = array<i32>} : memref<16x128xi32, #tpu.memory_space<vmem>>, vector<16xi32>,
        %gather3A_744 = tpu.vector_load_idx %arg9[%get3A_743] : memref<100000xf32, #tpu.memory_space<vmem>>[vector<16xi32>], vector<16xf32>,
        %mul3A_745 = arith.constant 128 : i32
        %mul3A_746 = arith.muli %add3A_701, %mul3A_745 : i32
        %add3A_747 = arith.constant 64 : i32
        %add3A_748 = arith.addi %mul3A_746, %add3A_747 : i32
        %swap3A_749 = arith.index_cast %add3A_748 : i32 to index
        %swap3A_750 = tpu.vector_load %arg11[%swap3A_749] {strides = array<i32>} : memref<2048xf32, #tpu.memory_space<vmem>>, vector<16xf32>,
        tpu.vector_store %arg11[%swap3A_749], %gather3A_744 {strides = array<i32>} : memref<2048xf32, #tpu.memory_space<vmem>>, vector<16xf32>,
        %get3A_751 = arith.index_cast %add3A_701 : i32 to index
        %get3A_752 = arith.constant 80 : index
        %get3A_753 = tpu.vector_load %arg10[%get3A_751, %get3A_752] {strides = array<i32>} : memref<16x128xi32, #tpu.memory_space<vmem>>, vector<16xi32>,
        %gather3A_754 = tpu.vector_load_idx %arg9[%get3A_753] : memref<100000xf32, #tpu.memory_space<vmem>>[vector<16xi32>], vector<16xf32>,
        %mul3A_755 = arith.constant 128 : i32
        %mul3A_756 = arith.muli %add3A_701, %mul3A_755 : i32
        %add3A_757 = arith.constant 80 : i32
        %add3A_758 = arith.addi %mul3A_756, %add3A_757 : i32
        %swap3A_759 = arith.index_cast %add3A_758 : i32 to index
        %swap3A_760 = tpu.vector_load %arg11[%swap3A_759] {strides = array<i32>} : memref<2048xf32, #tpu.memory_space<vmem>>, vector<16xf32>,
        tpu.vector_store %arg11[%swap3A_759], %gather3A_754 {strides = array<i32>} : memref<2048xf32, #tpu.memory_space<vmem>>, vector<16xf32>,
        %get3A_761 = arith.index_cast %add3A_701 : i32 to index
        %get3A_762 = arith.constant 96 : index
        %get3A_763 = tpu.vector_load %arg10[%get3A_761, %get3A_762] {strides = array<i32>} : memref<16x128xi32, #tpu.memory_space<vmem>>, vector<16xi32>,
        %gather3A_764 = tpu.vector_load_idx %arg9[%get3A_763] : memref<100000xf32, #tpu.memory_space<vmem>>[vector<16xi32>], vector<16xf32>,
        %mul3A_765 = arith.constant 128 : i32
        %mul3A_766 = arith.muli %add3A_701, %mul3A_765 : i32
        %add3A_767 = arith.constant 96 : i32
        %add3A_768 = arith.addi %mul3A_766, %add3A_767 : i32
        %swap3A_769 = arith.index_cast %add3A_768 : i32 to index
        %swap3A_770 = tpu.vector_load %arg11[%swap3A_769] {strides = array<i32>} : memref<2048xf32, #tpu.memory_space<vmem>>, vector<16xf32>,
        tpu.vector_store %arg11[%swap3A_769], %gather3A_764 {strides = array<i32>} : memref<2048xf32, #tpu.memory_space<vmem>>, vector<16xf32>,
        %get3A_771 = arith.index_cast %add3A_701 : i32 to index
        %get3A_772 = arith.constant 112 : index
        %get3A_773 = tpu.vector_load %arg10[%get3A_771, %get3A_772] {strides = array<i32>} : memref<16x128xi32, #tpu.memory_space<vmem>>, vector<16xi32>,
        %gather3A_774 = tpu.vector_load_idx %arg9[%get3A_773] : memref<100000xf32, #tpu.memory_space<vmem>>[vector<16xi32>], vector<16xf32>,
        %mul3A_775 = arith.constant 128 : i32
        %mul3A_776 = arith.muli %add3A_701, %mul3A_775 : i32
        %add3A_777 = arith.constant 112 : i32
        %add3A_778 = arith.addi %mul3A_776, %add3A_777 : i32
        %swap3A_779 = arith.index_cast %add3A_778 : i32 to index
        %swap3A_780 = tpu.vector_load %arg11[%swap3A_779] {strides = array<i32>} : memref<2048xf32, #tpu.memory_space<vmem>>, vector<16xf32>,
        tpu.vector_store %arg11[%swap3A_779], %gather3A_774 {strides = array<i32>} : memref<2048xf32, #tpu.memory_space<vmem>>, vector<16xf32>,
      }
      %scan3A_662 = arith.constant 16 : i32
      "tpu.region"() ({
        %run_scoped3A = tpu.sem_alloc : memref<!tpu.dma_semaphore, #tpu.memory_space<semaphore_mem>>
        %dma_start3A = arith.constant 6144 : i32
        %dma_start3A_697 = tpu.memref_slice %arg8[%arg1, %dma_start3A] : memref<16x8192xf32, #tpu.memory_space<vmem_shared>> -> memref<1x2048xf32, #tpu.memory_space<vmem_shared>>
        %dma_start3A_698 = tpu.memref_squeeze %dma_start3A_697 : memref<1x2048xf32, #tpu.memory_space<vmem_shared>> -> memref<2048xf32, #tpu.memory_space<vmem_shared>>
        %dma_start3A_699 = arith.constant 6144 : i32
        %dma_start3A_700 = tpu.memref_slice %arg8[%arg1, %dma_start3A_699] : memref<16x8192xf32, #tpu.memory_space<vmem_shared>> -> memref<1x2048xf32, #tpu.memory_space<vmem_shared>>
        %dma_start3A_701 = tpu.memref_squeeze %dma_start3A_700 : memref<1x2048xf32, #tpu.memory_space<vmem_shared>> -> memref<2048xf32, #tpu.memory_space<vmem_shared>>
        tpu.enqueue_dma source(%arg11 : memref<2048xf32, #tpu.memory_space<vmem>>) target(%dma_start3A_701 : memref<2048xf32, #tpu.memory_space<vmem_shared>>) target_semaphore(%run_scoped3A : memref<!tpu.dma_semaphore, #tpu.memory_space<semaphore_mem>>)
        %dma_wait3A = arith.constant 6144 : i32
        %dma_wait3A_702 = tpu.memref_slice %arg8[%arg1, %dma_wait3A] : memref<16x8192xf32, #tpu.memory_space<vmem_shared>> -> memref<1x2048xf32, #tpu.memory_space<vmem_shared>>
        %dma_wait3A_703 = tpu.memref_squeeze %dma_wait3A_702 : memref<1x2048xf32, #tpu.memory_space<vmem_shared>> -> memref<2048xf32, #tpu.memory_space<vmem_shared>>
        %dma_wait3A_704 = arith.constant 6144 : i32
        %dma_wait3A_705 = tpu.memref_slice %arg8[%arg1, %dma_wait3A_704] : memref<16x8192xf32, #tpu.memory_space<vmem_shared>> -> memref<1x2048xf32, #tpu.memory_space<vmem_shared>>
        %dma_wait3A_706 = tpu.memref_squeeze %dma_wait3A_705 : memref<1x2048xf32, #tpu.memory_space<vmem_shared>> -> memref<2048xf32, #tpu.memory_space<vmem_shared>>
        tpu.wait_dma2 semaphore(%run_scoped3A : memref<!tpu.dma_semaphore, #tpu.memory_space<semaphore_mem>>) src(%arg11 : memref<2048xf32, #tpu.memory_space<vmem>>) dst(%dma_wait3A_706 : memref<2048xf32, #tpu.memory_space<vmem_shared>>)
        tpu.yield
      }) : () -> ()
      %barrier3A_663 = arith.constant 0 : index
      tpu.barrier barrier_id(%barrier3A_663)
      %eq3A_664 = arith.constant 15 : i32
      %eq3A_665 = arith.cmpi eq, %arg1, %eq3A_664 : i32
      %convert_element_type3A_666 = arith.extui %eq3A_665 : i1 to i32
      %cond3A_667 = arith.constant 0 : i32
      %cond3A_668 = arith.cmpi ne, %convert_element_type3A_666, %cond3A_667 : i32
      scf.if %cond3A_668 {
        %mul3A_697 = arith.constant 32 : i32
        %mul3A_698 = arith.muli %select_n3A, %mul3A_697 : i32
        %mul3A_699 = arith.constant 16 : i32
        %mul3A_700 = arith.muli %select_n3A_39, %mul3A_699 : i32
        %add3A_701 = arith.addi %mul3A_698, %mul3A_700 : i32
        "tpu.region"() ({
          %run_scoped3A = tpu.sem_alloc : memref<!tpu.dma_semaphore, #tpu.memory_space<semaphore_mem>>
          %dma_start3A = arith.constant 0 : i32
          %dma_start3A_702 = tpu.memref_slice %arg4[%add3A_701, %dma_start3A] : memref<832x16384xf32, #tpu.memory_space<hbm>> -> memref<16x8192xf32, #tpu.memory_space<hbm>>
          tpu.enqueue_dma source(%arg8 : memref<16x8192xf32, #tpu.memory_space<vmem_shared>>) target(%dma_start3A_702 : memref<16x8192xf32, #tpu.memory_space<hbm>>) target_semaphore(%run_scoped3A : memref<!tpu.dma_semaphore, #tpu.memory_space<semaphore_mem>>)
          %dma_wait3A = arith.constant 0 : i32
          %dma_wait3A_703 = tpu.memref_slice %arg4[%add3A_701, %dma_wait3A] : memref<832x16384xf32, #tpu.memory_space<hbm>> -> memref<16x8192xf32, #tpu.memory_space<hbm>>
          tpu.wait_dma2 semaphore(%run_scoped3A : memref<!tpu.dma_semaphore, #tpu.memory_space<semaphore_mem>>) src(%arg8 : memref<16x8192xf32, #tpu.memory_space<vmem_shared>>) dst(%dma_wait3A_703 : memref<16x8192xf32, #tpu.memory_space<hbm>>)
          tpu.yield
        }) : () -> ()
      } else {
      }
      %barrier3A_669 = arith.constant 0 : index
      tpu.barrier barrier_id(%barrier3A_669)
      "tpu.region"() ({
        %run_scoped3A = tpu.sem_alloc : memref<!tpu.dma_semaphore, #tpu.memory_space<semaphore_mem>>
        %dma_start3A = arith.constant 64 : i32
        %dma_start3A_697 = arith.constant 0 : i32
        %dma_start3A_698 = tpu.memref_slice %arg3[%select_n3A, %dma_start3A, %dma_start3A_697] : memref<26x128x128xi32, #tpu.memory_space<hbm>> -> memref<1x16x128xi32, #tpu.memory_space<hbm>>
        %dma_start3A_699 = tpu.memref_squeeze %dma_start3A_698 : memref<1x16x128xi32, #tpu.memory_space<hbm>> -> memref<16x128xi32, #tpu.memory_space<hbm>>
        %dma_start3A_700 = arith.constant 64 : i32
        %dma_start3A_701 = arith.constant 0 : i32
        %dma_start3A_702 = tpu.memref_slice %arg3[%select_n3A, %dma_start3A_700, %dma_start3A_701] : memref<26x128x128xi32, #tpu.memory_space<hbm>> -> memref<1x16x128xi32, #tpu.memory_space<hbm>>
        %dma_start3A_703 = tpu.memref_squeeze %dma_start3A_702 : memref<1x16x128xi32, #tpu.memory_space<hbm>> -> memref<16x128xi32, #tpu.memory_space<hbm>>
        tpu.enqueue_dma source(%dma_start3A_703 : memref<16x128xi32, #tpu.memory_space<hbm>>) target(%arg10 : memref<16x128xi32, #tpu.memory_space<vmem>>) target_semaphore(%run_scoped3A : memref<!tpu.dma_semaphore, #tpu.memory_space<semaphore_mem>>)
        %dma_wait3A = arith.constant 64 : i32
        %dma_wait3A_704 = arith.constant 0 : i32
        %dma_wait3A_705 = tpu.memref_slice %arg3[%select_n3A, %dma_wait3A, %dma_wait3A_704] : memref<26x128x128xi32, #tpu.memory_space<hbm>> -> memref<1x16x128xi32, #tpu.memory_space<hbm>>
        %dma_wait3A_706 = tpu.memref_squeeze %dma_wait3A_705 : memref<1x16x128xi32, #tpu.memory_space<hbm>> -> memref<16x128xi32, #tpu.memory_space<hbm>>
        %dma_wait3A_707 = arith.constant 64 : i32
        %dma_wait3A_708 = arith.constant 0 : i32
        %dma_wait3A_709 = tpu.memref_slice %arg3[%select_n3A, %dma_wait3A_707, %dma_wait3A_708] : memref<26x128x128xi32, #tpu.memory_space<hbm>> -> memref<1x16x128xi32, #tpu.memory_space<hbm>>
        %dma_wait3A_710 = tpu.memref_squeeze %dma_wait3A_709 : memref<1x16x128xi32, #tpu.memory_space<hbm>> -> memref<16x128xi32, #tpu.memory_space<hbm>>
        tpu.wait_dma2 semaphore(%run_scoped3A : memref<!tpu.dma_semaphore, #tpu.memory_space<semaphore_mem>>) src(%dma_wait3A_710 : memref<16x128xi32, #tpu.memory_space<hbm>>) dst(%arg10 : memref<16x128xi32, #tpu.memory_space<vmem>>)
        tpu.yield
      }) : () -> ()
      %scan3A_670 = arith.constant 0 : i32
      %scan3A_671 = arith.constant 16 : i32
      %scan3A_672 = arith.addi %scan3A_670, %scan3A_671 : i32
      %scan3A_673 = arith.constant 1 : i32
      scf.for %scan3A_697 = %scan3A_670 to %scan3A_672 step %scan3A_673  : i32 {
        %mul3A_698 = arith.constant 1 : i32
        %mul3A_699 = arith.muli %scan3A_697, %mul3A_698 : i32
        %add3A_700 = arith.constant 0 : i32
        %add3A_701 = arith.addi %add3A_700, %mul3A_699 : i32
        %get3A_702 = arith.index_cast %add3A_701 : i32 to index
        %get3A_703 = arith.constant 0 : index
        %get3A_704 = tpu.vector_load %arg10[%get3A_702, %get3A_703] {strides = array<i32>} : memref<16x128xi32, #tpu.memory_space<vmem>>, vector<16xi32>,
        %gather3A = tpu.vector_load_idx %arg9[%get3A_704] : memref<100000xf32, #tpu.memory_space<vmem>>[vector<16xi32>], vector<16xf32>,
        %mul3A_705 = arith.constant 128 : i32
        %mul3A_706 = arith.muli %add3A_701, %mul3A_705 : i32
        %add3A_707 = arith.constant 0 : i32
        %add3A_708 = arith.addi %mul3A_706, %add3A_707 : i32
        %swap3A_709 = arith.index_cast %add3A_708 : i32 to index
        %swap3A_710 = tpu.vector_load %arg11[%swap3A_709] {strides = array<i32>} : memref<2048xf32, #tpu.memory_space<vmem>>, vector<16xf32>,
        tpu.vector_store %arg11[%swap3A_709], %gather3A {strides = array<i32>} : memref<2048xf32, #tpu.memory_space<vmem>>, vector<16xf32>,
        %get3A_711 = arith.index_cast %add3A_701 : i32 to index
        %get3A_712 = arith.constant 16 : index
        %get3A_713 = tpu.vector_load %arg10[%get3A_711, %get3A_712] {strides = array<i32>} : memref<16x128xi32, #tpu.memory_space<vmem>>, vector<16xi32>,
        %gather3A_714 = tpu.vector_load_idx %arg9[%get3A_713] : memref<100000xf32, #tpu.memory_space<vmem>>[vector<16xi32>], vector<16xf32>,
        %mul3A_715 = arith.constant 128 : i32
        %mul3A_716 = arith.muli %add3A_701, %mul3A_715 : i32
        %add3A_717 = arith.constant 16 : i32
        %add3A_718 = arith.addi %mul3A_716, %add3A_717 : i32
        %swap3A_719 = arith.index_cast %add3A_718 : i32 to index
        %swap3A_720 = tpu.vector_load %arg11[%swap3A_719] {strides = array<i32>} : memref<2048xf32, #tpu.memory_space<vmem>>, vector<16xf32>,
        tpu.vector_store %arg11[%swap3A_719], %gather3A_714 {strides = array<i32>} : memref<2048xf32, #tpu.memory_space<vmem>>, vector<16xf32>,
        %get3A_721 = arith.index_cast %add3A_701 : i32 to index
        %get3A_722 = arith.constant 32 : index
        %get3A_723 = tpu.vector_load %arg10[%get3A_721, %get3A_722] {strides = array<i32>} : memref<16x128xi32, #tpu.memory_space<vmem>>, vector<16xi32>,
        %gather3A_724 = tpu.vector_load_idx %arg9[%get3A_723] : memref<100000xf32, #tpu.memory_space<vmem>>[vector<16xi32>], vector<16xf32>,
        %mul3A_725 = arith.constant 128 : i32
        %mul3A_726 = arith.muli %add3A_701, %mul3A_725 : i32
        %add3A_727 = arith.constant 32 : i32
        %add3A_728 = arith.addi %mul3A_726, %add3A_727 : i32
        %swap3A_729 = arith.index_cast %add3A_728 : i32 to index
        %swap3A_730 = tpu.vector_load %arg11[%swap3A_729] {strides = array<i32>} : memref<2048xf32, #tpu.memory_space<vmem>>, vector<16xf32>,
        tpu.vector_store %arg11[%swap3A_729], %gather3A_724 {strides = array<i32>} : memref<2048xf32, #tpu.memory_space<vmem>>, vector<16xf32>,
        %get3A_731 = arith.index_cast %add3A_701 : i32 to index
        %get3A_732 = arith.constant 48 : index
        %get3A_733 = tpu.vector_load %arg10[%get3A_731, %get3A_732] {strides = array<i32>} : memref<16x128xi32, #tpu.memory_space<vmem>>, vector<16xi32>,
        %gather3A_734 = tpu.vector_load_idx %arg9[%get3A_733] : memref<100000xf32, #tpu.memory_space<vmem>>[vector<16xi32>], vector<16xf32>,
        %mul3A_735 = arith.constant 128 : i32
        %mul3A_736 = arith.muli %add3A_701, %mul3A_735 : i32
        %add3A_737 = arith.constant 48 : i32
        %add3A_738 = arith.addi %mul3A_736, %add3A_737 : i32
        %swap3A_739 = arith.index_cast %add3A_738 : i32 to index
        %swap3A_740 = tpu.vector_load %arg11[%swap3A_739] {strides = array<i32>} : memref<2048xf32, #tpu.memory_space<vmem>>, vector<16xf32>,
        tpu.vector_store %arg11[%swap3A_739], %gather3A_734 {strides = array<i32>} : memref<2048xf32, #tpu.memory_space<vmem>>, vector<16xf32>,
        %get3A_741 = arith.index_cast %add3A_701 : i32 to index
        %get3A_742 = arith.constant 64 : index
        %get3A_743 = tpu.vector_load %arg10[%get3A_741, %get3A_742] {strides = array<i32>} : memref<16x128xi32, #tpu.memory_space<vmem>>, vector<16xi32>,
        %gather3A_744 = tpu.vector_load_idx %arg9[%get3A_743] : memref<100000xf32, #tpu.memory_space<vmem>>[vector<16xi32>], vector<16xf32>,
        %mul3A_745 = arith.constant 128 : i32
        %mul3A_746 = arith.muli %add3A_701, %mul3A_745 : i32
        %add3A_747 = arith.constant 64 : i32
        %add3A_748 = arith.addi %mul3A_746, %add3A_747 : i32
        %swap3A_749 = arith.index_cast %add3A_748 : i32 to index
        %swap3A_750 = tpu.vector_load %arg11[%swap3A_749] {strides = array<i32>} : memref<2048xf32, #tpu.memory_space<vmem>>, vector<16xf32>,
        tpu.vector_store %arg11[%swap3A_749], %gather3A_744 {strides = array<i32>} : memref<2048xf32, #tpu.memory_space<vmem>>, vector<16xf32>,
        %get3A_751 = arith.index_cast %add3A_701 : i32 to index
        %get3A_752 = arith.constant 80 : index
        %get3A_753 = tpu.vector_load %arg10[%get3A_751, %get3A_752] {strides = array<i32>} : memref<16x128xi32, #tpu.memory_space<vmem>>, vector<16xi32>,
        %gather3A_754 = tpu.vector_load_idx %arg9[%get3A_753] : memref<100000xf32, #tpu.memory_space<vmem>>[vector<16xi32>], vector<16xf32>,
        %mul3A_755 = arith.constant 128 : i32
        %mul3A_756 = arith.muli %add3A_701, %mul3A_755 : i32
        %add3A_757 = arith.constant 80 : i32
        %add3A_758 = arith.addi %mul3A_756, %add3A_757 : i32
        %swap3A_759 = arith.index_cast %add3A_758 : i32 to index
        %swap3A_760 = tpu.vector_load %arg11[%swap3A_759] {strides = array<i32>} : memref<2048xf32, #tpu.memory_space<vmem>>, vector<16xf32>,
        tpu.vector_store %arg11[%swap3A_759], %gather3A_754 {strides = array<i32>} : memref<2048xf32, #tpu.memory_space<vmem>>, vector<16xf32>,
        %get3A_761 = arith.index_cast %add3A_701 : i32 to index
        %get3A_762 = arith.constant 96 : index
        %get3A_763 = tpu.vector_load %arg10[%get3A_761, %get3A_762] {strides = array<i32>} : memref<16x128xi32, #tpu.memory_space<vmem>>, vector<16xi32>,
        %gather3A_764 = tpu.vector_load_idx %arg9[%get3A_763] : memref<100000xf32, #tpu.memory_space<vmem>>[vector<16xi32>], vector<16xf32>,
        %mul3A_765 = arith.constant 128 : i32
        %mul3A_766 = arith.muli %add3A_701, %mul3A_765 : i32
        %add3A_767 = arith.constant 96 : i32
        %add3A_768 = arith.addi %mul3A_766, %add3A_767 : i32
        %swap3A_769 = arith.index_cast %add3A_768 : i32 to index
        %swap3A_770 = tpu.vector_load %arg11[%swap3A_769] {strides = array<i32>} : memref<2048xf32, #tpu.memory_space<vmem>>, vector<16xf32>,
        tpu.vector_store %arg11[%swap3A_769], %gather3A_764 {strides = array<i32>} : memref<2048xf32, #tpu.memory_space<vmem>>, vector<16xf32>,
        %get3A_771 = arith.index_cast %add3A_701 : i32 to index
        %get3A_772 = arith.constant 112 : index
        %get3A_773 = tpu.vector_load %arg10[%get3A_771, %get3A_772] {strides = array<i32>} : memref<16x128xi32, #tpu.memory_space<vmem>>, vector<16xi32>,
        %gather3A_774 = tpu.vector_load_idx %arg9[%get3A_773] : memref<100000xf32, #tpu.memory_space<vmem>>[vector<16xi32>], vector<16xf32>,
        %mul3A_775 = arith.constant 128 : i32
        %mul3A_776 = arith.muli %add3A_701, %mul3A_775 : i32
        %add3A_777 = arith.constant 112 : i32
        %add3A_778 = arith.addi %mul3A_776, %add3A_777 : i32
        %swap3A_779 = arith.index_cast %add3A_778 : i32 to index
        %swap3A_780 = tpu.vector_load %arg11[%swap3A_779] {strides = array<i32>} : memref<2048xf32, #tpu.memory_space<vmem>>, vector<16xf32>,
        tpu.vector_store %arg11[%swap3A_779], %gather3A_774 {strides = array<i32>} : memref<2048xf32, #tpu.memory_space<vmem>>, vector<16xf32>,
      }
      %scan3A_674 = arith.constant 16 : i32
      "tpu.region"() ({
        %run_scoped3A = tpu.sem_alloc : memref<!tpu.dma_semaphore, #tpu.memory_space<semaphore_mem>>
        %dma_start3A = arith.constant 0 : i32
        %dma_start3A_697 = tpu.memref_slice %arg8[%arg1, %dma_start3A] : memref<16x8192xf32, #tpu.memory_space<vmem_shared>> -> memref<1x2048xf32, #tpu.memory_space<vmem_shared>>
        %dma_start3A_698 = tpu.memref_squeeze %dma_start3A_697 : memref<1x2048xf32, #tpu.memory_space<vmem_shared>> -> memref<2048xf32, #tpu.memory_space<vmem_shared>>
        %dma_start3A_699 = arith.constant 0 : i32
        %dma_start3A_700 = tpu.memref_slice %arg8[%arg1, %dma_start3A_699] : memref<16x8192xf32, #tpu.memory_space<vmem_shared>> -> memref<1x2048xf32, #tpu.memory_space<vmem_shared>>
        %dma_start3A_701 = tpu.memref_squeeze %dma_start3A_700 : memref<1x2048xf32, #tpu.memory_space<vmem_shared>> -> memref<2048xf32, #tpu.memory_space<vmem_shared>>
        tpu.enqueue_dma source(%arg11 : memref<2048xf32, #tpu.memory_space<vmem>>) target(%dma_start3A_701 : memref<2048xf32, #tpu.memory_space<vmem_shared>>) target_semaphore(%run_scoped3A : memref<!tpu.dma_semaphore, #tpu.memory_space<semaphore_mem>>)
        %dma_wait3A = arith.constant 0 : i32
        %dma_wait3A_702 = tpu.memref_slice %arg8[%arg1, %dma_wait3A] : memref<16x8192xf32, #tpu.memory_space<vmem_shared>> -> memref<1x2048xf32, #tpu.memory_space<vmem_shared>>
        %dma_wait3A_703 = tpu.memref_squeeze %dma_wait3A_702 : memref<1x2048xf32, #tpu.memory_space<vmem_shared>> -> memref<2048xf32, #tpu.memory_space<vmem_shared>>
        %dma_wait3A_704 = arith.constant 0 : i32
        %dma_wait3A_705 = tpu.memref_slice %arg8[%arg1, %dma_wait3A_704] : memref<16x8192xf32, #tpu.memory_space<vmem_shared>> -> memref<1x2048xf32, #tpu.memory_space<vmem_shared>>
        %dma_wait3A_706 = tpu.memref_squeeze %dma_wait3A_705 : memref<1x2048xf32, #tpu.memory_space<vmem_shared>> -> memref<2048xf32, #tpu.memory_space<vmem_shared>>
        tpu.wait_dma2 semaphore(%run_scoped3A : memref<!tpu.dma_semaphore, #tpu.memory_space<semaphore_mem>>) src(%arg11 : memref<2048xf32, #tpu.memory_space<vmem>>) dst(%dma_wait3A_706 : memref<2048xf32, #tpu.memory_space<vmem_shared>>)
        tpu.yield
      }) : () -> ()
      "tpu.region"() ({
        %run_scoped3A = tpu.sem_alloc : memref<!tpu.dma_semaphore, #tpu.memory_space<semaphore_mem>>
        %dma_start3A = arith.constant 80 : i32
        %dma_start3A_697 = arith.constant 0 : i32
        %dma_start3A_698 = tpu.memref_slice %arg3[%select_n3A, %dma_start3A, %dma_start3A_697] : memref<26x128x128xi32, #tpu.memory_space<hbm>> -> memref<1x16x128xi32, #tpu.memory_space<hbm>>
        %dma_start3A_699 = tpu.memref_squeeze %dma_start3A_698 : memref<1x16x128xi32, #tpu.memory_space<hbm>> -> memref<16x128xi32, #tpu.memory_space<hbm>>
        %dma_start3A_700 = arith.constant 80 : i32
        %dma_start3A_701 = arith.constant 0 : i32
        %dma_start3A_702 = tpu.memref_slice %arg3[%select_n3A, %dma_start3A_700, %dma_start3A_701] : memref<26x128x128xi32, #tpu.memory_space<hbm>> -> memref<1x16x128xi32, #tpu.memory_space<hbm>>
        %dma_start3A_703 = tpu.memref_squeeze %dma_start3A_702 : memref<1x16x128xi32, #tpu.memory_space<hbm>> -> memref<16x128xi32, #tpu.memory_space<hbm>>
        tpu.enqueue_dma source(%dma_start3A_703 : memref<16x128xi32, #tpu.memory_space<hbm>>) target(%arg10 : memref<16x128xi32, #tpu.memory_space<vmem>>) target_semaphore(%run_scoped3A : memref<!tpu.dma_semaphore, #tpu.memory_space<semaphore_mem>>)
        %dma_wait3A = arith.constant 80 : i32
        %dma_wait3A_704 = arith.constant 0 : i32
        %dma_wait3A_705 = tpu.memref_slice %arg3[%select_n3A, %dma_wait3A, %dma_wait3A_704] : memref<26x128x128xi32, #tpu.memory_space<hbm>> -> memref<1x16x128xi32, #tpu.memory_space<hbm>>
        %dma_wait3A_706 = tpu.memref_squeeze %dma_wait3A_705 : memref<1x16x128xi32, #tpu.memory_space<hbm>> -> memref<16x128xi32, #tpu.memory_space<hbm>>
        %dma_wait3A_707 = arith.constant 80 : i32
        %dma_wait3A_708 = arith.constant 0 : i32
        %dma_wait3A_709 = tpu.memref_slice %arg3[%select_n3A, %dma_wait3A_707, %dma_wait3A_708] : memref<26x128x128xi32, #tpu.memory_space<hbm>> -> memref<1x16x128xi32, #tpu.memory_space<hbm>>
        %dma_wait3A_710 = tpu.memref_squeeze %dma_wait3A_709 : memref<1x16x128xi32, #tpu.memory_space<hbm>> -> memref<16x128xi32, #tpu.memory_space<hbm>>
        tpu.wait_dma2 semaphore(%run_scoped3A : memref<!tpu.dma_semaphore, #tpu.memory_space<semaphore_mem>>) src(%dma_wait3A_710 : memref<16x128xi32, #tpu.memory_space<hbm>>) dst(%arg10 : memref<16x128xi32, #tpu.memory_space<vmem>>)
        tpu.yield
      }) : () -> ()
      %scan3A_675 = arith.constant 0 : i32
      %scan3A_676 = arith.constant 16 : i32
      %scan3A_677 = arith.addi %scan3A_675, %scan3A_676 : i32
      %scan3A_678 = arith.constant 1 : i32
      scf.for %scan3A_697 = %scan3A_675 to %scan3A_677 step %scan3A_678  : i32 {
        %mul3A_698 = arith.constant 1 : i32
        %mul3A_699 = arith.muli %scan3A_697, %mul3A_698 : i32
        %add3A_700 = arith.constant 0 : i32
        %add3A_701 = arith.addi %add3A_700, %mul3A_699 : i32
        %get3A_702 = arith.index_cast %add3A_701 : i32 to index
        %get3A_703 = arith.constant 0 : index
        %get3A_704 = tpu.vector_load %arg10[%get3A_702, %get3A_703] {strides = array<i32>} : memref<16x128xi32, #tpu.memory_space<vmem>>, vector<16xi32>,
        %gather3A = tpu.vector_load_idx %arg9[%get3A_704] : memref<100000xf32, #tpu.memory_space<vmem>>[vector<16xi32>], vector<16xf32>,
        %mul3A_705 = arith.constant 128 : i32
        %mul3A_706 = arith.muli %add3A_701, %mul3A_705 : i32
        %add3A_707 = arith.constant 0 : i32
        %add3A_708 = arith.addi %mul3A_706, %add3A_707 : i32
        %swap3A_709 = arith.index_cast %add3A_708 : i32 to index
        %swap3A_710 = tpu.vector_load %arg11[%swap3A_709] {strides = array<i32>} : memref<2048xf32, #tpu.memory_space<vmem>>, vector<16xf32>,
        tpu.vector_store %arg11[%swap3A_709], %gather3A {strides = array<i32>} : memref<2048xf32, #tpu.memory_space<vmem>>, vector<16xf32>,
        %get3A_711 = arith.index_cast %add3A_701 : i32 to index
        %get3A_712 = arith.constant 16 : index
        %get3A_713 = tpu.vector_load %arg10[%get3A_711, %get3A_712] {strides = array<i32>} : memref<16x128xi32, #tpu.memory_space<vmem>>, vector<16xi32>,
        %gather3A_714 = tpu.vector_load_idx %arg9[%get3A_713] : memref<100000xf32, #tpu.memory_space<vmem>>[vector<16xi32>], vector<16xf32>,
        %mul3A_715 = arith.constant 128 : i32
        %mul3A_716 = arith.muli %add3A_701, %mul3A_715 : i32
        %add3A_717 = arith.constant 16 : i32
        %add3A_718 = arith.addi %mul3A_716, %add3A_717 : i32
        %swap3A_719 = arith.index_cast %add3A_718 : i32 to index
        %swap3A_720 = tpu.vector_load %arg11[%swap3A_719] {strides = array<i32>} : memref<2048xf32, #tpu.memory_space<vmem>>, vector<16xf32>,
        tpu.vector_store %arg11[%swap3A_719], %gather3A_714 {strides = array<i32>} : memref<2048xf32, #tpu.memory_space<vmem>>, vector<16xf32>,
        %get3A_721 = arith.index_cast %add3A_701 : i32 to index
        %get3A_722 = arith.constant 32 : index
        %get3A_723 = tpu.vector_load %arg10[%get3A_721, %get3A_722] {strides = array<i32>} : memref<16x128xi32, #tpu.memory_space<vmem>>, vector<16xi32>,
        %gather3A_724 = tpu.vector_load_idx %arg9[%get3A_723] : memref<100000xf32, #tpu.memory_space<vmem>>[vector<16xi32>], vector<16xf32>,
        %mul3A_725 = arith.constant 128 : i32
        %mul3A_726 = arith.muli %add3A_701, %mul3A_725 : i32
        %add3A_727 = arith.constant 32 : i32
        %add3A_728 = arith.addi %mul3A_726, %add3A_727 : i32
        %swap3A_729 = arith.index_cast %add3A_728 : i32 to index
        %swap3A_730 = tpu.vector_load %arg11[%swap3A_729] {strides = array<i32>} : memref<2048xf32, #tpu.memory_space<vmem>>, vector<16xf32>,
        tpu.vector_store %arg11[%swap3A_729], %gather3A_724 {strides = array<i32>} : memref<2048xf32, #tpu.memory_space<vmem>>, vector<16xf32>,
        %get3A_731 = arith.index_cast %add3A_701 : i32 to index
        %get3A_732 = arith.constant 48 : index
        %get3A_733 = tpu.vector_load %arg10[%get3A_731, %get3A_732] {strides = array<i32>} : memref<16x128xi32, #tpu.memory_space<vmem>>, vector<16xi32>,
        %gather3A_734 = tpu.vector_load_idx %arg9[%get3A_733] : memref<100000xf32, #tpu.memory_space<vmem>>[vector<16xi32>], vector<16xf32>,
        %mul3A_735 = arith.constant 128 : i32
        %mul3A_736 = arith.muli %add3A_701, %mul3A_735 : i32
        %add3A_737 = arith.constant 48 : i32
        %add3A_738 = arith.addi %mul3A_736, %add3A_737 : i32
        %swap3A_739 = arith.index_cast %add3A_738 : i32 to index
        %swap3A_740 = tpu.vector_load %arg11[%swap3A_739] {strides = array<i32>} : memref<2048xf32, #tpu.memory_space<vmem>>, vector<16xf32>,
        tpu.vector_store %arg11[%swap3A_739], %gather3A_734 {strides = array<i32>} : memref<2048xf32, #tpu.memory_space<vmem>>, vector<16xf32>,
        %get3A_741 = arith.index_cast %add3A_701 : i32 to index
        %get3A_742 = arith.constant 64 : index
        %get3A_743 = tpu.vector_load %arg10[%get3A_741, %get3A_742] {strides = array<i32>} : memref<16x128xi32, #tpu.memory_space<vmem>>, vector<16xi32>,
        %gather3A_744 = tpu.vector_load_idx %arg9[%get3A_743] : memref<100000xf32, #tpu.memory_space<vmem>>[vector<16xi32>], vector<16xf32>,
        %mul3A_745 = arith.constant 128 : i32
        %mul3A_746 = arith.muli %add3A_701, %mul3A_745 : i32
        %add3A_747 = arith.constant 64 : i32
        %add3A_748 = arith.addi %mul3A_746, %add3A_747 : i32
        %swap3A_749 = arith.index_cast %add3A_748 : i32 to index
        %swap3A_750 = tpu.vector_load %arg11[%swap3A_749] {strides = array<i32>} : memref<2048xf32, #tpu.memory_space<vmem>>, vector<16xf32>,
        tpu.vector_store %arg11[%swap3A_749], %gather3A_744 {strides = array<i32>} : memref<2048xf32, #tpu.memory_space<vmem>>, vector<16xf32>,
        %get3A_751 = arith.index_cast %add3A_701 : i32 to index
        %get3A_752 = arith.constant 80 : index
        %get3A_753 = tpu.vector_load %arg10[%get3A_751, %get3A_752] {strides = array<i32>} : memref<16x128xi32, #tpu.memory_space<vmem>>, vector<16xi32>,
        %gather3A_754 = tpu.vector_load_idx %arg9[%get3A_753] : memref<100000xf32, #tpu.memory_space<vmem>>[vector<16xi32>], vector<16xf32>,
        %mul3A_755 = arith.constant 128 : i32
        %mul3A_756 = arith.muli %add3A_701, %mul3A_755 : i32
        %add3A_757 = arith.constant 80 : i32
        %add3A_758 = arith.addi %mul3A_756, %add3A_757 : i32
        %swap3A_759 = arith.index_cast %add3A_758 : i32 to index
        %swap3A_760 = tpu.vector_load %arg11[%swap3A_759] {strides = array<i32>} : memref<2048xf32, #tpu.memory_space<vmem>>, vector<16xf32>,
        tpu.vector_store %arg11[%swap3A_759], %gather3A_754 {strides = array<i32>} : memref<2048xf32, #tpu.memory_space<vmem>>, vector<16xf32>,
        %get3A_761 = arith.index_cast %add3A_701 : i32 to index
        %get3A_762 = arith.constant 96 : index
        %get3A_763 = tpu.vector_load %arg10[%get3A_761, %get3A_762] {strides = array<i32>} : memref<16x128xi32, #tpu.memory_space<vmem>>, vector<16xi32>,
        %gather3A_764 = tpu.vector_load_idx %arg9[%get3A_763] : memref<100000xf32, #tpu.memory_space<vmem>>[vector<16xi32>], vector<16xf32>,
        %mul3A_765 = arith.constant 128 : i32
        %mul3A_766 = arith.muli %add3A_701, %mul3A_765 : i32
        %add3A_767 = arith.constant 96 : i32
        %add3A_768 = arith.addi %mul3A_766, %add3A_767 : i32
        %swap3A_769 = arith.index_cast %add3A_768 : i32 to index
        %swap3A_770 = tpu.vector_load %arg11[%swap3A_769] {strides = array<i32>} : memref<2048xf32, #tpu.memory_space<vmem>>, vector<16xf32>,
        tpu.vector_store %arg11[%swap3A_769], %gather3A_764 {strides = array<i32>} : memref<2048xf32, #tpu.memory_space<vmem>>, vector<16xf32>,
        %get3A_771 = arith.index_cast %add3A_701 : i32 to index
        %get3A_772 = arith.constant 112 : index
        %get3A_773 = tpu.vector_load %arg10[%get3A_771, %get3A_772] {strides = array<i32>} : memref<16x128xi32, #tpu.memory_space<vmem>>, vector<16xi32>,
        %gather3A_774 = tpu.vector_load_idx %arg9[%get3A_773] : memref<100000xf32, #tpu.memory_space<vmem>>[vector<16xi32>], vector<16xf32>,
        %mul3A_775 = arith.constant 128 : i32
        %mul3A_776 = arith.muli %add3A_701, %mul3A_775 : i32
        %add3A_777 = arith.constant 112 : i32
        %add3A_778 = arith.addi %mul3A_776, %add3A_777 : i32
        %swap3A_779 = arith.index_cast %add3A_778 : i32 to index
        %swap3A_780 = tpu.vector_load %arg11[%swap3A_779] {strides = array<i32>} : memref<2048xf32, #tpu.memory_space<vmem>>, vector<16xf32>,
        tpu.vector_store %arg11[%swap3A_779], %gather3A_774 {strides = array<i32>} : memref<2048xf32, #tpu.memory_space<vmem>>, vector<16xf32>,
      }
      %scan3A_679 = arith.constant 16 : i32
      "tpu.region"() ({
        %run_scoped3A = tpu.sem_alloc : memref<!tpu.dma_semaphore, #tpu.memory_space<semaphore_mem>>
        %dma_start3A = arith.constant 2048 : i32
        %dma_start3A_697 = tpu.memref_slice %arg8[%arg1, %dma_start3A] : memref<16x8192xf32, #tpu.memory_space<vmem_shared>> -> memref<1x2048xf32, #tpu.memory_space<vmem_shared>>
        %dma_start3A_698 = tpu.memref_squeeze %dma_start3A_697 : memref<1x2048xf32, #tpu.memory_space<vmem_shared>> -> memref<2048xf32, #tpu.memory_space<vmem_shared>>
        %dma_start3A_699 = arith.constant 2048 : i32
        %dma_start3A_700 = tpu.memref_slice %arg8[%arg1, %dma_start3A_699] : memref<16x8192xf32, #tpu.memory_space<vmem_shared>> -> memref<1x2048xf32, #tpu.memory_space<vmem_shared>>
        %dma_start3A_701 = tpu.memref_squeeze %dma_start3A_700 : memref<1x2048xf32, #tpu.memory_space<vmem_shared>> -> memref<2048xf32, #tpu.memory_space<vmem_shared>>
        tpu.enqueue_dma source(%arg11 : memref<2048xf32, #tpu.memory_space<vmem>>) target(%dma_start3A_701 : memref<2048xf32, #tpu.memory_space<vmem_shared>>) target_semaphore(%run_scoped3A : memref<!tpu.dma_semaphore, #tpu.memory_space<semaphore_mem>>)
        %dma_wait3A = arith.constant 2048 : i32
        %dma_wait3A_702 = tpu.memref_slice %arg8[%arg1, %dma_wait3A] : memref<16x8192xf32, #tpu.memory_space<vmem_shared>> -> memref<1x2048xf32, #tpu.memory_space<vmem_shared>>
        %dma_wait3A_703 = tpu.memref_squeeze %dma_wait3A_702 : memref<1x2048xf32, #tpu.memory_space<vmem_shared>> -> memref<2048xf32, #tpu.memory_space<vmem_shared>>
        %dma_wait3A_704 = arith.constant 2048 : i32
        %dma_wait3A_705 = tpu.memref_slice %arg8[%arg1, %dma_wait3A_704] : memref<16x8192xf32, #tpu.memory_space<vmem_shared>> -> memref<1x2048xf32, #tpu.memory_space<vmem_shared>>
        %dma_wait3A_706 = tpu.memref_squeeze %dma_wait3A_705 : memref<1x2048xf32, #tpu.memory_space<vmem_shared>> -> memref<2048xf32, #tpu.memory_space<vmem_shared>>
        tpu.wait_dma2 semaphore(%run_scoped3A : memref<!tpu.dma_semaphore, #tpu.memory_space<semaphore_mem>>) src(%arg11 : memref<2048xf32, #tpu.memory_space<vmem>>) dst(%dma_wait3A_706 : memref<2048xf32, #tpu.memory_space<vmem_shared>>)
        tpu.yield
      }) : () -> ()
      "tpu.region"() ({
        %run_scoped3A = tpu.sem_alloc : memref<!tpu.dma_semaphore, #tpu.memory_space<semaphore_mem>>
        %dma_start3A = arith.constant 96 : i32
        %dma_start3A_697 = arith.constant 0 : i32
        %dma_start3A_698 = tpu.memref_slice %arg3[%select_n3A, %dma_start3A, %dma_start3A_697] : memref<26x128x128xi32, #tpu.memory_space<hbm>> -> memref<1x16x128xi32, #tpu.memory_space<hbm>>
        %dma_start3A_699 = tpu.memref_squeeze %dma_start3A_698 : memref<1x16x128xi32, #tpu.memory_space<hbm>> -> memref<16x128xi32, #tpu.memory_space<hbm>>
        %dma_start3A_700 = arith.constant 96 : i32
        %dma_start3A_701 = arith.constant 0 : i32
        %dma_start3A_702 = tpu.memref_slice %arg3[%select_n3A, %dma_start3A_700, %dma_start3A_701] : memref<26x128x128xi32, #tpu.memory_space<hbm>> -> memref<1x16x128xi32, #tpu.memory_space<hbm>>
        %dma_start3A_703 = tpu.memref_squeeze %dma_start3A_702 : memref<1x16x128xi32, #tpu.memory_space<hbm>> -> memref<16x128xi32, #tpu.memory_space<hbm>>
        tpu.enqueue_dma source(%dma_start3A_703 : memref<16x128xi32, #tpu.memory_space<hbm>>) target(%arg10 : memref<16x128xi32, #tpu.memory_space<vmem>>) target_semaphore(%run_scoped3A : memref<!tpu.dma_semaphore, #tpu.memory_space<semaphore_mem>>)
        %dma_wait3A = arith.constant 96 : i32
        %dma_wait3A_704 = arith.constant 0 : i32
        %dma_wait3A_705 = tpu.memref_slice %arg3[%select_n3A, %dma_wait3A, %dma_wait3A_704] : memref<26x128x128xi32, #tpu.memory_space<hbm>> -> memref<1x16x128xi32, #tpu.memory_space<hbm>>
        %dma_wait3A_706 = tpu.memref_squeeze %dma_wait3A_705 : memref<1x16x128xi32, #tpu.memory_space<hbm>> -> memref<16x128xi32, #tpu.memory_space<hbm>>
        %dma_wait3A_707 = arith.constant 96 : i32
        %dma_wait3A_708 = arith.constant 0 : i32
        %dma_wait3A_709 = tpu.memref_slice %arg3[%select_n3A, %dma_wait3A_707, %dma_wait3A_708] : memref<26x128x128xi32, #tpu.memory_space<hbm>> -> memref<1x16x128xi32, #tpu.memory_space<hbm>>
        %dma_wait3A_710 = tpu.memref_squeeze %dma_wait3A_709 : memref<1x16x128xi32, #tpu.memory_space<hbm>> -> memref<16x128xi32, #tpu.memory_space<hbm>>
        tpu.wait_dma2 semaphore(%run_scoped3A : memref<!tpu.dma_semaphore, #tpu.memory_space<semaphore_mem>>) src(%dma_wait3A_710 : memref<16x128xi32, #tpu.memory_space<hbm>>) dst(%arg10 : memref<16x128xi32, #tpu.memory_space<vmem>>)
        tpu.yield
      }) : () -> ()
      %scan3A_680 = arith.constant 0 : i32
      %scan3A_681 = arith.constant 16 : i32
      %scan3A_682 = arith.addi %scan3A_680, %scan3A_681 : i32
      %scan3A_683 = arith.constant 1 : i32
      scf.for %scan3A_697 = %scan3A_680 to %scan3A_682 step %scan3A_683  : i32 {
        %mul3A_698 = arith.constant 1 : i32
        %mul3A_699 = arith.muli %scan3A_697, %mul3A_698 : i32
        %add3A_700 = arith.constant 0 : i32
        %add3A_701 = arith.addi %add3A_700, %mul3A_699 : i32
        %get3A_702 = arith.index_cast %add3A_701 : i32 to index
        %get3A_703 = arith.constant 0 : index
        %get3A_704 = tpu.vector_load %arg10[%get3A_702, %get3A_703] {strides = array<i32>} : memref<16x128xi32, #tpu.memory_space<vmem>>, vector<16xi32>,
        %gather3A = tpu.vector_load_idx %arg9[%get3A_704] : memref<100000xf32, #tpu.memory_space<vmem>>[vector<16xi32>], vector<16xf32>,
        %mul3A_705 = arith.constant 128 : i32
        %mul3A_706 = arith.muli %add3A_701, %mul3A_705 : i32
        %add3A_707 = arith.constant 0 : i32
        %add3A_708 = arith.addi %mul3A_706, %add3A_707 : i32
        %swap3A_709 = arith.index_cast %add3A_708 : i32 to index
        %swap3A_710 = tpu.vector_load %arg11[%swap3A_709] {strides = array<i32>} : memref<2048xf32, #tpu.memory_space<vmem>>, vector<16xf32>,
        tpu.vector_store %arg11[%swap3A_709], %gather3A {strides = array<i32>} : memref<2048xf32, #tpu.memory_space<vmem>>, vector<16xf32>,
        %get3A_711 = arith.index_cast %add3A_701 : i32 to index
        %get3A_712 = arith.constant 16 : index
        %get3A_713 = tpu.vector_load %arg10[%get3A_711, %get3A_712] {strides = array<i32>} : memref<16x128xi32, #tpu.memory_space<vmem>>, vector<16xi32>,
        %gather3A_714 = tpu.vector_load_idx %arg9[%get3A_713] : memref<100000xf32, #tpu.memory_space<vmem>>[vector<16xi32>], vector<16xf32>,
        %mul3A_715 = arith.constant 128 : i32
        %mul3A_716 = arith.muli %add3A_701, %mul3A_715 : i32
        %add3A_717 = arith.constant 16 : i32
        %add3A_718 = arith.addi %mul3A_716, %add3A_717 : i32
        %swap3A_719 = arith.index_cast %add3A_718 : i32 to index
        %swap3A_720 = tpu.vector_load %arg11[%swap3A_719] {strides = array<i32>} : memref<2048xf32, #tpu.memory_space<vmem>>, vector<16xf32>,
        tpu.vector_store %arg11[%swap3A_719], %gather3A_714 {strides = array<i32>} : memref<2048xf32, #tpu.memory_space<vmem>>, vector<16xf32>,
        %get3A_721 = arith.index_cast %add3A_701 : i32 to index
        %get3A_722 = arith.constant 32 : index
        %get3A_723 = tpu.vector_load %arg10[%get3A_721, %get3A_722] {strides = array<i32>} : memref<16x128xi32, #tpu.memory_space<vmem>>, vector<16xi32>,
        %gather3A_724 = tpu.vector_load_idx %arg9[%get3A_723] : memref<100000xf32, #tpu.memory_space<vmem>>[vector<16xi32>], vector<16xf32>,
        %mul3A_725 = arith.constant 128 : i32
        %mul3A_726 = arith.muli %add3A_701, %mul3A_725 : i32
        %add3A_727 = arith.constant 32 : i32
        %add3A_728 = arith.addi %mul3A_726, %add3A_727 : i32
        %swap3A_729 = arith.index_cast %add3A_728 : i32 to index
        %swap3A_730 = tpu.vector_load %arg11[%swap3A_729] {strides = array<i32>} : memref<2048xf32, #tpu.memory_space<vmem>>, vector<16xf32>,
        tpu.vector_store %arg11[%swap3A_729], %gather3A_724 {strides = array<i32>} : memref<2048xf32, #tpu.memory_space<vmem>>, vector<16xf32>,
        %get3A_731 = arith.index_cast %add3A_701 : i32 to index
        %get3A_732 = arith.constant 48 : index
        %get3A_733 = tpu.vector_load %arg10[%get3A_731, %get3A_732] {strides = array<i32>} : memref<16x128xi32, #tpu.memory_space<vmem>>, vector<16xi32>,
        %gather3A_734 = tpu.vector_load_idx %arg9[%get3A_733] : memref<100000xf32, #tpu.memory_space<vmem>>[vector<16xi32>], vector<16xf32>,
        %mul3A_735 = arith.constant 128 : i32
        %mul3A_736 = arith.muli %add3A_701, %mul3A_735 : i32
        %add3A_737 = arith.constant 48 : i32
        %add3A_738 = arith.addi %mul3A_736, %add3A_737 : i32
        %swap3A_739 = arith.index_cast %add3A_738 : i32 to index
        %swap3A_740 = tpu.vector_load %arg11[%swap3A_739] {strides = array<i32>} : memref<2048xf32, #tpu.memory_space<vmem>>, vector<16xf32>,
        tpu.vector_store %arg11[%swap3A_739], %gather3A_734 {strides = array<i32>} : memref<2048xf32, #tpu.memory_space<vmem>>, vector<16xf32>,
        %get3A_741 = arith.index_cast %add3A_701 : i32 to index
        %get3A_742 = arith.constant 64 : index
        %get3A_743 = tpu.vector_load %arg10[%get3A_741, %get3A_742] {strides = array<i32>} : memref<16x128xi32, #tpu.memory_space<vmem>>, vector<16xi32>,
        %gather3A_744 = tpu.vector_load_idx %arg9[%get3A_743] : memref<100000xf32, #tpu.memory_space<vmem>>[vector<16xi32>], vector<16xf32>,
        %mul3A_745 = arith.constant 128 : i32
        %mul3A_746 = arith.muli %add3A_701, %mul3A_745 : i32
        %add3A_747 = arith.constant 64 : i32
        %add3A_748 = arith.addi %mul3A_746, %add3A_747 : i32
        %swap3A_749 = arith.index_cast %add3A_748 : i32 to index
        %swap3A_750 = tpu.vector_load %arg11[%swap3A_749] {strides = array<i32>} : memref<2048xf32, #tpu.memory_space<vmem>>, vector<16xf32>,
        tpu.vector_store %arg11[%swap3A_749], %gather3A_744 {strides = array<i32>} : memref<2048xf32, #tpu.memory_space<vmem>>, vector<16xf32>,
        %get3A_751 = arith.index_cast %add3A_701 : i32 to index
        %get3A_752 = arith.constant 80 : index
        %get3A_753 = tpu.vector_load %arg10[%get3A_751, %get3A_752] {strides = array<i32>} : memref<16x128xi32, #tpu.memory_space<vmem>>, vector<16xi32>,
        %gather3A_754 = tpu.vector_load_idx %arg9[%get3A_753] : memref<100000xf32, #tpu.memory_space<vmem>>[vector<16xi32>], vector<16xf32>,
        %mul3A_755 = arith.constant 128 : i32
        %mul3A_756 = arith.muli %add3A_701, %mul3A_755 : i32
        %add3A_757 = arith.constant 80 : i32
        %add3A_758 = arith.addi %mul3A_756, %add3A_757 : i32
        %swap3A_759 = arith.index_cast %add3A_758 : i32 to index
        %swap3A_760 = tpu.vector_load %arg11[%swap3A_759] {strides = array<i32>} : memref<2048xf32, #tpu.memory_space<vmem>>, vector<16xf32>,
        tpu.vector_store %arg11[%swap3A_759], %gather3A_754 {strides = array<i32>} : memref<2048xf32, #tpu.memory_space<vmem>>, vector<16xf32>,
        %get3A_761 = arith.index_cast %add3A_701 : i32 to index
        %get3A_762 = arith.constant 96 : index
        %get3A_763 = tpu.vector_load %arg10[%get3A_761, %get3A_762] {strides = array<i32>} : memref<16x128xi32, #tpu.memory_space<vmem>>, vector<16xi32>,
        %gather3A_764 = tpu.vector_load_idx %arg9[%get3A_763] : memref<100000xf32, #tpu.memory_space<vmem>>[vector<16xi32>], vector<16xf32>,
        %mul3A_765 = arith.constant 128 : i32
        %mul3A_766 = arith.muli %add3A_701, %mul3A_765 : i32
        %add3A_767 = arith.constant 96 : i32
        %add3A_768 = arith.addi %mul3A_766, %add3A_767 : i32
        %swap3A_769 = arith.index_cast %add3A_768 : i32 to index
        %swap3A_770 = tpu.vector_load %arg11[%swap3A_769] {strides = array<i32>} : memref<2048xf32, #tpu.memory_space<vmem>>, vector<16xf32>,
        tpu.vector_store %arg11[%swap3A_769], %gather3A_764 {strides = array<i32>} : memref<2048xf32, #tpu.memory_space<vmem>>, vector<16xf32>,
        %get3A_771 = arith.index_cast %add3A_701 : i32 to index
        %get3A_772 = arith.constant 112 : index
        %get3A_773 = tpu.vector_load %arg10[%get3A_771, %get3A_772] {strides = array<i32>} : memref<16x128xi32, #tpu.memory_space<vmem>>, vector<16xi32>,
        %gather3A_774 = tpu.vector_load_idx %arg9[%get3A_773] : memref<100000xf32, #tpu.memory_space<vmem>>[vector<16xi32>], vector<16xf32>,
        %mul3A_775 = arith.constant 128 : i32
        %mul3A_776 = arith.muli %add3A_701, %mul3A_775 : i32
        %add3A_777 = arith.constant 112 : i32
        %add3A_778 = arith.addi %mul3A_776, %add3A_777 : i32
        %swap3A_779 = arith.index_cast %add3A_778 : i32 to index
        %swap3A_780 = tpu.vector_load %arg11[%swap3A_779] {strides = array<i32>} : memref<2048xf32, #tpu.memory_space<vmem>>, vector<16xf32>,
        tpu.vector_store %arg11[%swap3A_779], %gather3A_774 {strides = array<i32>} : memref<2048xf32, #tpu.memory_space<vmem>>, vector<16xf32>,
      }
      %scan3A_684 = arith.constant 16 : i32
      "tpu.region"() ({
        %run_scoped3A = tpu.sem_alloc : memref<!tpu.dma_semaphore, #tpu.memory_space<semaphore_mem>>
        %dma_start3A = arith.constant 4096 : i32
        %dma_start3A_697 = tpu.memref_slice %arg8[%arg1, %dma_start3A] : memref<16x8192xf32, #tpu.memory_space<vmem_shared>> -> memref<1x2048xf32, #tpu.memory_space<vmem_shared>>
        %dma_start3A_698 = tpu.memref_squeeze %dma_start3A_697 : memref<1x2048xf32, #tpu.memory_space<vmem_shared>> -> memref<2048xf32, #tpu.memory_space<vmem_shared>>
        %dma_start3A_699 = arith.constant 4096 : i32
        %dma_start3A_700 = tpu.memref_slice %arg8[%arg1, %dma_start3A_699] : memref<16x8192xf32, #tpu.memory_space<vmem_shared>> -> memref<1x2048xf32, #tpu.memory_space<vmem_shared>>
        %dma_start3A_701 = tpu.memref_squeeze %dma_start3A_700 : memref<1x2048xf32, #tpu.memory_space<vmem_shared>> -> memref<2048xf32, #tpu.memory_space<vmem_shared>>
        tpu.enqueue_dma source(%arg11 : memref<2048xf32, #tpu.memory_space<vmem>>) target(%dma_start3A_701 : memref<2048xf32, #tpu.memory_space<vmem_shared>>) target_semaphore(%run_scoped3A : memref<!tpu.dma_semaphore, #tpu.memory_space<semaphore_mem>>)
        %dma_wait3A = arith.constant 4096 : i32
        %dma_wait3A_702 = tpu.memref_slice %arg8[%arg1, %dma_wait3A] : memref<16x8192xf32, #tpu.memory_space<vmem_shared>> -> memref<1x2048xf32, #tpu.memory_space<vmem_shared>>
        %dma_wait3A_703 = tpu.memref_squeeze %dma_wait3A_702 : memref<1x2048xf32, #tpu.memory_space<vmem_shared>> -> memref<2048xf32, #tpu.memory_space<vmem_shared>>
        %dma_wait3A_704 = arith.constant 4096 : i32
        %dma_wait3A_705 = tpu.memref_slice %arg8[%arg1, %dma_wait3A_704] : memref<16x8192xf32, #tpu.memory_space<vmem_shared>> -> memref<1x2048xf32, #tpu.memory_space<vmem_shared>>
        %dma_wait3A_706 = tpu.memref_squeeze %dma_wait3A_705 : memref<1x2048xf32, #tpu.memory_space<vmem_shared>> -> memref<2048xf32, #tpu.memory_space<vmem_shared>>
        tpu.wait_dma2 semaphore(%run_scoped3A : memref<!tpu.dma_semaphore, #tpu.memory_space<semaphore_mem>>) src(%arg11 : memref<2048xf32, #tpu.memory_space<vmem>>) dst(%dma_wait3A_706 : memref<2048xf32, #tpu.memory_space<vmem_shared>>)
        tpu.yield
      }) : () -> ()
      "tpu.region"() ({
        %run_scoped3A = tpu.sem_alloc : memref<!tpu.dma_semaphore, #tpu.memory_space<semaphore_mem>>
        %dma_start3A = arith.constant 112 : i32
        %dma_start3A_697 = arith.constant 0 : i32
        %dma_start3A_698 = tpu.memref_slice %arg3[%select_n3A, %dma_start3A, %dma_start3A_697] : memref<26x128x128xi32, #tpu.memory_space<hbm>> -> memref<1x16x128xi32, #tpu.memory_space<hbm>>
        %dma_start3A_699 = tpu.memref_squeeze %dma_start3A_698 : memref<1x16x128xi32, #tpu.memory_space<hbm>> -> memref<16x128xi32, #tpu.memory_space<hbm>>
        %dma_start3A_700 = arith.constant 112 : i32
        %dma_start3A_701 = arith.constant 0 : i32
        %dma_start3A_702 = tpu.memref_slice %arg3[%select_n3A, %dma_start3A_700, %dma_start3A_701] : memref<26x128x128xi32, #tpu.memory_space<hbm>> -> memref<1x16x128xi32, #tpu.memory_space<hbm>>
        %dma_start3A_703 = tpu.memref_squeeze %dma_start3A_702 : memref<1x16x128xi32, #tpu.memory_space<hbm>> -> memref<16x128xi32, #tpu.memory_space<hbm>>
        tpu.enqueue_dma source(%dma_start3A_703 : memref<16x128xi32, #tpu.memory_space<hbm>>) target(%arg10 : memref<16x128xi32, #tpu.memory_space<vmem>>) target_semaphore(%run_scoped3A : memref<!tpu.dma_semaphore, #tpu.memory_space<semaphore_mem>>)
        %dma_wait3A = arith.constant 112 : i32
        %dma_wait3A_704 = arith.constant 0 : i32
        %dma_wait3A_705 = tpu.memref_slice %arg3[%select_n3A, %dma_wait3A, %dma_wait3A_704] : memref<26x128x128xi32, #tpu.memory_space<hbm>> -> memref<1x16x128xi32, #tpu.memory_space<hbm>>
        %dma_wait3A_706 = tpu.memref_squeeze %dma_wait3A_705 : memref<1x16x128xi32, #tpu.memory_space<hbm>> -> memref<16x128xi32, #tpu.memory_space<hbm>>
        %dma_wait3A_707 = arith.constant 112 : i32
        %dma_wait3A_708 = arith.constant 0 : i32
        %dma_wait3A_709 = tpu.memref_slice %arg3[%select_n3A, %dma_wait3A_707, %dma_wait3A_708] : memref<26x128x128xi32, #tpu.memory_space<hbm>> -> memref<1x16x128xi32, #tpu.memory_space<hbm>>
        %dma_wait3A_710 = tpu.memref_squeeze %dma_wait3A_709 : memref<1x16x128xi32, #tpu.memory_space<hbm>> -> memref<16x128xi32, #tpu.memory_space<hbm>>
        tpu.wait_dma2 semaphore(%run_scoped3A : memref<!tpu.dma_semaphore, #tpu.memory_space<semaphore_mem>>) src(%dma_wait3A_710 : memref<16x128xi32, #tpu.memory_space<hbm>>) dst(%arg10 : memref<16x128xi32, #tpu.memory_space<vmem>>)
        tpu.yield
      }) : () -> ()
      %scan3A_685 = arith.constant 0 : i32
      %scan3A_686 = arith.constant 16 : i32
      %scan3A_687 = arith.addi %scan3A_685, %scan3A_686 : i32
      %scan3A_688 = arith.constant 1 : i32
      scf.for %scan3A_697 = %scan3A_685 to %scan3A_687 step %scan3A_688  : i32 {
        %mul3A_698 = arith.constant 1 : i32
        %mul3A_699 = arith.muli %scan3A_697, %mul3A_698 : i32
        %add3A_700 = arith.constant 0 : i32
        %add3A_701 = arith.addi %add3A_700, %mul3A_699 : i32
        %get3A_702 = arith.index_cast %add3A_701 : i32 to index
        %get3A_703 = arith.constant 0 : index
        %get3A_704 = tpu.vector_load %arg10[%get3A_702, %get3A_703] {strides = array<i32>} : memref<16x128xi32, #tpu.memory_space<vmem>>, vector<16xi32>,
        %gather3A = tpu.vector_load_idx %arg9[%get3A_704] : memref<100000xf32, #tpu.memory_space<vmem>>[vector<16xi32>], vector<16xf32>,
        %mul3A_705 = arith.constant 128 : i32
        %mul3A_706 = arith.muli %add3A_701, %mul3A_705 : i32
        %add3A_707 = arith.constant 0 : i32
        %add3A_708 = arith.addi %mul3A_706, %add3A_707 : i32
        %swap3A_709 = arith.index_cast %add3A_708 : i32 to index
        %swap3A_710 = tpu.vector_load %arg11[%swap3A_709] {strides = array<i32>} : memref<2048xf32, #tpu.memory_space<vmem>>, vector<16xf32>,
        tpu.vector_store %arg11[%swap3A_709], %gather3A {strides = array<i32>} : memref<2048xf32, #tpu.memory_space<vmem>>, vector<16xf32>,
        %get3A_711 = arith.index_cast %add3A_701 : i32 to index
        %get3A_712 = arith.constant 16 : index
        %get3A_713 = tpu.vector_load %arg10[%get3A_711, %get3A_712] {strides = array<i32>} : memref<16x128xi32, #tpu.memory_space<vmem>>, vector<16xi32>,
        %gather3A_714 = tpu.vector_load_idx %arg9[%get3A_713] : memref<100000xf32, #tpu.memory_space<vmem>>[vector<16xi32>], vector<16xf32>,
        %mul3A_715 = arith.constant 128 : i32
        %mul3A_716 = arith.muli %add3A_701, %mul3A_715 : i32
        %add3A_717 = arith.constant 16 : i32
        %add3A_718 = arith.addi %mul3A_716, %add3A_717 : i32
        %swap3A_719 = arith.index_cast %add3A_718 : i32 to index
        %swap3A_720 = tpu.vector_load %arg11[%swap3A_719] {strides = array<i32>} : memref<2048xf32, #tpu.memory_space<vmem>>, vector<16xf32>,
        tpu.vector_store %arg11[%swap3A_719], %gather3A_714 {strides = array<i32>} : memref<2048xf32, #tpu.memory_space<vmem>>, vector<16xf32>,
        %get3A_721 = arith.index_cast %add3A_701 : i32 to index
        %get3A_722 = arith.constant 32 : index
        %get3A_723 = tpu.vector_load %arg10[%get3A_721, %get3A_722] {strides = array<i32>} : memref<16x128xi32, #tpu.memory_space<vmem>>, vector<16xi32>,
        %gather3A_724 = tpu.vector_load_idx %arg9[%get3A_723] : memref<100000xf32, #tpu.memory_space<vmem>>[vector<16xi32>], vector<16xf32>,
        %mul3A_725 = arith.constant 128 : i32
        %mul3A_726 = arith.muli %add3A_701, %mul3A_725 : i32
        %add3A_727 = arith.constant 32 : i32
        %add3A_728 = arith.addi %mul3A_726, %add3A_727 : i32
        %swap3A_729 = arith.index_cast %add3A_728 : i32 to index
        %swap3A_730 = tpu.vector_load %arg11[%swap3A_729] {strides = array<i32>} : memref<2048xf32, #tpu.memory_space<vmem>>, vector<16xf32>,
        tpu.vector_store %arg11[%swap3A_729], %gather3A_724 {strides = array<i32>} : memref<2048xf32, #tpu.memory_space<vmem>>, vector<16xf32>,
        %get3A_731 = arith.index_cast %add3A_701 : i32 to index
        %get3A_732 = arith.constant 48 : index
        %get3A_733 = tpu.vector_load %arg10[%get3A_731, %get3A_732] {strides = array<i32>} : memref<16x128xi32, #tpu.memory_space<vmem>>, vector<16xi32>,
        %gather3A_734 = tpu.vector_load_idx %arg9[%get3A_733] : memref<100000xf32, #tpu.memory_space<vmem>>[vector<16xi32>], vector<16xf32>,
        %mul3A_735 = arith.constant 128 : i32
        %mul3A_736 = arith.muli %add3A_701, %mul3A_735 : i32
        %add3A_737 = arith.constant 48 : i32
        %add3A_738 = arith.addi %mul3A_736, %add3A_737 : i32
        %swap3A_739 = arith.index_cast %add3A_738 : i32 to index
        %swap3A_740 = tpu.vector_load %arg11[%swap3A_739] {strides = array<i32>} : memref<2048xf32, #tpu.memory_space<vmem>>, vector<16xf32>,
        tpu.vector_store %arg11[%swap3A_739], %gather3A_734 {strides = array<i32>} : memref<2048xf32, #tpu.memory_space<vmem>>, vector<16xf32>,
        %get3A_741 = arith.index_cast %add3A_701 : i32 to index
        %get3A_742 = arith.constant 64 : index
        %get3A_743 = tpu.vector_load %arg10[%get3A_741, %get3A_742] {strides = array<i32>} : memref<16x128xi32, #tpu.memory_space<vmem>>, vector<16xi32>,
        %gather3A_744 = tpu.vector_load_idx %arg9[%get3A_743] : memref<100000xf32, #tpu.memory_space<vmem>>[vector<16xi32>], vector<16xf32>,
        %mul3A_745 = arith.constant 128 : i32
        %mul3A_746 = arith.muli %add3A_701, %mul3A_745 : i32
        %add3A_747 = arith.constant 64 : i32
        %add3A_748 = arith.addi %mul3A_746, %add3A_747 : i32
        %swap3A_749 = arith.index_cast %add3A_748 : i32 to index
        %swap3A_750 = tpu.vector_load %arg11[%swap3A_749] {strides = array<i32>} : memref<2048xf32, #tpu.memory_space<vmem>>, vector<16xf32>,
        tpu.vector_store %arg11[%swap3A_749], %gather3A_744 {strides = array<i32>} : memref<2048xf32, #tpu.memory_space<vmem>>, vector<16xf32>,
        %get3A_751 = arith.index_cast %add3A_701 : i32 to index
        %get3A_752 = arith.constant 80 : index
        %get3A_753 = tpu.vector_load %arg10[%get3A_751, %get3A_752] {strides = array<i32>} : memref<16x128xi32, #tpu.memory_space<vmem>>, vector<16xi32>,
        %gather3A_754 = tpu.vector_load_idx %arg9[%get3A_753] : memref<100000xf32, #tpu.memory_space<vmem>>[vector<16xi32>], vector<16xf32>,
        %mul3A_755 = arith.constant 128 : i32
        %mul3A_756 = arith.muli %add3A_701, %mul3A_755 : i32
        %add3A_757 = arith.constant 80 : i32
        %add3A_758 = arith.addi %mul3A_756, %add3A_757 : i32
        %swap3A_759 = arith.index_cast %add3A_758 : i32 to index
        %swap3A_760 = tpu.vector_load %arg11[%swap3A_759] {strides = array<i32>} : memref<2048xf32, #tpu.memory_space<vmem>>, vector<16xf32>,
        tpu.vector_store %arg11[%swap3A_759], %gather3A_754 {strides = array<i32>} : memref<2048xf32, #tpu.memory_space<vmem>>, vector<16xf32>,
        %get3A_761 = arith.index_cast %add3A_701 : i32 to index
        %get3A_762 = arith.constant 96 : index
        %get3A_763 = tpu.vector_load %arg10[%get3A_761, %get3A_762] {strides = array<i32>} : memref<16x128xi32, #tpu.memory_space<vmem>>, vector<16xi32>,
        %gather3A_764 = tpu.vector_load_idx %arg9[%get3A_763] : memref<100000xf32, #tpu.memory_space<vmem>>[vector<16xi32>], vector<16xf32>,
        %mul3A_765 = arith.constant 128 : i32
        %mul3A_766 = arith.muli %add3A_701, %mul3A_765 : i32
        %add3A_767 = arith.constant 96 : i32
        %add3A_768 = arith.addi %mul3A_766, %add3A_767 : i32
        %swap3A_769 = arith.index_cast %add3A_768 : i32 to index
        %swap3A_770 = tpu.vector_load %arg11[%swap3A_769] {strides = array<i32>} : memref<2048xf32, #tpu.memory_space<vmem>>, vector<16xf32>,
        tpu.vector_store %arg11[%swap3A_769], %gather3A_764 {strides = array<i32>} : memref<2048xf32, #tpu.memory_space<vmem>>, vector<16xf32>,
        %get3A_771 = arith.index_cast %add3A_701 : i32 to index
        %get3A_772 = arith.constant 112 : index
        %get3A_773 = tpu.vector_load %arg10[%get3A_771, %get3A_772] {strides = array<i32>} : memref<16x128xi32, #tpu.memory_space<vmem>>, vector<16xi32>,
        %gather3A_774 = tpu.vector_load_idx %arg9[%get3A_773] : memref<100000xf32, #tpu.memory_space<vmem>>[vector<16xi32>], vector<16xf32>,
        %mul3A_775 = arith.constant 128 : i32
        %mul3A_776 = arith.muli %add3A_701, %mul3A_775 : i32
        %add3A_777 = arith.constant 112 : i32
        %add3A_778 = arith.addi %mul3A_776, %add3A_777 : i32
        %swap3A_779 = arith.index_cast %add3A_778 : i32 to index
        %swap3A_780 = tpu.vector_load %arg11[%swap3A_779] {strides = array<i32>} : memref<2048xf32, #tpu.memory_space<vmem>>, vector<16xf32>,
        tpu.vector_store %arg11[%swap3A_779], %gather3A_774 {strides = array<i32>} : memref<2048xf32, #tpu.memory_space<vmem>>, vector<16xf32>,
      }
      %scan3A_689 = arith.constant 16 : i32
      "tpu.region"() ({
        %run_scoped3A = tpu.sem_alloc : memref<!tpu.dma_semaphore, #tpu.memory_space<semaphore_mem>>
        %dma_start3A = arith.constant 6144 : i32
        %dma_start3A_697 = tpu.memref_slice %arg8[%arg1, %dma_start3A] : memref<16x8192xf32, #tpu.memory_space<vmem_shared>> -> memref<1x2048xf32, #tpu.memory_space<vmem_shared>>
        %dma_start3A_698 = tpu.memref_squeeze %dma_start3A_697 : memref<1x2048xf32, #tpu.memory_space<vmem_shared>> -> memref<2048xf32, #tpu.memory_space<vmem_shared>>
        %dma_start3A_699 = arith.constant 6144 : i32
        %dma_start3A_700 = tpu.memref_slice %arg8[%arg1, %dma_start3A_699] : memref<16x8192xf32, #tpu.memory_space<vmem_shared>> -> memref<1x2048xf32, #tpu.memory_space<vmem_shared>>
        %dma_start3A_701 = tpu.memref_squeeze %dma_start3A_700 : memref<1x2048xf32, #tpu.memory_space<vmem_shared>> -> memref<2048xf32, #tpu.memory_space<vmem_shared>>
        tpu.enqueue_dma source(%arg11 : memref<2048xf32, #tpu.memory_space<vmem>>) target(%dma_start3A_701 : memref<2048xf32, #tpu.memory_space<vmem_shared>>) target_semaphore(%run_scoped3A : memref<!tpu.dma_semaphore, #tpu.memory_space<semaphore_mem>>)
        %dma_wait3A = arith.constant 6144 : i32
        %dma_wait3A_702 = tpu.memref_slice %arg8[%arg1, %dma_wait3A] : memref<16x8192xf32, #tpu.memory_space<vmem_shared>> -> memref<1x2048xf32, #tpu.memory_space<vmem_shared>>
        %dma_wait3A_703 = tpu.memref_squeeze %dma_wait3A_702 : memref<1x2048xf32, #tpu.memory_space<vmem_shared>> -> memref<2048xf32, #tpu.memory_space<vmem_shared>>
        %dma_wait3A_704 = arith.constant 6144 : i32
        %dma_wait3A_705 = tpu.memref_slice %arg8[%arg1, %dma_wait3A_704] : memref<16x8192xf32, #tpu.memory_space<vmem_shared>> -> memref<1x2048xf32, #tpu.memory_space<vmem_shared>>
        %dma_wait3A_706 = tpu.memref_squeeze %dma_wait3A_705 : memref<1x2048xf32, #tpu.memory_space<vmem_shared>> -> memref<2048xf32, #tpu.memory_space<vmem_shared>>
        tpu.wait_dma2 semaphore(%run_scoped3A : memref<!tpu.dma_semaphore, #tpu.memory_space<semaphore_mem>>) src(%arg11 : memref<2048xf32, #tpu.memory_space<vmem>>) dst(%dma_wait3A_706 : memref<2048xf32, #tpu.memory_space<vmem_shared>>)
        tpu.yield
      }) : () -> ()
      %barrier3A_690 = arith.constant 0 : index
      tpu.barrier barrier_id(%barrier3A_690)
      %eq3A_691 = arith.constant 15 : i32
      %eq3A_692 = arith.cmpi eq, %arg1, %eq3A_691 : i32
      %convert_element_type3A_693 = arith.extui %eq3A_692 : i1 to i32
      %cond3A_694 = arith.constant 0 : i32
      %cond3A_695 = arith.cmpi ne, %convert_element_type3A_693, %cond3A_694 : i32
      scf.if %cond3A_695 {
        %mul3A_697 = arith.constant 32 : i32
        %mul3A_698 = arith.muli %select_n3A, %mul3A_697 : i32
        %mul3A_699 = arith.constant 16 : i32
        %mul3A_700 = arith.muli %select_n3A_39, %mul3A_699 : i32
        %add3A_701 = arith.addi %mul3A_698, %mul3A_700 : i32
        "tpu.region"() ({
          %run_scoped3A = tpu.sem_alloc : memref<!tpu.dma_semaphore, #tpu.memory_space<semaphore_mem>>
          %dma_start3A = arith.constant 8192 : i32
          %dma_start3A_702 = tpu.memref_slice %arg4[%add3A_701, %dma_start3A] : memref<832x16384xf32, #tpu.memory_space<hbm>> -> memref<16x8192xf32, #tpu.memory_space<hbm>>
          tpu.enqueue_dma source(%arg8 : memref<16x8192xf32, #tpu.memory_space<vmem_shared>>) target(%dma_start3A_702 : memref<16x8192xf32, #tpu.memory_space<hbm>>) target_semaphore(%run_scoped3A : memref<!tpu.dma_semaphore, #tpu.memory_space<semaphore_mem>>)
          %dma_wait3A = arith.constant 8192 : i32
          %dma_wait3A_703 = tpu.memref_slice %arg4[%add3A_701, %dma_wait3A] : memref<832x16384xf32, #tpu.memory_space<hbm>> -> memref<16x8192xf32, #tpu.memory_space<hbm>>
          tpu.wait_dma2 semaphore(%run_scoped3A : memref<!tpu.dma_semaphore, #tpu.memory_space<semaphore_mem>>) src(%arg8 : memref<16x8192xf32, #tpu.memory_space<vmem_shared>>) dst(%dma_wait3A_703 : memref<16x8192xf32, #tpu.memory_space<hbm>>)
          tpu.yield
        }) : () -> ()
      } else {
      }
      %barrier3A_696 = arith.constant 0 : index
      tpu.barrier barrier_id(%barrier3A_696)
    }
    %scan3A_4 = arith.constant 26 : i32
    return
  }
}

</mosaic_0001>

<sc_bundles>
// kernel: kernel.3.cloned.1.call-start
scs
__scs_entry_jumppad:
0x0: {  	(pc) =	sbr.rel $0x88, $3  }
0x1: {  	(tag) =	ssettag $0x0;
	lr =	simm.s32 $0x1  }
0x2: {  	[smem:$0x3F9F] =	sst lr;
	_ =	strace $0xD0000000  }
0x3: {  	_ = 	snop  }
0x4: {  	_ = 	snop  }
0x5: {  	_ = 	snop  }
0x6: {  	_ = 	snop  }
0x7: {  	_ = 	snop  }
__scs_overlays_trampoline_lowered:
0x8: {  	[smem:$0x3FAE] =	sst s0  }
0x9: {  	[smem:$0x3FAF] =	sst s1  }
0xa: {  	[smem:$0x3FB0] =	sst s2  }
0xb: {  	[smem:$0x3FB1] =	sst s3  }
0xc: {  	[smem:$0x3FB2] =	sst s4  }
0xd: {  	[smem:$0x3FB3] =	sst s5  }
0xe: {  	[smem:$0x3FB4] =	sst s6  }
0xf: {  	[smem:$0x3FB5] =	sst s7  }
0x10: {  	[smem:$0x3FB6] =	sst s8  }
0x11: {  	[smem:$0x3FB7] =	sst s9;
	s0 =	simm.s32 @!p0 $0x0  }
0x12: {  	s1 =	sld [smem:$0x3F9D];
	s0 =	simm.s32 @p0 $0x1  }
0x13: {  	[smem:$0x3FB8] =	sst s0;
	s0 =	simm.s32 @!p1 $0x0  }
0x14: {  	s2 =	sld [smem:$0x3F9C];
	s0 =	simm.s32 @p1 $0x1  }
0x15: {  	[smem:$0x3FB9] =	sst s0;
	s0 =	simm.s32 @!p2 $0x0  }
0x16: {  	s3 =	sld [smem:$0x3FDB];
	s0 =	simm.s32 @p2 $0x1  }
0x17: {  	s4 =	simm.s32 $0x1BF5;
	[smem:$0x3FBB] =	sst s0  }
0x18: {  	s0 =	sld [smem:$0x3F9E];
	_ =	swait.ge [sflag:s4], $0x0  }
0x19: {  	s7 =	sld [smem:$0x3F9F]  }
0x1a: {  	s8 =	sadd.s32 $0xFFFFE003, lr  }
0x1b: {  	s9 =	sadd.s32 $0xFFFFFEF7, lr;
	s5 =	simm.s32 $0xFFFFFFFF;
	p2 =	slt.u32 s8, $0xFFFFF086  }
0x1c: {  	p1 =	slt.u32 s9, $0xF7A;
	s5 =	simm.s32 @!p2 $0x0  }
0x1d: {  	s5 =	simm.s32 @p1 $0x1;
	p0 =	seq.s32 s7, s2  }
0x1e: {  	s7 =	smul.u32 @!p0 $0xF7A, s2;
	p2 =	seq.s32 @!p0 s5, $0x0  }
0x1f: {  	s9 =	smul.u32 $0xF7A, s1;
	s8 =	simm.s32 @!p0 $0x1BF5;
	p2 =	por !p2, p0  }
0x20: {  	[sflag:s8] =	ssyncset.s32 @!p0 $0xFFFFF086;
	s6 =	sadd.s32 @!p0 s3, s7;
	s7 =	simm.s32 @!p0 $0x108  }
0x21: {  	s3 =	sadd.s32 s3, s9;
	s6 =	sadd.s32 @!p0 $0x88, s6;
	s7 =	simm.s32 @p2 $0x1082  }
0x22: {  	[simem:s7], [sflag:s8] =	dma.local @!p0 [hbm:s6], $0xF7A  }
0x23: {  	s9 =	sor.u32 $0xD0000000, s2;
	s6 =	simm.s32 $0x108;
	_ =	swait.ge @!p0 [sflag:s8], $0x0  }
0x24: {  	s3 =	sadd.s32 $0x88, s3;
	s6 =	simm.s32 @!p1 $0x1082;
	[sflag:s4] =	ssyncset.s32 $0xFFFFF086  }
0x25: {  	[simem:s6], [sflag:s4] =	dma.local [hbm:s3], $0xF7A  }
0x26: {  	[smem:$0x3F9F] =	sst s1;
	(tag) =	ssettag s2;
	_ =	strace s9  }
0x27: {  	s1 =	sld [smem:$0x3FAF]  }
0x28: {  	s2 =	sld [smem:$0x3FB0]  }
0x29: {  	s4 =	sld [smem:$0x3FB2]  }
0x2a: {  	p0 =	seq.s32 s5, $0x0;
	s5 =	sld [smem:$0x3FB3]  }
0x2b: {  	s6 =	sld [smem:$0x3FB4]  }
0x2c: {  	s7 =	sld [smem:$0x3FB5]  }
0x2d: {  	s3 =	simm.s32 $0x108;
	s8 =	sld [smem:$0x3FB6]  }
0x2e: {  	s3 =	simm.s32 @!p0 $0x1082;
	s9 =	sld [smem:$0x3FB7]  }
0x2f: {  	lr =	sadd.s32 s0, s3;
	s0 =	sld [smem:$0x3FAE]  }
0x30: {  	s3 =	sld [smem:$0x3FB1]  }
0x31: {  	[smem:$0x3FBA] =	sst s10  }
0x32: {  	s10 =	sld [smem:$0x3FB8];
	_ =	sdelay $0x3  }
0x33: {  	p0 =	seq.s32 s10, $0x1;
	s10 =	sld [smem:$0x3FBA];
	_ =	sdelay $0x3  }
0x34: {  	[smem:$0x3FBA] =	sst s10  }
0x35: {  	s10 =	sld [smem:$0x3FB9];
	_ =	sdelay $0x3  }
0x36: {  	p1 =	seq.s32 s10, $0x1;
	s10 =	sld [smem:$0x3FBA];
	_ =	sdelay $0x3  }
0x37: {  	[smem:$0x3FBA] =	sst s10  }
0x38: {  	s10 =	sld [smem:$0x3FBB]  }
0x39: {  	_ = 	snop;
	(pc) =	sbr.ind lr, $3  }
0x3a: {  	_ = 	snop  }
0x3b: {  	_ = 	snop  }
0x3c: {  	p2 =	seq.s32 s10, $0x1;
	s10 =	sld [smem:$0x3FBA]  }
0x3d: {  	_ =	shalt  }
0x3e: {  	_ =	shalt  }
0x3f: {  	_ =	shalt  }
0x40: {  	_ =	shalt  }
0x41: {  	_ =	shalt  }
0x42: {  	_ =	shalt  }
0x43: {  	_ =	shalt  }
0x44: {  	_ =	shalt  }
0x45: {  	_ =	shalt  }
0x46: {  	_ =	shalt  }
0x47: {  	_ =	shalt  }
0x48: {  	_ =	shalt  }
0x49: {  	_ =	shalt  }
0x4a: {  	_ =	shalt  }
0x4b: {  	_ =	shalt  }
0x4c: {  	_ =	shalt  }
0x4d: {  	_ =	shalt  }
0x4e: {  	_ =	shalt  }
0x4f: {  	_ =	shalt  }
0x50: {  	_ =	shalt  }
0x51: {  	_ =	shalt  }
0x52: {  	_ =	shalt  }
0x53: {  	_ =	shalt  }
0x54: {  	_ =	shalt  }
0x55: {  	_ =	shalt  }
0x56: {  	_ =	shalt  }
0x57: {  	_ =	shalt  }
0x58: {  	_ =	shalt  }
0x59: {  	_ =	shalt  }
0x5a: {  	_ =	shalt  }
0x5b: {  	_ =	shalt  }
0x5c: {  	_ =	shalt  }
0x5d: {  	_ =	shalt  }
0x5e: {  	_ =	shalt  }
0x5f: {  	_ =	shalt  }
0x60: {  	_ =	shalt  }
0x61: {  	_ =	shalt  }
0x62: {  	_ =	shalt  }
0x63: {  	_ =	shalt  }
0x64: {  	_ =	shalt  }
0x65: {  	_ =	shalt  }
0x66: {  	_ =	shalt  }
0x67: {  	_ =	shalt  }
0x68: {  	_ =	shalt  }
0x69: {  	_ =	shalt  }
0x6a: {  	_ =	shalt  }
0x6b: {  	_ =	shalt  }
0x6c: {  	_ =	shalt  }
0x6d: {  	_ =	shalt  }
0x6e: {  	_ =	shalt  }
0x6f: {  	_ =	shalt  }
0x70: {  	_ =	shalt  }
0x71: {  	_ =	shalt  }
0x72: {  	_ =	shalt  }
0x73: {  	_ =	shalt  }
0x74: {  	_ =	shalt  }
0x75: {  	_ =	shalt  }
0x76: {  	_ =	shalt  }
0x77: {  	_ =	shalt  }
0x78: {  	_ =	shalt  }
0x79: {  	_ =	shalt  }
0x7a: {  	_ =	shalt  }
0x7b: {  	_ =	shalt  }
0x7c: {  	_ =	shalt  }
0x7d: {  	_ =	shalt  }
0x7e: {  	_ =	shalt  }
0x7f: {  	_ =	shalt  }
0x80: {  	_ =	shalt  }
0x81: {  	_ =	shalt  }
0x82: {  	_ =	shalt  }
0x83: {  	_ =	shalt  }
0x84: {  	_ =	shalt  }
0x85: {  	_ =	shalt  }
0x86: {  	_ =	shalt  }
0x87: {  	_ =	shalt  }
.Lfunc_end0:
.L_simem_size_0:
called_computation_lowered:
.L_overlay_start_0:
0x88: {  	s2 =	sld [smem:$0x3FD9]  }
0x89: {  	s3 =	sld [smem:$0x3FFE];
	_ =	sdelay $0x1  }
0x8a: {  	s1 =	srdreg.scid  }
0x8b: {  	s0 =	sand.u32 $0x1, s1  }
0x8c: {  	s17 =	sshll.u32 s0, $0xA;
	s2 =	sadd.s32 s3, s2  }
0x8d: {  	s2 =	sadd.s32 s2, s17  }
0x8e: {  	[smem:$0x3FC6] =	sst s2  }
0x8f: {  	_ = 	snop  }
0x90: {  	s2 =	sld [smem:$0x3FC8]  }
0x91: {  	s18 =	sld [smem:$0x3FD0];
	(tm) =	ssettm $0x1  }
0x92: {  	s4 =	sld [smem:$0x3FFB];
	_ =	sdelay $0x3  }
0x93: {  	_ =	strace s4  }
0x94: {  	s4 =	sld [smem:$0x3FFC];
	_ =	sdelay $0x3  }
0x95: {  	_ =	strace s4  }
0x96: {  	s4 =	sld [smem:$0x3FFD];
	_ =	sdelay $0x3  }
0x97: {  	_ =	strace s4  }
0x98: {  	_ =	strace $0x8FFFFFFF  }
0x99: {  	s19 =	sld [smem:$0x3FDB];
	_ =	sdelay $0x1  }
0x9a: {  	s5 =	simm.s32 $_scs_section_size  }
0x9b: {  	s6 =	simm.s32 $_size__tile_overlayer_lowered;
	s7 =	simm.s32 $_tile_overlayer_lowered  }
0x9c: {  	s22 =	simm.s32 $0x1BFF;
	s21 =	sshll.u32 s7, $0x1;
	s4 =	sadd.s32 s5, s19  }
0x9d: {  	s8 =	simm.s32 $0x0;
	s20 =	sshll.u32 s6, $0x1;
	s6 =	sadd.s32 s21, s4  }
0x9e: {  	[timem:s8], [sflag:s22] =	dma.local [hbm:s6], s20  }
0x9f: {  	_ =	swait.ge [sflag:s22], s20  }
0xa0: {  	s5 =	ssub.s32 $0x0, s20;
	[sflag:s22] =	ssyncset.done $0x0  }
0xa1: {  	[sflag:s22] =	ssyncadd.s32 s5;
	_ =	sdelay $0x1  }
0xa2: {  	s23 =	simm.s32 $0x1B8B  }
0xa3: {  	_ =	swait.ge [sflag:s23], $0x1  }
0xa4: {  	[sflag:s23] =	ssyncset.done $0x0  }
0xa5: {  	s25 =	simm.s32 $0x1B8E;
	s24 =	sld [smem:$0x3FFE];
	[sflag:s23] =	ssyncadd.s32 $0xFFFFFFFF  }
0xa6: {  	s26 =	simm.s32 $execute0_lowered;
	[smem:$0x3FD2] =	sst s25  }
0xa7: {  	s6 =	sshll.u32 s26, $0x1;
	_ =	strace $0x80000046;
	[dreg:$0x1] =	wrdreg $0xFFFFFFFF  }
0xa8: {  	s28 =	simm.s32 $_size_execute0_lowered;
	s4 =	sadd.s32 s4, s6;
	[dreg:$0x0] =	wrdreg $0x0  }
0xa9: {  	s6 =	sshll.u32 s28, $0x1;
	[dreg:$0x2] =	wrdreg s4  }
0xaa: {  	[dreg:$0x3] =	wrdreg s6  }
0xab: {  	[dreg:$0x4] =	wrdreg $0xC0  }
0xac: {  	_ =	task [dreg:s8], $0x5FFFF  }
0xad: {  	[dreg:$0x1] =	wrdreg $0xFFFFFFFF  }
0xae: {  	[dreg:$0x0] =	wrdreg $0x60  }
0xaf: {  	[dreg:$0x2] =	wrdreg s2  }
0xb0: {  	[dreg:$0x3] =	wrdreg s18  }
0xb1: {  	[dreg:$0x4] =	wrdreg s24  }
0xb2: {  	[dreg:$0x5] =	wrdreg $0x0  }
0xb3: {  	[dreg:$0x6] =	wrdreg $0x13000  }
0xb4: {  	[dreg:$0x7] =	wrdreg $0x26000  }
0xb5: {  	[dreg:$0x8] =	wrdreg $0x39000  }
0xb6: {  	[dreg:$0x9] =	wrdreg $0x9  }
0xb7: {  	_ =	task.clear_ibuf [dreg:s8], $0xAFFFF;
	_ =	strace $0x90000046  }
0xb8: {  	s29 =	simm.s32 $0x9;
	_ =	strace $0x80000048  }
0xb9: {  	_ =	swait.ge [sflag:s29], $0x1  }
0xba: {  	[sflag:s29] =	ssyncadd.s32 $0xFFFFFFFF  }
0xbb: {  	_ =	strace $0x90000048  }
0xbc: {  	_ =	sfence  }
0xbd: {  	s30 =	sld [smem:$0x0];
	_ =	sdelay $0x2  }
0xbe: {  	s31 =	sshll.u32 s1, $0xD;
	s1 =	sshrl.u32 s1, $0x2  }
0xbf: {  	s3 =	sand.u32 $0x4000, s31;
	s1 =	sadd.s32 s1, s30  }
0xc0: {  	s0 =	sor.u32 s3, s0;
	s1 =	sshll.u32 s1, $0x11  }
0xc1: {  	s0 =	sor.u32 s1, s0  }
0xc2: {  	s0 =	sadd.s32 $0x8F2B, s0  }
0xc3: {  	[sflag:s0] =	ssyncadd.remote.s32 $0x1  }
0xc4: {  	_ =	sfence.sel $0xFFFF  }
0xc5: {  	[dreg:$0x0] =	wrdreg $0xFFFFFFFF;
	(pc) =	sbr.abs _section_cstart, $3  }
0xc6: {  	[dreg:$0x1] =	wrdreg $0xFFFFFFFF  }
0xc7: {  	_ =	task.clear_ibuf [dreg:s8], $0x2FFFF;
	_ =	strace $0x9FFFFFFF  }
0xc8: {  	(tm) =	ssettm $0x7FFFFFFF  }
0xc9: {  	_ =	shalt  }
tec
execute0_lowered:
.L_overlay_start_1:
0x0: {  	(tag) =	ssettag $0x1  }
0x1: {  	s6 =	rddreg [dreg:$0x1]  }
0x2: {  	s1 =	rddreg [dreg:$0x2]  }
0x3: {  	s7 =	rddreg [dreg:$0x3]  }
0x4: {  	s8 =	rddreg [dreg:$0x4]  }
0x5: {  	s9 =	rddreg [dreg:$0x5]  }
0x6: {  	s10 =	rddreg [dreg:$0x6];
	s3 =	simm.s32 $0x0  }
0x7: {  	s4 =	simm.s32 $0x0;
	[dreg:$0x8] =	wrdreg s3  }
0x8: {  	s11 =	stileid.u32;
	[smem:$0x7FF] =	sst s4;
	s29 =	sadd.s32 $0x800, s1  }
0x9: {  	s13 =	sadd.s32 $0x4C00, s7;
	_ =	strace $0x80000047;
	[dreg:$0x9] =	wrdreg s29  }
0xa: {  	s12 =	sshll.u32 s11, $0x7;
	[dreg:$0xc] =	wrdreg s13  }
0xb: {  	s2 =	srdreg.scid;
	s15 =	sadd.s32 $0x4C00, s8;
	[dreg:$0xa] =	wrdreg s12  }
0xc: {  	s2 =	sand.u32 $0x1, s2;
	s20 =	sadd.s32 $0x100, s6;
	[dreg:$0xd] =	wrdreg s15  }
0xd: {  	s5 =	sshrl.u32 s11, $0x3;
	s22 =	sadd.s32 $0x200, s6;
	[dreg:$0x13] =	wrdreg s20  }
0xe: {  	s23 =	sadd.s32 $0x300, s6;
	s1 =	sadd.s32 $0x2800, s1;
	[dreg:$0x15] =	wrdreg s22  }
0xf: {  	s26 =	sadd.s32 $0x400, s6;
	s0 =	smul.u32 $0x9800, s5;
	[dreg:$0x17] =	wrdreg s23  }
0x10: {  	s28 =	ssub.s32 $0x2, s2;
	s2 =	smul.u32 $0x1A, s2;
	[dreg:$0x18] =	wrdreg s1  }
0x11: {  	s5 =	sshll.u32 s5, $0x10;
	[dreg:$0x1b] =	wrdreg s26;
	s29 =	sadd.s32 $0x600, s6  }
0x12: {  	s14 =	sand.u32 $0x380, s12;
	s5 =	sadd.s32 s5, s10;
	[dreg:$0x1d] =	wrdreg s29  }
0x13: {  	[dreg:$0xb] =	wrdreg s2;
	s4 =	sor.u32 s14, s0;
	s0 =	sadd.s32 $0x4C00, s9  }
0x14: {  	s30 =	sshrl.u32 s28, $0x1;
	s19 =	sadd.s32 s14, s5;
	[dreg:$0xe] =	wrdreg s0  }
0x15: {  	s3 =	ssub.s32 s28, s30;
	s28 =	sadd.s32 $0x500, s6;
	[dreg:$0x12] =	wrdreg s19  }
0x16: {  	s31 =	simm.s32 $0x7;
	s30 =	sadd.s32 $0x700, s6;
	[dreg:$0x1c] =	wrdreg s28  }
0x17: {  	p1 =	seq.s32 s11, $0x1;
	s16 =	sadd.s32 s4, s7;
	[dreg:$0x1e] =	wrdreg s30  }
0x18: {  	p0 =	sne.s32 @!p1 s11, $0x0;
	s17 =	sadd.s32 s4, s8;
	[dreg:$0xf] =	wrdreg s16  }
0x19: {  	p2 =	por !p0, p1;
	s18 =	sadd.s32 s4, s9;
	[dreg:$0x10] =	wrdreg s17  }
0x1a: {  	s1 =	simm.s32 @!p2 $0x0;
	s24 =	smax.u32 s3, $0x1;
	[dreg:$0x11] =	wrdreg s18  }
0x1b: {  	p4 =	sne.s32 s11, $0xF;
	s1 =	simm.s32 @p2 $0x1;
	[dreg:$0x19] =	wrdreg s24  }
0x1c: {  	s26 =	simm.s32 $0x80;
	s21 =	sadd.s32 $0x4000, s19;
	[smem:$0x7FC] =	sst s1  }
0x1d: {  	p3 =	por p0, p1;
	s25 =	sadd.s32 $0xC000, s19;
	[dreg:$0x14] =	wrdreg s21  }
0x1e: {  	s0 =	simm.s32 @!p4 $0x0;
	s16 =	sadd.s32 $0x8000, s19;
	[dreg:$0x1a] =	wrdreg s25  }
0x1f: {  	p0 =	sne.s32 s11, $0x0;
	s0 =	simm.s32 @p4 $0x1;
	[dreg:$0x16] =	wrdreg s16  }
0x20: {  	s7 =	simm.s32 $0x5900;
	s18 =	simm.s32 $0x400;
	[smem:$0x7FD] =	sst s0  }
.LBB2_1:
0x21: {  	s0 =	simm.s32 $0x0  }
.LBB2_2:
0x22: {  	s1 =	rddreg [dreg:$0xb]  }
0x23: {  	s3 =	sand.u32 $0x1, s0;
	s1 =	sadd.s32 s1, s0  }
0x24: {  	p6 =	seq.s32 s3, $0x1;
	p5 =	seq.s32 s1, $0x0  }
0x25: {  	p5 =	por !p5, !p6  }
0x26: {  	s3 =	simm.s32 $0x1;
	p5 =	por !p5, !p5  }
0x27: {  	s4 =	sshll.u32 s0, $0x4;
	s1 =	sshrl.u32 s1, $0x1;
	s3 =	simm.s32 @!p5 $0x0  }
0x28: {  	s12 =	sand.u32 $0x10, s4;
	s19 =	ssub.s32 s1, s3  }
0x29: {  	s3 =	sshrl.u32 @p1 s12, $0x3;
	s1 =	smul.u32 @p1 $0x30E000, s19  }
0x2a: {  	s3 =	smul.u32 @p1 $0xC3800, s3  }
0x2b: {  	[dreg:$0x1f] =	wrdreg s0  }
0x2c: {  	s16 =	rddreg [dreg:$0xc];
	s1 =	sadd.s32 @p1 s1, s3  }
0x2d: {  	s5 =	simm.s32 @p1 $0x98;
	s8 =	simm.s32 @p1 $0x1300;
	s3 =	sadd.s32 @p1 $0x4C00, s1  }
0x2e: {  	s9 =	simm.s32 @p1 $0x18700;
	s0 =	rddreg [dreg:$0x0];
	s3 =	sshrl.u32 @p1 s3, $0x3  }
0x2f: {  	s10 =	simm.s32 @p1 $0x1C42;
	s4 =	sshrl.u32 @p1 s16, $0x3;
	s3 =	sadd.s32 @p1 s0, s3  }
0x30: {  	[spmem:s4@s8], [sflag:s10] =	dma.strided @p1 [hbm:s3@s9], $0x1300, s5, $0x10   }
0x31: {  	s3 =	sadd.s32 @p1 $0xE400, s1  }
0x32: {  	s3 =	sshrl.u32 @p1 s3, $0x3;
	s25 =	rddreg [dreg:$0xd]  }
0x33: {  	s10 =	simm.s32 @p1 $0x1C44;
	s3 =	sadd.s32 @p1 s0, s3;
	s4 =	sshrl.u32 @p1 s25, $0x3  }
0x34: {  	[spmem:s4@s8], [sflag:s10] =	dma.strided @p1 [hbm:s3@s9], $0x1300, s5, $0x10   }
0x35: {  	s3 =	simm.s32 @p1 $0x2  }
0x36: {  	_ =	swait.ge @p1 [sflag:s3], $0x1300  }
0x37: {  	[sflag:s3] =	ssyncset.done @p1 $0x0  }
0x38: {  	[sflag:s3] =	ssyncadd.s32 @p1 $0xFFFFED00  }
0x39: {  	s1 =	sadd.s32 @p1 $0x17C00, s1;
	[bflag:$0x0] =	sbarrier.arrive @p1 $0xFFFF  }
0x3a: {  	s11 =	simm.s32 @p1 $0x1C46;
	s1 =	sshrl.u32 @p1 s1, $0x3;
	s6 =	rddreg [dreg:$0xe]  }
0x3b: {  	s1 =	sadd.s32 @p1 s0, s1;
	s4 =	sshrl.u32 @!p3 s12, $0x3;
	s10 =	sshrl.u32 @p1 s6, $0x3  }
0x3c: {  	[spmem:s10@s8], [sflag:s11] =	dma.strided @p1 [hbm:s1@s9], $0x1300, s5, $0x10   }
0x3d: {  	s4 =	smul.u32 @!p3 $0xC3800, s4;
	s2 =	sld [smem:$0x7FC]  }
0x3e: {  	s3 =	smul.u32 @!p3 $0x30E000, s19;
	_ =	sdelay $0x1  }
0x3f: {  	s1 =	sadd.s32 @!p3 s4, s3;
	p4 =	seq.s32 s2, $0x1  }
0x40: {  	s5 =	simm.s32 @!p3 $0x98;
	s8 =	simm.s32 @!p3 $0x1300;
	[bflag:$0x0] =	sbarrier.arrive @!p4 $0xFFFF  }
0x41: {  	s9 =	simm.s32 @!p3 $0x18700;
	s3 =	sshrl.u32 @!p3 s1, $0x3;
	s2 =	rddreg [dreg:$0x3]  }
0x42: {  	s10 =	simm.s32 @!p3 $0x1C01;
	s3 =	sadd.s32 @!p3 s0, s3;
	s4 =	sshrl.u32 @!p3 s2, $0x3  }
0x43: {  	[spmem:s4@s8], [sflag:s10] =	dma.strided @!p3 [hbm:s3@s9], $0x1300, s5, $0x10   }
0x44: {  	s3 =	sadd.s32 @!p3 $0x9800, s1  }
0x45: {  	s3 =	sshrl.u32 @!p3 s3, $0x3;
	s15 =	rddreg [dreg:$0x4]  }
0x46: {  	s10 =	simm.s32 @!p3 $0x1C03;
	s3 =	sadd.s32 @!p3 s0, s3;
	s4 =	sshrl.u32 @!p3 s15, $0x3  }
0x47: {  	[spmem:s4@s8], [sflag:s10] =	dma.strided @!p3 [hbm:s3@s9], $0x1300, s5, $0x10   }
0x48: {  	s3 =	simm.s32 @!p3 $0x1  }
0x49: {  	_ =	swait.ge @!p3 [sflag:s3], $0x1300  }
0x4a: {  	[sflag:s3] =	ssyncset.done @!p3 $0x0  }
0x4b: {  	p2 =	por @!p3 $0x0, $0x0;
	[sflag:s3] =	ssyncadd.s32 @!p3 $0xFFFFED00  }
0x4c: {  	s13 =	simm.s32 @!p0 $0x98;
	s1 =	sadd.s32 @!p3 $0x13000, s1;
	[bflag:$0x0] =	sbarrier.arrive @!p3 $0xFFFF  }
0x4d: {  	p6 =	por @!p4 $0x0, $0x0;
	s1 =	sshrl.u32 @!p3 s1, $0x3;
	s30 =	rddreg [dreg:$0x5]  }
0x4e: {  	s1 =	sadd.s32 @!p3 s0, s1;
	s4 =	simm.s32 @!p3 $0x1C05;
	s3 =	sshrl.u32 @!p3 s30, $0x3  }
0x4f: {  	[spmem:s3@s8], [sflag:s4] =	dma.strided @!p3 [hbm:s1@s9], $0x1300, s5, $0x10   }
0x50: {  	p5 =	por @p1 $0x1, $0x1;
	p2 =	por @!p4 p6, p6;
	s1 =	rddreg [dreg:$0xf]  }
0x51: {  	[tilespmem:s7], [sflag:$0x7] =	stream.strided.gather [spmem:s1], $0x1300, s18, s26, $0x38;
	[tilespmem:$0x1F800] =	vst v63  }
0x52: {  	p5 =	por @!p1 p2, p2;
	s2 =	sshrl.u32 @!p0 s2, $0x3;
	_ =	swait.ge [sflag:s31], $0x1300  }
0x53: {  	s10 =	simm.s32 @!p0 $0x18700;
	s9 =	simm.s32 @!p0 $0x3;
	[sflag:s31] =	ssyncset.done $0x0  }
0x54: {  	s4 =	smov.u32 s19;
	s3 =	sshrl.u32 @!p0 s12, $0x3;
	[sflag:s31] =	ssyncadd.s32 $0xFFFFED00  }
0x55: {  	s3 =	smul.u32 @!p0 $0xC3800, s3;
	s22 =	smov.u32 s1;
	_ =	swait.ge @!p0 [sflag:s9], $0x1300  }
0x56: {  	s1 =	smul.u32 @!p0 $0x30E000, s19;
	[sflag:s9] =	ssyncset.done @!p0 $0x0;
	[smem:$0x7FA] =	sst s19  }
0x57: {  	s5 =	simm.s32 @p5 $0x4;
	[smem:$0x7FB] =	sst s12;
	[sflag:s9] =	ssyncadd.s32 @!p0 $0xFFFFED00  }
0x58: {  	s19 =	sadd.s32 @!p0 s1, s3;
	s3 =	smul.u32 @p5 $0x30E000, s4;
	_ =	swait.ge @p5 [sflag:s5], $0x1300  }
0x59: {  	s4 =	sshrl.u32 @p5 s12, $0x3;
	s1 =	sadd.s32 @!p0 $0x1C800, s19;
	[sflag:s5] =	ssyncset.done @p5 $0x0  }
0x5a: {  	s4 =	smul.u32 @p5 $0xC3800, s4;
	s1 =	sshrl.u32 @!p0 s1, $0x3;
	[sflag:s5] =	ssyncadd.s32 @p5 $0xFFFFED00  }
0x5b: {  	s8 =	simm.s32 @!p0 $0x1300;
	s1 =	sadd.s32 @!p0 s0, s1;
	[bflag:$0x0] =	sbarrier.arrive $0xFFFF  }
0x5c: {  	s29 =	sadd.s32 @p5 s3, s4;
	s5 =	simm.s32 @!p0 $0x1C01;
	[smem:$0x7F4] =	sst s2  }
0x5d: {  	[spmem:s2@s8], [sflag:s5] =	dma.strided @!p0 [hbm:s1@s10], $0x1300, s13, $0x10   }
0x5e: {  	s3 =	sshrl.u32 @p5 s16, $0x3;
	s1 =	sadd.s32 @p5 $0x21400, s29  }
0x5f: {  	s2 =	stileid.u32;
	[smem:$0x7F5] =	sst s3;
	s5 =	simm.s32 @p5 $0x98  }
0x60: {  	s8 =	simm.s32 @p5 $0x1300;
	s1 =	sshrl.u32 @p5 s1, $0x3;
	s4 =	sshll.u32 @p5 s2, $0x6  }
0x61: {  	s10 =	simm.s32 @p5 $0x18700;
	s1 =	sadd.s32 @p5 s0, s1;
	s20 =	sor.u32 @p5 $0x1C02, s4  }
0x62: {  	[spmem:s3@s8], [sflag:s20] =	dma.strided @p5 [hbm:s1@s10], $0x1300, s5, $0x10   }
0x63: {  	s3 =	simm.s32 $0x6C00;
	s5 =	simm.s32 $0x80;
	s14 =	rddreg [dreg:$0x10]  }
0x64: {  	[tilespmem:s3], [sflag:$0x7] =	stream.strided.gather [spmem:s14], $0x1300, s18, s5, $0x38;
	[tilespmem:$0x1F800] =	vst v63  }
0x65: {  	_ =	swait.ge [sflag:s31], $0x1300  }
0x66: {  	[sflag:s31] =	ssyncset.done $0x0  }
0x67: {  	s21 =	simm.s32 @!p0 $0x5;
	[sflag:s31] =	ssyncadd.s32 $0xFFFFED00  }
0x68: {  	_ =	swait.ge @!p0 [sflag:s21], $0x1300  }
0x69: {  	[sflag:s21] =	ssyncset.done @!p0 $0x0  }
0x6a: {  	s18 =	simm.s32 @p5 $0x6;
	[sflag:s21] =	ssyncadd.s32 @!p0 $0xFFFFED00  }
0x6b: {  	s23 =	simm.s32 @!p0 $0x98;
	s24 =	simm.s32 @!p0 $0x18700;
	_ =	swait.ge @p5 [sflag:s18], $0x1300  }
0x6c: {  	s26 =	sshrl.u32 @!p0 s15, $0x3;
	s1 =	sadd.s32 @!p0 $0x26000, s19;
	[sflag:s18] =	ssyncset.done @p5 $0x0  }
0x6d: {  	s13 =	simm.s32 @!p0 $0x1300;
	s1 =	sshrl.u32 @!p0 s1, $0x3;
	[sflag:s18] =	ssyncadd.s32 @p5 $0xFFFFED00  }
0x6e: {  	s2 =	simm.s32 @!p0 $0x1C03;
	s1 =	sadd.s32 @!p0 s0, s1;
	[bflag:$0x0] =	sbarrier.arrive $0xFFFF  }
0x6f: {  	[spmem:s26@s13], [sflag:s2] =	dma.strided @!p0 [hbm:s1@s24], $0x1300, s23, $0x10   }
0x70: {  	s11 =	simm.s32 @p5 $0x18700;
	s28 =	simm.s32 @p5 $0x1300;
	s1 =	sadd.s32 @p5 $0x2AC00, s29  }
0x71: {  	s15 =	sshrl.u32 @p5 s25, $0x3;
	s25 =	simm.s32 $0x80;
	s1 =	sshrl.u32 @p5 s1, $0x3  }
0x72: {  	s17 =	sor.u32 @p5 $0x1C04, s4;
	s10 =	simm.s32 @p5 $0x98;
	s3 =	sadd.s32 @p5 s0, s1  }
0x73: {  	[spmem:s15@s28], [sflag:s17] =	dma.strided @p5 [hbm:s3@s11], $0x1300, s10, $0x10   }
0x74: {  	s12 =	simm.s32 $0x7F00;
	s16 =	simm.s32 $0x400;
	s8 =	rddreg [dreg:$0x11]  }
0x75: {  	[tilespmem:s12], [sflag:$0x7] =	stream.strided.gather [spmem:s8], $0x1300, s16, s25, $0x38;
	[tilespmem:$0x1F800] =	vst v63  }
0x76: {  	_ =	swait.ge [sflag:s31], $0x1300  }
0x77: {  	[sflag:s31] =	ssyncset.done $0x0  }
0x78: {  	s16 =	simm.s32 @!p0 $0x1;
	[sflag:s31] =	ssyncadd.s32 $0xFFFFED00  }
0x79: {  	_ =	swait.ge @!p0 [sflag:s16], $0x1300  }
0x7a: {  	[sflag:s16] =	ssyncset.done @!p0 $0x0  }
0x7b: {  	s12 =	simm.s32 @p5 $0x2;
	[sflag:s16] =	ssyncadd.s32 @!p0 $0xFFFFED00  }
0x7c: {  	s5 =	sadd.s32 @!p0 $0x2F800, s19;
	_ =	swait.ge @p5 [sflag:s12], $0x1300  }
0x7d: {  	s5 =	sshrl.u32 @!p0 s5, $0x3;
	[sflag:s12] =	ssyncset.done @p5 $0x0  }
0x7e: {  	s5 =	sadd.s32 @!p0 s0, s5;
	[sflag:s12] =	ssyncadd.s32 @p5 $0xFFFFED00  }
0x7f: {  	s2 =	simm.s32 @!p0 $0x1C05;
	s1 =	sshrl.u32 @!p0 s30, $0x3;
	[bflag:$0x0] =	sbarrier.arrive $0xFFFF  }
0x80: {  	[spmem:s1@s13], [sflag:s2] =	dma.strided @!p0 [hbm:s5@s24], $0x1300, s23, $0x10   }
0x81: {  	s5 =	sadd.s32 @p5 $0x34400, s29  }
0x82: {  	s30 =	simm.s32 $0x9200;
	s5 =	sshrl.u32 @p5 s5, $0x3  }
0x83: {  	s8 =	sor.u32 @p5 $0x1C06, s4;
	s2 =	sadd.s32 @p5 s0, s5;
	s5 =	sshrl.u32 @p5 s6, $0x3  }
0x84: {  	[spmem:s5@s28], [sflag:s8] =	dma.strided @p5 [hbm:s2@s11], $0x1300, s10, $0x10   }
0x85: {  	s3 =	simm.s32 $0x400;
	s6 =	simm.s32 $0x80;
	[smem:$0x7F6] =	sst s5  }
0x86: {  	[tilespmem:s30], [sflag:$0x7] =	stream.strided.gather [spmem:s22], $0x1300, s3, s6, $0x38;
	[tilespmem:$0x1F800] =	vst v63  }
0x87: {  	_ =	swait.ge [sflag:s31], $0x1300  }
0x88: {  	[sflag:s31] =	ssyncset.done $0x0  }
0x89: {  	[sflag:s31] =	ssyncadd.s32 $0xFFFFED00  }
0x8a: {  	_ =	swait.ge @!p0 [sflag:s9], $0x1300  }
0x8b: {  	[sflag:s9] =	ssyncset.done @!p0 $0x0  }
0x8c: {  	s3 =	simm.s32 @p5 $0x4;
	[sflag:s9] =	ssyncadd.s32 @!p0 $0xFFFFED00  }
0x8d: {  	_ =	swait.ge @p5 [sflag:s3], $0x1300  }
0x8e: {  	[sflag:s3] =	ssyncset.done @p5 $0x0  }
0x8f: {  	[sflag:s3] =	ssyncadd.s32 @p5 $0xFFFFED00  }
0x90: {  	[bflag:$0x0] =	sbarrier.arrive $0xFFFF  }
0x91: {  	s2 =	sadd.s32 @!p0 $0x39000, s19;
	s6 =	sld [smem:$0x7F4]  }
0x92: {  	s2 =	sshrl.u32 @!p0 s2, $0x3  }
0x93: {  	s2 =	sadd.s32 @!p0 s0, s2;
	s3 =	simm.s32 @!p0 $0x1C01  }
0x94: {  	[spmem:s6@s13], [sflag:s3] =	dma.strided @!p0 [hbm:s2@s24], $0x1300, s23, $0x10   }
0x95: {  	s2 =	sadd.s32 @p5 $0x3DC00, s29;
	s4 =	sld [smem:$0x7F5]  }
0x96: {  	s25 =	simm.s32 $0xA500;
	s2 =	sshrl.u32 @p5 s2, $0x3  }
0x97: {  	s30 =	simm.s32 $0x80;
	s3 =	simm.s32 $0x400;
	s2 =	sadd.s32 @p5 s0, s2  }
0x98: {  	[spmem:s4@s28], [sflag:s20] =	dma.strided @p5 [hbm:s2@s11], $0x1300, s10, $0x10   }
0x99: {  	[tilespmem:s25], [sflag:$0x7] =	stream.strided.gather [spmem:s14], $0x1300, s3, s30, $0x38;
	[tilespmem:$0x1F800] =	vst v63  }
0x9a: {  	_ =	swait.ge [sflag:s31], $0x1300  }
0x9b: {  	[sflag:s31] =	ssyncset.done $0x0  }
0x9c: {  	[sflag:s31] =	ssyncadd.s32 $0xFFFFED00  }
0x9d: {  	_ =	swait.ge @!p0 [sflag:s21], $0x1300  }
0x9e: {  	[sflag:s21] =	ssyncset.done @!p0 $0x0  }
0x9f: {  	[sflag:s21] =	ssyncadd.s32 @!p0 $0xFFFFED00  }
0xa0: {  	_ =	swait.ge @p5 [sflag:s18], $0x1300  }
0xa1: {  	s2 =	sadd.s32 @!p0 $0x42800, s19;
	[sflag:s18] =	ssyncset.done @p5 $0x0  }
0xa2: {  	s2 =	sshrl.u32 @!p0 s2, $0x3;
	[sflag:s18] =	ssyncadd.s32 @p5 $0xFFFFED00  }
0xa3: {  	s25 =	simm.s32 @!p0 $0x1C03;
	s2 =	sadd.s32 @!p0 s0, s2;
	[bflag:$0x0] =	sbarrier.arrive $0xFFFF  }
0xa4: {  	[spmem:s26@s13], [sflag:s25] =	dma.strided @!p0 [hbm:s2@s24], $0x1300, s23, $0x10   }
0xa5: {  	s2 =	sadd.s32 @p5 $0x47400, s29  }
0xa6: {  	s2 =	sshrl.u32 @p5 s2, $0x3  }
0xa7: {  	s30 =	simm.s32 $0x80;
	[smem:$0x7F7] =	sst s15;
	s2 =	sadd.s32 @p5 s0, s2  }
0xa8: {  	[spmem:s15@s28], [sflag:s17] =	dma.strided @p5 [hbm:s2@s11], $0x1300, s10, $0x10   }
0xa9: {  	s10 =	simm.s32 $0xB800;
	s11 =	simm.s32 $0x400;
	s25 =	rddreg [dreg:$0x11]  }
0xaa: {  	[tilespmem:s10], [sflag:$0x7] =	stream.strided.gather [spmem:s25], $0x1300, s11, s30, $0x38;
	[tilespmem:$0x1F800] =	vst v63  }
0xab: {  	_ =	swait.ge [sflag:s31], $0x1300  }
0xac: {  	[sflag:s31] =	ssyncset.done $0x0  }
0xad: {  	[sflag:s31] =	ssyncadd.s32 $0xFFFFED00  }
0xae: {  	_ =	swait.ge @!p0 [sflag:s16], $0x1300  }
0xaf: {  	[sflag:s16] =	ssyncset.done @!p0 $0x0  }
0xb0: {  	[sflag:s16] =	ssyncadd.s32 @!p0 $0xFFFFED00  }
0xb1: {  	_ =	swait.ge @p5 [sflag:s12], $0x1300  }
0xb2: {  	s2 =	sadd.s32 @!p0 $0x4C000, s19;
	[sflag:s12] =	ssyncset.done @p5 $0x0  }
0xb3: {  	s2 =	sshrl.u32 @!p0 s2, $0x3;
	[sflag:s12] =	ssyncadd.s32 @p5 $0xFFFFED00  }
0xb4: {  	s14 =	simm.s32 @!p0 $0x1C05;
	s2 =	sadd.s32 @!p0 s0, s2;
	[bflag:$0x0] =	sbarrier.arrive $0xFFFF  }
0xb5: {  	[spmem:s1@s13], [sflag:s14] =	dma.strided @!p0 [hbm:s2@s24], $0x1300, s23, $0x10   }
0xb6: {  	s2 =	sadd.s32 @p5 $0x50C00, s29  }
0xb7: {  	s28 =	simm.s32 @p5 $0x98;
	s2 =	sshrl.u32 @p5 s2, $0x3  }
0xb8: {  	s11 =	simm.s32 @p5 $0x1300;
	s30 =	simm.s32 @p5 $0x18700;
	s2 =	sadd.s32 @p5 s0, s2  }
0xb9: {  	[spmem:s5@s11], [sflag:s8] =	dma.strided @p5 [hbm:s2@s30], $0x1300, s28, $0x10   }
0xba: {  	s3 =	simm.s32 $0xCB00;
	s13 =	simm.s32 $0x80;
	s5 =	simm.s32 $0x400  }
0xbb: {  	[tilespmem:s3], [sflag:$0x7] =	stream.strided.gather [spmem:s22], $0x1300, s5, s13, $0x38;
	[tilespmem:$0x1F800] =	vst v63  }
0xbc: {  	_ =	swait.ge [sflag:s31], $0x1300  }
0xbd: {  	[sflag:s31] =	ssyncset.done $0x0  }
0xbe: {  	[sflag:s31] =	ssyncadd.s32 $0xFFFFED00  }
0xbf: {  	_ =	swait.ge @!p0 [sflag:s9], $0x1300  }
0xc0: {  	[sflag:s9] =	ssyncset.done @!p0 $0x0  }
0xc1: {  	s10 =	smov.u32 s1;
	s1 =	simm.s32 @p5 $0x4;
	[sflag:s9] =	ssyncadd.s32 @!p0 $0xFFFFED00  }
0xc2: {  	s23 =	simm.s32 @!p0 $0x1300;
	_ =	swait.ge @p5 [sflag:s1], $0x1300  }
0xc3: {  	s24 =	simm.s32 @!p0 $0x98;
	s2 =	sadd.s32 @!p0 $0x55800, s19;
	[sflag:s1] =	ssyncset.done @p5 $0x0  }
0xc4: {  	s2 =	sshrl.u32 @!p0 s2, $0x3;
	s13 =	simm.s32 @!p0 $0x18700;
	[sflag:s1] =	ssyncadd.s32 @p5 $0xFFFFED00  }
0xc5: {  	s2 =	sadd.s32 @!p0 s0, s2;
	s1 =	simm.s32 @!p0 $0x1C01;
	[bflag:$0x0] =	sbarrier.arrive $0xFFFF  }
0xc6: {  	[spmem:s6@s23], [sflag:s1] =	dma.strided @!p0 [hbm:s2@s13], $0x1300, s24, $0x10   }
0xc7: {  	s2 =	sadd.s32 @p5 $0x5A400, s29  }
0xc8: {  	s2 =	sshrl.u32 @p5 s2, $0x3  }
0xc9: {  	s5 =	simm.s32 $0x400;
	s3 =	simm.s32 $0x80;
	s2 =	sadd.s32 @p5 s0, s2  }
0xca: {  	[spmem:s4@s11], [sflag:s20] =	dma.strided @p5 [hbm:s2@s30], $0x1300, s28, $0x10   }
0xcb: {  	s1 =	smov.u32 s6;
	s2 =	simm.s32 $0xDE00;
	s6 =	rddreg [dreg:$0x10]  }
0xcc: {  	[tilespmem:s2], [sflag:$0x7] =	stream.strided.gather [spmem:s6], $0x1300, s5, s3, $0x38;
	[tilespmem:$0x1F800] =	vst v63  }
0xcd: {  	_ =	swait.ge [sflag:s31], $0x1300  }
0xce: {  	[sflag:s31] =	ssyncset.done $0x0  }
0xcf: {  	[sflag:s31] =	ssyncadd.s32 $0xFFFFED00  }
0xd0: {  	_ =	swait.ge @!p0 [sflag:s21], $0x1300  }
0xd1: {  	[sflag:s21] =	ssyncset.done @!p0 $0x0  }
0xd2: {  	[sflag:s21] =	ssyncadd.s32 @!p0 $0xFFFFED00  }
0xd3: {  	_ =	swait.ge @p5 [sflag:s18], $0x1300  }
0xd4: {  	s2 =	sadd.s32 @!p0 $0x5F000, s19;
	[sflag:s18] =	ssyncset.done @p5 $0x0  }
0xd5: {  	s2 =	sshrl.u32 @!p0 s2, $0x3;
	[sflag:s18] =	ssyncadd.s32 @p5 $0xFFFFED00  }
0xd6: {  	s5 =	simm.s32 @!p0 $0x1C03;
	s2 =	sadd.s32 @!p0 s0, s2;
	[bflag:$0x0] =	sbarrier.arrive $0xFFFF  }
0xd7: {  	[spmem:s26@s23], [sflag:s5] =	dma.strided @!p0 [hbm:s2@s13], $0x1300, s24, $0x10   }
0xd8: {  	s11 =	simm.s32 @p5 $0x18700;
	s2 =	sadd.s32 @p5 $0x63C00, s29  }
0xd9: {  	s28 =	simm.s32 @p5 $0x1300;
	s30 =	simm.s32 @p5 $0x98;
	s2 =	sshrl.u32 @p5 s2, $0x3  }
0xda: {  	s3 =	simm.s32 $0x400;
	s5 =	smov.u32 s26;
	s2 =	sadd.s32 @p5 s0, s2  }
0xdb: {  	[spmem:s15@s28], [sflag:s17] =	dma.strided @p5 [hbm:s2@s11], $0x1300, s30, $0x10   }
0xdc: {  	s26 =	simm.s32 $0x80;
	[smem:$0x7F8] =	sst s17;
	s15 =	simm.s32 $0xF100  }
0xdd: {  	[tilespmem:s15], [sflag:$0x7] =	stream.strided.gather [spmem:s25], $0x1300, s3, s26, $0x38;
	[tilespmem:$0x1F800] =	vst v63  }
0xde: {  	_ =	swait.ge [sflag:s31], $0x1300  }
0xdf: {  	[sflag:s31] =	ssyncset.done $0x0  }
0xe0: {  	[sflag:s31] =	ssyncadd.s32 $0xFFFFED00  }
0xe1: {  	_ =	swait.ge @!p0 [sflag:s16], $0x1300  }
0xe2: {  	[sflag:s16] =	ssyncset.done @!p0 $0x0  }
0xe3: {  	[sflag:s16] =	ssyncadd.s32 @!p0 $0xFFFFED00  }
0xe4: {  	s14 =	simm.s32 @!p0 $0x1C05;
	_ =	swait.ge @p5 [sflag:s12], $0x1300  }
0xe5: {  	s24 =	simm.s32 @!p0 $0x98;
	s2 =	sadd.s32 @!p0 $0x68800, s19;
	[sflag:s12] =	ssyncset.done @p5 $0x0  }
0xe6: {  	s13 =	simm.s32 @!p0 $0x1300;
	s2 =	sshrl.u32 @!p0 s2, $0x3;
	[sflag:s12] =	ssyncadd.s32 @p5 $0xFFFFED00  }
0xe7: {  	s23 =	simm.s32 @!p0 $0x18700;
	s2 =	sadd.s32 @!p0 s0, s2;
	[bflag:$0x0] =	sbarrier.arrive $0xFFFF  }
0xe8: {  	[spmem:s10@s13], [sflag:s14] =	dma.strided @!p0 [hbm:s2@s23], $0x1300, s24, $0x10   }
0xe9: {  	s2 =	sadd.s32 @p5 $0x6D400, s29;
	s14 =	sld [smem:$0x7F6]  }
0xea: {  	s15 =	smov.u32 s25;
	s2 =	sshrl.u32 @p5 s2, $0x3  }
0xeb: {  	s25 =	smov.u32 s8;
	[smem:$0x7F9] =	sst s8;
	s2 =	sadd.s32 @p5 s0, s2  }
0xec: {  	[spmem:s14@s28], [sflag:s8] =	dma.strided @p5 [hbm:s2@s11], $0x1300, s30, $0x10   }
0xed: {  	s26 =	simm.s32 $0x10400;
	s3 =	simm.s32 $0x400;
	s8 =	simm.s32 $0x80  }
0xee: {  	[tilespmem:s26], [sflag:$0x7] =	stream.strided.gather [spmem:s22], $0x1300, s3, s8, $0x38;
	[tilespmem:$0x1F800] =	vst v63  }
0xef: {  	_ =	swait.ge [sflag:s31], $0x1300  }
0xf0: {  	[sflag:s31] =	ssyncset.done $0x0  }
0xf1: {  	[sflag:s31] =	ssyncadd.s32 $0xFFFFED00  }
0xf2: {  	_ =	swait.ge @!p0 [sflag:s9], $0x1300  }
0xf3: {  	[sflag:s9] =	ssyncset.done @!p0 $0x0  }
0xf4: {  	s2 =	simm.s32 @p5 $0x4;
	[sflag:s9] =	ssyncadd.s32 @!p0 $0xFFFFED00  }
0xf5: {  	_ =	swait.ge @p5 [sflag:s2], $0x1300  }
0xf6: {  	s8 =	simm.s32 @p5 $0x4;
	[sflag:s2] =	ssyncset.done @p5 $0x0;
	s2 =	sadd.s32 @!p0 $0x72000, s19  }
0xf7: {  	[sflag:s8] =	ssyncadd.s32 @p5 $0xFFFFED00;
	s2 =	sshrl.u32 @!p0 s2, $0x3  }
0xf8: {  	s26 =	simm.s32 @!p0 $0x1C01;
	[bflag:$0x0] =	sbarrier.arrive $0xFFFF;
	s2 =	sadd.s32 @!p0 s0, s2  }
0xf9: {  	[spmem:s1@s13], [sflag:s26] =	dma.strided @!p0 [hbm:s2@s23], $0x1300, s24, $0x10   }
0xfa: {  	s2 =	sadd.s32 @p5 $0x76C00, s29  }
0xfb: {  	s2 =	sshrl.u32 @p5 s2, $0x3  }
0xfc: {  	s3 =	smov.u32 s22;
	s22 =	simm.s32 $0x400;
	s2 =	sadd.s32 @p5 s0, s2  }
0xfd: {  	[spmem:s4@s28], [sflag:s20] =	dma.strided @p5 [hbm:s2@s11], $0x1300, s30, $0x10   }
0xfe: {  	s8 =	simm.s32 $0x80;
	s26 =	smov.u32 s4;
	s4 =	simm.s32 $0x11700  }
0xff: {  	[tilespmem:s4], [sflag:$0x7] =	stream.strided.gather [spmem:s6], $0x1300, s22, s8, $0x38;
	[tilespmem:$0x1F800] =	vst v63  }
0x100: {  	_ =	swait.ge [sflag:s31], $0x1300  }
0x101: {  	[sflag:s31] =	ssyncset.done $0x0  }
0x102: {  	[sflag:s31] =	ssyncadd.s32 $0xFFFFED00  }
0x103: {  	_ =	swait.ge @!p0 [sflag:s21], $0x1300  }
0x104: {  	[sflag:s21] =	ssyncset.done @!p0 $0x0  }
0x105: {  	[sflag:s21] =	ssyncadd.s32 @!p0 $0xFFFFED00  }
0x106: {  	_ =	swait.ge @p5 [sflag:s18], $0x1300  }
0x107: {  	s2 =	sadd.s32 @!p0 $0x7B800, s19;
	[sflag:s18] =	ssyncset.done @p5 $0x0  }
0x108: {  	s2 =	sshrl.u32 @!p0 s2, $0x3;
	[sflag:s18] =	ssyncadd.s32 @p5 $0xFFFFED00  }
0x109: {  	s4 =	simm.s32 @!p0 $0x1C03;
	s2 =	sadd.s32 @!p0 s0, s2;
	[bflag:$0x0] =	sbarrier.arrive $0xFFFF  }
0x10a: {  	[spmem:s5@s13], [sflag:s4] =	dma.strided @!p0 [hbm:s2@s23], $0x1300, s24, $0x10   }
0x10b: {  	s2 =	sadd.s32 @p5 $0x80400, s29;
	s22 =	sld [smem:$0x7F7]  }
0x10c: {  	s2 =	sshrl.u32 @p5 s2, $0x3  }
0x10d: {  	s2 =	sadd.s32 @p5 s0, s2  }
0x10e: {  	[spmem:s22@s28], [sflag:s17] =	dma.strided @p5 [hbm:s2@s11], $0x1300, s30, $0x10   }
0x10f: {  	s8 =	simm.s32 $0x80;
	s4 =	simm.s32 $0x12A00;
	s17 =	simm.s32 $0x400  }
0x110: {  	[tilespmem:s4], [sflag:$0x7] =	stream.strided.gather [spmem:s15], $0x1300, s17, s8, $0x38;
	[tilespmem:$0x1F800] =	vst v63  }
0x111: {  	_ =	swait.ge [sflag:s31], $0x1300  }
0x112: {  	[sflag:s31] =	ssyncset.done $0x0  }
0x113: {  	[sflag:s31] =	ssyncadd.s32 $0xFFFFED00  }
0x114: {  	_ =	swait.ge @!p0 [sflag:s16], $0x1300  }
0x115: {  	[sflag:s16] =	ssyncset.done @!p0 $0x0  }
0x116: {  	[sflag:s16] =	ssyncadd.s32 @!p0 $0xFFFFED00  }
0x117: {  	_ =	swait.ge @p5 [sflag:s12], $0x1300  }
0x118: {  	s2 =	sadd.s32 @!p0 $0x85000, s19;
	[sflag:s12] =	ssyncset.done @p5 $0x0  }
0x119: {  	s2 =	sshrl.u32 @!p0 s2, $0x3;
	[sflag:s12] =	ssyncadd.s32 @p5 $0xFFFFED00  }
0x11a: {  	s8 =	simm.s32 @!p0 $0x1C05;
	s2 =	sadd.s32 @!p0 s0, s2;
	[bflag:$0x0] =	sbarrier.arrive $0xFFFF  }
0x11b: {  	[spmem:s10@s13], [sflag:s8] =	dma.strided @!p0 [hbm:s2@s23], $0x1300, s24, $0x10   }
0x11c: {  	s2 =	sadd.s32 @p5 $0x89C00, s29  }
0x11d: {  	s2 =	sshrl.u32 @p5 s2, $0x3  }
0x11e: {  	s4 =	smov.u32 s10;
	s2 =	sadd.s32 @p5 s0, s2  }
0x11f: {  	[spmem:s14@s28], [sflag:s25] =	dma.strided @p5 [hbm:s2@s11], $0x1300, s30, $0x10   }
0x120: {  	s10 =	simm.s32 $0x13D00;
	s11 =	simm.s32 $0x400;
	s28 =	simm.s32 $0x80  }
0x121: {  	[tilespmem:s10], [sflag:$0x7] =	stream.strided.gather [spmem:s3], $0x1300, s11, s28, $0x38;
	[tilespmem:$0x1F800] =	vst v63  }
0x122: {  	_ =	swait.ge [sflag:s31], $0x1300  }
0x123: {  	[sflag:s31] =	ssyncset.done $0x0  }
0x124: {  	[sflag:s31] =	ssyncadd.s32 $0xFFFFED00  }
0x125: {  	_ =	swait.ge @!p0 [sflag:s9], $0x1300  }
0x126: {  	[sflag:s9] =	ssyncset.done @!p0 $0x0  }
0x127: {  	s25 =	smov.u32 s3;
	s3 =	simm.s32 @p5 $0x4;
	[sflag:s9] =	ssyncadd.s32 @!p0 $0xFFFFED00  }
0x128: {  	_ =	swait.ge @p5 [sflag:s3], $0x1300  }
0x129: {  	s2 =	sadd.s32 @!p0 $0x8E800, s19;
	[sflag:s3] =	ssyncset.done @p5 $0x0  }
0x12a: {  	s2 =	sshrl.u32 @!p0 s2, $0x3;
	[sflag:s3] =	ssyncadd.s32 @p5 $0xFFFFED00  }
0x12b: {  	s17 =	simm.s32 @!p0 $0x1C01;
	s2 =	sadd.s32 @!p0 s0, s2;
	[bflag:$0x0] =	sbarrier.arrive $0xFFFF  }
0x12c: {  	[spmem:s1@s13], [sflag:s17] =	dma.strided @!p0 [hbm:s2@s23], $0x1300, s24, $0x10   }
0x12d: {  	s8 =	simm.s32 @p5 $0x98;
	s10 =	simm.s32 @p5 $0x1300;
	s2 =	sadd.s32 @p5 $0x93400, s29  }
0x12e: {  	s11 =	simm.s32 @p5 $0x18700;
	s17 =	simm.s32 $0x15000;
	s2 =	sshrl.u32 @p5 s2, $0x3  }
0x12f: {  	s23 =	simm.s32 $0x400;
	s24 =	simm.s32 $0x80;
	s2 =	sadd.s32 @p5 s0, s2  }
0x130: {  	[spmem:s26@s10], [sflag:s20] =	dma.strided @p5 [hbm:s2@s11], $0x1300, s8, $0x10   }
0x131: {  	[tilespmem:s17], [sflag:$0x7] =	stream.strided.gather [spmem:s6], $0x1300, s23, s24, $0x38;
	[tilespmem:$0x1F800] =	vst v63  }
0x132: {  	_ =	swait.ge [sflag:s31], $0x1300  }
0x133: {  	[sflag:s31] =	ssyncset.done $0x0  }
0x134: {  	[sflag:s31] =	ssyncadd.s32 $0xFFFFED00  }
0x135: {  	_ =	swait.ge @!p0 [sflag:s21], $0x1300  }
0x136: {  	[sflag:s21] =	ssyncset.done @!p0 $0x0  }
0x137: {  	[sflag:s21] =	ssyncadd.s32 @!p0 $0xFFFFED00  }
0x138: {  	s28 =	simm.s32 @!p0 $0x98;
	_ =	swait.ge @p5 [sflag:s18], $0x1300  }
0x139: {  	s3 =	simm.s32 @!p0 $0x1C03;
	s2 =	sadd.s32 @!p0 $0x98000, s19;
	[sflag:s18] =	ssyncset.done @p5 $0x0  }
0x13a: {  	s2 =	sshrl.u32 @!p0 s2, $0x3;
	s23 =	simm.s32 @!p0 $0x1300;
	[sflag:s18] =	ssyncadd.s32 @p5 $0xFFFFED00  }
0x13b: {  	s24 =	simm.s32 @!p0 $0x18700;
	s2 =	sadd.s32 @!p0 s0, s2;
	[bflag:$0x0] =	sbarrier.arrive $0xFFFF  }
0x13c: {  	[spmem:s5@s23], [sflag:s3] =	dma.strided @!p0 [hbm:s2@s24], $0x1300, s28, $0x10   }
0x13d: {  	s2 =	sadd.s32 @p5 $0x9CC00, s29;
	s13 =	sld [smem:$0x7F8]  }
0x13e: {  	s2 =	sshrl.u32 @p5 s2, $0x3  }
0x13f: {  	s2 =	sadd.s32 @p5 s0, s2  }
0x140: {  	[spmem:s22@s10], [sflag:s13] =	dma.strided @p5 [hbm:s2@s11], $0x1300, s8, $0x10   }
0x141: {  	s17 =	simm.s32 $0x400;
	s3 =	simm.s32 $0x80;
	s2 =	simm.s32 $0x16300  }
0x142: {  	[tilespmem:s2], [sflag:$0x7] =	stream.strided.gather [spmem:s15], $0x1300, s17, s3, $0x38;
	[tilespmem:$0x1F800] =	vst v63  }
0x143: {  	_ =	swait.ge [sflag:s31], $0x1300  }
0x144: {  	[sflag:s31] =	ssyncset.done $0x0  }
0x145: {  	[sflag:s31] =	ssyncadd.s32 $0xFFFFED00  }
0x146: {  	_ =	swait.ge @!p0 [sflag:s16], $0x1300  }
0x147: {  	[sflag:s16] =	ssyncset.done @!p0 $0x0  }
0x148: {  	[sflag:s16] =	ssyncadd.s32 @!p0 $0xFFFFED00  }
0x149: {  	_ =	swait.ge @p5 [sflag:s12], $0x1300  }
0x14a: {  	s2 =	sadd.s32 @!p0 $0xA1800, s19;
	[sflag:s12] =	ssyncset.done @p5 $0x0  }
0x14b: {  	s2 =	sshrl.u32 @!p0 s2, $0x3;
	[sflag:s12] =	ssyncadd.s32 @p5 $0xFFFFED00  }
0x14c: {  	s3 =	simm.s32 @!p0 $0x1C05;
	s2 =	sadd.s32 @!p0 s0, s2;
	[bflag:$0x0] =	sbarrier.arrive $0xFFFF  }
0x14d: {  	[spmem:s4@s23], [sflag:s3] =	dma.strided @!p0 [hbm:s2@s24], $0x1300, s28, $0x10   }
0x14e: {  	s2 =	sadd.s32 @p5 $0xA6400, s29;
	s3 =	sld [smem:$0x7F9]  }
0x14f: {  	s11 =	simm.s32 @p5 $0x18700;
	s10 =	simm.s32 @p5 $0x1300;
	s2 =	sshrl.u32 @p5 s2, $0x3  }
0x150: {  	s8 =	simm.s32 @p5 $0x98;
	s28 =	simm.s32 $0x400;
	s2 =	sadd.s32 @p5 s0, s2  }
0x151: {  	[spmem:s14@s10], [sflag:s3] =	dma.strided @p5 [hbm:s2@s11], $0x1300, s8, $0x10   }
0x152: {  	s2 =	simm.s32 $0x17600;
	s3 =	simm.s32 $0x80;
	s14 =	sld [smem:$0x7FA]  }
0x153: {  	[tilespmem:s2], [sflag:$0x7] =	stream.strided.gather [spmem:s25], $0x1300, s28, s3, $0x38;
	[tilespmem:$0x1F800] =	vst v63  }
0x154: {  	s28 =	sld [smem:$0x7FB];
	_ =	swait.ge [sflag:s31], $0x1300  }
0x155: {  	[sflag:s31] =	ssyncset.done $0x0  }
0x156: {  	[sflag:s31] =	ssyncadd.s32 $0xFFFFED00  }
0x157: {  	_ =	swait.ge @!p0 [sflag:s9], $0x1300  }
0x158: {  	[sflag:s9] =	ssyncset.done @!p0 $0x0  }
0x159: {  	s30 =	simm.s32 @p5 $0x4;
	[sflag:s9] =	ssyncadd.s32 @!p0 $0xFFFFED00  }
0x15a: {  	s17 =	simm.s32 @!p0 $0x98;
	_ =	swait.ge @p5 [sflag:s30], $0x1300  }
0x15b: {  	s24 =	simm.s32 @!p0 $0x18700;
	s2 =	sadd.s32 @!p0 $0xAB000, s19;
	[sflag:s30] =	ssyncset.done @p5 $0x0  }
0x15c: {  	s23 =	simm.s32 @!p0 $0x1300;
	s2 =	sshrl.u32 @!p0 s2, $0x3;
	[sflag:s30] =	ssyncadd.s32 @p5 $0xFFFFED00  }
0x15d: {  	s3 =	simm.s32 @!p0 $0x1C01;
	s2 =	sadd.s32 @!p0 s0, s2;
	[bflag:$0x0] =	sbarrier.arrive $0xFFFF  }
0x15e: {  	[spmem:s1@s23], [sflag:s3] =	dma.strided @!p0 [hbm:s2@s24], $0x1300, s17, $0x10   }
0x15f: {  	s2 =	sadd.s32 @p5 $0xAFC00, s29  }
0x160: {  	s2 =	sshrl.u32 @p5 s2, $0x3  }
0x161: {  	s2 =	sadd.s32 @p5 s0, s2  }
0x162: {  	[spmem:s26@s10], [sflag:s20] =	dma.strided @p5 [hbm:s2@s11], $0x1300, s8, $0x10   }
0x163: {  	s1 =	simm.s32 $0x18900;
	s3 =	simm.s32 $0x400;
	s26 =	simm.s32 $0x80  }
0x164: {  	[tilespmem:s1], [sflag:$0x7] =	stream.strided.gather [spmem:s6], $0x1300, s3, s26, $0x38;
	[tilespmem:$0x1F800] =	vst v63  }
0x165: {  	_ =	swait.ge [sflag:s31], $0x1300  }
0x166: {  	[sflag:s31] =	ssyncset.done $0x0  }
0x167: {  	[sflag:s31] =	ssyncadd.s32 $0xFFFFED00  }
0x168: {  	_ =	swait.ge @!p0 [sflag:s21], $0x1300  }
0x169: {  	[sflag:s21] =	ssyncset.done @!p0 $0x0  }
0x16a: {  	[sflag:s21] =	ssyncadd.s32 @!p0 $0xFFFFED00  }
0x16b: {  	_ =	swait.ge @p5 [sflag:s18], $0x1300  }
0x16c: {  	s2 =	sadd.s32 @!p0 $0xB4800, s19;
	[sflag:s18] =	ssyncset.done @p5 $0x0  }
0x16d: {  	s2 =	sshrl.u32 @!p0 s2, $0x3;
	[sflag:s18] =	ssyncadd.s32 @p5 $0xFFFFED00  }
0x16e: {  	s1 =	simm.s32 @!p0 $0x1C03;
	s2 =	sadd.s32 @!p0 s0, s2;
	[bflag:$0x0] =	sbarrier.arrive $0xFFFF  }
0x16f: {  	[spmem:s5@s23], [sflag:s1] =	dma.strided @!p0 [hbm:s2@s24], $0x1300, s17, $0x10   }
0x170: {  	s2 =	sadd.s32 @p5 $0xB9400, s29  }
0x171: {  	s2 =	sshrl.u32 @p5 s2, $0x3  }
0x172: {  	s2 =	sadd.s32 @p5 s0, s2  }
0x173: {  	[spmem:s22@s10], [sflag:s13] =	dma.strided @p5 [hbm:s2@s11], $0x1300, s8, $0x10   }
0x174: {  	s18 =	simm.s32 $0x400;
	s13 =	simm.s32 $0x19C00  }
0x175: {  	[tilespmem:s13], [sflag:$0x7] =	stream.strided.gather [spmem:s15], $0x1300, s18, s26, $0x38;
	[tilespmem:$0x1F800] =	vst v63  }
0x176: {  	_ =	swait.ge [sflag:s31], $0x1300  }
0x177: {  	[sflag:s31] =	ssyncset.done $0x0  }
0x178: {  	[sflag:s31] =	ssyncadd.s32 $0xFFFFED00  }
0x179: {  	_ =	swait.ge @!p0 [sflag:s16], $0x1300  }
0x17a: {  	[sflag:s16] =	ssyncset.done @!p0 $0x0  }
0x17b: {  	[sflag:s16] =	ssyncadd.s32 @!p0 $0xFFFFED00  }
0x17c: {  	_ =	swait.ge @p5 [sflag:s12], $0x1300  }
0x17d: {  	[sflag:s12] =	ssyncset.done @p5 $0x0  }
0x17e: {  	s3 =	simm.s32 @p0 $0x1AF00;
	[sflag:s12] =	ssyncadd.s32 @p5 $0xFFFFED00  }
0x17f: {  	s1 =	simm.s32 @p0 $0x80;
	s2 =	simm.s32 @p0 $0x400;
	[bflag:$0x0] =	sbarrier.arrive $0xFFFF  }
0x180: {  	[tilespmem:s3], [sflag:$0x7] =	stream.strided.gather @p0 [spmem:s25], $0x1300, s2, s1, $0x38;
	[tilespmem:$0x1F800] =	vst v63  }
0x181: {  	s1 =	sadd.s32 @!p0 $0xBE000, s19  }
0x182: {  	s1 =	sshrl.u32 @!p0 s1, $0x3  }
0x183: {  	s2 =	simm.s32 @!p0 $0xA8;
	s3 =	simm.s32 @!p0 $0x1C05;
	s1 =	sadd.s32 @!p0 s0, s1  }
0x184: {  	[spmem:s4@s23], [sflag:s3] =	dma.strided @!p0 [hbm:s1@s24], $0x1500, s2, $0x10   }
0x185: {  	s1 =	simm.s32 @!p0 $0x80;
	s2 =	simm.s32 @!p0 $0x400;
	s3 =	simm.s32 @!p0 $0x1AF00  }
0x186: {  	[tilespmem:s3], [sflag:$0x7] =	stream.strided.gather @!p0 [spmem:s25], $0x1300, s2, s1, $0x38;
	[tilespmem:$0x1F800] =	vst v63  }
0x187: {  	s1 =	simm.s32 @!p0 $0x7  }
0x188: {  	_ =	swait.ge @!p0 [sflag:s1], $0x1300  }
0x189: {  	[sflag:s1] =	ssyncset.done @!p0 $0x0  }
0x18a: {  	s9 =	simm.s32 @p0 $0x7;
	[sflag:s1] =	ssyncadd.s32 @!p0 $0xFFFFED00  }
0x18b: {  	_ =	swait.ge [sflag:s9], $0x1300  }
0x18c: {  	[sflag:s9] =	ssyncset.done $0x0  }
0x18d: {  	[sflag:s9] =	ssyncadd.s32 $0xFFFFED00  }
0x18e: {  	_ =	swait.ge @p5 [sflag:s30], $0x1300  }
0x18f: {  	[sflag:s30] =	ssyncset.done @p5 $0x0  }
0x190: {  	[sflag:s30] =	ssyncadd.s32 @p5 $0xFFFFED00  }
0x191: {  	s17 =	simm.s32 $0x1C200;
	[bflag:$0x0] =	sbarrier.arrive $0xFFFF  }
0x192: {  	[tilespmem:s17], [sflag:$0x7] =	stream.strided.gather [spmem:s6], $0x1300, s18, s26, $0x38;
	[tilespmem:$0x1F800] =	vst v63  }
0x193: {  	_ =	swait.ge [sflag:s31], $0x1300  }
0x194: {  	[sflag:s31] =	ssyncset.done $0x0  }
0x195: {  	[sflag:s31] =	ssyncadd.s32 $0xFFFFED00  }
0x196: {  	s20 =	sshrl.u32 s28, $0x3;
	s19 =	smul.u32 $0x30E000, s14;
	_ =	swait.ge @!p0 [sflag:s21], $0x1500  }
0x197: {  	s2 =	smul.u32 $0xC3800, s20;
	[sflag:s21] =	ssyncset.done @!p0 $0x0  }
0x198: {  	[sflag:s21] =	ssyncadd.s32 @!p0 $0xFFFFEB00  }
0x199: {  	s1 =	sadd.s32 s19, s2;
	s21 =	simm.s32 $0x1D500;
	[bflag:$0x0] =	sbarrier.arrive $0xFFFF  }
0x19a: {  	[tilespmem:s21], [sflag:$0x7] =	stream.strided.gather [spmem:s15], $0xA80, s18, s26, $0x38;
	[tilespmem:$0x1F800] =	vst v63  }
0x19b: {  	s1 =	sadd.s32 $0xC3400, s1;
	_ =	swait.ge [sflag:s31], $0xA80  }
0x19c: {  	s22 =	simm.s32 $0xC3800;
	s1 =	sshrl.u32 s1, $0x3;
	[sflag:s31] =	ssyncset.done $0x0  }
0x19d: {  	s23 =	simm.s32 $0x1F000;
	s1 =	sadd.s32 s0, s1;
	[sflag:s31] =	ssyncadd.s32 $0xFFFFF580  }
0x19e: {  	[tilespmem:s23], [sflag:$0x7] =	stream.strided.gather [hbm4b:s1+s18], $0x800, s22, s18, $0x38;
	[tilespmem:$0x1F800] =	vst v63  }
0x19f: {  	_ =	swait.ge [sflag:s31], $0x800  }
0x1a0: {  	[sflag:s31] =	ssyncset.done $0x0  }
0x1a1: {  	s24 =	rddreg [dreg:$0xa];
	[sflag:s31] =	ssyncadd.s32 $0xFFFFF800  }
0x1a2: {  	v0 =	vld [tilespmem:s24+$0x1F000];
	_ =	sdelay $0x4  }
0x1a3: {  	[tilespmem:$0x1DF80] =	vst v0  }
0x1a4: {  	v0 =	vld [tilespmem:s24+$0x1F010];
	_ =	sdelay $0x4  }
0x1a5: {  	[tilespmem:$0x1DF90] =	vst v0  }
0x1a6: {  	s25 =	sshll.u32 s14, $0xB;
	[bflag:$0x0] =	sbarrier.arrive $0xFFFF  }
0x1a7: {  	s9 =	sand.u32 $0x1FFFF800, s25;
	s29 =	rddreg [dreg:$0x1]  }
0x1a8: {  	s30 =	simm.s32 $0x0;
	s6 =	simm.s32 $0x1E000;
	s1 =	sadd.s32 s29, s9  }
0x1a9: {  	[tilespmem:s6], [sflag:$0x7] =	stream.linear.gather [hbm4b:s1+s30], $0x800, $0x38;
	[tilespmem:$0x1F800] =	vst v63  }
0x1aa: {  	_ =	swait.ge [sflag:s31], $0x800  }
0x1ab: {  	[sflag:s31] =	ssyncset.done $0x0  }
0x1ac: {  	s1 =	simm.s32 $0x0;
	[sflag:s31] =	ssyncadd.s32 $0xFFFFF800  }
0x1ad: {  	v0 =	vld [tilespmem:s1+$0x1E000];
	_ =	sdelay $0x5  }
0x1ae: {  	v1 =	vld [tilespmem:s1+$0x1E010];
	_ =	sdelay $0x1  }
0x1af: {  	v0 =	vld.idx.msk [tilespmem:v0+s7+$0x0], $0xffff;
	_ =	sdelay $0x4  }
0x1b0: {  	[tilespmem:s1+$0x1E800] =	vst v0;
	v0 =	vld [tilespmem:s1+$0x1E020]  }
0x1b1: {  	v1 =	vld.idx.msk [tilespmem:v1+s7+$0x0], $0xffff;
	_ =	sdelay $0x4  }
0x1b2: {  	[tilespmem:s1+$0x1E810] =	vst v1;
	v1 =	vld [tilespmem:s1+$0x1E030];
	_ =	sdelay $0x1  }
0x1b3: {  	v0 =	vld.idx.msk [tilespmem:v0+s7+$0x0], $0xffff;
	_ =	sdelay $0x4  }
0x1b4: {  	[tilespmem:s1+$0x1E820] =	vst v0;
	v0 =	vld [tilespmem:s1+$0x1E040]  }
0x1b5: {  	v1 =	vld.idx.msk [tilespmem:v1+s7+$0x0], $0xffff;
	_ =	sdelay $0x4  }
0x1b6: {  	[tilespmem:s1+$0x1E830] =	vst v1;
	v1 =	vld [tilespmem:s1+$0x1E050];
	_ =	sdelay $0x1  }
0x1b7: {  	v0 =	vld.idx.msk [tilespmem:v0+s7+$0x0], $0xffff;
	_ =	sdelay $0x4  }
0x1b8: {  	v2 =	vld [tilespmem:s1+$0x1E060];
	[tilespmem:s1+$0x1E840] =	vst v0  }
0x1b9: {  	v0 =	vld.idx.msk [tilespmem:v1+s7+$0x0], $0xffff;
	_ =	sdelay $0x4  }
0x1ba: {  	[tilespmem:s1+$0x1E850] =	vst v0;
	v0 =	vld [tilespmem:s1+$0x1E070];
	_ =	sdelay $0x1  }
0x1bb: {  	v1 =	vld.idx.msk [tilespmem:v2+s7+$0x0], $0xffff;
	_ =	sdelay $0x3  }
0x1bc: {  	s4 =	simm.s32 $0x80;
	s3 =	simm.s32 $0x400  }
.LBB2_3:
0x1bd: {  	p5 =	sne.s32 s3, $0x1E00;
	v2 =	vld [tilespmem:s4+$0x1E000];
	[tilespmem:s1+$0x1E860] =	vst v1  }
0x1be: {  	v0 =	vld.idx.msk [tilespmem:v0+s7+$0x0], $0xffff;
	_ =	sdelay $0x5  }
0x1bf: {  	v1 =	vld [tilespmem:s4+$0x1E010];
	[tilespmem:s1+$0x1E870] =	vst v0;
	s1 =	smov.u32 s4  }
0x1c0: {  	v0 =	vld.idx.msk [tilespmem:v2+s7+$0x0], $0xffff;
	_ =	sdelay $0x5  }
0x1c1: {  	[tilespmem:s1+$0x1E800] =	vst v0;
	v0 =	vld [tilespmem:s1+$0x1E020]  }
0x1c2: {  	v1 =	vld.idx.msk [tilespmem:v1+s7+$0x0], $0xffff;
	_ =	sdelay $0x5  }
0x1c3: {  	[tilespmem:s1+$0x1E810] =	vst v1;
	v1 =	vld [tilespmem:s1+$0x1E030]  }
0x1c4: {  	v0 =	vld.idx.msk [tilespmem:v0+s7+$0x0], $0xffff;
	_ =	sdelay $0x5  }
0x1c5: {  	[tilespmem:s1+$0x1E820] =	vst v0;
	v0 =	vld [tilespmem:s1+$0x1E040]  }
0x1c6: {  	v1 =	vld.idx.msk [tilespmem:v1+s7+$0x0], $0xffff;
	_ =	sdelay $0x5  }
0x1c7: {  	[tilespmem:s1+$0x1E830] =	vst v1;
	v1 =	vld [tilespmem:s1+$0x1E050]  }
0x1c8: {  	v0 =	vld.idx.msk [tilespmem:v0+s7+$0x0], $0xffff;
	_ =	sdelay $0x5  }
0x1c9: {  	[tilespmem:s1+$0x1E840] =	vst v0;
	v2 =	vld [tilespmem:s1+$0x1E060]  }
0x1ca: {  	v0 =	vld.idx.msk [tilespmem:v1+s7+$0x0], $0xffff;
	_ =	sdelay $0x5  }
0x1cb: {  	[tilespmem:s1+$0x1E850] =	vst v0;
	v0 =	vld [tilespmem:s1+$0x1E070]  }
0x1cc: {  	v1 =	vld.idx.msk [tilespmem:v2+s7+$0x0], $0xffff  }
.Ltmp0:
0x1cd: {  	(pc) =	sbr.rel @p5 .LBB2_3-.Ltmp0, $2  }
0x1ce: {  	_ =	sdelay $0x2  }
0x1cf: {  	s4 =	sshra.s32 s3, $0x2;
	s3 =	sadd.s32 $0x200, s3  }
0x1d0: {  	_ =	sdelay $0x1  }
0x1d1: {  	v2 =	vld [tilespmem:s4+$0x1E000]  }
0x1d2: {  	[tilespmem:s1+$0x1E860] =	vst v1  }
0x1d3: {  	v0 =	vld.idx.msk [tilespmem:v0+s7+$0x0], $0xffff;
	_ =	sdelay $0x3  }
0x1d4: {  	v1 =	vld [tilespmem:s4+$0x1E010]  }
0x1d5: {  	[tilespmem:s1+$0x1E870] =	vst v0  }
0x1d6: {  	v0 =	vld.idx.msk [tilespmem:v2+s7+$0x0], $0xffff;
	_ =	sdelay $0x4  }
0x1d7: {  	[tilespmem:s4+$0x1E800] =	vst v0;
	v0 =	vld [tilespmem:s4+$0x1E020]  }
0x1d8: {  	v1 =	vld.idx.msk [tilespmem:v1+s7+$0x0], $0xffff;
	_ =	sdelay $0x4  }
0x1d9: {  	[tilespmem:s4+$0x1E810] =	vst v1;
	v1 =	vld [tilespmem:s4+$0x1E030];
	_ =	sdelay $0x1  }
0x1da: {  	v0 =	vld.idx.msk [tilespmem:v0+s7+$0x0], $0xffff;
	_ =	sdelay $0x4  }
0x1db: {  	[tilespmem:s4+$0x1E820] =	vst v0;
	v0 =	vld [tilespmem:s4+$0x1E040]  }
0x1dc: {  	v1 =	vld.idx.msk [tilespmem:v1+s7+$0x0], $0xffff;
	_ =	sdelay $0x4  }
0x1dd: {  	[tilespmem:s4+$0x1E830] =	vst v1;
	v1 =	vld [tilespmem:s4+$0x1E050];
	_ =	sdelay $0x1  }
0x1de: {  	v0 =	vld.idx.msk [tilespmem:v0+s7+$0x0], $0xffff;
	_ =	sdelay $0x4  }
0x1df: {  	[tilespmem:s4+$0x1E840] =	vst v0;
	v0 =	vld [tilespmem:s4+$0x1E060]  }
0x1e0: {  	v1 =	vld.idx.msk [tilespmem:v1+s7+$0x0], $0xffff;
	_ =	sdelay $0x4  }
0x1e1: {  	[tilespmem:s4+$0x1E850] =	vst v1;
	v1 =	vld [tilespmem:s4+$0x1E070];
	_ =	sdelay $0x1  }
0x1e2: {  	v0 =	vld.idx.msk [tilespmem:v0+s7+$0x0], $0xffff;
	_ =	sdelay $0x4  }
0x1e3: {  	[tilespmem:s4+$0x1E860] =	vst v0  }
0x1e4: {  	v0 =	vld.idx.msk [tilespmem:v1+s7+$0x0], $0xffff;
	_ =	sdelay $0x4  }
0x1e5: {  	s0 =	rddreg [dreg:$0x12];
	s15 =	simm.s32 $0x1E800;
	[tilespmem:s4+$0x1E870] =	vst v0  }
0x1e6: {  	[spmem:s0] =	stream.strided.scatter [tilespmem:s15], [sflag:$0x7], $0x800, s18, s26, $0x38;
	[tilespmem:$0x1F800] =	vst v63  }
0x1e7: {  	_ =	swait.ge [sflag:s31], $0x800  }
0x1e8: {  	[sflag:s31] =	ssyncset.done $0x0;
	s29 =	rddreg [dreg:$0x13]  }
0x1e9: {  	s2 =	simm.s32 $0x0;
	[sflag:s31] =	ssyncadd.s32 $0xFFFFF800;
	s30 =	sadd.s32 s9, s29  }
0x1ea: {  	[tilespmem:s6], [sflag:$0x7] =	stream.linear.gather [hbm4b:s30+s2], $0x800, $0x38;
	[tilespmem:$0x1F800] =	vst v63  }
0x1eb: {  	_ =	swait.ge [sflag:s31], $0x800  }
0x1ec: {  	[sflag:s31] =	ssyncset.done $0x0  }
0x1ed: {  	s1 =	simm.s32 $0x0;
	[sflag:s31] =	ssyncadd.s32 $0xFFFFF800  }
0x1ee: {  	v0 =	vld [tilespmem:s1+$0x1E000];
	_ =	sdelay $0x5  }
0x1ef: {  	v1 =	vld [tilespmem:s1+$0x1E010];
	_ =	sdelay $0x1  }
0x1f0: {  	v0 =	vld.idx.msk [tilespmem:v0+s7+$0x0], $0xffff;
	_ =	sdelay $0x4  }
0x1f1: {  	[tilespmem:s1+$0x1E800] =	vst v0;
	v0 =	vld [tilespmem:s1+$0x1E020]  }
0x1f2: {  	v1 =	vld.idx.msk [tilespmem:v1+s7+$0x0], $0xffff;
	_ =	sdelay $0x4  }
0x1f3: {  	[tilespmem:s1+$0x1E810] =	vst v1;
	v1 =	vld [tilespmem:s1+$0x1E030];
	_ =	sdelay $0x1  }
0x1f4: {  	v0 =	vld.idx.msk [tilespmem:v0+s7+$0x0], $0xffff;
	_ =	sdelay $0x4  }
0x1f5: {  	[tilespmem:s1+$0x1E820] =	vst v0;
	v0 =	vld [tilespmem:s1+$0x1E040]  }
0x1f6: {  	v1 =	vld.idx.msk [tilespmem:v1+s7+$0x0], $0xffff;
	_ =	sdelay $0x4  }
0x1f7: {  	[tilespmem:s1+$0x1E830] =	vst v1;
	v1 =	vld [tilespmem:s1+$0x1E050];
	_ =	sdelay $0x1  }
0x1f8: {  	v0 =	vld.idx.msk [tilespmem:v0+s7+$0x0], $0xffff;
	_ =	sdelay $0x4  }
0x1f9: {  	v2 =	vld [tilespmem:s1+$0x1E060];
	[tilespmem:s1+$0x1E840] =	vst v0  }
0x1fa: {  	v0 =	vld.idx.msk [tilespmem:v1+s7+$0x0], $0xffff;
	_ =	sdelay $0x4  }
0x1fb: {  	[tilespmem:s1+$0x1E850] =	vst v0;
	v0 =	vld [tilespmem:s1+$0x1E070];
	_ =	sdelay $0x1  }
0x1fc: {  	v1 =	vld.idx.msk [tilespmem:v2+s7+$0x0], $0xffff;
	_ =	sdelay $0x2  }
0x1fd: {  	s12 =	rddreg [dreg:$0x14]  }
0x1fe: {  	s3 =	simm.s32 $0x400;
	s4 =	simm.s32 $0x80;
	s16 =	rddreg [dreg:$0x16]  }
.LBB2_5:
0x1ff: {  	p5 =	sne.s32 s3, $0x1E00;
	v2 =	vld [tilespmem:s4+$0x1E000];
	[tilespmem:s1+$0x1E860] =	vst v1  }
0x200: {  	v0 =	vld.idx.msk [tilespmem:v0+s7+$0x0], $0xffff;
	_ =	sdelay $0x5  }
0x201: {  	v1 =	vld [tilespmem:s4+$0x1E010];
	[tilespmem:s1+$0x1E870] =	vst v0;
	s1 =	smov.u32 s4  }
0x202: {  	v0 =	vld.idx.msk [tilespmem:v2+s7+$0x0], $0xffff;
	_ =	sdelay $0x5  }
0x203: {  	[tilespmem:s1+$0x1E800] =	vst v0;
	v0 =	vld [tilespmem:s1+$0x1E020]  }
0x204: {  	v1 =	vld.idx.msk [tilespmem:v1+s7+$0x0], $0xffff;
	_ =	sdelay $0x5  }
0x205: {  	[tilespmem:s1+$0x1E810] =	vst v1;
	v1 =	vld [tilespmem:s1+$0x1E030]  }
0x206: {  	v0 =	vld.idx.msk [tilespmem:v0+s7+$0x0], $0xffff;
	_ =	sdelay $0x5  }
0x207: {  	[tilespmem:s1+$0x1E820] =	vst v0;
	v0 =	vld [tilespmem:s1+$0x1E040]  }
0x208: {  	v1 =	vld.idx.msk [tilespmem:v1+s7+$0x0], $0xffff;
	_ =	sdelay $0x5  }
0x209: {  	[tilespmem:s1+$0x1E830] =	vst v1;
	v1 =	vld [tilespmem:s1+$0x1E050]  }
0x20a: {  	v0 =	vld.idx.msk [tilespmem:v0+s7+$0x0], $0xffff;
	_ =	sdelay $0x5  }
0x20b: {  	[tilespmem:s1+$0x1E840] =	vst v0;
	v2 =	vld [tilespmem:s1+$0x1E060]  }
0x20c: {  	v0 =	vld.idx.msk [tilespmem:v1+s7+$0x0], $0xffff;
	_ =	sdelay $0x5  }
0x20d: {  	[tilespmem:s1+$0x1E850] =	vst v0;
	v0 =	vld [tilespmem:s1+$0x1E070]  }
0x20e: {  	v1 =	vld.idx.msk [tilespmem:v2+s7+$0x0], $0xffff  }
.Ltmp1:
0x20f: {  	(pc) =	sbr.rel @p5 .LBB2_5-.Ltmp1, $2  }
0x210: {  	_ =	sdelay $0x2  }
0x211: {  	s4 =	sshra.s32 s3, $0x2;
	s3 =	sadd.s32 $0x200, s3  }
0x212: {  	_ =	sdelay $0x1  }
0x213: {  	v2 =	vld [tilespmem:s4+$0x1E000]  }
0x214: {  	[tilespmem:s1+$0x1E860] =	vst v1  }
0x215: {  	v0 =	vld.idx.msk [tilespmem:v0+s7+$0x0], $0xffff;
	_ =	sdelay $0x3  }
0x216: {  	v1 =	vld [tilespmem:s4+$0x1E010]  }
0x217: {  	[tilespmem:s1+$0x1E870] =	vst v0  }
0x218: {  	v0 =	vld.idx.msk [tilespmem:v2+s7+$0x0], $0xffff;
	_ =	sdelay $0x4  }
0x219: {  	[tilespmem:s4+$0x1E800] =	vst v0;
	v0 =	vld [tilespmem:s4+$0x1E020]  }
0x21a: {  	v1 =	vld.idx.msk [tilespmem:v1+s7+$0x0], $0xffff;
	_ =	sdelay $0x4  }
0x21b: {  	[tilespmem:s4+$0x1E810] =	vst v1;
	v1 =	vld [tilespmem:s4+$0x1E030];
	_ =	sdelay $0x1  }
0x21c: {  	v0 =	vld.idx.msk [tilespmem:v0+s7+$0x0], $0xffff;
	_ =	sdelay $0x4  }
0x21d: {  	[tilespmem:s4+$0x1E820] =	vst v0;
	v0 =	vld [tilespmem:s4+$0x1E040]  }
0x21e: {  	v1 =	vld.idx.msk [tilespmem:v1+s7+$0x0], $0xffff;
	_ =	sdelay $0x4  }
0x21f: {  	[tilespmem:s4+$0x1E830] =	vst v1;
	v1 =	vld [tilespmem:s4+$0x1E050];
	_ =	sdelay $0x1  }
0x220: {  	v0 =	vld.idx.msk [tilespmem:v0+s7+$0x0], $0xffff;
	_ =	sdelay $0x4  }
0x221: {  	[tilespmem:s4+$0x1E840] =	vst v0;
	v0 =	vld [tilespmem:s4+$0x1E060]  }
0x222: {  	v1 =	vld.idx.msk [tilespmem:v1+s7+$0x0], $0xffff;
	_ =	sdelay $0x4  }
0x223: {  	[tilespmem:s4+$0x1E850] =	vst v1;
	v1 =	vld [tilespmem:s4+$0x1E070];
	_ =	sdelay $0x1  }
0x224: {  	v0 =	vld.idx.msk [tilespmem:v0+s7+$0x0], $0xffff;
	_ =	sdelay $0x4  }
0x225: {  	[tilespmem:s4+$0x1E860] =	vst v0  }
0x226: {  	v0 =	vld.idx.msk [tilespmem:v1+s7+$0x0], $0xffff;
	_ =	sdelay $0x4  }
0x227: {  	[tilespmem:s4+$0x1E870] =	vst v0  }
0x228: {  	[spmem:s12] =	stream.strided.scatter [tilespmem:s15], [sflag:$0x7], $0x800, s18, s26, $0x38;
	[tilespmem:$0x1F800] =	vst v63  }
0x229: {  	_ =	swait.ge [sflag:s31], $0x800  }
0x22a: {  	[sflag:s31] =	ssyncset.done $0x0;
	s0 =	rddreg [dreg:$0x15]  }
0x22b: {  	s2 =	simm.s32 $0x0;
	[sflag:s31] =	ssyncadd.s32 $0xFFFFF800;
	s29 =	sadd.s32 s9, s0  }
0x22c: {  	[tilespmem:s6], [sflag:$0x7] =	stream.linear.gather [hbm4b:s29+s2], $0x800, $0x38;
	[tilespmem:$0x1F800] =	vst v63  }
0x22d: {  	_ =	swait.ge [sflag:s31], $0x800  }
0x22e: {  	[sflag:s31] =	ssyncset.done $0x0  }
0x22f: {  	s1 =	simm.s32 $0x0;
	[sflag:s31] =	ssyncadd.s32 $0xFFFFF800  }
0x230: {  	v0 =	vld [tilespmem:s1+$0x1E000];
	_ =	sdelay $0x5  }
0x231: {  	v1 =	vld [tilespmem:s1+$0x1E010];
	_ =	sdelay $0x1  }
0x232: {  	v0 =	vld.idx.msk [tilespmem:v0+s7+$0x0], $0xffff;
	_ =	sdelay $0x4  }
0x233: {  	[tilespmem:s1+$0x1E800] =	vst v0;
	v0 =	vld [tilespmem:s1+$0x1E020]  }
0x234: {  	v1 =	vld.idx.msk [tilespmem:v1+s7+$0x0], $0xffff;
	_ =	sdelay $0x4  }
0x235: {  	[tilespmem:s1+$0x1E810] =	vst v1;
	v1 =	vld [tilespmem:s1+$0x1E030];
	_ =	sdelay $0x1  }
0x236: {  	v0 =	vld.idx.msk [tilespmem:v0+s7+$0x0], $0xffff;
	_ =	sdelay $0x4  }
0x237: {  	[tilespmem:s1+$0x1E820] =	vst v0;
	v0 =	vld [tilespmem:s1+$0x1E040]  }
0x238: {  	v1 =	vld.idx.msk [tilespmem:v1+s7+$0x0], $0xffff;
	_ =	sdelay $0x4  }
0x239: {  	[tilespmem:s1+$0x1E830] =	vst v1;
	v1 =	vld [tilespmem:s1+$0x1E050];
	_ =	sdelay $0x1  }
0x23a: {  	v0 =	vld.idx.msk [tilespmem:v0+s7+$0x0], $0xffff;
	_ =	sdelay $0x4  }
0x23b: {  	v2 =	vld [tilespmem:s1+$0x1E060];
	[tilespmem:s1+$0x1E840] =	vst v0  }
0x23c: {  	v0 =	vld.idx.msk [tilespmem:v1+s7+$0x0], $0xffff;
	_ =	sdelay $0x4  }
0x23d: {  	[tilespmem:s1+$0x1E850] =	vst v0;
	v0 =	vld [tilespmem:s1+$0x1E070];
	_ =	sdelay $0x1  }
0x23e: {  	v1 =	vld.idx.msk [tilespmem:v2+s7+$0x0], $0xffff  }
0x23f: {  	s30 =	sld [smem:$0x7FD];
	_ =	sdelay $0x1  }
0x240: {  	s3 =	simm.s32 $0x400  }
0x241: {  	s4 =	simm.s32 $0x80;
	s11 =	rddreg [dreg:$0x1a];
	p4 =	seq.s32 s30, $0x1  }
.LBB2_7:
0x242: {  	p5 =	sne.s32 s3, $0x1E00;
	v2 =	vld [tilespmem:s4+$0x1E000];
	[tilespmem:s1+$0x1E860] =	vst v1  }
0x243: {  	v0 =	vld.idx.msk [tilespmem:v0+s7+$0x0], $0xffff;
	_ =	sdelay $0x5  }
0x244: {  	v1 =	vld [tilespmem:s4+$0x1E010];
	[tilespmem:s1+$0x1E870] =	vst v0;
	s1 =	smov.u32 s4  }
0x245: {  	v0 =	vld.idx.msk [tilespmem:v2+s7+$0x0], $0xffff;
	_ =	sdelay $0x5  }
0x246: {  	[tilespmem:s1+$0x1E800] =	vst v0;
	v0 =	vld [tilespmem:s1+$0x1E020]  }
0x247: {  	v1 =	vld.idx.msk [tilespmem:v1+s7+$0x0], $0xffff;
	_ =	sdelay $0x5  }
0x248: {  	[tilespmem:s1+$0x1E810] =	vst v1;
	v1 =	vld [tilespmem:s1+$0x1E030]  }
0x249: {  	v0 =	vld.idx.msk [tilespmem:v0+s7+$0x0], $0xffff;
	_ =	sdelay $0x5  }
0x24a: {  	[tilespmem:s1+$0x1E820] =	vst v0;
	v0 =	vld [tilespmem:s1+$0x1E040]  }
0x24b: {  	v1 =	vld.idx.msk [tilespmem:v1+s7+$0x0], $0xffff;
	_ =	sdelay $0x5  }
0x24c: {  	[tilespmem:s1+$0x1E830] =	vst v1;
	v1 =	vld [tilespmem:s1+$0x1E050]  }
0x24d: {  	v0 =	vld.idx.msk [tilespmem:v0+s7+$0x0], $0xffff;
	_ =	sdelay $0x5  }
0x24e: {  	[tilespmem:s1+$0x1E840] =	vst v0;
	v2 =	vld [tilespmem:s1+$0x1E060]  }
0x24f: {  	v0 =	vld.idx.msk [tilespmem:v1+s7+$0x0], $0xffff;
	_ =	sdelay $0x5  }
0x250: {  	[tilespmem:s1+$0x1E850] =	vst v0;
	v0 =	vld [tilespmem:s1+$0x1E070]  }
0x251: {  	v1 =	vld.idx.msk [tilespmem:v2+s7+$0x0], $0xffff  }
.Ltmp2:
0x252: {  	(pc) =	sbr.rel @p5 .LBB2_7-.Ltmp2, $2  }
0x253: {  	_ =	sdelay $0x2  }
0x254: {  	s4 =	sshra.s32 s3, $0x2;
	s3 =	sadd.s32 $0x200, s3  }
0x255: {  	_ =	sdelay $0x1  }
0x256: {  	v2 =	vld [tilespmem:s4+$0x1E000]  }
0x257: {  	[tilespmem:s1+$0x1E860] =	vst v1  }
0x258: {  	v0 =	vld.idx.msk [tilespmem:v0+s7+$0x0], $0xffff;
	_ =	sdelay $0x3  }
0x259: {  	v1 =	vld [tilespmem:s4+$0x1E010]  }
0x25a: {  	[tilespmem:s1+$0x1E870] =	vst v0  }
0x25b: {  	v0 =	vld.idx.msk [tilespmem:v2+s7+$0x0], $0xffff;
	_ =	sdelay $0x4  }
0x25c: {  	[tilespmem:s4+$0x1E800] =	vst v0;
	v0 =	vld [tilespmem:s4+$0x1E020]  }
0x25d: {  	v1 =	vld.idx.msk [tilespmem:v1+s7+$0x0], $0xffff;
	_ =	sdelay $0x4  }
0x25e: {  	[tilespmem:s4+$0x1E810] =	vst v1;
	v1 =	vld [tilespmem:s4+$0x1E030];
	_ =	sdelay $0x1  }
0x25f: {  	v0 =	vld.idx.msk [tilespmem:v0+s7+$0x0], $0xffff;
	_ =	sdelay $0x4  }
0x260: {  	[tilespmem:s4+$0x1E820] =	vst v0;
	v0 =	vld [tilespmem:s4+$0x1E040]  }
0x261: {  	v1 =	vld.idx.msk [tilespmem:v1+s7+$0x0], $0xffff;
	_ =	sdelay $0x4  }
0x262: {  	[tilespmem:s4+$0x1E830] =	vst v1;
	v1 =	vld [tilespmem:s4+$0x1E050];
	_ =	sdelay $0x1  }
0x263: {  	v0 =	vld.idx.msk [tilespmem:v0+s7+$0x0], $0xffff;
	_ =	sdelay $0x4  }
0x264: {  	[tilespmem:s4+$0x1E840] =	vst v0;
	v0 =	vld [tilespmem:s4+$0x1E060]  }
0x265: {  	v1 =	vld.idx.msk [tilespmem:v1+s7+$0x0], $0xffff;
	_ =	sdelay $0x4  }
0x266: {  	[tilespmem:s4+$0x1E850] =	vst v1;
	v1 =	vld [tilespmem:s4+$0x1E070];
	_ =	sdelay $0x1  }
0x267: {  	v0 =	vld.idx.msk [tilespmem:v0+s7+$0x0], $0xffff;
	_ =	sdelay $0x4  }
0x268: {  	[tilespmem:s4+$0x1E860] =	vst v0  }
0x269: {  	v0 =	vld.idx.msk [tilespmem:v1+s7+$0x0], $0xffff;
	_ =	sdelay $0x4  }
0x26a: {  	[tilespmem:s4+$0x1E870] =	vst v0  }
0x26b: {  	[spmem:s16] =	stream.strided.scatter [tilespmem:s15], [sflag:$0x7], $0x800, s18, s26, $0x38;
	[tilespmem:$0x1F800] =	vst v63  }
0x26c: {  	_ =	swait.ge [sflag:s31], $0x800  }
0x26d: {  	[sflag:s31] =	ssyncset.done $0x0;
	s0 =	rddreg [dreg:$0x17]  }
0x26e: {  	s2 =	simm.s32 $0x0;
	[sflag:s31] =	ssyncadd.s32 $0xFFFFF800;
	s30 =	sadd.s32 s9, s0  }
0x26f: {  	[tilespmem:s6], [sflag:$0x7] =	stream.linear.gather [hbm4b:s30+s2], $0x800, $0x38;
	[tilespmem:$0x1F800] =	vst v63  }
0x270: {  	_ =	swait.ge [sflag:s31], $0x800  }
0x271: {  	[sflag:s31] =	ssyncset.done $0x0  }
0x272: {  	s1 =	simm.s32 $0x0;
	[sflag:s31] =	ssyncadd.s32 $0xFFFFF800  }
0x273: {  	v0 =	vld [tilespmem:s1+$0x1E000];
	_ =	sdelay $0x5  }
0x274: {  	v1 =	vld [tilespmem:s1+$0x1E010];
	_ =	sdelay $0x1  }
0x275: {  	v0 =	vld.idx.msk [tilespmem:v0+s7+$0x0], $0xffff;
	_ =	sdelay $0x4  }
0x276: {  	[tilespmem:s1+$0x1E800] =	vst v0;
	v0 =	vld [tilespmem:s1+$0x1E020]  }
0x277: {  	v1 =	vld.idx.msk [tilespmem:v1+s7+$0x0], $0xffff;
	_ =	sdelay $0x4  }
0x278: {  	[tilespmem:s1+$0x1E810] =	vst v1;
	v1 =	vld [tilespmem:s1+$0x1E030];
	_ =	sdelay $0x1  }
0x279: {  	v0 =	vld.idx.msk [tilespmem:v0+s7+$0x0], $0xffff;
	_ =	sdelay $0x4  }
0x27a: {  	[tilespmem:s1+$0x1E820] =	vst v0;
	v0 =	vld [tilespmem:s1+$0x1E040]  }
0x27b: {  	v1 =	vld.idx.msk [tilespmem:v1+s7+$0x0], $0xffff;
	_ =	sdelay $0x4  }
0x27c: {  	[tilespmem:s1+$0x1E830] =	vst v1;
	v1 =	vld [tilespmem:s1+$0x1E050];
	_ =	sdelay $0x1  }
0x27d: {  	v0 =	vld.idx.msk [tilespmem:v0+s7+$0x0], $0xffff;
	_ =	sdelay $0x4  }
0x27e: {  	v2 =	vld [tilespmem:s1+$0x1E060];
	[tilespmem:s1+$0x1E840] =	vst v0  }
0x27f: {  	v0 =	vld.idx.msk [tilespmem:v1+s7+$0x0], $0xffff;
	_ =	sdelay $0x4  }
0x280: {  	[tilespmem:s1+$0x1E850] =	vst v0;
	v0 =	vld [tilespmem:s1+$0x1E070];
	_ =	sdelay $0x1  }
0x281: {  	v1 =	vld.idx.msk [tilespmem:v2+s7+$0x0], $0xffff;
	_ =	sdelay $0x3  }
0x282: {  	s3 =	simm.s32 $0x400;
	s4 =	simm.s32 $0x80  }
.LBB2_9:
0x283: {  	p5 =	sne.s32 s3, $0x1E00;
	v2 =	vld [tilespmem:s4+$0x1E000];
	[tilespmem:s1+$0x1E860] =	vst v1  }
0x284: {  	v0 =	vld.idx.msk [tilespmem:v0+s7+$0x0], $0xffff;
	_ =	sdelay $0x5  }
0x285: {  	v1 =	vld [tilespmem:s4+$0x1E010];
	[tilespmem:s1+$0x1E870] =	vst v0;
	s1 =	smov.u32 s4  }
0x286: {  	v0 =	vld.idx.msk [tilespmem:v2+s7+$0x0], $0xffff;
	_ =	sdelay $0x5  }
0x287: {  	[tilespmem:s1+$0x1E800] =	vst v0;
	v0 =	vld [tilespmem:s1+$0x1E020]  }
0x288: {  	v1 =	vld.idx.msk [tilespmem:v1+s7+$0x0], $0xffff;
	_ =	sdelay $0x5  }
0x289: {  	[tilespmem:s1+$0x1E810] =	vst v1;
	v1 =	vld [tilespmem:s1+$0x1E030]  }
0x28a: {  	v0 =	vld.idx.msk [tilespmem:v0+s7+$0x0], $0xffff;
	_ =	sdelay $0x5  }
0x28b: {  	[tilespmem:s1+$0x1E820] =	vst v0;
	v0 =	vld [tilespmem:s1+$0x1E040]  }
0x28c: {  	v1 =	vld.idx.msk [tilespmem:v1+s7+$0x0], $0xffff;
	_ =	sdelay $0x5  }
0x28d: {  	[tilespmem:s1+$0x1E830] =	vst v1;
	v1 =	vld [tilespmem:s1+$0x1E050]  }
0x28e: {  	v0 =	vld.idx.msk [tilespmem:v0+s7+$0x0], $0xffff;
	_ =	sdelay $0x5  }
0x28f: {  	[tilespmem:s1+$0x1E840] =	vst v0;
	v2 =	vld [tilespmem:s1+$0x1E060]  }
0x290: {  	v0 =	vld.idx.msk [tilespmem:v1+s7+$0x0], $0xffff;
	_ =	sdelay $0x5  }
0x291: {  	[tilespmem:s1+$0x1E850] =	vst v0;
	v0 =	vld [tilespmem:s1+$0x1E070]  }
0x292: {  	v1 =	vld.idx.msk [tilespmem:v2+s7+$0x0], $0xffff  }
.Ltmp3:
0x293: {  	(pc) =	sbr.rel @p5 .LBB2_9-.Ltmp3, $2  }
0x294: {  	_ =	sdelay $0x2  }
0x295: {  	s4 =	sshra.s32 s3, $0x2;
	s3 =	sadd.s32 $0x200, s3  }
0x296: {  	_ =	sdelay $0x1  }
0x297: {  	v2 =	vld [tilespmem:s4+$0x1E000]  }
0x298: {  	[tilespmem:s1+$0x1E860] =	vst v1  }
0x299: {  	v0 =	vld.idx.msk [tilespmem:v0+s7+$0x0], $0xffff;
	_ =	sdelay $0x3  }
0x29a: {  	v1 =	vld [tilespmem:s4+$0x1E010]  }
0x29b: {  	[tilespmem:s1+$0x1E870] =	vst v0  }
0x29c: {  	v0 =	vld.idx.msk [tilespmem:v2+s7+$0x0], $0xffff;
	_ =	sdelay $0x4  }
0x29d: {  	[tilespmem:s4+$0x1E800] =	vst v0;
	v0 =	vld [tilespmem:s4+$0x1E020]  }
0x29e: {  	v1 =	vld.idx.msk [tilespmem:v1+s7+$0x0], $0xffff;
	_ =	sdelay $0x4  }
0x29f: {  	[tilespmem:s4+$0x1E810] =	vst v1;
	v1 =	vld [tilespmem:s4+$0x1E030];
	_ =	sdelay $0x1  }
0x2a0: {  	v0 =	vld.idx.msk [tilespmem:v0+s7+$0x0], $0xffff;
	_ =	sdelay $0x4  }
0x2a1: {  	[tilespmem:s4+$0x1E820] =	vst v0;
	v0 =	vld [tilespmem:s4+$0x1E040]  }
0x2a2: {  	v1 =	vld.idx.msk [tilespmem:v1+s7+$0x0], $0xffff;
	_ =	sdelay $0x4  }
0x2a3: {  	[tilespmem:s4+$0x1E830] =	vst v1;
	v1 =	vld [tilespmem:s4+$0x1E050];
	_ =	sdelay $0x1  }
0x2a4: {  	v0 =	vld.idx.msk [tilespmem:v0+s7+$0x0], $0xffff;
	_ =	sdelay $0x4  }
0x2a5: {  	[tilespmem:s4+$0x1E840] =	vst v0;
	v0 =	vld [tilespmem:s4+$0x1E060]  }
0x2a6: {  	v1 =	vld.idx.msk [tilespmem:v1+s7+$0x0], $0xffff;
	_ =	sdelay $0x4  }
0x2a7: {  	[tilespmem:s4+$0x1E850] =	vst v1;
	v1 =	vld [tilespmem:s4+$0x1E070];
	_ =	sdelay $0x1  }
0x2a8: {  	v0 =	vld.idx.msk [tilespmem:v0+s7+$0x0], $0xffff;
	_ =	sdelay $0x4  }
0x2a9: {  	[tilespmem:s4+$0x1E860] =	vst v0  }
0x2aa: {  	v0 =	vld.idx.msk [tilespmem:v1+s7+$0x0], $0xffff;
	_ =	sdelay $0x4  }
0x2ab: {  	[tilespmem:s4+$0x1E870] =	vst v0  }
0x2ac: {  	[spmem:s11] =	stream.strided.scatter [tilespmem:s15], [sflag:$0x7], $0x800, s18, s26, $0x38;
	[tilespmem:$0x1F800] =	vst v63  }
0x2ad: {  	_ =	swait.ge [sflag:s31], $0x800  }
0x2ae: {  	[sflag:s31] =	ssyncset.done $0x0  }
0x2af: {  	s2 =	sshll.u32 @!p4 s28, $0xE;
	s1 =	sshll.u32 @!p4 s14, $0x13;
	[sflag:s31] =	ssyncadd.s32 $0xFFFFF800  }
0x2b0: {  	s1 =	sor.u32 @!p4 s2, s1;
	[bflag:$0x0] =	sbarrier.arrive $0xFFFF  }
0x2b1: {  	s3 =	simm.s32 @!p4 $0x4000;
	s5 =	sshrl.u32 @!p4 s1, $0x3;
	s1 =	rddreg [dreg:$0x9]  }
0x2b2: {  	s8 =	simm.s32 @!p4 $0x2000;
	s10 =	simm.s32 @!p4 $0x1FC7;
	s2 =	rddreg [dreg:$0x6]  }
0x2b3: {  	s1 =	sadd.s32 @!p4 s1, s5;
	s4 =	sshrl.u32 @!p4 s2, $0x3;
	s2 =	simm.s32 @!p4 $0x200  }
0x2b4: {  	[hbm:s1@s3], [sflag:s10] =	dma.strided @!p4 [spmem:s4@s8], $0x4000, s2, $0x10   }
0x2b5: {  	s1 =	simm.s32 @!p4 $0x7  }
0x2b6: {  	_ =	swait.ge @!p4 [sflag:s1], $0x4000  }
0x2b7: {  	[sflag:s1] =	ssyncset.done @!p4 $0x0  }
0x2b8: {  	[sflag:s1] =	ssyncadd.s32 @!p4 $0xFFFFC000  }
0x2b9: {  	[bflag:$0x0] =	sbarrier.arrive $0xFFFF  }
0x2ba: {  	s0 =	rddreg [dreg:$0x1b]  }
0x2bb: {  	s30 =	simm.s32 $0x0;
	s29 =	sadd.s32 s9, s0  }
0x2bc: {  	[tilespmem:s6], [sflag:$0x7] =	stream.linear.gather [hbm4b:s29+s30], $0x800, $0x38;
	[tilespmem:$0x1F800] =	vst v63  }
0x2bd: {  	_ =	swait.ge [sflag:s31], $0x800  }
0x2be: {  	[sflag:s31] =	ssyncset.done $0x0  }
0x2bf: {  	s1 =	simm.s32 $0x0;
	[sflag:s31] =	ssyncadd.s32 $0xFFFFF800  }
0x2c0: {  	v0 =	vld [tilespmem:s1+$0x1E000];
	_ =	sdelay $0x5  }
0x2c1: {  	v1 =	vld [tilespmem:s1+$0x1E010];
	_ =	sdelay $0x1  }
0x2c2: {  	v0 =	vld.idx.msk [tilespmem:v0+s7+$0x0], $0xffff;
	_ =	sdelay $0x4  }
0x2c3: {  	[tilespmem:s1+$0x1E800] =	vst v0;
	v0 =	vld [tilespmem:s1+$0x1E020]  }
0x2c4: {  	v1 =	vld.idx.msk [tilespmem:v1+s7+$0x0], $0xffff;
	_ =	sdelay $0x4  }
0x2c5: {  	[tilespmem:s1+$0x1E810] =	vst v1;
	v1 =	vld [tilespmem:s1+$0x1E030];
	_ =	sdelay $0x1  }
0x2c6: {  	v0 =	vld.idx.msk [tilespmem:v0+s7+$0x0], $0xffff;
	_ =	sdelay $0x4  }
0x2c7: {  	[tilespmem:s1+$0x1E820] =	vst v0;
	v0 =	vld [tilespmem:s1+$0x1E040]  }
0x2c8: {  	v1 =	vld.idx.msk [tilespmem:v1+s7+$0x0], $0xffff;
	_ =	sdelay $0x4  }
0x2c9: {  	[tilespmem:s1+$0x1E830] =	vst v1;
	v1 =	vld [tilespmem:s1+$0x1E050];
	_ =	sdelay $0x1  }
0x2ca: {  	v0 =	vld.idx.msk [tilespmem:v0+s7+$0x0], $0xffff;
	_ =	sdelay $0x4  }
0x2cb: {  	v2 =	vld [tilespmem:s1+$0x1E060];
	[tilespmem:s1+$0x1E840] =	vst v0  }
0x2cc: {  	v0 =	vld.idx.msk [tilespmem:v1+s7+$0x0], $0xffff;
	_ =	sdelay $0x4  }
0x2cd: {  	[tilespmem:s1+$0x1E850] =	vst v0;
	v0 =	vld [tilespmem:s1+$0x1E070];
	_ =	sdelay $0x1  }
0x2ce: {  	v1 =	vld.idx.msk [tilespmem:v2+s7+$0x0], $0xffff;
	_ =	sdelay $0x3  }
0x2cf: {  	s8 =	simm.s32 $0x80;
	s3 =	simm.s32 $0x400  }
.LBB2_11:
0x2d0: {  	p5 =	sne.s32 s3, $0x1E00;
	v2 =	vld [tilespmem:s8+$0x1E000];
	[tilespmem:s1+$0x1E860] =	vst v1  }
0x2d1: {  	v0 =	vld.idx.msk [tilespmem:v0+s7+$0x0], $0xffff;
	_ =	sdelay $0x5  }
0x2d2: {  	v1 =	vld [tilespmem:s8+$0x1E010];
	[tilespmem:s1+$0x1E870] =	vst v0;
	s1 =	smov.u32 s8  }
0x2d3: {  	v0 =	vld.idx.msk [tilespmem:v2+s7+$0x0], $0xffff;
	_ =	sdelay $0x5  }
0x2d4: {  	[tilespmem:s1+$0x1E800] =	vst v0;
	v0 =	vld [tilespmem:s1+$0x1E020]  }
0x2d5: {  	v1 =	vld.idx.msk [tilespmem:v1+s7+$0x0], $0xffff;
	_ =	sdelay $0x5  }
0x2d6: {  	[tilespmem:s1+$0x1E810] =	vst v1;
	v1 =	vld [tilespmem:s1+$0x1E030]  }
0x2d7: {  	v0 =	vld.idx.msk [tilespmem:v0+s7+$0x0], $0xffff;
	_ =	sdelay $0x5  }
0x2d8: {  	[tilespmem:s1+$0x1E820] =	vst v0;
	v0 =	vld [tilespmem:s1+$0x1E040]  }
0x2d9: {  	v1 =	vld.idx.msk [tilespmem:v1+s7+$0x0], $0xffff;
	_ =	sdelay $0x5  }
0x2da: {  	[tilespmem:s1+$0x1E830] =	vst v1;
	v1 =	vld [tilespmem:s1+$0x1E050]  }
0x2db: {  	v0 =	vld.idx.msk [tilespmem:v0+s7+$0x0], $0xffff;
	_ =	sdelay $0x5  }
0x2dc: {  	[tilespmem:s1+$0x1E840] =	vst v0;
	v2 =	vld [tilespmem:s1+$0x1E060]  }
0x2dd: {  	v0 =	vld.idx.msk [tilespmem:v1+s7+$0x0], $0xffff;
	_ =	sdelay $0x5  }
0x2de: {  	[tilespmem:s1+$0x1E850] =	vst v0;
	v0 =	vld [tilespmem:s1+$0x1E070]  }
0x2df: {  	v1 =	vld.idx.msk [tilespmem:v2+s7+$0x0], $0xffff  }
.Ltmp4:
0x2e0: {  	(pc) =	sbr.rel @p5 .LBB2_11-.Ltmp4, $2  }
0x2e1: {  	_ =	sdelay $0x2  }
0x2e2: {  	s8 =	sshra.s32 s3, $0x2;
	s3 =	sadd.s32 $0x200, s3  }
0x2e3: {  	_ =	sdelay $0x1  }
0x2e4: {  	v2 =	vld [tilespmem:s8+$0x1E000]  }
0x2e5: {  	[tilespmem:s1+$0x1E860] =	vst v1  }
0x2e6: {  	v0 =	vld.idx.msk [tilespmem:v0+s7+$0x0], $0xffff;
	_ =	sdelay $0x3  }
0x2e7: {  	v1 =	vld [tilespmem:s8+$0x1E010]  }
0x2e8: {  	[tilespmem:s1+$0x1E870] =	vst v0  }
0x2e9: {  	v0 =	vld.idx.msk [tilespmem:v2+s7+$0x0], $0xffff;
	_ =	sdelay $0x4  }
0x2ea: {  	[tilespmem:s8+$0x1E800] =	vst v0;
	v0 =	vld [tilespmem:s8+$0x1E020]  }
0x2eb: {  	v1 =	vld.idx.msk [tilespmem:v1+s7+$0x0], $0xffff;
	_ =	sdelay $0x4  }
0x2ec: {  	[tilespmem:s8+$0x1E810] =	vst v1;
	v1 =	vld [tilespmem:s8+$0x1E030];
	_ =	sdelay $0x1  }
0x2ed: {  	v0 =	vld.idx.msk [tilespmem:v0+s7+$0x0], $0xffff;
	_ =	sdelay $0x4  }
0x2ee: {  	[tilespmem:s8+$0x1E820] =	vst v0;
	v0 =	vld [tilespmem:s8+$0x1E040]  }
0x2ef: {  	v1 =	vld.idx.msk [tilespmem:v1+s7+$0x0], $0xffff;
	_ =	sdelay $0x4  }
0x2f0: {  	[tilespmem:s8+$0x1E830] =	vst v1;
	v1 =	vld [tilespmem:s8+$0x1E050];
	_ =	sdelay $0x1  }
0x2f1: {  	v0 =	vld.idx.msk [tilespmem:v0+s7+$0x0], $0xffff;
	_ =	sdelay $0x4  }
0x2f2: {  	[tilespmem:s8+$0x1E840] =	vst v0;
	v0 =	vld [tilespmem:s8+$0x1E060]  }
0x2f3: {  	v1 =	vld.idx.msk [tilespmem:v1+s7+$0x0], $0xffff;
	_ =	sdelay $0x4  }
0x2f4: {  	[tilespmem:s8+$0x1E850] =	vst v1;
	v1 =	vld [tilespmem:s8+$0x1E070];
	_ =	sdelay $0x1  }
0x2f5: {  	v0 =	vld.idx.msk [tilespmem:v0+s7+$0x0], $0xffff;
	_ =	sdelay $0x4  }
0x2f6: {  	[tilespmem:s8+$0x1E860] =	vst v0  }
0x2f7: {  	v0 =	vld.idx.msk [tilespmem:v1+s7+$0x0], $0xffff;
	_ =	sdelay $0x4  }
0x2f8: {  	s0 =	rddreg [dreg:$0x12];
	[tilespmem:s8+$0x1E870] =	vst v0  }
0x2f9: {  	[spmem:s0] =	stream.strided.scatter [tilespmem:s15], [sflag:$0x7], $0x800, s18, s26, $0x38;
	[tilespmem:$0x1F800] =	vst v63  }
0x2fa: {  	_ =	swait.ge [sflag:s31], $0x800  }
0x2fb: {  	[sflag:s31] =	ssyncset.done $0x0;
	s29 =	rddreg [dreg:$0x1c]  }
0x2fc: {  	s2 =	simm.s32 $0x0;
	[sflag:s31] =	ssyncadd.s32 $0xFFFFF800;
	s30 =	sadd.s32 s9, s29  }
0x2fd: {  	[tilespmem:s6], [sflag:$0x7] =	stream.linear.gather [hbm4b:s30+s2], $0x800, $0x38;
	[tilespmem:$0x1F800] =	vst v63  }
0x2fe: {  	_ =	swait.ge [sflag:s31], $0x800  }
0x2ff: {  	[sflag:s31] =	ssyncset.done $0x0  }
0x300: {  	s1 =	simm.s32 $0x0;
	[sflag:s31] =	ssyncadd.s32 $0xFFFFF800  }
0x301: {  	v0 =	vld [tilespmem:s1+$0x1E000];
	_ =	sdelay $0x5  }
0x302: {  	v1 =	vld [tilespmem:s1+$0x1E010];
	_ =	sdelay $0x1  }
0x303: {  	v0 =	vld.idx.msk [tilespmem:v0+s7+$0x0], $0xffff;
	_ =	sdelay $0x4  }
0x304: {  	[tilespmem:s1+$0x1E800] =	vst v0;
	v0 =	vld [tilespmem:s1+$0x1E020]  }
0x305: {  	v1 =	vld.idx.msk [tilespmem:v1+s7+$0x0], $0xffff;
	_ =	sdelay $0x4  }
0x306: {  	[tilespmem:s1+$0x1E810] =	vst v1;
	v1 =	vld [tilespmem:s1+$0x1E030];
	_ =	sdelay $0x1  }
0x307: {  	v0 =	vld.idx.msk [tilespmem:v0+s7+$0x0], $0xffff;
	_ =	sdelay $0x4  }
0x308: {  	[tilespmem:s1+$0x1E820] =	vst v0;
	v0 =	vld [tilespmem:s1+$0x1E040]  }
0x309: {  	v1 =	vld.idx.msk [tilespmem:v1+s7+$0x0], $0xffff;
	_ =	sdelay $0x4  }
0x30a: {  	[tilespmem:s1+$0x1E830] =	vst v1;
	v1 =	vld [tilespmem:s1+$0x1E050];
	_ =	sdelay $0x1  }
0x30b: {  	v0 =	vld.idx.msk [tilespmem:v0+s7+$0x0], $0xffff;
	_ =	sdelay $0x4  }
0x30c: {  	v2 =	vld [tilespmem:s1+$0x1E060];
	[tilespmem:s1+$0x1E840] =	vst v0  }
0x30d: {  	v0 =	vld.idx.msk [tilespmem:v1+s7+$0x0], $0xffff;
	_ =	sdelay $0x4  }
0x30e: {  	[tilespmem:s1+$0x1E850] =	vst v0;
	v0 =	vld [tilespmem:s1+$0x1E070];
	_ =	sdelay $0x1  }
0x30f: {  	v1 =	vld.idx.msk [tilespmem:v2+s7+$0x0], $0xffff;
	_ =	sdelay $0x3  }
0x310: {  	s3 =	simm.s32 $0x400;
	s8 =	simm.s32 $0x80  }
.LBB2_13:
0x311: {  	p5 =	sne.s32 s3, $0x1E00;
	v2 =	vld [tilespmem:s8+$0x1E000];
	[tilespmem:s1+$0x1E860] =	vst v1  }
0x312: {  	v0 =	vld.idx.msk [tilespmem:v0+s7+$0x0], $0xffff;
	_ =	sdelay $0x5  }
0x313: {  	v1 =	vld [tilespmem:s8+$0x1E010];
	[tilespmem:s1+$0x1E870] =	vst v0;
	s1 =	smov.u32 s8  }
0x314: {  	v0 =	vld.idx.msk [tilespmem:v2+s7+$0x0], $0xffff;
	_ =	sdelay $0x5  }
0x315: {  	[tilespmem:s1+$0x1E800] =	vst v0;
	v0 =	vld [tilespmem:s1+$0x1E020]  }
0x316: {  	v1 =	vld.idx.msk [tilespmem:v1+s7+$0x0], $0xffff;
	_ =	sdelay $0x5  }
0x317: {  	[tilespmem:s1+$0x1E810] =	vst v1;
	v1 =	vld [tilespmem:s1+$0x1E030]  }
0x318: {  	v0 =	vld.idx.msk [tilespmem:v0+s7+$0x0], $0xffff;
	_ =	sdelay $0x5  }
0x319: {  	[tilespmem:s1+$0x1E820] =	vst v0;
	v0 =	vld [tilespmem:s1+$0x1E040]  }
0x31a: {  	v1 =	vld.idx.msk [tilespmem:v1+s7+$0x0], $0xffff;
	_ =	sdelay $0x5  }
0x31b: {  	[tilespmem:s1+$0x1E830] =	vst v1;
	v1 =	vld [tilespmem:s1+$0x1E050]  }
0x31c: {  	v0 =	vld.idx.msk [tilespmem:v0+s7+$0x0], $0xffff;
	_ =	sdelay $0x5  }
0x31d: {  	[tilespmem:s1+$0x1E840] =	vst v0;
	v2 =	vld [tilespmem:s1+$0x1E060]  }
0x31e: {  	v0 =	vld.idx.msk [tilespmem:v1+s7+$0x0], $0xffff;
	_ =	sdelay $0x5  }
0x31f: {  	[tilespmem:s1+$0x1E850] =	vst v0;
	v0 =	vld [tilespmem:s1+$0x1E070]  }
0x320: {  	v1 =	vld.idx.msk [tilespmem:v2+s7+$0x0], $0xffff  }
.Ltmp5:
0x321: {  	(pc) =	sbr.rel @p5 .LBB2_13-.Ltmp5, $2  }
0x322: {  	_ =	sdelay $0x2  }
0x323: {  	s8 =	sshra.s32 s3, $0x2;
	s3 =	sadd.s32 $0x200, s3  }
0x324: {  	_ =	sdelay $0x1  }
0x325: {  	v2 =	vld [tilespmem:s8+$0x1E000]  }
0x326: {  	[tilespmem:s1+$0x1E860] =	vst v1  }
0x327: {  	v0 =	vld.idx.msk [tilespmem:v0+s7+$0x0], $0xffff;
	_ =	sdelay $0x3  }
0x328: {  	v1 =	vld [tilespmem:s8+$0x1E010]  }
0x329: {  	[tilespmem:s1+$0x1E870] =	vst v0  }
0x32a: {  	v0 =	vld.idx.msk [tilespmem:v2+s7+$0x0], $0xffff;
	_ =	sdelay $0x4  }
0x32b: {  	[tilespmem:s8+$0x1E800] =	vst v0;
	v0 =	vld [tilespmem:s8+$0x1E020]  }
0x32c: {  	v1 =	vld.idx.msk [tilespmem:v1+s7+$0x0], $0xffff;
	_ =	sdelay $0x4  }
0x32d: {  	[tilespmem:s8+$0x1E810] =	vst v1;
	v1 =	vld [tilespmem:s8+$0x1E030];
	_ =	sdelay $0x1  }
0x32e: {  	v0 =	vld.idx.msk [tilespmem:v0+s7+$0x0], $0xffff;
	_ =	sdelay $0x4  }
0x32f: {  	[tilespmem:s8+$0x1E820] =	vst v0;
	v0 =	vld [tilespmem:s8+$0x1E040]  }
0x330: {  	v1 =	vld.idx.msk [tilespmem:v1+s7+$0x0], $0xffff;
	_ =	sdelay $0x4  }
0x331: {  	[tilespmem:s8+$0x1E830] =	vst v1;
	v1 =	vld [tilespmem:s8+$0x1E050];
	_ =	sdelay $0x1  }
0x332: {  	v0 =	vld.idx.msk [tilespmem:v0+s7+$0x0], $0xffff;
	_ =	sdelay $0x4  }
0x333: {  	[tilespmem:s8+$0x1E840] =	vst v0;
	v0 =	vld [tilespmem:s8+$0x1E060]  }
0x334: {  	v1 =	vld.idx.msk [tilespmem:v1+s7+$0x0], $0xffff;
	_ =	sdelay $0x4  }
0x335: {  	[tilespmem:s8+$0x1E850] =	vst v1;
	v1 =	vld [tilespmem:s8+$0x1E070];
	_ =	sdelay $0x1  }
0x336: {  	v0 =	vld.idx.msk [tilespmem:v0+s7+$0x0], $0xffff;
	_ =	sdelay $0x4  }
0x337: {  	[tilespmem:s8+$0x1E860] =	vst v0  }
0x338: {  	v0 =	vld.idx.msk [tilespmem:v1+s7+$0x0], $0xffff;
	_ =	sdelay $0x4  }
0x339: {  	[tilespmem:s8+$0x1E870] =	vst v0  }
0x33a: {  	[spmem:s12] =	stream.strided.scatter [tilespmem:s15], [sflag:$0x7], $0x800, s18, s26, $0x38;
	[tilespmem:$0x1F800] =	vst v63  }
0x33b: {  	_ =	swait.ge [sflag:s31], $0x800  }
0x33c: {  	[sflag:s31] =	ssyncset.done $0x0;
	s0 =	rddreg [dreg:$0x1d]  }
0x33d: {  	s2 =	simm.s32 $0x0;
	[sflag:s31] =	ssyncadd.s32 $0xFFFFF800;
	s30 =	sadd.s32 s9, s0  }
0x33e: {  	[tilespmem:s6], [sflag:$0x7] =	stream.linear.gather [hbm4b:s30+s2], $0x800, $0x38;
	[tilespmem:$0x1F800] =	vst v63  }
0x33f: {  	_ =	swait.ge [sflag:s31], $0x800  }
0x340: {  	[sflag:s31] =	ssyncset.done $0x0  }
0x341: {  	s1 =	simm.s32 $0x0;
	[sflag:s31] =	ssyncadd.s32 $0xFFFFF800  }
0x342: {  	v0 =	vld [tilespmem:s1+$0x1E000];
	_ =	sdelay $0x5  }
0x343: {  	v1 =	vld [tilespmem:s1+$0x1E010];
	_ =	sdelay $0x1  }
0x344: {  	v0 =	vld.idx.msk [tilespmem:v0+s7+$0x0], $0xffff;
	_ =	sdelay $0x4  }
0x345: {  	[tilespmem:s1+$0x1E800] =	vst v0;
	v0 =	vld [tilespmem:s1+$0x1E020]  }
0x346: {  	v1 =	vld.idx.msk [tilespmem:v1+s7+$0x0], $0xffff;
	_ =	sdelay $0x4  }
0x347: {  	[tilespmem:s1+$0x1E810] =	vst v1;
	v1 =	vld [tilespmem:s1+$0x1E030];
	_ =	sdelay $0x1  }
0x348: {  	v0 =	vld.idx.msk [tilespmem:v0+s7+$0x0], $0xffff;
	_ =	sdelay $0x4  }
0x349: {  	[tilespmem:s1+$0x1E820] =	vst v0;
	v0 =	vld [tilespmem:s1+$0x1E040]  }
0x34a: {  	v1 =	vld.idx.msk [tilespmem:v1+s7+$0x0], $0xffff;
	_ =	sdelay $0x4  }
0x34b: {  	[tilespmem:s1+$0x1E830] =	vst v1;
	v1 =	vld [tilespmem:s1+$0x1E050];
	_ =	sdelay $0x1  }
0x34c: {  	v0 =	vld.idx.msk [tilespmem:v0+s7+$0x0], $0xffff;
	_ =	sdelay $0x4  }
0x34d: {  	v2 =	vld [tilespmem:s1+$0x1E060];
	[tilespmem:s1+$0x1E840] =	vst v0  }
0x34e: {  	v0 =	vld.idx.msk [tilespmem:v1+s7+$0x0], $0xffff;
	_ =	sdelay $0x4  }
0x34f: {  	[tilespmem:s1+$0x1E850] =	vst v0;
	v0 =	vld [tilespmem:s1+$0x1E070];
	_ =	sdelay $0x1  }
0x350: {  	v1 =	vld.idx.msk [tilespmem:v2+s7+$0x0], $0xffff;
	_ =	sdelay $0x3  }
0x351: {  	s3 =	simm.s32 $0x400;
	s8 =	simm.s32 $0x80  }
.LBB2_15:
0x352: {  	p5 =	sne.s32 s3, $0x1E00;
	v2 =	vld [tilespmem:s8+$0x1E000];
	[tilespmem:s1+$0x1E860] =	vst v1  }
0x353: {  	v0 =	vld.idx.msk [tilespmem:v0+s7+$0x0], $0xffff;
	_ =	sdelay $0x5  }
0x354: {  	v1 =	vld [tilespmem:s8+$0x1E010];
	[tilespmem:s1+$0x1E870] =	vst v0;
	s1 =	smov.u32 s8  }
0x355: {  	v0 =	vld.idx.msk [tilespmem:v2+s7+$0x0], $0xffff;
	_ =	sdelay $0x5  }
0x356: {  	[tilespmem:s1+$0x1E800] =	vst v0;
	v0 =	vld [tilespmem:s1+$0x1E020]  }
0x357: {  	v1 =	vld.idx.msk [tilespmem:v1+s7+$0x0], $0xffff;
	_ =	sdelay $0x5  }
0x358: {  	[tilespmem:s1+$0x1E810] =	vst v1;
	v1 =	vld [tilespmem:s1+$0x1E030]  }
0x359: {  	v0 =	vld.idx.msk [tilespmem:v0+s7+$0x0], $0xffff;
	_ =	sdelay $0x5  }
0x35a: {  	[tilespmem:s1+$0x1E820] =	vst v0;
	v0 =	vld [tilespmem:s1+$0x1E040]  }
0x35b: {  	v1 =	vld.idx.msk [tilespmem:v1+s7+$0x0], $0xffff;
	_ =	sdelay $0x5  }
0x35c: {  	[tilespmem:s1+$0x1E830] =	vst v1;
	v1 =	vld [tilespmem:s1+$0x1E050]  }
0x35d: {  	v0 =	vld.idx.msk [tilespmem:v0+s7+$0x0], $0xffff;
	_ =	sdelay $0x5  }
0x35e: {  	[tilespmem:s1+$0x1E840] =	vst v0;
	v2 =	vld [tilespmem:s1+$0x1E060]  }
0x35f: {  	v0 =	vld.idx.msk [tilespmem:v1+s7+$0x0], $0xffff;
	_ =	sdelay $0x5  }
0x360: {  	[tilespmem:s1+$0x1E850] =	vst v0;
	v0 =	vld [tilespmem:s1+$0x1E070]  }
0x361: {  	v1 =	vld.idx.msk [tilespmem:v2+s7+$0x0], $0xffff  }
.Ltmp6:
0x362: {  	(pc) =	sbr.rel @p5 .LBB2_15-.Ltmp6, $2  }
0x363: {  	_ =	sdelay $0x2  }
0x364: {  	s8 =	sshra.s32 s3, $0x2;
	s3 =	sadd.s32 $0x200, s3  }
0x365: {  	_ =	sdelay $0x1  }
0x366: {  	v2 =	vld [tilespmem:s8+$0x1E000]  }
0x367: {  	[tilespmem:s1+$0x1E860] =	vst v1  }
0x368: {  	v0 =	vld.idx.msk [tilespmem:v0+s7+$0x0], $0xffff;
	_ =	sdelay $0x3  }
0x369: {  	v1 =	vld [tilespmem:s8+$0x1E010]  }
0x36a: {  	[tilespmem:s1+$0x1E870] =	vst v0  }
0x36b: {  	v0 =	vld.idx.msk [tilespmem:v2+s7+$0x0], $0xffff;
	_ =	sdelay $0x4  }
0x36c: {  	[tilespmem:s8+$0x1E800] =	vst v0;
	v0 =	vld [tilespmem:s8+$0x1E020]  }
0x36d: {  	v1 =	vld.idx.msk [tilespmem:v1+s7+$0x0], $0xffff;
	_ =	sdelay $0x4  }
0x36e: {  	[tilespmem:s8+$0x1E810] =	vst v1;
	v1 =	vld [tilespmem:s8+$0x1E030];
	_ =	sdelay $0x1  }
0x36f: {  	v0 =	vld.idx.msk [tilespmem:v0+s7+$0x0], $0xffff;
	_ =	sdelay $0x4  }
0x370: {  	[tilespmem:s8+$0x1E820] =	vst v0;
	v0 =	vld [tilespmem:s8+$0x1E040]  }
0x371: {  	v1 =	vld.idx.msk [tilespmem:v1+s7+$0x0], $0xffff;
	_ =	sdelay $0x4  }
0x372: {  	[tilespmem:s8+$0x1E830] =	vst v1;
	v1 =	vld [tilespmem:s8+$0x1E050];
	_ =	sdelay $0x1  }
0x373: {  	v0 =	vld.idx.msk [tilespmem:v0+s7+$0x0], $0xffff;
	_ =	sdelay $0x4  }
0x374: {  	[tilespmem:s8+$0x1E840] =	vst v0;
	v0 =	vld [tilespmem:s8+$0x1E060]  }
0x375: {  	v1 =	vld.idx.msk [tilespmem:v1+s7+$0x0], $0xffff;
	_ =	sdelay $0x4  }
0x376: {  	[tilespmem:s8+$0x1E850] =	vst v1;
	v1 =	vld [tilespmem:s8+$0x1E070];
	_ =	sdelay $0x1  }
0x377: {  	v0 =	vld.idx.msk [tilespmem:v0+s7+$0x0], $0xffff;
	_ =	sdelay $0x4  }
0x378: {  	[tilespmem:s8+$0x1E860] =	vst v0  }
0x379: {  	v0 =	vld.idx.msk [tilespmem:v1+s7+$0x0], $0xffff;
	_ =	sdelay $0x4  }
0x37a: {  	[tilespmem:s8+$0x1E870] =	vst v0  }
0x37b: {  	[spmem:s16] =	stream.strided.scatter [tilespmem:s15], [sflag:$0x7], $0x800, s18, s26, $0x38;
	[tilespmem:$0x1F800] =	vst v63  }
0x37c: {  	_ =	swait.ge [sflag:s31], $0x800  }
0x37d: {  	[sflag:s31] =	ssyncset.done $0x0;
	s0 =	rddreg [dreg:$0x1e]  }
0x37e: {  	s2 =	simm.s32 $0x0;
	[sflag:s31] =	ssyncadd.s32 $0xFFFFF800;
	s30 =	sadd.s32 s9, s0  }
0x37f: {  	[tilespmem:s6], [sflag:$0x7] =	stream.linear.gather [hbm4b:s30+s2], $0x800, $0x38;
	[tilespmem:$0x1F800] =	vst v63  }
0x380: {  	_ =	swait.ge [sflag:s31], $0x800  }
0x381: {  	[sflag:s31] =	ssyncset.done $0x0  }
0x382: {  	s1 =	simm.s32 $0x0;
	[sflag:s31] =	ssyncadd.s32 $0xFFFFF800  }
0x383: {  	v0 =	vld [tilespmem:s1+$0x1E000];
	_ =	sdelay $0x5  }
0x384: {  	v1 =	vld [tilespmem:s1+$0x1E010];
	_ =	sdelay $0x1  }
0x385: {  	v0 =	vld.idx.msk [tilespmem:v0+s7+$0x0], $0xffff;
	_ =	sdelay $0x4  }
0x386: {  	[tilespmem:s1+$0x1E800] =	vst v0;
	v0 =	vld [tilespmem:s1+$0x1E020]  }
0x387: {  	v1 =	vld.idx.msk [tilespmem:v1+s7+$0x0], $0xffff;
	_ =	sdelay $0x4  }
0x388: {  	[tilespmem:s1+$0x1E810] =	vst v1;
	v1 =	vld [tilespmem:s1+$0x1E030];
	_ =	sdelay $0x1  }
0x389: {  	v0 =	vld.idx.msk [tilespmem:v0+s7+$0x0], $0xffff;
	_ =	sdelay $0x4  }
0x38a: {  	[tilespmem:s1+$0x1E820] =	vst v0;
	v0 =	vld [tilespmem:s1+$0x1E040]  }
0x38b: {  	v1 =	vld.idx.msk [tilespmem:v1+s7+$0x0], $0xffff;
	_ =	sdelay $0x4  }
0x38c: {  	[tilespmem:s1+$0x1E830] =	vst v1;
	v1 =	vld [tilespmem:s1+$0x1E050];
	_ =	sdelay $0x1  }
0x38d: {  	v0 =	vld.idx.msk [tilespmem:v0+s7+$0x0], $0xffff;
	_ =	sdelay $0x4  }
0x38e: {  	v2 =	vld [tilespmem:s1+$0x1E060];
	[tilespmem:s1+$0x1E840] =	vst v0  }
0x38f: {  	v0 =	vld.idx.msk [tilespmem:v1+s7+$0x0], $0xffff;
	_ =	sdelay $0x4  }
0x390: {  	[tilespmem:s1+$0x1E850] =	vst v0;
	v0 =	vld [tilespmem:s1+$0x1E070];
	_ =	sdelay $0x1  }
0x391: {  	v1 =	vld.idx.msk [tilespmem:v2+s7+$0x0], $0xffff;
	_ =	sdelay $0x3  }
0x392: {  	s3 =	simm.s32 $0x400;
	s8 =	simm.s32 $0x80  }
.LBB2_17:
0x393: {  	p5 =	sne.s32 s3, $0x1E00;
	v2 =	vld [tilespmem:s8+$0x1E000];
	[tilespmem:s1+$0x1E860] =	vst v1  }
0x394: {  	v0 =	vld.idx.msk [tilespmem:v0+s7+$0x0], $0xffff;
	_ =	sdelay $0x5  }
0x395: {  	v1 =	vld [tilespmem:s8+$0x1E010];
	[tilespmem:s1+$0x1E870] =	vst v0;
	s1 =	smov.u32 s8  }
0x396: {  	v0 =	vld.idx.msk [tilespmem:v2+s7+$0x0], $0xffff;
	_ =	sdelay $0x5  }
0x397: {  	[tilespmem:s1+$0x1E800] =	vst v0;
	v0 =	vld [tilespmem:s1+$0x1E020]  }
0x398: {  	v1 =	vld.idx.msk [tilespmem:v1+s7+$0x0], $0xffff;
	_ =	sdelay $0x5  }
0x399: {  	[tilespmem:s1+$0x1E810] =	vst v1;
	v1 =	vld [tilespmem:s1+$0x1E030]  }
0x39a: {  	v0 =	vld.idx.msk [tilespmem:v0+s7+$0x0], $0xffff;
	_ =	sdelay $0x5  }
0x39b: {  	[tilespmem:s1+$0x1E820] =	vst v0;
	v0 =	vld [tilespmem:s1+$0x1E040]  }
0x39c: {  	v1 =	vld.idx.msk [tilespmem:v1+s7+$0x0], $0xffff;
	_ =	sdelay $0x5  }
0x39d: {  	[tilespmem:s1+$0x1E830] =	vst v1;
	v1 =	vld [tilespmem:s1+$0x1E050]  }
0x39e: {  	v0 =	vld.idx.msk [tilespmem:v0+s7+$0x0], $0xffff;
	_ =	sdelay $0x5  }
0x39f: {  	[tilespmem:s1+$0x1E840] =	vst v0;
	v2 =	vld [tilespmem:s1+$0x1E060]  }
0x3a0: {  	v0 =	vld.idx.msk [tilespmem:v1+s7+$0x0], $0xffff;
	_ =	sdelay $0x5  }
0x3a1: {  	[tilespmem:s1+$0x1E850] =	vst v0;
	v0 =	vld [tilespmem:s1+$0x1E070]  }
0x3a2: {  	v1 =	vld.idx.msk [tilespmem:v2+s7+$0x0], $0xffff  }
.Ltmp7:
0x3a3: {  	(pc) =	sbr.rel @p5 .LBB2_17-.Ltmp7, $2  }
0x3a4: {  	_ =	sdelay $0x2  }
0x3a5: {  	s8 =	sshra.s32 s3, $0x2;
	s3 =	sadd.s32 $0x200, s3  }
0x3a6: {  	_ =	sdelay $0x1  }
0x3a7: {  	v2 =	vld [tilespmem:s8+$0x1E000]  }
0x3a8: {  	[tilespmem:s1+$0x1E860] =	vst v1  }
0x3a9: {  	v0 =	vld.idx.msk [tilespmem:v0+s7+$0x0], $0xffff;
	_ =	sdelay $0x3  }
0x3aa: {  	v1 =	vld [tilespmem:s8+$0x1E010]  }
0x3ab: {  	[tilespmem:s1+$0x1E870] =	vst v0  }
0x3ac: {  	v0 =	vld.idx.msk [tilespmem:v2+s7+$0x0], $0xffff;
	_ =	sdelay $0x3  }
0x3ad: {  	v58 =	vld [tilespmem:s8+$0x1E020]  }
0x3ae: {  	[tilespmem:s8+$0x1E800] =	vst v0  }
0x3af: {  	v1 =	vld.idx.msk [tilespmem:v1+s7+$0x0], $0xffff;
	_ =	sdelay $0x3  }
0x3b0: {  	v59 =	vld [tilespmem:s8+$0x1E030]  }
0x3b1: {  	[tilespmem:s8+$0x1E810] =	vst v1  }
0x3b2: {  	v0 =	vld.idx.msk [tilespmem:v58+s7+$0x0], $0xffff;
	_ =	sdelay $0x3  }
0x3b3: {  	v60 =	vld [tilespmem:s8+$0x1E040]  }
0x3b4: {  	[tilespmem:s8+$0x1E820] =	vst v0  }
0x3b5: {  	v1 =	vld.idx.msk [tilespmem:v59+s7+$0x0], $0xffff;
	_ =	sdelay $0x3  }
0x3b6: {  	v61 =	vld [tilespmem:s8+$0x1E050]  }
0x3b7: {  	[tilespmem:s8+$0x1E830] =	vst v1  }
0x3b8: {  	v0 =	vld.idx.msk [tilespmem:v60+s7+$0x0], $0xffff;
	_ =	sdelay $0x3  }
0x3b9: {  	v62 =	vld [tilespmem:s8+$0x1E060]  }
0x3ba: {  	[tilespmem:s8+$0x1E840] =	vst v0  }
0x3bb: {  	v1 =	vld.idx.msk [tilespmem:v61+s7+$0x0], $0xffff;
	_ =	sdelay $0x3  }
0x3bc: {  	v63 =	vld [tilespmem:s8+$0x1E070]  }
0x3bd: {  	[tilespmem:s8+$0x1E850] =	vst v1  }
0x3be: {  	v0 =	vld.idx.msk [tilespmem:v62+s7+$0x0], $0xffff;
	_ =	sdelay $0x4  }
0x3bf: {  	[tilespmem:s8+$0x1E860] =	vst v0  }
0x3c0: {  	v0 =	vld.idx.msk [tilespmem:v63+s7+$0x0], $0xffff;
	_ =	sdelay $0x4  }
0x3c1: {  	[tilespmem:s8+$0x1E870] =	vst v0  }
0x3c2: {  	[spmem:s11] =	stream.strided.scatter [tilespmem:s15], [sflag:$0x7], $0x800, s18, s26, $0x38;
	[tilespmem:$0x1F800] =	vst v63  }
0x3c3: {  	_ =	swait.ge [sflag:s31], $0x800  }
0x3c4: {  	[sflag:s31] =	ssyncset.done $0x0  }
0x3c5: {  	[sflag:s31] =	ssyncadd.s32 $0xFFFFF800  }
0x3c6: {  	[bflag:$0x0] =	sbarrier.arrive $0xFFFF  }
0x3c7: {  	s2 =	simm.s32 @!p4 $0x200;
	s3 =	simm.s32 @!p4 $0x4000;
	s0 =	rddreg [dreg:$0x18]  }
0x3c8: {  	s8 =	simm.s32 @!p4 $0x1FC7;
	s1 =	sadd.s32 @!p4 s5, s0;
	s5 =	simm.s32 @!p4 $0x2000  }
0x3c9: {  	[hbm:s1@s3], [sflag:s8] =	dma.strided @!p4 [spmem:s4@s5], $0x4000, s2, $0x10   }
0x3ca: {  	s1 =	simm.s32 @!p4 $0x7  }
0x3cb: {  	_ =	swait.ge @!p4 [sflag:s1], $0x4000  }
0x3cc: {  	s30 =	rddreg [dreg:$0x1f]  }
0x3cd: {  	s0 =	sadd.s32 $0x1, s30  }
0x3ce: {  	p2 =	sne.s32 s0, $0x1A  }
.Ltmp8:
0x3cf: {  	_ = 	snop;
	(pc) =	sbr.rel @p2 .LBB2_2-.Ltmp8, $3  }
0x3d0: {  	[sflag:s1] =	ssyncset.done @!p4 $0x0  }
0x3d1: {  	[sflag:s1] =	ssyncadd.s32 @!p4 $0xFFFFC000  }
0x3d2: {  	[bflag:$0x0] =	sbarrier.arrive $0xFFFF;
	_ =	sdelay $0x1  }
0x3d3: {  	s1 =	rddreg [dreg:$0x8]  }
0x3d4: {  	s0 =	rddreg [dreg:$0x19];
	s1 =	sadd.s32 $0x1, s1  }
0x3d5: {  	p2 =	sne.s32 s1, s0  }
.Ltmp9:
0x3d6: {  	_ = 	snop;
	(pc) =	sbr.rel @p2 .LBB2_1-.Ltmp9, $2  }
0x3d7: {  	_ =	sdelay $0x2  }
0x3d8: {  	[dreg:$0x8] =	wrdreg s1  }
0x3d9: {  	_ =	sfence.sel $0x180000  }
0x3da: {  	[bflag:$0x0] =	sbarrier.arrive $0xFFFF  }
0x3db: {  	_ =	strace $0x90000047  }
0x3dc: {  	[bflag:$0x2] =	sbarrier.arrive $0xFFFF  }
0x3dd: {  	s0 =	rddreg [dreg:$0x7]  }
0x3de: {  	s0 =	sadd.s32 @!p0 $0x100000, s0  }
0x3df: {  	[sflag:s0] =	ssyncadd.tile.s32 @!p0 $0x1;
	_ =	shalt  }
.Lfunc_end2:
_tile_overlayer_lowered:
.L_overlay_start_2:
0x3e0: {  	(tag) =	ssettag $0x2  }
0x3e1: {  	s0 =	rddreg [dreg:$0x0];
	s2 =	stileid.u32  }
0x3e2: {  	s1 =	rddreg [dreg:$0x1];
	p0 =	sne.s32 s2, $0x0  }
0x3e3: {  	s3 =	rddreg [dreg:$0x2];
	[bflag:$0x3] =	sbarrier.arrive $0xFFFF;
	s2 =	simm.s32 @!p0 $0x1C07  }
0x3e4: {  	[timem:s3], [sflag:s2] =	dma.local @!p0 [hbm:s0], s1  }
0x3e5: {  	s0 =	simm.s32 @!p0 $0x7  }
0x3e6: {  	_ =	swait.ge @!p0 [sflag:s0], s1  }
0x3e7: {  	s1 =	ssub.s32 @!p0 $0x0, s1;
	[sflag:s0] =	ssyncset.done @!p0 $0x0  }
0x3e8: {  	[sflag:s0] =	ssyncadd.s32 @!p0 s1  }
0x3e9: {  	[bflag:$0x3] =	sbarrier.arrive $0xFFFF  }
0x3ea: {  	_ =	shalt  }

</sc_bundles>
